<compile_context>
chip_gen: v7x
topology: tpu7x:2x2x1
jax: 0.10.2.dev20260603
libtpu: 0.0.44.dev20260713+nightly
codegen_flags: <defaults>
</compile_context>

<pallas_src>
import jax
import jax.numpy as jnp
from jax import lax
from jax.experimental import pallas as pl
from jax.experimental.pallas import tpu as pltpu
from jax.experimental.pallas import tpu_sc as plsc

NC, NS, LANES = 2, 16, 16
NW = NC * NS

B, L, D = 1024, 200, 128
N = B * L
NTOK_PER_W = N // NW
CHUNK = 80
NCHUNK = NTOK_PER_W // CHUNK
NPAIR = NCHUNK // 2
NGROUP = CHUNK // LANES
NJ = D // LANES
UNROLL = 4

MAX_DEPTH, MAX_SIBLING, N_NODE_TYPES = 64, 256, 4

_INV_D = 1.0 / D
_EPS = 1e-5


def _rsqrt(v):
    bits = plsc.bitcast(v, jnp.int32)
    seed = jnp.full((LANES,), 0x5F3759DF, jnp.int32) - (bits >> 1)
    y = plsc.bitcast(seed, jnp.float32)
    half_v = v * 0.5
    for _ in range(3):
        y = y * (1.5 - half_v * y * y)
    return y


def _body(tok_hbm, nt_hbm, dep_hbm, sib_hbm, par_hbm,
          key_hbm, val_hbm, dept_hbm, sibt_hbm, ntt_hbm, part_hbm,
          gam_hbm, bet_hbm, out_hbm,
          tok_a, nt_a, dep_a, sib_a, par_a, isk_a,
          tok_b, nt_b, dep_b, sib_b, par_b, isk_b,
          keyr0, valr0, parr0, keyr1, valr1, parr1, xbuf0, xbuf1,
          dep_t, sib_t, nt_t, gam_v, bet_v,
          sem_ia, sem_ib, sem_g, sem_o0, sem_o1):
    wid = lax.axis_index("s") * NC + lax.axis_index("c")
    wbase = wid * NTOK_PER_W

    pltpu.sync_copy(dept_hbm, dep_t)
    pltpu.sync_copy(sibt_hbm, sib_t)
    pltpu.sync_copy(ntt_hbm, nt_t)
    pltpu.sync_copy(gam_hbm, gam_v)
    pltpu.sync_copy(bet_hbm, bet_v)

    iota = lax.iota(jnp.int32, LANES)
    colv = [iota + (LANES * j) for j in range(NJ)]
    gms = [gam_v[pl.ds(LANES * j, LANES)] for j in range(NJ)]
    bts = [bet_v[pl.ds(LANES * j, LANES)] for j in range(NJ)]

    idx_srcs = (tok_hbm, nt_hbm, dep_hbm, sib_hbm, par_hbm)
    idx_a = (tok_a, nt_a, dep_a, sib_a, par_a)
    idx_b = (tok_b, nt_b, dep_b, sib_b, par_b)

    def issue_idx(bufs, sem, base):
        return [pltpu.async_copy(src.at[pl.ds(base, CHUNK)], buf, sem)
                for src, buf in zip(idx_srcs, bufs)]

    def drain_idx(bufs, sem):
        for src, buf in zip(idx_srcs, bufs):
            pltpu.make_async_copy(src.at[pl.ds(0, CHUNK)], buf, sem).wait()

    rowsets = [(keyr0, valr0, parr0), (keyr1, valr1, parr1)]

    def issue_gathers(rset, tok_i, par_i):
        kb, vb, pb = rowsets[rset]
        return [pltpu.async_copy(key_hbm.at[tok_i], kb, sem_g),
                pltpu.async_copy(val_hbm.at[tok_i], vb, sem_g),
                pltpu.async_copy(part_hbm.at[par_i], pb, sem_g)]

    def build_mask(nt_i, isk_f):
        for g in range(NGROUP):
            gsl = pl.ds(g * LANES, LANES)
            ntg = nt_i[gsl]
            isk_f[gsl] = jnp.where((ntg == 0) | (ntg == 2), 1.0, 0.0)

    def compute(rset, dep_i, sib_i, nt_i, isk_f, xb):
        keyrows, valrows, parrows = rowsets[rset]

        @plsc.parallel_loop(0, CHUNK, 1, unroll=UNROLL)
        def token_body(t):
            tsp = jnp.full((LANES,), t, jnp.int32)
            m = plsc.load_gather(isk_f, [tsp])
            dsp = plsc.load_gather(dep_i, [tsp])
            ssp = plsc.load_gather(sib_i, [tsp])
            nsp = plsc.load_gather(nt_i, [tsp])
            xs = []
            acs = jnp.zeros((LANES,), jnp.float32)
            acq = jnp.zeros((LANES,), jnp.float32)
            for j in range(NJ):
                kd = plsc.load_gather(keyrows, [tsp, colv[j]])
                vd = plsc.load_gather(valrows, [tsp, colv[j]])
                pd = plsc.load_gather(parrows, [tsp, colv[j]])
                dd = plsc.load_gather(dep_t, [dsp, colv[j]])
                sd = plsc.load_gather(sib_t, [ssp, colv[j]])
                nd = plsc.load_gather(nt_t, [nsp, colv[j]])
                x = vd + (kd - vd) * m + pd + dd + sd + nd
                xs.append(x)
                acs = acs + x
                acq = acq + x * x
            mu = jnp.full((LANES,), jnp.sum(acs)) * _INV_D
            msq = jnp.full((LANES,), jnp.sum(acq)) * _INV_D
            a = _rsqrt(msq - mu * mu + _EPS)
            b = -mu * a
            for j in range(NJ):
                y = (xs[j] * a + b) * gms[j] + bts[j]
                plsc.store_scatter(xb, [tsp, colv[j]], y)

    def drain_out(xb, so):
        pltpu.make_async_copy(xb, out_hbm.at[pl.ds(wbase, CHUNK)], so).wait()

    def drain_gathers(rset):
        kb, vb, pb = rowsets[rset]
        pltpu.make_async_copy(key_hbm.at[pl.ds(0, CHUNK)], kb, sem_g).wait()
        pltpu.make_async_copy(val_hbm.at[pl.ds(0, CHUNK)], vb, sem_g).wait()
        pltpu.make_async_copy(part_hbm.at[pl.ds(0, CHUNK)], pb, sem_g).wait()

    pltpu.async_copy(
        xbuf0, out_hbm.at[pl.ds(wbase + NTOK_PER_W - 2 * CHUNK, CHUNK)],
        sem_o0)
    pltpu.async_copy(
        xbuf1, out_hbm.at[pl.ds(wbase + NTOK_PER_W - CHUNK, CHUNK)],
        sem_o1)
    for dsc in issue_idx(idx_a, sem_ia, wbase):
        dsc.wait()
    issue_gathers(0, tok_a, par_a)

    def pair_body(bp, carry):
        base_a = wbase + bp * (2 * CHUNK)
        base_b = base_a + CHUNK

        ib = issue_idx(idx_b, sem_ib, base_b)
        build_mask(nt_a, isk_a)
        drain_gathers(0)
        drain_out(xbuf0, sem_o0)
        for dsc in ib:
            dsc.wait()
        gb = issue_gathers(1, tok_b, par_b)
        compute(0, dep_a, sib_a, nt_a, isk_a, xbuf0)
        pltpu.async_copy(xbuf0, out_hbm.at[pl.ds(base_a, CHUNK)], sem_o0)

        ia = issue_idx(idx_a, sem_ia, base_b + CHUNK)
        build_mask(nt_b, isk_b)
        for dsc in gb:
            dsc.wait()
        drain_out(xbuf1, sem_o1)
        for dsc in ia:
            dsc.wait()
        issue_gathers(0, tok_a, par_a)
        compute(1, dep_b, sib_b, nt_b, isk_b, xbuf1)
        pltpu.async_copy(xbuf1, out_hbm.at[pl.ds(base_b, CHUNK)], sem_o1)
        return carry

    lax.fori_loop(0, NPAIR, pair_body, 0)

    drain_gathers(0)
    drain_out(xbuf0, sem_o0)
    drain_out(xbuf1, sem_o1)


@jax.jit
def _sc_embed(tok, nt, dep, sib, par, key_table, value_table, depth_table,
              sibling_table, node_type_table, parent_key_table,
              ln_gamma, ln_beta):
    mesh = plsc.VectorSubcoreMesh(core_axis_name="c", subcore_axis_name="s",
                                  num_cores=NC, num_subcores=NS)
    fn = pl.kernel(
        _body,
        out_type=jax.ShapeDtypeStruct((N, D), jnp.float32),
        mesh=mesh,
        compiler_params=pltpu.CompilerParams(needs_layout_passes=False),
        scratch_types=(
            ([pltpu.VMEM((CHUNK,), jnp.int32)] * 5
             + [pltpu.VMEM((CHUNK,), jnp.float32)]) * 2
            + [pltpu.VMEM((CHUNK, D), jnp.float32)] * 8
            + [pltpu.VMEM((MAX_DEPTH, D), jnp.float32),
               pltpu.VMEM((MAX_SIBLING, D), jnp.float32),
               pltpu.VMEM((N_NODE_TYPES, D), jnp.float32),
               pltpu.VMEM((D,), jnp.float32),
               pltpu.VMEM((D,), jnp.float32)]
            + [pltpu.SemaphoreType.DMA] * 5
        ),
    )
    return fn(tok, nt, dep, sib, par, key_table, value_table, depth_table,
              sibling_table, node_type_table, parent_key_table,
              ln_gamma, ln_beta)


def kernel(token_ids, node_types, depths, sibling_indices, parent_key_ids,
           key_table, value_table, depth_table, sibling_table,
           node_type_table, parent_key_table, ln_gamma, ln_beta):
    pad = [(0, CHUNK)]
    tok = jnp.pad(token_ids.reshape(N).astype(jnp.int32), pad)
    nt = jnp.pad(node_types.reshape(N).astype(jnp.int32), pad)
    dep = jnp.pad(depths.reshape(N).astype(jnp.int32), pad)
    sib = jnp.pad(sibling_indices.reshape(N).astype(jnp.int32), pad)
    par = jnp.pad(parent_key_ids.reshape(N).astype(jnp.int32), pad)
    out = _sc_embed(tok, nt, dep, sib, par,
                    key_table, value_table, depth_table, sibling_table,
                    node_type_table, parent_key_table,
                    ln_gamma.astype(jnp.float32), ln_beta.astype(jnp.float32))
    return out.reshape(B, L, D)

# --- scband reference (transcript-rebuilt; emitter-appended) ---
"""Pipeline reference for scband-yaml-bert-embedding-41351945126411 (READ-ONLY COPY).

The authoritative reference and input builder live on the scoring server;
editing this copy changes nothing except your own understanding.
"""

import jax, jax.numpy as jnp
import numpy as np

B, L, D = 1024, 200, 128
KEY_VOCAB, VALUE_VOCAB = 100000, 100000
MAX_DEPTH, MAX_SIBLING, N_NODE_TYPES = 64, 256, 4


def setup_inputs(seed: int = 0) -> dict:
    key = jax.random.key(seed)
    ks = jax.random.split(key, 13)
    inp = {}
    inp['token_ids'] = jax.random.randint(ks[0], (B, L), 0, KEY_VOCAB, dtype=jnp.int32).astype(jnp.int64)
    inp['node_types'] = jax.random.randint(ks[1], (B, L), 0, N_NODE_TYPES, dtype=jnp.int32).astype(jnp.int64)
    inp['depths'] = jax.random.randint(ks[2], (B, L), 0, MAX_DEPTH, dtype=jnp.int32).astype(jnp.int64)
    inp['sibling_indices'] = jax.random.randint(ks[3], (B, L), 0, MAX_SIBLING, dtype=jnp.int32).astype(jnp.int64)
    inp['parent_key_ids'] = jax.random.randint(ks[4], (B, L), 0, KEY_VOCAB, dtype=jnp.int32).astype(jnp.int64)
    inp['key_table'] = jax.random.normal(ks[5], (KEY_VOCAB, D), dtype=jnp.float32) * 0.02
    inp['value_table'] = jax.random.normal(ks[6], (VALUE_VOCAB, D), dtype=jnp.float32) * 0.02
    inp['depth_table'] = jax.random.normal(ks[7], (MAX_DEPTH, D), dtype=jnp.float32) * 0.02
    inp['sibling_table'] = jax.random.normal(ks[8], (MAX_SIBLING, D), dtype=jnp.float32) * 0.02
    inp['node_type_table'] = jax.random.normal(ks[9], (N_NODE_TYPES, D), dtype=jnp.float32) * 0.02
    inp['parent_key_table'] = jax.random.normal(ks[10], (KEY_VOCAB, D), dtype=jnp.float32) * 0.02
    inp['ln_gamma'] = jnp.ones((D,), dtype=jnp.float32)
    inp['ln_beta'] = jnp.zeros((D,), dtype=jnp.float32)
    return inp


def reference(token_ids, node_types, depths, sibling_indices, parent_key_ids,
              key_table, value_table, depth_table, sibling_table,
              node_type_table, parent_key_table, ln_gamma, ln_beta):
    is_key = (node_types == 0) | (node_types == 2)
    key_emb = jnp.take(key_table, token_ids, axis=0)
    val_emb = jnp.take(value_table, token_ids, axis=0)
    token_emb = jnp.where(is_key[..., None], key_emb, val_emb)
    tree_pos = (jnp.take(depth_table, depths, axis=0)
                + jnp.take(sibling_table, sibling_indices, axis=0)
                + jnp.take(node_type_table, node_types, axis=0)
                + jnp.take(parent_key_table, parent_key_ids, axis=0))
    x = token_emb + tree_pos
    mu = jnp.mean(x, axis=-1, keepdims=True)
    var = jnp.mean(jnp.square(x - mu), axis=-1, keepdims=True)
    y = (x - mu) / jnp.sqrt(var + 1e-5)
    return y * ln_gamma + ln_beta

if __name__ == "__main__":
    import jax
    _d = setup_inputs()
    print(jax.jit(kernel)(*tuple(_d.values())))

</pallas_src>

<mosaic_0001>
#map = affine_map<(d0, d1) -> (0)>
#map1 = affine_map<(d0, d1) -> (0, 0)>
module attributes {stable_mosaic.version = 14 : i64} {
  func.func @_body(%arg0: i32, %arg1: i32, %arg2: memref<204880xi32, #tpu.memory_space<hbm>>, %arg3: memref<204880xi32, #tpu.memory_space<hbm>>, %arg4: memref<204880xi32, #tpu.memory_space<hbm>>, %arg5: memref<204880xi32, #tpu.memory_space<hbm>>, %arg6: memref<204880xi32, #tpu.memory_space<hbm>>, %arg7: memref<100000x128xf32, #tpu.memory_space<hbm>>, %arg8: memref<100000x128xf32, #tpu.memory_space<hbm>>, %arg9: memref<64x128xf32, #tpu.memory_space<hbm>>, %arg10: memref<256x128xf32, #tpu.memory_space<hbm>>, %arg11: memref<4x128xf32, #tpu.memory_space<hbm>>, %arg12: memref<100000x128xf32, #tpu.memory_space<hbm>>, %arg13: memref<128xf32, #tpu.memory_space<hbm>>, %arg14: memref<128xf32, #tpu.memory_space<hbm>>, %arg15: memref<204800x128xf32, #tpu.memory_space<hbm>>, %arg16: memref<80xi32, #tpu.memory_space<vmem>>, %arg17: memref<80xi32, #tpu.memory_space<vmem>>, %arg18: memref<80xi32, #tpu.memory_space<vmem>>, %arg19: memref<80xi32, #tpu.memory_space<vmem>>, %arg20: memref<80xi32, #tpu.memory_space<vmem>>, %arg21: memref<80xf32, #tpu.memory_space<vmem>>, %arg22: memref<80xi32, #tpu.memory_space<vmem>>, %arg23: memref<80xi32, #tpu.memory_space<vmem>>, %arg24: memref<80xi32, #tpu.memory_space<vmem>>, %arg25: memref<80xi32, #tpu.memory_space<vmem>>, %arg26: memref<80xi32, #tpu.memory_space<vmem>>, %arg27: memref<80xf32, #tpu.memory_space<vmem>>, %arg28: memref<80x128xf32, #tpu.memory_space<vmem>>, %arg29: memref<80x128xf32, #tpu.memory_space<vmem>>, %arg30: memref<80x128xf32, #tpu.memory_space<vmem>>, %arg31: memref<80x128xf32, #tpu.memory_space<vmem>>, %arg32: memref<80x128xf32, #tpu.memory_space<vmem>>, %arg33: memref<80x128xf32, #tpu.memory_space<vmem>>, %arg34: memref<80x128xf32, #tpu.memory_space<vmem>>, %arg35: memref<80x128xf32, #tpu.memory_space<vmem>>, %arg36: memref<64x128xf32, #tpu.memory_space<vmem>>, %arg37: memref<256x128xf32, #tpu.memory_space<vmem>>, %arg38: memref<4x128xf32, #tpu.memory_space<vmem>>, %arg39: memref<128xf32, #tpu.memory_space<vmem>>, %arg40: memref<128xf32, #tpu.memory_space<vmem>>, %arg41: memref<!tpu.dma_semaphore, #tpu.memory_space<semaphore_mem>>, %arg42: memref<!tpu.dma_semaphore, #tpu.memory_space<semaphore_mem>>, %arg43: memref<!tpu.dma_semaphore, #tpu.memory_space<semaphore_mem>>, %arg44: memref<!tpu.dma_semaphore, #tpu.memory_space<semaphore_mem>>, %arg45: memref<!tpu.dma_semaphore, #tpu.memory_space<semaphore_mem>>) attributes {dimension_semantics = [#tpu.dimension_semantics<core_parallel>, #tpu.dimension_semantics<subcore_parallel>], iteration_bounds = array<i64: 2, 16>, scalar_prefetch = 0 : i64, scratch_operands = 30 : i64, tpu.core_type = #tpu.core_type<sc_vector_subcore>, window_params = [{transform_indices = #map}, {transform_indices = #map}, {transform_indices = #map}, {transform_indices = #map}, {transform_indices = #map}, {transform_indices = #map1}, {transform_indices = #map1}, {transform_indices = #map1}, {transform_indices = #map1}, {transform_indices = #map1}, {transform_indices = #map1}, {transform_indices = #map}, {transform_indices = #map}, {transform_indices = #map1}]} {
    %mul3A = arith.constant 2 : i32
    %mul3A_0 = arith.muli %arg1, %mul3A : i32
    %add3A = arith.addi %mul3A_0, %arg0 : i32
    %mul3A_1 = arith.constant 6400 : i32
    %mul3A_2 = arith.muli %add3A, %mul3A_1 : i32
    "tpu.region"() ({
      %run_scoped3A = tpu.sem_alloc : memref<!tpu.dma_semaphore, #tpu.memory_space<semaphore_mem>>
      tpu.enqueue_dma source(%arg9 : memref<64x128xf32, #tpu.memory_space<hbm>>) target(%arg36 : memref<64x128xf32, #tpu.memory_space<vmem>>) target_semaphore(%run_scoped3A : memref<!tpu.dma_semaphore, #tpu.memory_space<semaphore_mem>>)
      tpu.wait_dma2 semaphore(%run_scoped3A : memref<!tpu.dma_semaphore, #tpu.memory_space<semaphore_mem>>) src(%arg9 : memref<64x128xf32, #tpu.memory_space<hbm>>) dst(%arg36 : memref<64x128xf32, #tpu.memory_space<vmem>>)
      tpu.yield
    }) : () -> ()
    "tpu.region"() ({
      %run_scoped3A = tpu.sem_alloc : memref<!tpu.dma_semaphore, #tpu.memory_space<semaphore_mem>>
      tpu.enqueue_dma source(%arg10 : memref<256x128xf32, #tpu.memory_space<hbm>>) target(%arg37 : memref<256x128xf32, #tpu.memory_space<vmem>>) target_semaphore(%run_scoped3A : memref<!tpu.dma_semaphore, #tpu.memory_space<semaphore_mem>>)
      tpu.wait_dma2 semaphore(%run_scoped3A : memref<!tpu.dma_semaphore, #tpu.memory_space<semaphore_mem>>) src(%arg10 : memref<256x128xf32, #tpu.memory_space<hbm>>) dst(%arg37 : memref<256x128xf32, #tpu.memory_space<vmem>>)
      tpu.yield
    }) : () -> ()
    "tpu.region"() ({
      %run_scoped3A = tpu.sem_alloc : memref<!tpu.dma_semaphore, #tpu.memory_space<semaphore_mem>>
      tpu.enqueue_dma source(%arg11 : memref<4x128xf32, #tpu.memory_space<hbm>>) target(%arg38 : memref<4x128xf32, #tpu.memory_space<vmem>>) target_semaphore(%run_scoped3A : memref<!tpu.dma_semaphore, #tpu.memory_space<semaphore_mem>>)
      tpu.wait_dma2 semaphore(%run_scoped3A : memref<!tpu.dma_semaphore, #tpu.memory_space<semaphore_mem>>) src(%arg11 : memref<4x128xf32, #tpu.memory_space<hbm>>) dst(%arg38 : memref<4x128xf32, #tpu.memory_space<vmem>>)
      tpu.yield
    }) : () -> ()
    "tpu.region"() ({
      %run_scoped3A = tpu.sem_alloc : memref<!tpu.dma_semaphore, #tpu.memory_space<semaphore_mem>>
      tpu.enqueue_dma source(%arg13 : memref<128xf32, #tpu.memory_space<hbm>>) target(%arg39 : memref<128xf32, #tpu.memory_space<vmem>>) target_semaphore(%run_scoped3A : memref<!tpu.dma_semaphore, #tpu.memory_space<semaphore_mem>>)
      tpu.wait_dma2 semaphore(%run_scoped3A : memref<!tpu.dma_semaphore, #tpu.memory_space<semaphore_mem>>) src(%arg13 : memref<128xf32, #tpu.memory_space<hbm>>) dst(%arg39 : memref<128xf32, #tpu.memory_space<vmem>>)
      tpu.yield
    }) : () -> ()
    "tpu.region"() ({
      %run_scoped3A = tpu.sem_alloc : memref<!tpu.dma_semaphore, #tpu.memory_space<semaphore_mem>>
      tpu.enqueue_dma source(%arg14 : memref<128xf32, #tpu.memory_space<hbm>>) target(%arg40 : memref<128xf32, #tpu.memory_space<vmem>>) target_semaphore(%run_scoped3A : memref<!tpu.dma_semaphore, #tpu.memory_space<semaphore_mem>>)
      tpu.wait_dma2 semaphore(%run_scoped3A : memref<!tpu.dma_semaphore, #tpu.memory_space<semaphore_mem>>) src(%arg14 : memref<128xf32, #tpu.memory_space<hbm>>) dst(%arg40 : memref<128xf32, #tpu.memory_space<vmem>>)
      tpu.yield
    }) : () -> ()
    %iota3A = tpu.iota {dimensions = array<i32: 0>} : vector<16xi32>
    %add3A_3 = arith.constant 0 : i32
    %add3A_4 = vector.broadcast %add3A_3 : i32 to vector<16xi32>
    %add3A_5 = arith.addi %iota3A, %add3A_4 : vector<16xi32>
    %add3A_6 = arith.constant 16 : i32
    %add3A_7 = vector.broadcast %add3A_6 : i32 to vector<16xi32>
    %add3A_8 = arith.addi %iota3A, %add3A_7 : vector<16xi32>
    %add3A_9 = arith.constant 32 : i32
    %add3A_10 = vector.broadcast %add3A_9 : i32 to vector<16xi32>
    %add3A_11 = arith.addi %iota3A, %add3A_10 : vector<16xi32>
    %add3A_12 = arith.constant 48 : i32
    %add3A_13 = vector.broadcast %add3A_12 : i32 to vector<16xi32>
    %add3A_14 = arith.addi %iota3A, %add3A_13 : vector<16xi32>
    %add3A_15 = arith.constant 64 : i32
    %add3A_16 = vector.broadcast %add3A_15 : i32 to vector<16xi32>
    %add3A_17 = arith.addi %iota3A, %add3A_16 : vector<16xi32>
    %add3A_18 = arith.constant 80 : i32
    %add3A_19 = vector.broadcast %add3A_18 : i32 to vector<16xi32>
    %add3A_20 = arith.addi %iota3A, %add3A_19 : vector<16xi32>
    %add3A_21 = arith.constant 96 : i32
    %add3A_22 = vector.broadcast %add3A_21 : i32 to vector<16xi32>
    %add3A_23 = arith.addi %iota3A, %add3A_22 : vector<16xi32>
    %add3A_24 = arith.constant 112 : i32
    %add3A_25 = vector.broadcast %add3A_24 : i32 to vector<16xi32>
    %add3A_26 = arith.addi %iota3A, %add3A_25 : vector<16xi32>
    %get3A = arith.constant 0 : index
    %get3A_27 = tpu.vector_load %arg39[%get3A] {strides = array<i32>} : memref<128xf32, #tpu.memory_space<vmem>>, vector<16xf32>,
    %get3A_28 = arith.constant 16 : index
    %get3A_29 = tpu.vector_load %arg39[%get3A_28] {strides = array<i32>} : memref<128xf32, #tpu.memory_space<vmem>>, vector<16xf32>,
    %get3A_30 = arith.constant 32 : index
    %get3A_31 = tpu.vector_load %arg39[%get3A_30] {strides = array<i32>} : memref<128xf32, #tpu.memory_space<vmem>>, vector<16xf32>,
    %get3A_32 = arith.constant 48 : index
    %get3A_33 = tpu.vector_load %arg39[%get3A_32] {strides = array<i32>} : memref<128xf32, #tpu.memory_space<vmem>>, vector<16xf32>,
    %get3A_34 = arith.constant 64 : index
    %get3A_35 = tpu.vector_load %arg39[%get3A_34] {strides = array<i32>} : memref<128xf32, #tpu.memory_space<vmem>>, vector<16xf32>,
    %get3A_36 = arith.constant 80 : index
    %get3A_37 = tpu.vector_load %arg39[%get3A_36] {strides = array<i32>} : memref<128xf32, #tpu.memory_space<vmem>>, vector<16xf32>,
    %get3A_38 = arith.constant 96 : index
    %get3A_39 = tpu.vector_load %arg39[%get3A_38] {strides = array<i32>} : memref<128xf32, #tpu.memory_space<vmem>>, vector<16xf32>,
    %get3A_40 = arith.constant 112 : index
    %get3A_41 = tpu.vector_load %arg39[%get3A_40] {strides = array<i32>} : memref<128xf32, #tpu.memory_space<vmem>>, vector<16xf32>,
    %get3A_42 = arith.constant 0 : index
    %get3A_43 = tpu.vector_load %arg40[%get3A_42] {strides = array<i32>} : memref<128xf32, #tpu.memory_space<vmem>>, vector<16xf32>,
    %get3A_44 = arith.constant 16 : index
    %get3A_45 = tpu.vector_load %arg40[%get3A_44] {strides = array<i32>} : memref<128xf32, #tpu.memory_space<vmem>>, vector<16xf32>,
    %get3A_46 = arith.constant 32 : index
    %get3A_47 = tpu.vector_load %arg40[%get3A_46] {strides = array<i32>} : memref<128xf32, #tpu.memory_space<vmem>>, vector<16xf32>,
    %get3A_48 = arith.constant 48 : index
    %get3A_49 = tpu.vector_load %arg40[%get3A_48] {strides = array<i32>} : memref<128xf32, #tpu.memory_space<vmem>>, vector<16xf32>,
    %get3A_50 = arith.constant 64 : index
    %get3A_51 = tpu.vector_load %arg40[%get3A_50] {strides = array<i32>} : memref<128xf32, #tpu.memory_space<vmem>>, vector<16xf32>,
    %get3A_52 = arith.constant 80 : index
    %get3A_53 = tpu.vector_load %arg40[%get3A_52] {strides = array<i32>} : memref<128xf32, #tpu.memory_space<vmem>>, vector<16xf32>,
    %get3A_54 = arith.constant 96 : index
    %get3A_55 = tpu.vector_load %arg40[%get3A_54] {strides = array<i32>} : memref<128xf32, #tpu.memory_space<vmem>>, vector<16xf32>,
    %get3A_56 = arith.constant 112 : index
    %get3A_57 = tpu.vector_load %arg40[%get3A_56] {strides = array<i32>} : memref<128xf32, #tpu.memory_space<vmem>>, vector<16xf32>,
    %add3A_58 = arith.constant 6400 : i32
    %add3A_59 = arith.addi %mul3A_2, %add3A_58 : i32
    %sub3A = arith.constant 160 : i32
    %sub3A_60 = arith.subi %add3A_59, %sub3A : i32
    %dma_start3A = arith.constant 0 : i32
    %dma_start3A_61 = tpu.memref_slice %arg15[%sub3A_60, %dma_start3A] : memref<204800x128xf32, #tpu.memory_space<hbm>> -> memref<80x128xf32, #tpu.memory_space<hbm>>
    %dma_start3A_62 = arith.constant 0 : i32
    %dma_start3A_63 = tpu.memref_slice %arg15[%sub3A_60, %dma_start3A_62] : memref<204800x128xf32, #tpu.memory_space<hbm>> -> memref<80x128xf32, #tpu.memory_space<hbm>>
    tpu.enqueue_dma source(%arg34 : memref<80x128xf32, #tpu.memory_space<vmem>>) target(%dma_start3A_63 : memref<80x128xf32, #tpu.memory_space<hbm>>) target_semaphore(%arg44 : memref<!tpu.dma_semaphore, #tpu.memory_space<semaphore_mem>>)
    %add3A_64 = arith.constant 6400 : i32
    %add3A_65 = arith.addi %mul3A_2, %add3A_64 : i32
    %sub3A_66 = arith.constant 80 : i32
    %sub3A_67 = arith.subi %add3A_65, %sub3A_66 : i32
    %dma_start3A_68 = arith.constant 0 : i32
    %dma_start3A_69 = tpu.memref_slice %arg15[%sub3A_67, %dma_start3A_68] : memref<204800x128xf32, #tpu.memory_space<hbm>> -> memref<80x128xf32, #tpu.memory_space<hbm>>
    %dma_start3A_70 = arith.constant 0 : i32
    %dma_start3A_71 = tpu.memref_slice %arg15[%sub3A_67, %dma_start3A_70] : memref<204800x128xf32, #tpu.memory_space<hbm>> -> memref<80x128xf32, #tpu.memory_space<hbm>>
    tpu.enqueue_dma source(%arg35 : memref<80x128xf32, #tpu.memory_space<vmem>>) target(%dma_start3A_71 : memref<80x128xf32, #tpu.memory_space<hbm>>) target_semaphore(%arg45 : memref<!tpu.dma_semaphore, #tpu.memory_space<semaphore_mem>>)
    %dma_start3A_72 = tpu.memref_slice %arg2[%mul3A_2] : memref<204880xi32, #tpu.memory_space<hbm>> -> memref<80xi32, #tpu.memory_space<hbm>>
    %dma_start3A_73 = tpu.memref_slice %arg2[%mul3A_2] : memref<204880xi32, #tpu.memory_space<hbm>> -> memref<80xi32, #tpu.memory_space<hbm>>
    tpu.enqueue_dma source(%dma_start3A_73 : memref<80xi32, #tpu.memory_space<hbm>>) target(%arg16 : memref<80xi32, #tpu.memory_space<vmem>>) target_semaphore(%arg41 : memref<!tpu.dma_semaphore, #tpu.memory_space<semaphore_mem>>)
    %dma_start3A_74 = tpu.memref_slice %arg3[%mul3A_2] : memref<204880xi32, #tpu.memory_space<hbm>> -> memref<80xi32, #tpu.memory_space<hbm>>
    %dma_start3A_75 = tpu.memref_slice %arg3[%mul3A_2] : memref<204880xi32, #tpu.memory_space<hbm>> -> memref<80xi32, #tpu.memory_space<hbm>>
    tpu.enqueue_dma source(%dma_start3A_75 : memref<80xi32, #tpu.memory_space<hbm>>) target(%arg17 : memref<80xi32, #tpu.memory_space<vmem>>) target_semaphore(%arg41 : memref<!tpu.dma_semaphore, #tpu.memory_space<semaphore_mem>>)
    %dma_start3A_76 = tpu.memref_slice %arg4[%mul3A_2] : memref<204880xi32, #tpu.memory_space<hbm>> -> memref<80xi32, #tpu.memory_space<hbm>>
    %dma_start3A_77 = tpu.memref_slice %arg4[%mul3A_2] : memref<204880xi32, #tpu.memory_space<hbm>> -> memref<80xi32, #tpu.memory_space<hbm>>
    tpu.enqueue_dma source(%dma_start3A_77 : memref<80xi32, #tpu.memory_space<hbm>>) target(%arg18 : memref<80xi32, #tpu.memory_space<vmem>>) target_semaphore(%arg41 : memref<!tpu.dma_semaphore, #tpu.memory_space<semaphore_mem>>)
    %dma_start3A_78 = tpu.memref_slice %arg5[%mul3A_2] : memref<204880xi32, #tpu.memory_space<hbm>> -> memref<80xi32, #tpu.memory_space<hbm>>
    %dma_start3A_79 = tpu.memref_slice %arg5[%mul3A_2] : memref<204880xi32, #tpu.memory_space<hbm>> -> memref<80xi32, #tpu.memory_space<hbm>>
    tpu.enqueue_dma source(%dma_start3A_79 : memref<80xi32, #tpu.memory_space<hbm>>) target(%arg19 : memref<80xi32, #tpu.memory_space<vmem>>) target_semaphore(%arg41 : memref<!tpu.dma_semaphore, #tpu.memory_space<semaphore_mem>>)
    %dma_start3A_80 = tpu.memref_slice %arg6[%mul3A_2] : memref<204880xi32, #tpu.memory_space<hbm>> -> memref<80xi32, #tpu.memory_space<hbm>>
    %dma_start3A_81 = tpu.memref_slice %arg6[%mul3A_2] : memref<204880xi32, #tpu.memory_space<hbm>> -> memref<80xi32, #tpu.memory_space<hbm>>
    tpu.enqueue_dma source(%dma_start3A_81 : memref<80xi32, #tpu.memory_space<hbm>>) target(%arg20 : memref<80xi32, #tpu.memory_space<vmem>>) target_semaphore(%arg41 : memref<!tpu.dma_semaphore, #tpu.memory_space<semaphore_mem>>)
    %dma_wait3A = tpu.memref_slice %arg2[%mul3A_2] : memref<204880xi32, #tpu.memory_space<hbm>> -> memref<80xi32, #tpu.memory_space<hbm>>
    %dma_wait3A_82 = tpu.memref_slice %arg2[%mul3A_2] : memref<204880xi32, #tpu.memory_space<hbm>> -> memref<80xi32, #tpu.memory_space<hbm>>
    tpu.wait_dma2 semaphore(%arg41 : memref<!tpu.dma_semaphore, #tpu.memory_space<semaphore_mem>>) src(%dma_wait3A_82 : memref<80xi32, #tpu.memory_space<hbm>>) dst(%arg16 : memref<80xi32, #tpu.memory_space<vmem>>)
    %dma_wait3A_83 = tpu.memref_slice %arg3[%mul3A_2] : memref<204880xi32, #tpu.memory_space<hbm>> -> memref<80xi32, #tpu.memory_space<hbm>>
    %dma_wait3A_84 = tpu.memref_slice %arg3[%mul3A_2] : memref<204880xi32, #tpu.memory_space<hbm>> -> memref<80xi32, #tpu.memory_space<hbm>>
    tpu.wait_dma2 semaphore(%arg41 : memref<!tpu.dma_semaphore, #tpu.memory_space<semaphore_mem>>) src(%dma_wait3A_84 : memref<80xi32, #tpu.memory_space<hbm>>) dst(%arg17 : memref<80xi32, #tpu.memory_space<vmem>>)
    %dma_wait3A_85 = tpu.memref_slice %arg4[%mul3A_2] : memref<204880xi32, #tpu.memory_space<hbm>> -> memref<80xi32, #tpu.memory_space<hbm>>
    %dma_wait3A_86 = tpu.memref_slice %arg4[%mul3A_2] : memref<204880xi32, #tpu.memory_space<hbm>> -> memref<80xi32, #tpu.memory_space<hbm>>
    tpu.wait_dma2 semaphore(%arg41 : memref<!tpu.dma_semaphore, #tpu.memory_space<semaphore_mem>>) src(%dma_wait3A_86 : memref<80xi32, #tpu.memory_space<hbm>>) dst(%arg18 : memref<80xi32, #tpu.memory_space<vmem>>)
    %dma_wait3A_87 = tpu.memref_slice %arg5[%mul3A_2] : memref<204880xi32, #tpu.memory_space<hbm>> -> memref<80xi32, #tpu.memory_space<hbm>>
    %dma_wait3A_88 = tpu.memref_slice %arg5[%mul3A_2] : memref<204880xi32, #tpu.memory_space<hbm>> -> memref<80xi32, #tpu.memory_space<hbm>>
    tpu.wait_dma2 semaphore(%arg41 : memref<!tpu.dma_semaphore, #tpu.memory_space<semaphore_mem>>) src(%dma_wait3A_88 : memref<80xi32, #tpu.memory_space<hbm>>) dst(%arg19 : memref<80xi32, #tpu.memory_space<vmem>>)
    %dma_wait3A_89 = tpu.memref_slice %arg6[%mul3A_2] : memref<204880xi32, #tpu.memory_space<hbm>> -> memref<80xi32, #tpu.memory_space<hbm>>
    %dma_wait3A_90 = tpu.memref_slice %arg6[%mul3A_2] : memref<204880xi32, #tpu.memory_space<hbm>> -> memref<80xi32, #tpu.memory_space<hbm>>
    tpu.wait_dma2 semaphore(%arg41 : memref<!tpu.dma_semaphore, #tpu.memory_space<semaphore_mem>>) src(%dma_wait3A_90 : memref<80xi32, #tpu.memory_space<hbm>>) dst(%arg20 : memref<80xi32, #tpu.memory_space<vmem>>)
    %dma_start3A_91 = arith.constant 0 : i32
    %dma_start3A_92 = arith.constant 0 : i32
    %dma_start3A_93 = tpu.memref_slice %arg7[%dma_start3A_91, %dma_start3A_92] : memref<100000x128xf32, #tpu.memory_space<hbm>> -> memref<100000x128xf32, #tpu.memory_space<hbm>>
    tpu.enqueue_indirect_dma source(%dma_start3A_93 : memref<100000x128xf32, #tpu.memory_space<hbm>>) target(%arg28 : memref<80x128xf32, #tpu.memory_space<vmem>>) offsets(%arg16 : memref<80xi32, #tpu.memory_space<vmem>>) semaphore(%arg43 : memref<!tpu.dma_semaphore, #tpu.memory_space<semaphore_mem>>)
    %dma_start3A_94 = arith.constant 0 : i32
    %dma_start3A_95 = arith.constant 0 : i32
    %dma_start3A_96 = tpu.memref_slice %arg8[%dma_start3A_94, %dma_start3A_95] : memref<100000x128xf32, #tpu.memory_space<hbm>> -> memref<100000x128xf32, #tpu.memory_space<hbm>>
    tpu.enqueue_indirect_dma source(%dma_start3A_96 : memref<100000x128xf32, #tpu.memory_space<hbm>>) target(%arg29 : memref<80x128xf32, #tpu.memory_space<vmem>>) offsets(%arg16 : memref<80xi32, #tpu.memory_space<vmem>>) semaphore(%arg43 : memref<!tpu.dma_semaphore, #tpu.memory_space<semaphore_mem>>)
    %dma_start3A_97 = arith.constant 0 : i32
    %dma_start3A_98 = arith.constant 0 : i32
    %dma_start3A_99 = tpu.memref_slice %arg12[%dma_start3A_97, %dma_start3A_98] : memref<100000x128xf32, #tpu.memory_space<hbm>> -> memref<100000x128xf32, #tpu.memory_space<hbm>>
    tpu.enqueue_indirect_dma source(%dma_start3A_99 : memref<100000x128xf32, #tpu.memory_space<hbm>>) target(%arg30 : memref<80x128xf32, #tpu.memory_space<vmem>>) offsets(%arg20 : memref<80xi32, #tpu.memory_space<vmem>>) semaphore(%arg43 : memref<!tpu.dma_semaphore, #tpu.memory_space<semaphore_mem>>)
    %scan3A = arith.constant 0 : i32
    %scan3A_100 = arith.constant 0 : i32
    %scan3A_101 = arith.constant 40 : i32
    %scan3A_102 = arith.addi %scan3A_100, %scan3A_101 : i32
    %scan3A_103 = arith.constant 1 : i32
    scf.for %scan3A_131 = %scan3A_100 to %scan3A_102 step %scan3A_103  : i32 {
      %mul3A_132 = arith.constant 160 : i32
      %mul3A_133 = arith.muli %scan3A_131, %mul3A_132 : i32
      %add3A_134 = arith.addi %mul3A_2, %mul3A_133 : i32
      %add3A_135 = arith.constant 80 : i32
      %add3A_136 = arith.addi %add3A_134, %add3A_135 : i32
      %dma_start3A_137 = tpu.memref_slice %arg2[%add3A_136] : memref<204880xi32, #tpu.memory_space<hbm>> -> memref<80xi32, #tpu.memory_space<hbm>>
      %dma_start3A_138 = tpu.memref_slice %arg2[%add3A_136] : memref<204880xi32, #tpu.memory_space<hbm>> -> memref<80xi32, #tpu.memory_space<hbm>>
      tpu.enqueue_dma source(%dma_start3A_138 : memref<80xi32, #tpu.memory_space<hbm>>) target(%arg22 : memref<80xi32, #tpu.memory_space<vmem>>) target_semaphore(%arg42 : memref<!tpu.dma_semaphore, #tpu.memory_space<semaphore_mem>>)
      %dma_start3A_139 = tpu.memref_slice %arg3[%add3A_136] : memref<204880xi32, #tpu.memory_space<hbm>> -> memref<80xi32, #tpu.memory_space<hbm>>
      %dma_start3A_140 = tpu.memref_slice %arg3[%add3A_136] : memref<204880xi32, #tpu.memory_space<hbm>> -> memref<80xi32, #tpu.memory_space<hbm>>
      tpu.enqueue_dma source(%dma_start3A_140 : memref<80xi32, #tpu.memory_space<hbm>>) target(%arg23 : memref<80xi32, #tpu.memory_space<vmem>>) target_semaphore(%arg42 : memref<!tpu.dma_semaphore, #tpu.memory_space<semaphore_mem>>)
      %dma_start3A_141 = tpu.memref_slice %arg4[%add3A_136] : memref<204880xi32, #tpu.memory_space<hbm>> -> memref<80xi32, #tpu.memory_space<hbm>>
      %dma_start3A_142 = tpu.memref_slice %arg4[%add3A_136] : memref<204880xi32, #tpu.memory_space<hbm>> -> memref<80xi32, #tpu.memory_space<hbm>>
      tpu.enqueue_dma source(%dma_start3A_142 : memref<80xi32, #tpu.memory_space<hbm>>) target(%arg24 : memref<80xi32, #tpu.memory_space<vmem>>) target_semaphore(%arg42 : memref<!tpu.dma_semaphore, #tpu.memory_space<semaphore_mem>>)
      %dma_start3A_143 = tpu.memref_slice %arg5[%add3A_136] : memref<204880xi32, #tpu.memory_space<hbm>> -> memref<80xi32, #tpu.memory_space<hbm>>
      %dma_start3A_144 = tpu.memref_slice %arg5[%add3A_136] : memref<204880xi32, #tpu.memory_space<hbm>> -> memref<80xi32, #tpu.memory_space<hbm>>
      tpu.enqueue_dma source(%dma_start3A_144 : memref<80xi32, #tpu.memory_space<hbm>>) target(%arg25 : memref<80xi32, #tpu.memory_space<vmem>>) target_semaphore(%arg42 : memref<!tpu.dma_semaphore, #tpu.memory_space<semaphore_mem>>)
      %dma_start3A_145 = tpu.memref_slice %arg6[%add3A_136] : memref<204880xi32, #tpu.memory_space<hbm>> -> memref<80xi32, #tpu.memory_space<hbm>>
      %dma_start3A_146 = tpu.memref_slice %arg6[%add3A_136] : memref<204880xi32, #tpu.memory_space<hbm>> -> memref<80xi32, #tpu.memory_space<hbm>>
      tpu.enqueue_dma source(%dma_start3A_146 : memref<80xi32, #tpu.memory_space<hbm>>) target(%arg26 : memref<80xi32, #tpu.memory_space<vmem>>) target_semaphore(%arg42 : memref<!tpu.dma_semaphore, #tpu.memory_space<semaphore_mem>>)
      %get3A_147 = arith.constant 0 : index
      %get3A_148 = tpu.vector_load %arg17[%get3A_147] {strides = array<i32>} : memref<80xi32, #tpu.memory_space<vmem>>, vector<16xi32>,
      %eq3A = arith.constant 0 : i32
      %eq3A_149 = vector.broadcast %eq3A : i32 to vector<16xi32>
      %eq3A_150 = arith.cmpi eq, %get3A_148, %eq3A_149 : vector<16xi32>
      %eq3A_151 = arith.constant 2 : i32
      %eq3A_152 = vector.broadcast %eq3A_151 : i32 to vector<16xi32>
      %eq3A_153 = arith.cmpi eq, %get3A_148, %eq3A_152 : vector<16xi32>
      %or3A = arith.ori %eq3A_150, %eq3A_153 : vector<16xi1>
      %jit3A = arith.constant 1.000000e+00 : f32
      %jit3A_154 = arith.constant 0.000000e+00 : f32
      %broadcast_in_dim3A = vector.broadcast %jit3A : f32 to vector<16xf32>
      %broadcast_in_dim3A_155 = vector.broadcast %jit3A_154 : f32 to vector<16xf32>
      %select_n3A = arith.select %or3A, %broadcast_in_dim3A, %broadcast_in_dim3A_155 : vector<16xi1>, vector<16xf32>
      %swap3A = arith.constant 0 : index
      %swap3A_156 = tpu.vector_load %arg21[%swap3A] {strides = array<i32>} : memref<80xf32, #tpu.memory_space<vmem>>, vector<16xf32>,
      tpu.vector_store %arg21[%swap3A], %select_n3A {strides = array<i32>} : memref<80xf32, #tpu.memory_space<vmem>>, vector<16xf32>,
      %get3A_157 = arith.constant 16 : index
      %get3A_158 = tpu.vector_load %arg17[%get3A_157] {strides = array<i32>} : memref<80xi32, #tpu.memory_space<vmem>>, vector<16xi32>,
      %eq3A_159 = arith.constant 0 : i32
      %eq3A_160 = vector.broadcast %eq3A_159 : i32 to vector<16xi32>
      %eq3A_161 = arith.cmpi eq, %get3A_158, %eq3A_160 : vector<16xi32>
      %eq3A_162 = arith.constant 2 : i32
      %eq3A_163 = vector.broadcast %eq3A_162 : i32 to vector<16xi32>
      %eq3A_164 = arith.cmpi eq, %get3A_158, %eq3A_163 : vector<16xi32>
      %or3A_165 = arith.ori %eq3A_161, %eq3A_164 : vector<16xi1>
      %jit3A_166 = arith.constant 1.000000e+00 : f32
      %jit3A_167 = arith.constant 0.000000e+00 : f32
      %broadcast_in_dim3A_168 = vector.broadcast %jit3A_166 : f32 to vector<16xf32>
      %broadcast_in_dim3A_169 = vector.broadcast %jit3A_167 : f32 to vector<16xf32>
      %select_n3A_170 = arith.select %or3A_165, %broadcast_in_dim3A_168, %broadcast_in_dim3A_169 : vector<16xi1>, vector<16xf32>
      %swap3A_171 = arith.constant 16 : index
      %swap3A_172 = tpu.vector_load %arg21[%swap3A_171] {strides = array<i32>} : memref<80xf32, #tpu.memory_space<vmem>>, vector<16xf32>,
      tpu.vector_store %arg21[%swap3A_171], %select_n3A_170 {strides = array<i32>} : memref<80xf32, #tpu.memory_space<vmem>>, vector<16xf32>,
      %get3A_173 = arith.constant 32 : index
      %get3A_174 = tpu.vector_load %arg17[%get3A_173] {strides = array<i32>} : memref<80xi32, #tpu.memory_space<vmem>>, vector<16xi32>,
      %eq3A_175 = arith.constant 0 : i32
      %eq3A_176 = vector.broadcast %eq3A_175 : i32 to vector<16xi32>
      %eq3A_177 = arith.cmpi eq, %get3A_174, %eq3A_176 : vector<16xi32>
      %eq3A_178 = arith.constant 2 : i32
      %eq3A_179 = vector.broadcast %eq3A_178 : i32 to vector<16xi32>
      %eq3A_180 = arith.cmpi eq, %get3A_174, %eq3A_179 : vector<16xi32>
      %or3A_181 = arith.ori %eq3A_177, %eq3A_180 : vector<16xi1>
      %jit3A_182 = arith.constant 1.000000e+00 : f32
      %jit3A_183 = arith.constant 0.000000e+00 : f32
      %broadcast_in_dim3A_184 = vector.broadcast %jit3A_182 : f32 to vector<16xf32>
      %broadcast_in_dim3A_185 = vector.broadcast %jit3A_183 : f32 to vector<16xf32>
      %select_n3A_186 = arith.select %or3A_181, %broadcast_in_dim3A_184, %broadcast_in_dim3A_185 : vector<16xi1>, vector<16xf32>
      %swap3A_187 = arith.constant 32 : index
      %swap3A_188 = tpu.vector_load %arg21[%swap3A_187] {strides = array<i32>} : memref<80xf32, #tpu.memory_space<vmem>>, vector<16xf32>,
      tpu.vector_store %arg21[%swap3A_187], %select_n3A_186 {strides = array<i32>} : memref<80xf32, #tpu.memory_space<vmem>>, vector<16xf32>,
      %get3A_189 = arith.constant 48 : index
      %get3A_190 = tpu.vector_load %arg17[%get3A_189] {strides = array<i32>} : memref<80xi32, #tpu.memory_space<vmem>>, vector<16xi32>,
      %eq3A_191 = arith.constant 0 : i32
      %eq3A_192 = vector.broadcast %eq3A_191 : i32 to vector<16xi32>
      %eq3A_193 = arith.cmpi eq, %get3A_190, %eq3A_192 : vector<16xi32>
      %eq3A_194 = arith.constant 2 : i32
      %eq3A_195 = vector.broadcast %eq3A_194 : i32 to vector<16xi32>
      %eq3A_196 = arith.cmpi eq, %get3A_190, %eq3A_195 : vector<16xi32>
      %or3A_197 = arith.ori %eq3A_193, %eq3A_196 : vector<16xi1>
      %jit3A_198 = arith.constant 1.000000e+00 : f32
      %jit3A_199 = arith.constant 0.000000e+00 : f32
      %broadcast_in_dim3A_200 = vector.broadcast %jit3A_198 : f32 to vector<16xf32>
      %broadcast_in_dim3A_201 = vector.broadcast %jit3A_199 : f32 to vector<16xf32>
      %select_n3A_202 = arith.select %or3A_197, %broadcast_in_dim3A_200, %broadcast_in_dim3A_201 : vector<16xi1>, vector<16xf32>
      %swap3A_203 = arith.constant 48 : index
      %swap3A_204 = tpu.vector_load %arg21[%swap3A_203] {strides = array<i32>} : memref<80xf32, #tpu.memory_space<vmem>>, vector<16xf32>,
      tpu.vector_store %arg21[%swap3A_203], %select_n3A_202 {strides = array<i32>} : memref<80xf32, #tpu.memory_space<vmem>>, vector<16xf32>,
      %get3A_205 = arith.constant 64 : index
      %get3A_206 = tpu.vector_load %arg17[%get3A_205] {strides = array<i32>} : memref<80xi32, #tpu.memory_space<vmem>>, vector<16xi32>,
      %eq3A_207 = arith.constant 0 : i32
      %eq3A_208 = vector.broadcast %eq3A_207 : i32 to vector<16xi32>
      %eq3A_209 = arith.cmpi eq, %get3A_206, %eq3A_208 : vector<16xi32>
      %eq3A_210 = arith.constant 2 : i32
      %eq3A_211 = vector.broadcast %eq3A_210 : i32 to vector<16xi32>
      %eq3A_212 = arith.cmpi eq, %get3A_206, %eq3A_211 : vector<16xi32>
      %or3A_213 = arith.ori %eq3A_209, %eq3A_212 : vector<16xi1>
      %jit3A_214 = arith.constant 1.000000e+00 : f32
      %jit3A_215 = arith.constant 0.000000e+00 : f32
      %broadcast_in_dim3A_216 = vector.broadcast %jit3A_214 : f32 to vector<16xf32>
      %broadcast_in_dim3A_217 = vector.broadcast %jit3A_215 : f32 to vector<16xf32>
      %select_n3A_218 = arith.select %or3A_213, %broadcast_in_dim3A_216, %broadcast_in_dim3A_217 : vector<16xi1>, vector<16xf32>
      %swap3A_219 = arith.constant 64 : index
      %swap3A_220 = tpu.vector_load %arg21[%swap3A_219] {strides = array<i32>} : memref<80xf32, #tpu.memory_space<vmem>>, vector<16xf32>,
      tpu.vector_store %arg21[%swap3A_219], %select_n3A_218 {strides = array<i32>} : memref<80xf32, #tpu.memory_space<vmem>>, vector<16xf32>,
      %dma_wait3A_221 = arith.constant 0 : i32
      %dma_wait3A_222 = arith.constant 0 : i32
      %dma_wait3A_223 = tpu.memref_slice %arg7[%dma_wait3A_221, %dma_wait3A_222] : memref<100000x128xf32, #tpu.memory_space<hbm>> -> memref<80x128xf32, #tpu.memory_space<hbm>>
      %dma_wait3A_224 = arith.constant 0 : i32
      %dma_wait3A_225 = arith.constant 0 : i32
      %dma_wait3A_226 = tpu.memref_slice %arg7[%dma_wait3A_224, %dma_wait3A_225] : memref<100000x128xf32, #tpu.memory_space<hbm>> -> memref<80x128xf32, #tpu.memory_space<hbm>>
      tpu.wait_dma2 semaphore(%arg43 : memref<!tpu.dma_semaphore, #tpu.memory_space<semaphore_mem>>) src(%dma_wait3A_226 : memref<80x128xf32, #tpu.memory_space<hbm>>) dst(%arg28 : memref<80x128xf32, #tpu.memory_space<vmem>>)
      %dma_wait3A_227 = arith.constant 0 : i32
      %dma_wait3A_228 = arith.constant 0 : i32
      %dma_wait3A_229 = tpu.memref_slice %arg8[%dma_wait3A_227, %dma_wait3A_228] : memref<100000x128xf32, #tpu.memory_space<hbm>> -> memref<80x128xf32, #tpu.memory_space<hbm>>
      %dma_wait3A_230 = arith.constant 0 : i32
      %dma_wait3A_231 = arith.constant 0 : i32
      %dma_wait3A_232 = tpu.memref_slice %arg8[%dma_wait3A_230, %dma_wait3A_231] : memref<100000x128xf32, #tpu.memory_space<hbm>> -> memref<80x128xf32, #tpu.memory_space<hbm>>
      tpu.wait_dma2 semaphore(%arg43 : memref<!tpu.dma_semaphore, #tpu.memory_space<semaphore_mem>>) src(%dma_wait3A_232 : memref<80x128xf32, #tpu.memory_space<hbm>>) dst(%arg29 : memref<80x128xf32, #tpu.memory_space<vmem>>)
      %dma_wait3A_233 = arith.constant 0 : i32
      %dma_wait3A_234 = arith.constant 0 : i32
      %dma_wait3A_235 = tpu.memref_slice %arg12[%dma_wait3A_233, %dma_wait3A_234] : memref<100000x128xf32, #tpu.memory_space<hbm>> -> memref<80x128xf32, #tpu.memory_space<hbm>>
      %dma_wait3A_236 = arith.constant 0 : i32
      %dma_wait3A_237 = arith.constant 0 : i32
      %dma_wait3A_238 = tpu.memref_slice %arg12[%dma_wait3A_236, %dma_wait3A_237] : memref<100000x128xf32, #tpu.memory_space<hbm>> -> memref<80x128xf32, #tpu.memory_space<hbm>>
      tpu.wait_dma2 semaphore(%arg43 : memref<!tpu.dma_semaphore, #tpu.memory_space<semaphore_mem>>) src(%dma_wait3A_238 : memref<80x128xf32, #tpu.memory_space<hbm>>) dst(%arg30 : memref<80x128xf32, #tpu.memory_space<vmem>>)
      %dma_wait3A_239 = arith.constant 0 : i32
      %dma_wait3A_240 = tpu.memref_slice %arg15[%mul3A_2, %dma_wait3A_239] : memref<204800x128xf32, #tpu.memory_space<hbm>> -> memref<80x128xf32, #tpu.memory_space<hbm>>
      %dma_wait3A_241 = arith.constant 0 : i32
      %dma_wait3A_242 = tpu.memref_slice %arg15[%mul3A_2, %dma_wait3A_241] : memref<204800x128xf32, #tpu.memory_space<hbm>> -> memref<80x128xf32, #tpu.memory_space<hbm>>
      tpu.wait_dma2 semaphore(%arg44 : memref<!tpu.dma_semaphore, #tpu.memory_space<semaphore_mem>>) src(%arg34 : memref<80x128xf32, #tpu.memory_space<vmem>>) dst(%dma_wait3A_242 : memref<80x128xf32, #tpu.memory_space<hbm>>)
      %dma_wait3A_243 = tpu.memref_slice %arg2[%add3A_136] : memref<204880xi32, #tpu.memory_space<hbm>> -> memref<80xi32, #tpu.memory_space<hbm>>
      %dma_wait3A_244 = tpu.memref_slice %arg2[%add3A_136] : memref<204880xi32, #tpu.memory_space<hbm>> -> memref<80xi32, #tpu.memory_space<hbm>>
      tpu.wait_dma2 semaphore(%arg42 : memref<!tpu.dma_semaphore, #tpu.memory_space<semaphore_mem>>) src(%dma_wait3A_244 : memref<80xi32, #tpu.memory_space<hbm>>) dst(%arg22 : memref<80xi32, #tpu.memory_space<vmem>>)
      %dma_wait3A_245 = tpu.memref_slice %arg3[%add3A_136] : memref<204880xi32, #tpu.memory_space<hbm>> -> memref<80xi32, #tpu.memory_space<hbm>>
      %dma_wait3A_246 = tpu.memref_slice %arg3[%add3A_136] : memref<204880xi32, #tpu.memory_space<hbm>> -> memref<80xi32, #tpu.memory_space<hbm>>
      tpu.wait_dma2 semaphore(%arg42 : memref<!tpu.dma_semaphore, #tpu.memory_space<semaphore_mem>>) src(%dma_wait3A_246 : memref<80xi32, #tpu.memory_space<hbm>>) dst(%arg23 : memref<80xi32, #tpu.memory_space<vmem>>)
      %dma_wait3A_247 = tpu.memref_slice %arg4[%add3A_136] : memref<204880xi32, #tpu.memory_space<hbm>> -> memref<80xi32, #tpu.memory_space<hbm>>
      %dma_wait3A_248 = tpu.memref_slice %arg4[%add3A_136] : memref<204880xi32, #tpu.memory_space<hbm>> -> memref<80xi32, #tpu.memory_space<hbm>>
      tpu.wait_dma2 semaphore(%arg42 : memref<!tpu.dma_semaphore, #tpu.memory_space<semaphore_mem>>) src(%dma_wait3A_248 : memref<80xi32, #tpu.memory_space<hbm>>) dst(%arg24 : memref<80xi32, #tpu.memory_space<vmem>>)
      %dma_wait3A_249 = tpu.memref_slice %arg5[%add3A_136] : memref<204880xi32, #tpu.memory_space<hbm>> -> memref<80xi32, #tpu.memory_space<hbm>>
      %dma_wait3A_250 = tpu.memref_slice %arg5[%add3A_136] : memref<204880xi32, #tpu.memory_space<hbm>> -> memref<80xi32, #tpu.memory_space<hbm>>
      tpu.wait_dma2 semaphore(%arg42 : memref<!tpu.dma_semaphore, #tpu.memory_space<semaphore_mem>>) src(%dma_wait3A_250 : memref<80xi32, #tpu.memory_space<hbm>>) dst(%arg25 : memref<80xi32, #tpu.memory_space<vmem>>)
      %dma_wait3A_251 = tpu.memref_slice %arg6[%add3A_136] : memref<204880xi32, #tpu.memory_space<hbm>> -> memref<80xi32, #tpu.memory_space<hbm>>
      %dma_wait3A_252 = tpu.memref_slice %arg6[%add3A_136] : memref<204880xi32, #tpu.memory_space<hbm>> -> memref<80xi32, #tpu.memory_space<hbm>>
      tpu.wait_dma2 semaphore(%arg42 : memref<!tpu.dma_semaphore, #tpu.memory_space<semaphore_mem>>) src(%dma_wait3A_252 : memref<80xi32, #tpu.memory_space<hbm>>) dst(%arg26 : memref<80xi32, #tpu.memory_space<vmem>>)
      %dma_start3A_253 = arith.constant 0 : i32
      %dma_start3A_254 = arith.constant 0 : i32
      %dma_start3A_255 = tpu.memref_slice %arg7[%dma_start3A_253, %dma_start3A_254] : memref<100000x128xf32, #tpu.memory_space<hbm>> -> memref<100000x128xf32, #tpu.memory_space<hbm>>
      tpu.enqueue_indirect_dma source(%dma_start3A_255 : memref<100000x128xf32, #tpu.memory_space<hbm>>) target(%arg31 : memref<80x128xf32, #tpu.memory_space<vmem>>) offsets(%arg22 : memref<80xi32, #tpu.memory_space<vmem>>) semaphore(%arg43 : memref<!tpu.dma_semaphore, #tpu.memory_space<semaphore_mem>>)
      %dma_start3A_256 = arith.constant 0 : i32
      %dma_start3A_257 = arith.constant 0 : i32
      %dma_start3A_258 = tpu.memref_slice %arg8[%dma_start3A_256, %dma_start3A_257] : memref<100000x128xf32, #tpu.memory_space<hbm>> -> memref<100000x128xf32, #tpu.memory_space<hbm>>
      tpu.enqueue_indirect_dma source(%dma_start3A_258 : memref<100000x128xf32, #tpu.memory_space<hbm>>) target(%arg32 : memref<80x128xf32, #tpu.memory_space<vmem>>) offsets(%arg22 : memref<80xi32, #tpu.memory_space<vmem>>) semaphore(%arg43 : memref<!tpu.dma_semaphore, #tpu.memory_space<semaphore_mem>>)
      %dma_start3A_259 = arith.constant 0 : i32
      %dma_start3A_260 = arith.constant 0 : i32
      %dma_start3A_261 = tpu.memref_slice %arg12[%dma_start3A_259, %dma_start3A_260] : memref<100000x128xf32, #tpu.memory_space<hbm>> -> memref<100000x128xf32, #tpu.memory_space<hbm>>
      tpu.enqueue_indirect_dma source(%dma_start3A_261 : memref<100000x128xf32, #tpu.memory_space<hbm>>) target(%arg33 : memref<80x128xf32, #tpu.memory_space<vmem>>) offsets(%arg26 : memref<80xi32, #tpu.memory_space<vmem>>) semaphore(%arg43 : memref<!tpu.dma_semaphore, #tpu.memory_space<semaphore_mem>>)
      %parallel_loop3A = arith.constant 0 : i32
      %parallel_loop3A_262 = arith.constant 80 : i32
      %parallel_loop3A_263 = arith.constant 1 : i32
      scf.for %parallel_loop3A_399 = %parallel_loop3A to %parallel_loop3A_262 step %parallel_loop3A_263  : i32 {
        %parallel_loop3A_400 = vector.broadcast %parallel_loop3A_399 : i32 to vector<16xi32>
        %parallel_loop3A_401 = tpu.vector_load_idx %arg21[%parallel_loop3A_400] : memref<80xf32, #tpu.memory_space<vmem>>[vector<16xi32>], vector<16xf32>,
        %parallel_loop3A_402 = tpu.vector_load_idx %arg18[%parallel_loop3A_400] : memref<80xi32, #tpu.memory_space<vmem>>[vector<16xi32>], vector<16xi32>,
        %parallel_loop3A_403 = tpu.vector_load_idx %arg19[%parallel_loop3A_400] : memref<80xi32, #tpu.memory_space<vmem>>[vector<16xi32>], vector<16xi32>,
        %parallel_loop3A_404 = tpu.vector_load_idx %arg17[%parallel_loop3A_400] : memref<80xi32, #tpu.memory_space<vmem>>[vector<16xi32>], vector<16xi32>,
        %parallel_loop3A_405 = arith.constant 0.000000e+00 : f32
        %parallel_loop3A_406 = vector.broadcast %parallel_loop3A_405 : f32 to vector<16xf32>
        %parallel_loop3A_407 = arith.constant 0.000000e+00 : f32
        %parallel_loop3A_408 = vector.broadcast %parallel_loop3A_407 : f32 to vector<16xf32>
        %parallel_loop3A_409 = tpu.vector_load_idx %arg28[%parallel_loop3A_400, %add3A_5] : memref<80x128xf32, #tpu.memory_space<vmem>>[vector<16xi32>, vector<16xi32>], vector<16xf32>,
        %parallel_loop3A_410 = tpu.vector_load_idx %arg29[%parallel_loop3A_400, %add3A_5] : memref<80x128xf32, #tpu.memory_space<vmem>>[vector<16xi32>, vector<16xi32>], vector<16xf32>,
        %parallel_loop3A_411 = tpu.vector_load_idx %arg30[%parallel_loop3A_400, %add3A_5] : memref<80x128xf32, #tpu.memory_space<vmem>>[vector<16xi32>, vector<16xi32>], vector<16xf32>,
        %parallel_loop3A_412 = tpu.vector_load_idx %arg36[%parallel_loop3A_402, %add3A_5] : memref<64x128xf32, #tpu.memory_space<vmem>>[vector<16xi32>, vector<16xi32>], vector<16xf32>,
        %parallel_loop3A_413 = tpu.vector_load_idx %arg37[%parallel_loop3A_403, %add3A_5] : memref<256x128xf32, #tpu.memory_space<vmem>>[vector<16xi32>, vector<16xi32>], vector<16xf32>,
        %parallel_loop3A_414 = tpu.vector_load_idx %arg38[%parallel_loop3A_404, %add3A_5] : memref<4x128xf32, #tpu.memory_space<vmem>>[vector<16xi32>, vector<16xi32>], vector<16xf32>,
        %parallel_loop3A_415 = arith.subf %parallel_loop3A_409, %parallel_loop3A_410 : vector<16xf32>
        %parallel_loop3A_416 = arith.mulf %parallel_loop3A_415, %parallel_loop3A_401 : vector<16xf32>
        %parallel_loop3A_417 = arith.addf %parallel_loop3A_410, %parallel_loop3A_416 : vector<16xf32>
        %parallel_loop3A_418 = arith.addf %parallel_loop3A_417, %parallel_loop3A_411 : vector<16xf32>
        %parallel_loop3A_419 = arith.addf %parallel_loop3A_418, %parallel_loop3A_412 : vector<16xf32>
        %parallel_loop3A_420 = arith.addf %parallel_loop3A_419, %parallel_loop3A_413 : vector<16xf32>
        %parallel_loop3A_421 = arith.addf %parallel_loop3A_420, %parallel_loop3A_414 : vector<16xf32>
        %parallel_loop3A_422 = arith.addf %parallel_loop3A_406, %parallel_loop3A_421 : vector<16xf32>
        %parallel_loop3A_423 = arith.mulf %parallel_loop3A_421, %parallel_loop3A_421 : vector<16xf32>
        %parallel_loop3A_424 = arith.addf %parallel_loop3A_408, %parallel_loop3A_423 : vector<16xf32>
        %parallel_loop3A_425 = tpu.vector_load_idx %arg28[%parallel_loop3A_400, %add3A_8] : memref<80x128xf32, #tpu.memory_space<vmem>>[vector<16xi32>, vector<16xi32>], vector<16xf32>,
        %parallel_loop3A_426 = tpu.vector_load_idx %arg29[%parallel_loop3A_400, %add3A_8] : memref<80x128xf32, #tpu.memory_space<vmem>>[vector<16xi32>, vector<16xi32>], vector<16xf32>,
        %parallel_loop3A_427 = tpu.vector_load_idx %arg30[%parallel_loop3A_400, %add3A_8] : memref<80x128xf32, #tpu.memory_space<vmem>>[vector<16xi32>, vector<16xi32>], vector<16xf32>,
        %parallel_loop3A_428 = tpu.vector_load_idx %arg36[%parallel_loop3A_402, %add3A_8] : memref<64x128xf32, #tpu.memory_space<vmem>>[vector<16xi32>, vector<16xi32>], vector<16xf32>,
        %parallel_loop3A_429 = tpu.vector_load_idx %arg37[%parallel_loop3A_403, %add3A_8] : memref<256x128xf32, #tpu.memory_space<vmem>>[vector<16xi32>, vector<16xi32>], vector<16xf32>,
        %parallel_loop3A_430 = tpu.vector_load_idx %arg38[%parallel_loop3A_404, %add3A_8] : memref<4x128xf32, #tpu.memory_space<vmem>>[vector<16xi32>, vector<16xi32>], vector<16xf32>,
        %parallel_loop3A_431 = arith.subf %parallel_loop3A_425, %parallel_loop3A_426 : vector<16xf32>
        %parallel_loop3A_432 = arith.mulf %parallel_loop3A_431, %parallel_loop3A_401 : vector<16xf32>
        %parallel_loop3A_433 = arith.addf %parallel_loop3A_426, %parallel_loop3A_432 : vector<16xf32>
        %parallel_loop3A_434 = arith.addf %parallel_loop3A_433, %parallel_loop3A_427 : vector<16xf32>
        %parallel_loop3A_435 = arith.addf %parallel_loop3A_434, %parallel_loop3A_428 : vector<16xf32>
        %parallel_loop3A_436 = arith.addf %parallel_loop3A_435, %parallel_loop3A_429 : vector<16xf32>
        %parallel_loop3A_437 = arith.addf %parallel_loop3A_436, %parallel_loop3A_430 : vector<16xf32>
        %parallel_loop3A_438 = arith.addf %parallel_loop3A_422, %parallel_loop3A_437 : vector<16xf32>
        %parallel_loop3A_439 = arith.mulf %parallel_loop3A_437, %parallel_loop3A_437 : vector<16xf32>
        %parallel_loop3A_440 = arith.addf %parallel_loop3A_424, %parallel_loop3A_439 : vector<16xf32>
        %parallel_loop3A_441 = tpu.vector_load_idx %arg28[%parallel_loop3A_400, %add3A_11] : memref<80x128xf32, #tpu.memory_space<vmem>>[vector<16xi32>, vector<16xi32>], vector<16xf32>,
        %parallel_loop3A_442 = tpu.vector_load_idx %arg29[%parallel_loop3A_400, %add3A_11] : memref<80x128xf32, #tpu.memory_space<vmem>>[vector<16xi32>, vector<16xi32>], vector<16xf32>,
        %parallel_loop3A_443 = tpu.vector_load_idx %arg30[%parallel_loop3A_400, %add3A_11] : memref<80x128xf32, #tpu.memory_space<vmem>>[vector<16xi32>, vector<16xi32>], vector<16xf32>,
        %parallel_loop3A_444 = tpu.vector_load_idx %arg36[%parallel_loop3A_402, %add3A_11] : memref<64x128xf32, #tpu.memory_space<vmem>>[vector<16xi32>, vector<16xi32>], vector<16xf32>,
        %parallel_loop3A_445 = tpu.vector_load_idx %arg37[%parallel_loop3A_403, %add3A_11] : memref<256x128xf32, #tpu.memory_space<vmem>>[vector<16xi32>, vector<16xi32>], vector<16xf32>,
        %parallel_loop3A_446 = tpu.vector_load_idx %arg38[%parallel_loop3A_404, %add3A_11] : memref<4x128xf32, #tpu.memory_space<vmem>>[vector<16xi32>, vector<16xi32>], vector<16xf32>,
        %parallel_loop3A_447 = arith.subf %parallel_loop3A_441, %parallel_loop3A_442 : vector<16xf32>
        %parallel_loop3A_448 = arith.mulf %parallel_loop3A_447, %parallel_loop3A_401 : vector<16xf32>
        %parallel_loop3A_449 = arith.addf %parallel_loop3A_442, %parallel_loop3A_448 : vector<16xf32>
        %parallel_loop3A_450 = arith.addf %parallel_loop3A_449, %parallel_loop3A_443 : vector<16xf32>
        %parallel_loop3A_451 = arith.addf %parallel_loop3A_450, %parallel_loop3A_444 : vector<16xf32>
        %parallel_loop3A_452 = arith.addf %parallel_loop3A_451, %parallel_loop3A_445 : vector<16xf32>
        %parallel_loop3A_453 = arith.addf %parallel_loop3A_452, %parallel_loop3A_446 : vector<16xf32>
        %parallel_loop3A_454 = arith.addf %parallel_loop3A_438, %parallel_loop3A_453 : vector<16xf32>
        %parallel_loop3A_455 = arith.mulf %parallel_loop3A_453, %parallel_loop3A_453 : vector<16xf32>
        %parallel_loop3A_456 = arith.addf %parallel_loop3A_440, %parallel_loop3A_455 : vector<16xf32>
        %parallel_loop3A_457 = tpu.vector_load_idx %arg28[%parallel_loop3A_400, %add3A_14] : memref<80x128xf32, #tpu.memory_space<vmem>>[vector<16xi32>, vector<16xi32>], vector<16xf32>,
        %parallel_loop3A_458 = tpu.vector_load_idx %arg29[%parallel_loop3A_400, %add3A_14] : memref<80x128xf32, #tpu.memory_space<vmem>>[vector<16xi32>, vector<16xi32>], vector<16xf32>,
        %parallel_loop3A_459 = tpu.vector_load_idx %arg30[%parallel_loop3A_400, %add3A_14] : memref<80x128xf32, #tpu.memory_space<vmem>>[vector<16xi32>, vector<16xi32>], vector<16xf32>,
        %parallel_loop3A_460 = tpu.vector_load_idx %arg36[%parallel_loop3A_402, %add3A_14] : memref<64x128xf32, #tpu.memory_space<vmem>>[vector<16xi32>, vector<16xi32>], vector<16xf32>,
        %parallel_loop3A_461 = tpu.vector_load_idx %arg37[%parallel_loop3A_403, %add3A_14] : memref<256x128xf32, #tpu.memory_space<vmem>>[vector<16xi32>, vector<16xi32>], vector<16xf32>,
        %parallel_loop3A_462 = tpu.vector_load_idx %arg38[%parallel_loop3A_404, %add3A_14] : memref<4x128xf32, #tpu.memory_space<vmem>>[vector<16xi32>, vector<16xi32>], vector<16xf32>,
        %parallel_loop3A_463 = arith.subf %parallel_loop3A_457, %parallel_loop3A_458 : vector<16xf32>
        %parallel_loop3A_464 = arith.mulf %parallel_loop3A_463, %parallel_loop3A_401 : vector<16xf32>
        %parallel_loop3A_465 = arith.addf %parallel_loop3A_458, %parallel_loop3A_464 : vector<16xf32>
        %parallel_loop3A_466 = arith.addf %parallel_loop3A_465, %parallel_loop3A_459 : vector<16xf32>
        %parallel_loop3A_467 = arith.addf %parallel_loop3A_466, %parallel_loop3A_460 : vector<16xf32>
        %parallel_loop3A_468 = arith.addf %parallel_loop3A_467, %parallel_loop3A_461 : vector<16xf32>
        %parallel_loop3A_469 = arith.addf %parallel_loop3A_468, %parallel_loop3A_462 : vector<16xf32>
        %parallel_loop3A_470 = arith.addf %parallel_loop3A_454, %parallel_loop3A_469 : vector<16xf32>
        %parallel_loop3A_471 = arith.mulf %parallel_loop3A_469, %parallel_loop3A_469 : vector<16xf32>
        %parallel_loop3A_472 = arith.addf %parallel_loop3A_456, %parallel_loop3A_471 : vector<16xf32>
        %parallel_loop3A_473 = tpu.vector_load_idx %arg28[%parallel_loop3A_400, %add3A_17] : memref<80x128xf32, #tpu.memory_space<vmem>>[vector<16xi32>, vector<16xi32>], vector<16xf32>,
        %parallel_loop3A_474 = tpu.vector_load_idx %arg29[%parallel_loop3A_400, %add3A_17] : memref<80x128xf32, #tpu.memory_space<vmem>>[vector<16xi32>, vector<16xi32>], vector<16xf32>,
        %parallel_loop3A_475 = tpu.vector_load_idx %arg30[%parallel_loop3A_400, %add3A_17] : memref<80x128xf32, #tpu.memory_space<vmem>>[vector<16xi32>, vector<16xi32>], vector<16xf32>,
        %parallel_loop3A_476 = tpu.vector_load_idx %arg36[%parallel_loop3A_402, %add3A_17] : memref<64x128xf32, #tpu.memory_space<vmem>>[vector<16xi32>, vector<16xi32>], vector<16xf32>,
        %parallel_loop3A_477 = tpu.vector_load_idx %arg37[%parallel_loop3A_403, %add3A_17] : memref<256x128xf32, #tpu.memory_space<vmem>>[vector<16xi32>, vector<16xi32>], vector<16xf32>,
        %parallel_loop3A_478 = tpu.vector_load_idx %arg38[%parallel_loop3A_404, %add3A_17] : memref<4x128xf32, #tpu.memory_space<vmem>>[vector<16xi32>, vector<16xi32>], vector<16xf32>,
        %parallel_loop3A_479 = arith.subf %parallel_loop3A_473, %parallel_loop3A_474 : vector<16xf32>
        %parallel_loop3A_480 = arith.mulf %parallel_loop3A_479, %parallel_loop3A_401 : vector<16xf32>
        %parallel_loop3A_481 = arith.addf %parallel_loop3A_474, %parallel_loop3A_480 : vector<16xf32>
        %parallel_loop3A_482 = arith.addf %parallel_loop3A_481, %parallel_loop3A_475 : vector<16xf32>
        %parallel_loop3A_483 = arith.addf %parallel_loop3A_482, %parallel_loop3A_476 : vector<16xf32>
        %parallel_loop3A_484 = arith.addf %parallel_loop3A_483, %parallel_loop3A_477 : vector<16xf32>
        %parallel_loop3A_485 = arith.addf %parallel_loop3A_484, %parallel_loop3A_478 : vector<16xf32>
        %parallel_loop3A_486 = arith.addf %parallel_loop3A_470, %parallel_loop3A_485 : vector<16xf32>
        %parallel_loop3A_487 = arith.mulf %parallel_loop3A_485, %parallel_loop3A_485 : vector<16xf32>
        %parallel_loop3A_488 = arith.addf %parallel_loop3A_472, %parallel_loop3A_487 : vector<16xf32>
        %parallel_loop3A_489 = tpu.vector_load_idx %arg28[%parallel_loop3A_400, %add3A_20] : memref<80x128xf32, #tpu.memory_space<vmem>>[vector<16xi32>, vector<16xi32>], vector<16xf32>,
        %parallel_loop3A_490 = tpu.vector_load_idx %arg29[%parallel_loop3A_400, %add3A_20] : memref<80x128xf32, #tpu.memory_space<vmem>>[vector<16xi32>, vector<16xi32>], vector<16xf32>,
        %parallel_loop3A_491 = tpu.vector_load_idx %arg30[%parallel_loop3A_400, %add3A_20] : memref<80x128xf32, #tpu.memory_space<vmem>>[vector<16xi32>, vector<16xi32>], vector<16xf32>,
        %parallel_loop3A_492 = tpu.vector_load_idx %arg36[%parallel_loop3A_402, %add3A_20] : memref<64x128xf32, #tpu.memory_space<vmem>>[vector<16xi32>, vector<16xi32>], vector<16xf32>,
        %parallel_loop3A_493 = tpu.vector_load_idx %arg37[%parallel_loop3A_403, %add3A_20] : memref<256x128xf32, #tpu.memory_space<vmem>>[vector<16xi32>, vector<16xi32>], vector<16xf32>,
        %parallel_loop3A_494 = tpu.vector_load_idx %arg38[%parallel_loop3A_404, %add3A_20] : memref<4x128xf32, #tpu.memory_space<vmem>>[vector<16xi32>, vector<16xi32>], vector<16xf32>,
        %parallel_loop3A_495 = arith.subf %parallel_loop3A_489, %parallel_loop3A_490 : vector<16xf32>
        %parallel_loop3A_496 = arith.mulf %parallel_loop3A_495, %parallel_loop3A_401 : vector<16xf32>
        %parallel_loop3A_497 = arith.addf %parallel_loop3A_490, %parallel_loop3A_496 : vector<16xf32>
        %parallel_loop3A_498 = arith.addf %parallel_loop3A_497, %parallel_loop3A_491 : vector<16xf32>
        %parallel_loop3A_499 = arith.addf %parallel_loop3A_498, %parallel_loop3A_492 : vector<16xf32>
        %parallel_loop3A_500 = arith.addf %parallel_loop3A_499, %parallel_loop3A_493 : vector<16xf32>
        %parallel_loop3A_501 = arith.addf %parallel_loop3A_500, %parallel_loop3A_494 : vector<16xf32>
        %parallel_loop3A_502 = arith.addf %parallel_loop3A_486, %parallel_loop3A_501 : vector<16xf32>
        %parallel_loop3A_503 = arith.mulf %parallel_loop3A_501, %parallel_loop3A_501 : vector<16xf32>
        %parallel_loop3A_504 = arith.addf %parallel_loop3A_488, %parallel_loop3A_503 : vector<16xf32>
        %parallel_loop3A_505 = tpu.vector_load_idx %arg28[%parallel_loop3A_400, %add3A_23] : memref<80x128xf32, #tpu.memory_space<vmem>>[vector<16xi32>, vector<16xi32>], vector<16xf32>,
        %parallel_loop3A_506 = tpu.vector_load_idx %arg29[%parallel_loop3A_400, %add3A_23] : memref<80x128xf32, #tpu.memory_space<vmem>>[vector<16xi32>, vector<16xi32>], vector<16xf32>,
        %parallel_loop3A_507 = tpu.vector_load_idx %arg30[%parallel_loop3A_400, %add3A_23] : memref<80x128xf32, #tpu.memory_space<vmem>>[vector<16xi32>, vector<16xi32>], vector<16xf32>,
        %parallel_loop3A_508 = tpu.vector_load_idx %arg36[%parallel_loop3A_402, %add3A_23] : memref<64x128xf32, #tpu.memory_space<vmem>>[vector<16xi32>, vector<16xi32>], vector<16xf32>,
        %parallel_loop3A_509 = tpu.vector_load_idx %arg37[%parallel_loop3A_403, %add3A_23] : memref<256x128xf32, #tpu.memory_space<vmem>>[vector<16xi32>, vector<16xi32>], vector<16xf32>,
        %parallel_loop3A_510 = tpu.vector_load_idx %arg38[%parallel_loop3A_404, %add3A_23] : memref<4x128xf32, #tpu.memory_space<vmem>>[vector<16xi32>, vector<16xi32>], vector<16xf32>,
        %parallel_loop3A_511 = arith.subf %parallel_loop3A_505, %parallel_loop3A_506 : vector<16xf32>
        %parallel_loop3A_512 = arith.mulf %parallel_loop3A_511, %parallel_loop3A_401 : vector<16xf32>
        %parallel_loop3A_513 = arith.addf %parallel_loop3A_506, %parallel_loop3A_512 : vector<16xf32>
        %parallel_loop3A_514 = arith.addf %parallel_loop3A_513, %parallel_loop3A_507 : vector<16xf32>
        %parallel_loop3A_515 = arith.addf %parallel_loop3A_514, %parallel_loop3A_508 : vector<16xf32>
        %parallel_loop3A_516 = arith.addf %parallel_loop3A_515, %parallel_loop3A_509 : vector<16xf32>
        %parallel_loop3A_517 = arith.addf %parallel_loop3A_516, %parallel_loop3A_510 : vector<16xf32>
        %parallel_loop3A_518 = arith.addf %parallel_loop3A_502, %parallel_loop3A_517 : vector<16xf32>
        %parallel_loop3A_519 = arith.mulf %parallel_loop3A_517, %parallel_loop3A_517 : vector<16xf32>
        %parallel_loop3A_520 = arith.addf %parallel_loop3A_504, %parallel_loop3A_519 : vector<16xf32>
        %parallel_loop3A_521 = tpu.vector_load_idx %arg28[%parallel_loop3A_400, %add3A_26] : memref<80x128xf32, #tpu.memory_space<vmem>>[vector<16xi32>, vector<16xi32>], vector<16xf32>,
        %parallel_loop3A_522 = tpu.vector_load_idx %arg29[%parallel_loop3A_400, %add3A_26] : memref<80x128xf32, #tpu.memory_space<vmem>>[vector<16xi32>, vector<16xi32>], vector<16xf32>,
        %parallel_loop3A_523 = tpu.vector_load_idx %arg30[%parallel_loop3A_400, %add3A_26] : memref<80x128xf32, #tpu.memory_space<vmem>>[vector<16xi32>, vector<16xi32>], vector<16xf32>,
        %parallel_loop3A_524 = tpu.vector_load_idx %arg36[%parallel_loop3A_402, %add3A_26] : memref<64x128xf32, #tpu.memory_space<vmem>>[vector<16xi32>, vector<16xi32>], vector<16xf32>,
        %parallel_loop3A_525 = tpu.vector_load_idx %arg37[%parallel_loop3A_403, %add3A_26] : memref<256x128xf32, #tpu.memory_space<vmem>>[vector<16xi32>, vector<16xi32>], vector<16xf32>,
        %parallel_loop3A_526 = tpu.vector_load_idx %arg38[%parallel_loop3A_404, %add3A_26] : memref<4x128xf32, #tpu.memory_space<vmem>>[vector<16xi32>, vector<16xi32>], vector<16xf32>,
        %parallel_loop3A_527 = arith.subf %parallel_loop3A_521, %parallel_loop3A_522 : vector<16xf32>
        %parallel_loop3A_528 = arith.mulf %parallel_loop3A_527, %parallel_loop3A_401 : vector<16xf32>
        %parallel_loop3A_529 = arith.addf %parallel_loop3A_522, %parallel_loop3A_528 : vector<16xf32>
        %parallel_loop3A_530 = arith.addf %parallel_loop3A_529, %parallel_loop3A_523 : vector<16xf32>
        %parallel_loop3A_531 = arith.addf %parallel_loop3A_530, %parallel_loop3A_524 : vector<16xf32>
        %parallel_loop3A_532 = arith.addf %parallel_loop3A_531, %parallel_loop3A_525 : vector<16xf32>
        %parallel_loop3A_533 = arith.addf %parallel_loop3A_532, %parallel_loop3A_526 : vector<16xf32>
        %parallel_loop3A_534 = arith.addf %parallel_loop3A_518, %parallel_loop3A_533 : vector<16xf32>
        %parallel_loop3A_535 = arith.mulf %parallel_loop3A_533, %parallel_loop3A_533 : vector<16xf32>
        %parallel_loop3A_536 = arith.addf %parallel_loop3A_520, %parallel_loop3A_535 : vector<16xf32>
        %parallel_loop3A_537 = arith.constant true
        %parallel_loop3A_538 = vector.broadcast %parallel_loop3A_537 : i1 to vector<16xi1>
        %parallel_loop3A_539 = tpu.scan <sum>, %parallel_loop3A_534 masked %parallel_loop3A_538 : vector<16xf32>, vector<16xi1> -> vector<16xf32>
        %parallel_loop3A_540 = vector.extract %parallel_loop3A_539[15] : f32 from vector<16xf32>
        %parallel_loop3A_541 = vector.broadcast %parallel_loop3A_540 : f32 to vector<16xf32>
        %parallel_loop3A_542 = arith.constant 7.812500e-03 : f32
        %parallel_loop3A_543 = vector.broadcast %parallel_loop3A_542 : f32 to vector<16xf32>
        %parallel_loop3A_544 = arith.mulf %parallel_loop3A_541, %parallel_loop3A_543 : vector<16xf32>
        %parallel_loop3A_545 = arith.constant true
        %parallel_loop3A_546 = vector.broadcast %parallel_loop3A_545 : i1 to vector<16xi1>
        %parallel_loop3A_547 = tpu.scan <sum>, %parallel_loop3A_536 masked %parallel_loop3A_546 : vector<16xf32>, vector<16xi1> -> vector<16xf32>
        %parallel_loop3A_548 = vector.extract %parallel_loop3A_547[15] : f32 from vector<16xf32>
        %parallel_loop3A_549 = vector.broadcast %parallel_loop3A_548 : f32 to vector<16xf32>
        %parallel_loop3A_550 = arith.constant 7.812500e-03 : f32
        %parallel_loop3A_551 = vector.broadcast %parallel_loop3A_550 : f32 to vector<16xf32>
        %parallel_loop3A_552 = arith.mulf %parallel_loop3A_549, %parallel_loop3A_551 : vector<16xf32>
        %parallel_loop3A_553 = arith.mulf %parallel_loop3A_544, %parallel_loop3A_544 : vector<16xf32>
        %parallel_loop3A_554 = arith.subf %parallel_loop3A_552, %parallel_loop3A_553 : vector<16xf32>
        %parallel_loop3A_555 = arith.constant 9.99999974E-6 : f32
        %parallel_loop3A_556 = vector.broadcast %parallel_loop3A_555 : f32 to vector<16xf32>
        %parallel_loop3A_557 = arith.addf %parallel_loop3A_554, %parallel_loop3A_556 : vector<16xf32>
        %parallel_loop3A_558 = vector.bitcast %parallel_loop3A_557 : vector<16xf32> to vector<16xi32>
        %parallel_loop3A_559 = arith.constant 1597463007 : i32
        %parallel_loop3A_560 = vector.broadcast %parallel_loop3A_559 : i32 to vector<16xi32>
        %parallel_loop3A_561 = arith.constant 1 : i32
        %parallel_loop3A_562 = vector.broadcast %parallel_loop3A_561 : i32 to vector<16xi32>
        %parallel_loop3A_563 = arith.shrsi %parallel_loop3A_558, %parallel_loop3A_562 : vector<16xi32>
        %parallel_loop3A_564 = arith.subi %parallel_loop3A_560, %parallel_loop3A_563 : vector<16xi32>
        %parallel_loop3A_565 = vector.bitcast %parallel_loop3A_564 : vector<16xi32> to vector<16xf32>
        %parallel_loop3A_566 = arith.constant 5.000000e-01 : f32
        %parallel_loop3A_567 = vector.broadcast %parallel_loop3A_566 : f32 to vector<16xf32>
        %parallel_loop3A_568 = arith.mulf %parallel_loop3A_557, %parallel_loop3A_567 : vector<16xf32>
        %parallel_loop3A_569 = arith.mulf %parallel_loop3A_568, %parallel_loop3A_565 : vector<16xf32>
        %parallel_loop3A_570 = arith.mulf %parallel_loop3A_569, %parallel_loop3A_565 : vector<16xf32>
        %parallel_loop3A_571 = arith.constant 1.500000e+00 : f32
        %parallel_loop3A_572 = vector.broadcast %parallel_loop3A_571 : f32 to vector<16xf32>
        %parallel_loop3A_573 = arith.subf %parallel_loop3A_572, %parallel_loop3A_570 : vector<16xf32>
        %parallel_loop3A_574 = arith.mulf %parallel_loop3A_565, %parallel_loop3A_573 : vector<16xf32>
        %parallel_loop3A_575 = arith.mulf %parallel_loop3A_568, %parallel_loop3A_574 : vector<16xf32>
        %parallel_loop3A_576 = arith.mulf %parallel_loop3A_575, %parallel_loop3A_574 : vector<16xf32>
        %parallel_loop3A_577 = arith.constant 1.500000e+00 : f32
        %parallel_loop3A_578 = vector.broadcast %parallel_loop3A_577 : f32 to vector<16xf32>
        %parallel_loop3A_579 = arith.subf %parallel_loop3A_578, %parallel_loop3A_576 : vector<16xf32>
        %parallel_loop3A_580 = arith.mulf %parallel_loop3A_574, %parallel_loop3A_579 : vector<16xf32>
        %parallel_loop3A_581 = arith.mulf %parallel_loop3A_568, %parallel_loop3A_580 : vector<16xf32>
        %parallel_loop3A_582 = arith.mulf %parallel_loop3A_581, %parallel_loop3A_580 : vector<16xf32>
        %parallel_loop3A_583 = arith.constant 1.500000e+00 : f32
        %parallel_loop3A_584 = vector.broadcast %parallel_loop3A_583 : f32 to vector<16xf32>
        %parallel_loop3A_585 = arith.subf %parallel_loop3A_584, %parallel_loop3A_582 : vector<16xf32>
        %parallel_loop3A_586 = arith.mulf %parallel_loop3A_580, %parallel_loop3A_585 : vector<16xf32>
        %parallel_loop3A_587 = arith.constant 0.000000e+00 : f32
        %parallel_loop3A_588 = vector.broadcast %parallel_loop3A_587 : f32 to vector<16xf32>
        %parallel_loop3A_589 = arith.subf %parallel_loop3A_588, %parallel_loop3A_544 : vector<16xf32>
        %parallel_loop3A_590 = arith.mulf %parallel_loop3A_589, %parallel_loop3A_586 : vector<16xf32>
        %parallel_loop3A_591 = arith.mulf %parallel_loop3A_421, %parallel_loop3A_586 : vector<16xf32>
        %parallel_loop3A_592 = arith.addf %parallel_loop3A_591, %parallel_loop3A_590 : vector<16xf32>
        %parallel_loop3A_593 = arith.mulf %parallel_loop3A_592, %get3A_27 : vector<16xf32>
        %parallel_loop3A_594 = arith.addf %parallel_loop3A_593, %get3A_43 : vector<16xf32>
        tpu.vector_store_idx %arg34[%parallel_loop3A_400, %add3A_5], %parallel_loop3A_594 : memref<80x128xf32, #tpu.memory_space<vmem>>[vector<16xi32>, vector<16xi32>], vector<16xf32>,
        %parallel_loop3A_595 = arith.mulf %parallel_loop3A_437, %parallel_loop3A_586 : vector<16xf32>
        %parallel_loop3A_596 = arith.addf %parallel_loop3A_595, %parallel_loop3A_590 : vector<16xf32>
        %parallel_loop3A_597 = arith.mulf %parallel_loop3A_596, %get3A_29 : vector<16xf32>
        %parallel_loop3A_598 = arith.addf %parallel_loop3A_597, %get3A_45 : vector<16xf32>
        tpu.vector_store_idx %arg34[%parallel_loop3A_400, %add3A_8], %parallel_loop3A_598 : memref<80x128xf32, #tpu.memory_space<vmem>>[vector<16xi32>, vector<16xi32>], vector<16xf32>,
        %parallel_loop3A_599 = arith.mulf %parallel_loop3A_453, %parallel_loop3A_586 : vector<16xf32>
        %parallel_loop3A_600 = arith.addf %parallel_loop3A_599, %parallel_loop3A_590 : vector<16xf32>
        %parallel_loop3A_601 = arith.mulf %parallel_loop3A_600, %get3A_31 : vector<16xf32>
        %parallel_loop3A_602 = arith.addf %parallel_loop3A_601, %get3A_47 : vector<16xf32>
        tpu.vector_store_idx %arg34[%parallel_loop3A_400, %add3A_11], %parallel_loop3A_602 : memref<80x128xf32, #tpu.memory_space<vmem>>[vector<16xi32>, vector<16xi32>], vector<16xf32>,
        %parallel_loop3A_603 = arith.mulf %parallel_loop3A_469, %parallel_loop3A_586 : vector<16xf32>
        %parallel_loop3A_604 = arith.addf %parallel_loop3A_603, %parallel_loop3A_590 : vector<16xf32>
        %parallel_loop3A_605 = arith.mulf %parallel_loop3A_604, %get3A_33 : vector<16xf32>
        %parallel_loop3A_606 = arith.addf %parallel_loop3A_605, %get3A_49 : vector<16xf32>
        tpu.vector_store_idx %arg34[%parallel_loop3A_400, %add3A_14], %parallel_loop3A_606 : memref<80x128xf32, #tpu.memory_space<vmem>>[vector<16xi32>, vector<16xi32>], vector<16xf32>,
        %parallel_loop3A_607 = arith.mulf %parallel_loop3A_485, %parallel_loop3A_586 : vector<16xf32>
        %parallel_loop3A_608 = arith.addf %parallel_loop3A_607, %parallel_loop3A_590 : vector<16xf32>
        %parallel_loop3A_609 = arith.mulf %parallel_loop3A_608, %get3A_35 : vector<16xf32>
        %parallel_loop3A_610 = arith.addf %parallel_loop3A_609, %get3A_51 : vector<16xf32>
        tpu.vector_store_idx %arg34[%parallel_loop3A_400, %add3A_17], %parallel_loop3A_610 : memref<80x128xf32, #tpu.memory_space<vmem>>[vector<16xi32>, vector<16xi32>], vector<16xf32>,
        %parallel_loop3A_611 = arith.mulf %parallel_loop3A_501, %parallel_loop3A_586 : vector<16xf32>
        %parallel_loop3A_612 = arith.addf %parallel_loop3A_611, %parallel_loop3A_590 : vector<16xf32>
        %parallel_loop3A_613 = arith.mulf %parallel_loop3A_612, %get3A_37 : vector<16xf32>
        %parallel_loop3A_614 = arith.addf %parallel_loop3A_613, %get3A_53 : vector<16xf32>
        tpu.vector_store_idx %arg34[%parallel_loop3A_400, %add3A_20], %parallel_loop3A_614 : memref<80x128xf32, #tpu.memory_space<vmem>>[vector<16xi32>, vector<16xi32>], vector<16xf32>,
        %parallel_loop3A_615 = arith.mulf %parallel_loop3A_517, %parallel_loop3A_586 : vector<16xf32>
        %parallel_loop3A_616 = arith.addf %parallel_loop3A_615, %parallel_loop3A_590 : vector<16xf32>
        %parallel_loop3A_617 = arith.mulf %parallel_loop3A_616, %get3A_39 : vector<16xf32>
        %parallel_loop3A_618 = arith.addf %parallel_loop3A_617, %get3A_55 : vector<16xf32>
        tpu.vector_store_idx %arg34[%parallel_loop3A_400, %add3A_23], %parallel_loop3A_618 : memref<80x128xf32, #tpu.memory_space<vmem>>[vector<16xi32>, vector<16xi32>], vector<16xf32>,
        %parallel_loop3A_619 = arith.mulf %parallel_loop3A_533, %parallel_loop3A_586 : vector<16xf32>
        %parallel_loop3A_620 = arith.addf %parallel_loop3A_619, %parallel_loop3A_590 : vector<16xf32>
        %parallel_loop3A_621 = arith.mulf %parallel_loop3A_620, %get3A_41 : vector<16xf32>
        %parallel_loop3A_622 = arith.addf %parallel_loop3A_621, %get3A_57 : vector<16xf32>
        tpu.vector_store_idx %arg34[%parallel_loop3A_400, %add3A_26], %parallel_loop3A_622 : memref<80x128xf32, #tpu.memory_space<vmem>>[vector<16xi32>, vector<16xi32>], vector<16xf32>,
      } {sc.loop_unroll_factor = 4 : i64, sc.parallel_access}
      %dma_start3A_264 = arith.constant 0 : i32
      %dma_start3A_265 = tpu.memref_slice %arg15[%add3A_134, %dma_start3A_264] : memref<204800x128xf32, #tpu.memory_space<hbm>> -> memref<80x128xf32, #tpu.memory_space<hbm>>
      %dma_start3A_266 = arith.constant 0 : i32
      %dma_start3A_267 = tpu.memref_slice %arg15[%add3A_134, %dma_start3A_266] : memref<204800x128xf32, #tpu.memory_space<hbm>> -> memref<80x128xf32, #tpu.memory_space<hbm>>
      tpu.enqueue_dma source(%arg34 : memref<80x128xf32, #tpu.memory_space<vmem>>) target(%dma_start3A_267 : memref<80x128xf32, #tpu.memory_space<hbm>>) target_semaphore(%arg44 : memref<!tpu.dma_semaphore, #tpu.memory_space<semaphore_mem>>)
      %add3A_268 = arith.constant 80 : i32
      %add3A_269 = arith.addi %add3A_136, %add3A_268 : i32
      %dma_start3A_270 = tpu.memref_slice %arg2[%add3A_269] : memref<204880xi32, #tpu.memory_space<hbm>> -> memref<80xi32, #tpu.memory_space<hbm>>
      %dma_start3A_271 = tpu.memref_slice %arg2[%add3A_269] : memref<204880xi32, #tpu.memory_space<hbm>> -> memref<80xi32, #tpu.memory_space<hbm>>
      tpu.enqueue_dma source(%dma_start3A_271 : memref<80xi32, #tpu.memory_space<hbm>>) target(%arg16 : memref<80xi32, #tpu.memory_space<vmem>>) target_semaphore(%arg41 : memref<!tpu.dma_semaphore, #tpu.memory_space<semaphore_mem>>)
      %dma_start3A_272 = tpu.memref_slice %arg3[%add3A_269] : memref<204880xi32, #tpu.memory_space<hbm>> -> memref<80xi32, #tpu.memory_space<hbm>>
      %dma_start3A_273 = tpu.memref_slice %arg3[%add3A_269] : memref<204880xi32, #tpu.memory_space<hbm>> -> memref<80xi32, #tpu.memory_space<hbm>>
      tpu.enqueue_dma source(%dma_start3A_273 : memref<80xi32, #tpu.memory_space<hbm>>) target(%arg17 : memref<80xi32, #tpu.memory_space<vmem>>) target_semaphore(%arg41 : memref<!tpu.dma_semaphore, #tpu.memory_space<semaphore_mem>>)
      %dma_start3A_274 = tpu.memref_slice %arg4[%add3A_269] : memref<204880xi32, #tpu.memory_space<hbm>> -> memref<80xi32, #tpu.memory_space<hbm>>
      %dma_start3A_275 = tpu.memref_slice %arg4[%add3A_269] : memref<204880xi32, #tpu.memory_space<hbm>> -> memref<80xi32, #tpu.memory_space<hbm>>
      tpu.enqueue_dma source(%dma_start3A_275 : memref<80xi32, #tpu.memory_space<hbm>>) target(%arg18 : memref<80xi32, #tpu.memory_space<vmem>>) target_semaphore(%arg41 : memref<!tpu.dma_semaphore, #tpu.memory_space<semaphore_mem>>)
      %dma_start3A_276 = tpu.memref_slice %arg5[%add3A_269] : memref<204880xi32, #tpu.memory_space<hbm>> -> memref<80xi32, #tpu.memory_space<hbm>>
      %dma_start3A_277 = tpu.memref_slice %arg5[%add3A_269] : memref<204880xi32, #tpu.memory_space<hbm>> -> memref<80xi32, #tpu.memory_space<hbm>>
      tpu.enqueue_dma source(%dma_start3A_277 : memref<80xi32, #tpu.memory_space<hbm>>) target(%arg19 : memref<80xi32, #tpu.memory_space<vmem>>) target_semaphore(%arg41 : memref<!tpu.dma_semaphore, #tpu.memory_space<semaphore_mem>>)
      %dma_start3A_278 = tpu.memref_slice %arg6[%add3A_269] : memref<204880xi32, #tpu.memory_space<hbm>> -> memref<80xi32, #tpu.memory_space<hbm>>
      %dma_start3A_279 = tpu.memref_slice %arg6[%add3A_269] : memref<204880xi32, #tpu.memory_space<hbm>> -> memref<80xi32, #tpu.memory_space<hbm>>
      tpu.enqueue_dma source(%dma_start3A_279 : memref<80xi32, #tpu.memory_space<hbm>>) target(%arg20 : memref<80xi32, #tpu.memory_space<vmem>>) target_semaphore(%arg41 : memref<!tpu.dma_semaphore, #tpu.memory_space<semaphore_mem>>)
      %get3A_280 = arith.constant 0 : index
      %get3A_281 = tpu.vector_load %arg23[%get3A_280] {strides = array<i32>} : memref<80xi32, #tpu.memory_space<vmem>>, vector<16xi32>,
      %eq3A_282 = arith.constant 0 : i32
      %eq3A_283 = vector.broadcast %eq3A_282 : i32 to vector<16xi32>
      %eq3A_284 = arith.cmpi eq, %get3A_281, %eq3A_283 : vector<16xi32>
      %eq3A_285 = arith.constant 2 : i32
      %eq3A_286 = vector.broadcast %eq3A_285 : i32 to vector<16xi32>
      %eq3A_287 = arith.cmpi eq, %get3A_281, %eq3A_286 : vector<16xi32>
      %or3A_288 = arith.ori %eq3A_284, %eq3A_287 : vector<16xi1>
      %jit3A_289 = arith.constant 1.000000e+00 : f32
      %jit3A_290 = arith.constant 0.000000e+00 : f32
      %broadcast_in_dim3A_291 = vector.broadcast %jit3A_289 : f32 to vector<16xf32>
      %broadcast_in_dim3A_292 = vector.broadcast %jit3A_290 : f32 to vector<16xf32>
      %select_n3A_293 = arith.select %or3A_288, %broadcast_in_dim3A_291, %broadcast_in_dim3A_292 : vector<16xi1>, vector<16xf32>
      %swap3A_294 = arith.constant 0 : index
      %swap3A_295 = tpu.vector_load %arg27[%swap3A_294] {strides = array<i32>} : memref<80xf32, #tpu.memory_space<vmem>>, vector<16xf32>,
      tpu.vector_store %arg27[%swap3A_294], %select_n3A_293 {strides = array<i32>} : memref<80xf32, #tpu.memory_space<vmem>>, vector<16xf32>,
      %get3A_296 = arith.constant 16 : index
      %get3A_297 = tpu.vector_load %arg23[%get3A_296] {strides = array<i32>} : memref<80xi32, #tpu.memory_space<vmem>>, vector<16xi32>,
      %eq3A_298 = arith.constant 0 : i32
      %eq3A_299 = vector.broadcast %eq3A_298 : i32 to vector<16xi32>
      %eq3A_300 = arith.cmpi eq, %get3A_297, %eq3A_299 : vector<16xi32>
      %eq3A_301 = arith.constant 2 : i32
      %eq3A_302 = vector.broadcast %eq3A_301 : i32 to vector<16xi32>
      %eq3A_303 = arith.cmpi eq, %get3A_297, %eq3A_302 : vector<16xi32>
      %or3A_304 = arith.ori %eq3A_300, %eq3A_303 : vector<16xi1>
      %jit3A_305 = arith.constant 1.000000e+00 : f32
      %jit3A_306 = arith.constant 0.000000e+00 : f32
      %broadcast_in_dim3A_307 = vector.broadcast %jit3A_305 : f32 to vector<16xf32>
      %broadcast_in_dim3A_308 = vector.broadcast %jit3A_306 : f32 to vector<16xf32>
      %select_n3A_309 = arith.select %or3A_304, %broadcast_in_dim3A_307, %broadcast_in_dim3A_308 : vector<16xi1>, vector<16xf32>
      %swap3A_310 = arith.constant 16 : index
      %swap3A_311 = tpu.vector_load %arg27[%swap3A_310] {strides = array<i32>} : memref<80xf32, #tpu.memory_space<vmem>>, vector<16xf32>,
      tpu.vector_store %arg27[%swap3A_310], %select_n3A_309 {strides = array<i32>} : memref<80xf32, #tpu.memory_space<vmem>>, vector<16xf32>,
      %get3A_312 = arith.constant 32 : index
      %get3A_313 = tpu.vector_load %arg23[%get3A_312] {strides = array<i32>} : memref<80xi32, #tpu.memory_space<vmem>>, vector<16xi32>,
      %eq3A_314 = arith.constant 0 : i32
      %eq3A_315 = vector.broadcast %eq3A_314 : i32 to vector<16xi32>
      %eq3A_316 = arith.cmpi eq, %get3A_313, %eq3A_315 : vector<16xi32>
      %eq3A_317 = arith.constant 2 : i32
      %eq3A_318 = vector.broadcast %eq3A_317 : i32 to vector<16xi32>
      %eq3A_319 = arith.cmpi eq, %get3A_313, %eq3A_318 : vector<16xi32>
      %or3A_320 = arith.ori %eq3A_316, %eq3A_319 : vector<16xi1>
      %jit3A_321 = arith.constant 1.000000e+00 : f32
      %jit3A_322 = arith.constant 0.000000e+00 : f32
      %broadcast_in_dim3A_323 = vector.broadcast %jit3A_321 : f32 to vector<16xf32>
      %broadcast_in_dim3A_324 = vector.broadcast %jit3A_322 : f32 to vector<16xf32>
      %select_n3A_325 = arith.select %or3A_320, %broadcast_in_dim3A_323, %broadcast_in_dim3A_324 : vector<16xi1>, vector<16xf32>
      %swap3A_326 = arith.constant 32 : index
      %swap3A_327 = tpu.vector_load %arg27[%swap3A_326] {strides = array<i32>} : memref<80xf32, #tpu.memory_space<vmem>>, vector<16xf32>,
      tpu.vector_store %arg27[%swap3A_326], %select_n3A_325 {strides = array<i32>} : memref<80xf32, #tpu.memory_space<vmem>>, vector<16xf32>,
      %get3A_328 = arith.constant 48 : index
      %get3A_329 = tpu.vector_load %arg23[%get3A_328] {strides = array<i32>} : memref<80xi32, #tpu.memory_space<vmem>>, vector<16xi32>,
      %eq3A_330 = arith.constant 0 : i32
      %eq3A_331 = vector.broadcast %eq3A_330 : i32 to vector<16xi32>
      %eq3A_332 = arith.cmpi eq, %get3A_329, %eq3A_331 : vector<16xi32>
      %eq3A_333 = arith.constant 2 : i32
      %eq3A_334 = vector.broadcast %eq3A_333 : i32 to vector<16xi32>
      %eq3A_335 = arith.cmpi eq, %get3A_329, %eq3A_334 : vector<16xi32>
      %or3A_336 = arith.ori %eq3A_332, %eq3A_335 : vector<16xi1>
      %jit3A_337 = arith.constant 1.000000e+00 : f32
      %jit3A_338 = arith.constant 0.000000e+00 : f32
      %broadcast_in_dim3A_339 = vector.broadcast %jit3A_337 : f32 to vector<16xf32>
      %broadcast_in_dim3A_340 = vector.broadcast %jit3A_338 : f32 to vector<16xf32>
      %select_n3A_341 = arith.select %or3A_336, %broadcast_in_dim3A_339, %broadcast_in_dim3A_340 : vector<16xi1>, vector<16xf32>
      %swap3A_342 = arith.constant 48 : index
      %swap3A_343 = tpu.vector_load %arg27[%swap3A_342] {strides = array<i32>} : memref<80xf32, #tpu.memory_space<vmem>>, vector<16xf32>,
      tpu.vector_store %arg27[%swap3A_342], %select_n3A_341 {strides = array<i32>} : memref<80xf32, #tpu.memory_space<vmem>>, vector<16xf32>,
      %get3A_344 = arith.constant 64 : index
      %get3A_345 = tpu.vector_load %arg23[%get3A_344] {strides = array<i32>} : memref<80xi32, #tpu.memory_space<vmem>>, vector<16xi32>,
      %eq3A_346 = arith.constant 0 : i32
      %eq3A_347 = vector.broadcast %eq3A_346 : i32 to vector<16xi32>
      %eq3A_348 = arith.cmpi eq, %get3A_345, %eq3A_347 : vector<16xi32>
      %eq3A_349 = arith.constant 2 : i32
      %eq3A_350 = vector.broadcast %eq3A_349 : i32 to vector<16xi32>
      %eq3A_351 = arith.cmpi eq, %get3A_345, %eq3A_350 : vector<16xi32>
      %or3A_352 = arith.ori %eq3A_348, %eq3A_351 : vector<16xi1>
      %jit3A_353 = arith.constant 1.000000e+00 : f32
      %jit3A_354 = arith.constant 0.000000e+00 : f32
      %broadcast_in_dim3A_355 = vector.broadcast %jit3A_353 : f32 to vector<16xf32>
      %broadcast_in_dim3A_356 = vector.broadcast %jit3A_354 : f32 to vector<16xf32>
      %select_n3A_357 = arith.select %or3A_352, %broadcast_in_dim3A_355, %broadcast_in_dim3A_356 : vector<16xi1>, vector<16xf32>
      %swap3A_358 = arith.constant 64 : index
      %swap3A_359 = tpu.vector_load %arg27[%swap3A_358] {strides = array<i32>} : memref<80xf32, #tpu.memory_space<vmem>>, vector<16xf32>,
      tpu.vector_store %arg27[%swap3A_358], %select_n3A_357 {strides = array<i32>} : memref<80xf32, #tpu.memory_space<vmem>>, vector<16xf32>,
      %dma_wait3A_360 = arith.constant 0 : i32
      %dma_wait3A_361 = arith.constant 0 : i32
      %dma_wait3A_362 = tpu.memref_slice %arg7[%dma_wait3A_360, %dma_wait3A_361] : memref<100000x128xf32, #tpu.memory_space<hbm>> -> memref<100000x128xf32, #tpu.memory_space<hbm>>
      tpu.wait_indirect_dma semaphore(%arg43 : memref<!tpu.dma_semaphore, #tpu.memory_space<semaphore_mem>>) src(%dma_wait3A_362 : memref<100000x128xf32, #tpu.memory_space<hbm>>) dst(%arg31 : memref<80x128xf32, #tpu.memory_space<vmem>>)
      %dma_wait3A_363 = arith.constant 0 : i32
      %dma_wait3A_364 = arith.constant 0 : i32
      %dma_wait3A_365 = tpu.memref_slice %arg8[%dma_wait3A_363, %dma_wait3A_364] : memref<100000x128xf32, #tpu.memory_space<hbm>> -> memref<100000x128xf32, #tpu.memory_space<hbm>>
      tpu.wait_indirect_dma semaphore(%arg43 : memref<!tpu.dma_semaphore, #tpu.memory_space<semaphore_mem>>) src(%dma_wait3A_365 : memref<100000x128xf32, #tpu.memory_space<hbm>>) dst(%arg32 : memref<80x128xf32, #tpu.memory_space<vmem>>)
      %dma_wait3A_366 = arith.constant 0 : i32
      %dma_wait3A_367 = arith.constant 0 : i32
      %dma_wait3A_368 = tpu.memref_slice %arg12[%dma_wait3A_366, %dma_wait3A_367] : memref<100000x128xf32, #tpu.memory_space<hbm>> -> memref<100000x128xf32, #tpu.memory_space<hbm>>
      tpu.wait_indirect_dma semaphore(%arg43 : memref<!tpu.dma_semaphore, #tpu.memory_space<semaphore_mem>>) src(%dma_wait3A_368 : memref<100000x128xf32, #tpu.memory_space<hbm>>) dst(%arg33 : memref<80x128xf32, #tpu.memory_space<vmem>>)
      %dma_wait3A_369 = arith.constant 0 : i32
      %dma_wait3A_370 = tpu.memref_slice %arg15[%mul3A_2, %dma_wait3A_369] : memref<204800x128xf32, #tpu.memory_space<hbm>> -> memref<80x128xf32, #tpu.memory_space<hbm>>
      %dma_wait3A_371 = arith.constant 0 : i32
      %dma_wait3A_372 = tpu.memref_slice %arg15[%mul3A_2, %dma_wait3A_371] : memref<204800x128xf32, #tpu.memory_space<hbm>> -> memref<80x128xf32, #tpu.memory_space<hbm>>
      tpu.wait_dma2 semaphore(%arg45 : memref<!tpu.dma_semaphore, #tpu.memory_space<semaphore_mem>>) src(%arg35 : memref<80x128xf32, #tpu.memory_space<vmem>>) dst(%dma_wait3A_372 : memref<80x128xf32, #tpu.memory_space<hbm>>)
      %dma_wait3A_373 = tpu.memref_slice %arg2[%add3A_269] : memref<204880xi32, #tpu.memory_space<hbm>> -> memref<80xi32, #tpu.memory_space<hbm>>
      %dma_wait3A_374 = tpu.memref_slice %arg2[%add3A_269] : memref<204880xi32, #tpu.memory_space<hbm>> -> memref<80xi32, #tpu.memory_space<hbm>>
      tpu.wait_dma2 semaphore(%arg41 : memref<!tpu.dma_semaphore, #tpu.memory_space<semaphore_mem>>) src(%dma_wait3A_374 : memref<80xi32, #tpu.memory_space<hbm>>) dst(%arg16 : memref<80xi32, #tpu.memory_space<vmem>>)
      %dma_wait3A_375 = tpu.memref_slice %arg3[%add3A_269] : memref<204880xi32, #tpu.memory_space<hbm>> -> memref<80xi32, #tpu.memory_space<hbm>>
      %dma_wait3A_376 = tpu.memref_slice %arg3[%add3A_269] : memref<204880xi32, #tpu.memory_space<hbm>> -> memref<80xi32, #tpu.memory_space<hbm>>
      tpu.wait_dma2 semaphore(%arg41 : memref<!tpu.dma_semaphore, #tpu.memory_space<semaphore_mem>>) src(%dma_wait3A_376 : memref<80xi32, #tpu.memory_space<hbm>>) dst(%arg17 : memref<80xi32, #tpu.memory_space<vmem>>)
      %dma_wait3A_377 = tpu.memref_slice %arg4[%add3A_269] : memref<204880xi32, #tpu.memory_space<hbm>> -> memref<80xi32, #tpu.memory_space<hbm>>
      %dma_wait3A_378 = tpu.memref_slice %arg4[%add3A_269] : memref<204880xi32, #tpu.memory_space<hbm>> -> memref<80xi32, #tpu.memory_space<hbm>>
      tpu.wait_dma2 semaphore(%arg41 : memref<!tpu.dma_semaphore, #tpu.memory_space<semaphore_mem>>) src(%dma_wait3A_378 : memref<80xi32, #tpu.memory_space<hbm>>) dst(%arg18 : memref<80xi32, #tpu.memory_space<vmem>>)
      %dma_wait3A_379 = tpu.memref_slice %arg5[%add3A_269] : memref<204880xi32, #tpu.memory_space<hbm>> -> memref<80xi32, #tpu.memory_space<hbm>>
      %dma_wait3A_380 = tpu.memref_slice %arg5[%add3A_269] : memref<204880xi32, #tpu.memory_space<hbm>> -> memref<80xi32, #tpu.memory_space<hbm>>
      tpu.wait_dma2 semaphore(%arg41 : memref<!tpu.dma_semaphore, #tpu.memory_space<semaphore_mem>>) src(%dma_wait3A_380 : memref<80xi32, #tpu.memory_space<hbm>>) dst(%arg19 : memref<80xi32, #tpu.memory_space<vmem>>)
      %dma_wait3A_381 = tpu.memref_slice %arg6[%add3A_269] : memref<204880xi32, #tpu.memory_space<hbm>> -> memref<80xi32, #tpu.memory_space<hbm>>
      %dma_wait3A_382 = tpu.memref_slice %arg6[%add3A_269] : memref<204880xi32, #tpu.memory_space<hbm>> -> memref<80xi32, #tpu.memory_space<hbm>>
      tpu.wait_dma2 semaphore(%arg41 : memref<!tpu.dma_semaphore, #tpu.memory_space<semaphore_mem>>) src(%dma_wait3A_382 : memref<80xi32, #tpu.memory_space<hbm>>) dst(%arg20 : memref<80xi32, #tpu.memory_space<vmem>>)
      %dma_start3A_383 = arith.constant 0 : i32
      %dma_start3A_384 = arith.constant 0 : i32
      %dma_start3A_385 = tpu.memref_slice %arg7[%dma_start3A_383, %dma_start3A_384] : memref<100000x128xf32, #tpu.memory_space<hbm>> -> memref<100000x128xf32, #tpu.memory_space<hbm>>
      tpu.enqueue_indirect_dma source(%dma_start3A_385 : memref<100000x128xf32, #tpu.memory_space<hbm>>) target(%arg28 : memref<80x128xf32, #tpu.memory_space<vmem>>) offsets(%arg16 : memref<80xi32, #tpu.memory_space<vmem>>) semaphore(%arg43 : memref<!tpu.dma_semaphore, #tpu.memory_space<semaphore_mem>>)
      %dma_start3A_386 = arith.constant 0 : i32
      %dma_start3A_387 = arith.constant 0 : i32
      %dma_start3A_388 = tpu.memref_slice %arg8[%dma_start3A_386, %dma_start3A_387] : memref<100000x128xf32, #tpu.memory_space<hbm>> -> memref<100000x128xf32, #tpu.memory_space<hbm>>
      tpu.enqueue_indirect_dma source(%dma_start3A_388 : memref<100000x128xf32, #tpu.memory_space<hbm>>) target(%arg29 : memref<80x128xf32, #tpu.memory_space<vmem>>) offsets(%arg16 : memref<80xi32, #tpu.memory_space<vmem>>) semaphore(%arg43 : memref<!tpu.dma_semaphore, #tpu.memory_space<semaphore_mem>>)
      %dma_start3A_389 = arith.constant 0 : i32
      %dma_start3A_390 = arith.constant 0 : i32
      %dma_start3A_391 = tpu.memref_slice %arg12[%dma_start3A_389, %dma_start3A_390] : memref<100000x128xf32, #tpu.memory_space<hbm>> -> memref<100000x128xf32, #tpu.memory_space<hbm>>
      tpu.enqueue_indirect_dma source(%dma_start3A_391 : memref<100000x128xf32, #tpu.memory_space<hbm>>) target(%arg30 : memref<80x128xf32, #tpu.memory_space<vmem>>) offsets(%arg20 : memref<80xi32, #tpu.memory_space<vmem>>) semaphore(%arg43 : memref<!tpu.dma_semaphore, #tpu.memory_space<semaphore_mem>>)
      %parallel_loop3A_392 = arith.constant 0 : i32
      %parallel_loop3A_393 = arith.constant 80 : i32
      %parallel_loop3A_394 = arith.constant 1 : i32
      scf.for %parallel_loop3A_399 = %parallel_loop3A_392 to %parallel_loop3A_393 step %parallel_loop3A_394  : i32 {
        %parallel_loop3A_400 = vector.broadcast %parallel_loop3A_399 : i32 to vector<16xi32>
        %parallel_loop3A_401 = tpu.vector_load_idx %arg27[%parallel_loop3A_400] : memref<80xf32, #tpu.memory_space<vmem>>[vector<16xi32>], vector<16xf32>,
        %parallel_loop3A_402 = tpu.vector_load_idx %arg24[%parallel_loop3A_400] : memref<80xi32, #tpu.memory_space<vmem>>[vector<16xi32>], vector<16xi32>,
        %parallel_loop3A_403 = tpu.vector_load_idx %arg25[%parallel_loop3A_400] : memref<80xi32, #tpu.memory_space<vmem>>[vector<16xi32>], vector<16xi32>,
        %parallel_loop3A_404 = tpu.vector_load_idx %arg23[%parallel_loop3A_400] : memref<80xi32, #tpu.memory_space<vmem>>[vector<16xi32>], vector<16xi32>,
        %parallel_loop3A_405 = arith.constant 0.000000e+00 : f32
        %parallel_loop3A_406 = vector.broadcast %parallel_loop3A_405 : f32 to vector<16xf32>
        %parallel_loop3A_407 = arith.constant 0.000000e+00 : f32
        %parallel_loop3A_408 = vector.broadcast %parallel_loop3A_407 : f32 to vector<16xf32>
        %parallel_loop3A_409 = tpu.vector_load_idx %arg31[%parallel_loop3A_400, %add3A_5] : memref<80x128xf32, #tpu.memory_space<vmem>>[vector<16xi32>, vector<16xi32>], vector<16xf32>,
        %parallel_loop3A_410 = tpu.vector_load_idx %arg32[%parallel_loop3A_400, %add3A_5] : memref<80x128xf32, #tpu.memory_space<vmem>>[vector<16xi32>, vector<16xi32>], vector<16xf32>,
        %parallel_loop3A_411 = tpu.vector_load_idx %arg33[%parallel_loop3A_400, %add3A_5] : memref<80x128xf32, #tpu.memory_space<vmem>>[vector<16xi32>, vector<16xi32>], vector<16xf32>,
        %parallel_loop3A_412 = tpu.vector_load_idx %arg36[%parallel_loop3A_402, %add3A_5] : memref<64x128xf32, #tpu.memory_space<vmem>>[vector<16xi32>, vector<16xi32>], vector<16xf32>,
        %parallel_loop3A_413 = tpu.vector_load_idx %arg37[%parallel_loop3A_403, %add3A_5] : memref<256x128xf32, #tpu.memory_space<vmem>>[vector<16xi32>, vector<16xi32>], vector<16xf32>,
        %parallel_loop3A_414 = tpu.vector_load_idx %arg38[%parallel_loop3A_404, %add3A_5] : memref<4x128xf32, #tpu.memory_space<vmem>>[vector<16xi32>, vector<16xi32>], vector<16xf32>,
        %parallel_loop3A_415 = arith.subf %parallel_loop3A_409, %parallel_loop3A_410 : vector<16xf32>
        %parallel_loop3A_416 = arith.mulf %parallel_loop3A_415, %parallel_loop3A_401 : vector<16xf32>
        %parallel_loop3A_417 = arith.addf %parallel_loop3A_410, %parallel_loop3A_416 : vector<16xf32>
        %parallel_loop3A_418 = arith.addf %parallel_loop3A_417, %parallel_loop3A_411 : vector<16xf32>
        %parallel_loop3A_419 = arith.addf %parallel_loop3A_418, %parallel_loop3A_412 : vector<16xf32>
        %parallel_loop3A_420 = arith.addf %parallel_loop3A_419, %parallel_loop3A_413 : vector<16xf32>
        %parallel_loop3A_421 = arith.addf %parallel_loop3A_420, %parallel_loop3A_414 : vector<16xf32>
        %parallel_loop3A_422 = arith.addf %parallel_loop3A_406, %parallel_loop3A_421 : vector<16xf32>
        %parallel_loop3A_423 = arith.mulf %parallel_loop3A_421, %parallel_loop3A_421 : vector<16xf32>
        %parallel_loop3A_424 = arith.addf %parallel_loop3A_408, %parallel_loop3A_423 : vector<16xf32>
        %parallel_loop3A_425 = tpu.vector_load_idx %arg31[%parallel_loop3A_400, %add3A_8] : memref<80x128xf32, #tpu.memory_space<vmem>>[vector<16xi32>, vector<16xi32>], vector<16xf32>,
        %parallel_loop3A_426 = tpu.vector_load_idx %arg32[%parallel_loop3A_400, %add3A_8] : memref<80x128xf32, #tpu.memory_space<vmem>>[vector<16xi32>, vector<16xi32>], vector<16xf32>,
        %parallel_loop3A_427 = tpu.vector_load_idx %arg33[%parallel_loop3A_400, %add3A_8] : memref<80x128xf32, #tpu.memory_space<vmem>>[vector<16xi32>, vector<16xi32>], vector<16xf32>,
        %parallel_loop3A_428 = tpu.vector_load_idx %arg36[%parallel_loop3A_402, %add3A_8] : memref<64x128xf32, #tpu.memory_space<vmem>>[vector<16xi32>, vector<16xi32>], vector<16xf32>,
        %parallel_loop3A_429 = tpu.vector_load_idx %arg37[%parallel_loop3A_403, %add3A_8] : memref<256x128xf32, #tpu.memory_space<vmem>>[vector<16xi32>, vector<16xi32>], vector<16xf32>,
        %parallel_loop3A_430 = tpu.vector_load_idx %arg38[%parallel_loop3A_404, %add3A_8] : memref<4x128xf32, #tpu.memory_space<vmem>>[vector<16xi32>, vector<16xi32>], vector<16xf32>,
        %parallel_loop3A_431 = arith.subf %parallel_loop3A_425, %parallel_loop3A_426 : vector<16xf32>
        %parallel_loop3A_432 = arith.mulf %parallel_loop3A_431, %parallel_loop3A_401 : vector<16xf32>
        %parallel_loop3A_433 = arith.addf %parallel_loop3A_426, %parallel_loop3A_432 : vector<16xf32>
        %parallel_loop3A_434 = arith.addf %parallel_loop3A_433, %parallel_loop3A_427 : vector<16xf32>
        %parallel_loop3A_435 = arith.addf %parallel_loop3A_434, %parallel_loop3A_428 : vector<16xf32>
        %parallel_loop3A_436 = arith.addf %parallel_loop3A_435, %parallel_loop3A_429 : vector<16xf32>
        %parallel_loop3A_437 = arith.addf %parallel_loop3A_436, %parallel_loop3A_430 : vector<16xf32>
        %parallel_loop3A_438 = arith.addf %parallel_loop3A_422, %parallel_loop3A_437 : vector<16xf32>
        %parallel_loop3A_439 = arith.mulf %parallel_loop3A_437, %parallel_loop3A_437 : vector<16xf32>
        %parallel_loop3A_440 = arith.addf %parallel_loop3A_424, %parallel_loop3A_439 : vector<16xf32>
        %parallel_loop3A_441 = tpu.vector_load_idx %arg31[%parallel_loop3A_400, %add3A_11] : memref<80x128xf32, #tpu.memory_space<vmem>>[vector<16xi32>, vector<16xi32>], vector<16xf32>,
        %parallel_loop3A_442 = tpu.vector_load_idx %arg32[%parallel_loop3A_400, %add3A_11] : memref<80x128xf32, #tpu.memory_space<vmem>>[vector<16xi32>, vector<16xi32>], vector<16xf32>,
        %parallel_loop3A_443 = tpu.vector_load_idx %arg33[%parallel_loop3A_400, %add3A_11] : memref<80x128xf32, #tpu.memory_space<vmem>>[vector<16xi32>, vector<16xi32>], vector<16xf32>,
        %parallel_loop3A_444 = tpu.vector_load_idx %arg36[%parallel_loop3A_402, %add3A_11] : memref<64x128xf32, #tpu.memory_space<vmem>>[vector<16xi32>, vector<16xi32>], vector<16xf32>,
        %parallel_loop3A_445 = tpu.vector_load_idx %arg37[%parallel_loop3A_403, %add3A_11] : memref<256x128xf32, #tpu.memory_space<vmem>>[vector<16xi32>, vector<16xi32>], vector<16xf32>,
        %parallel_loop3A_446 = tpu.vector_load_idx %arg38[%parallel_loop3A_404, %add3A_11] : memref<4x128xf32, #tpu.memory_space<vmem>>[vector<16xi32>, vector<16xi32>], vector<16xf32>,
        %parallel_loop3A_447 = arith.subf %parallel_loop3A_441, %parallel_loop3A_442 : vector<16xf32>
        %parallel_loop3A_448 = arith.mulf %parallel_loop3A_447, %parallel_loop3A_401 : vector<16xf32>
        %parallel_loop3A_449 = arith.addf %parallel_loop3A_442, %parallel_loop3A_448 : vector<16xf32>
        %parallel_loop3A_450 = arith.addf %parallel_loop3A_449, %parallel_loop3A_443 : vector<16xf32>
        %parallel_loop3A_451 = arith.addf %parallel_loop3A_450, %parallel_loop3A_444 : vector<16xf32>
        %parallel_loop3A_452 = arith.addf %parallel_loop3A_451, %parallel_loop3A_445 : vector<16xf32>
        %parallel_loop3A_453 = arith.addf %parallel_loop3A_452, %parallel_loop3A_446 : vector<16xf32>
        %parallel_loop3A_454 = arith.addf %parallel_loop3A_438, %parallel_loop3A_453 : vector<16xf32>
        %parallel_loop3A_455 = arith.mulf %parallel_loop3A_453, %parallel_loop3A_453 : vector<16xf32>
        %parallel_loop3A_456 = arith.addf %parallel_loop3A_440, %parallel_loop3A_455 : vector<16xf32>
        %parallel_loop3A_457 = tpu.vector_load_idx %arg31[%parallel_loop3A_400, %add3A_14] : memref<80x128xf32, #tpu.memory_space<vmem>>[vector<16xi32>, vector<16xi32>], vector<16xf32>,
        %parallel_loop3A_458 = tpu.vector_load_idx %arg32[%parallel_loop3A_400, %add3A_14] : memref<80x128xf32, #tpu.memory_space<vmem>>[vector<16xi32>, vector<16xi32>], vector<16xf32>,
        %parallel_loop3A_459 = tpu.vector_load_idx %arg33[%parallel_loop3A_400, %add3A_14] : memref<80x128xf32, #tpu.memory_space<vmem>>[vector<16xi32>, vector<16xi32>], vector<16xf32>,
        %parallel_loop3A_460 = tpu.vector_load_idx %arg36[%parallel_loop3A_402, %add3A_14] : memref<64x128xf32, #tpu.memory_space<vmem>>[vector<16xi32>, vector<16xi32>], vector<16xf32>,
        %parallel_loop3A_461 = tpu.vector_load_idx %arg37[%parallel_loop3A_403, %add3A_14] : memref<256x128xf32, #tpu.memory_space<vmem>>[vector<16xi32>, vector<16xi32>], vector<16xf32>,
        %parallel_loop3A_462 = tpu.vector_load_idx %arg38[%parallel_loop3A_404, %add3A_14] : memref<4x128xf32, #tpu.memory_space<vmem>>[vector<16xi32>, vector<16xi32>], vector<16xf32>,
        %parallel_loop3A_463 = arith.subf %parallel_loop3A_457, %parallel_loop3A_458 : vector<16xf32>
        %parallel_loop3A_464 = arith.mulf %parallel_loop3A_463, %parallel_loop3A_401 : vector<16xf32>
        %parallel_loop3A_465 = arith.addf %parallel_loop3A_458, %parallel_loop3A_464 : vector<16xf32>
        %parallel_loop3A_466 = arith.addf %parallel_loop3A_465, %parallel_loop3A_459 : vector<16xf32>
        %parallel_loop3A_467 = arith.addf %parallel_loop3A_466, %parallel_loop3A_460 : vector<16xf32>
        %parallel_loop3A_468 = arith.addf %parallel_loop3A_467, %parallel_loop3A_461 : vector<16xf32>
        %parallel_loop3A_469 = arith.addf %parallel_loop3A_468, %parallel_loop3A_462 : vector<16xf32>
        %parallel_loop3A_470 = arith.addf %parallel_loop3A_454, %parallel_loop3A_469 : vector<16xf32>
        %parallel_loop3A_471 = arith.mulf %parallel_loop3A_469, %parallel_loop3A_469 : vector<16xf32>
        %parallel_loop3A_472 = arith.addf %parallel_loop3A_456, %parallel_loop3A_471 : vector<16xf32>
        %parallel_loop3A_473 = tpu.vector_load_idx %arg31[%parallel_loop3A_400, %add3A_17] : memref<80x128xf32, #tpu.memory_space<vmem>>[vector<16xi32>, vector<16xi32>], vector<16xf32>,
        %parallel_loop3A_474 = tpu.vector_load_idx %arg32[%parallel_loop3A_400, %add3A_17] : memref<80x128xf32, #tpu.memory_space<vmem>>[vector<16xi32>, vector<16xi32>], vector<16xf32>,
        %parallel_loop3A_475 = tpu.vector_load_idx %arg33[%parallel_loop3A_400, %add3A_17] : memref<80x128xf32, #tpu.memory_space<vmem>>[vector<16xi32>, vector<16xi32>], vector<16xf32>,
        %parallel_loop3A_476 = tpu.vector_load_idx %arg36[%parallel_loop3A_402, %add3A_17] : memref<64x128xf32, #tpu.memory_space<vmem>>[vector<16xi32>, vector<16xi32>], vector<16xf32>,
        %parallel_loop3A_477 = tpu.vector_load_idx %arg37[%parallel_loop3A_403, %add3A_17] : memref<256x128xf32, #tpu.memory_space<vmem>>[vector<16xi32>, vector<16xi32>], vector<16xf32>,
        %parallel_loop3A_478 = tpu.vector_load_idx %arg38[%parallel_loop3A_404, %add3A_17] : memref<4x128xf32, #tpu.memory_space<vmem>>[vector<16xi32>, vector<16xi32>], vector<16xf32>,
        %parallel_loop3A_479 = arith.subf %parallel_loop3A_473, %parallel_loop3A_474 : vector<16xf32>
        %parallel_loop3A_480 = arith.mulf %parallel_loop3A_479, %parallel_loop3A_401 : vector<16xf32>
        %parallel_loop3A_481 = arith.addf %parallel_loop3A_474, %parallel_loop3A_480 : vector<16xf32>
        %parallel_loop3A_482 = arith.addf %parallel_loop3A_481, %parallel_loop3A_475 : vector<16xf32>
        %parallel_loop3A_483 = arith.addf %parallel_loop3A_482, %parallel_loop3A_476 : vector<16xf32>
        %parallel_loop3A_484 = arith.addf %parallel_loop3A_483, %parallel_loop3A_477 : vector<16xf32>
        %parallel_loop3A_485 = arith.addf %parallel_loop3A_484, %parallel_loop3A_478 : vector<16xf32>
        %parallel_loop3A_486 = arith.addf %parallel_loop3A_470, %parallel_loop3A_485 : vector<16xf32>
        %parallel_loop3A_487 = arith.mulf %parallel_loop3A_485, %parallel_loop3A_485 : vector<16xf32>
        %parallel_loop3A_488 = arith.addf %parallel_loop3A_472, %parallel_loop3A_487 : vector<16xf32>
        %parallel_loop3A_489 = tpu.vector_load_idx %arg31[%parallel_loop3A_400, %add3A_20] : memref<80x128xf32, #tpu.memory_space<vmem>>[vector<16xi32>, vector<16xi32>], vector<16xf32>,
        %parallel_loop3A_490 = tpu.vector_load_idx %arg32[%parallel_loop3A_400, %add3A_20] : memref<80x128xf32, #tpu.memory_space<vmem>>[vector<16xi32>, vector<16xi32>], vector<16xf32>,
        %parallel_loop3A_491 = tpu.vector_load_idx %arg33[%parallel_loop3A_400, %add3A_20] : memref<80x128xf32, #tpu.memory_space<vmem>>[vector<16xi32>, vector<16xi32>], vector<16xf32>,
        %parallel_loop3A_492 = tpu.vector_load_idx %arg36[%parallel_loop3A_402, %add3A_20] : memref<64x128xf32, #tpu.memory_space<vmem>>[vector<16xi32>, vector<16xi32>], vector<16xf32>,
        %parallel_loop3A_493 = tpu.vector_load_idx %arg37[%parallel_loop3A_403, %add3A_20] : memref<256x128xf32, #tpu.memory_space<vmem>>[vector<16xi32>, vector<16xi32>], vector<16xf32>,
        %parallel_loop3A_494 = tpu.vector_load_idx %arg38[%parallel_loop3A_404, %add3A_20] : memref<4x128xf32, #tpu.memory_space<vmem>>[vector<16xi32>, vector<16xi32>], vector<16xf32>,
        %parallel_loop3A_495 = arith.subf %parallel_loop3A_489, %parallel_loop3A_490 : vector<16xf32>
        %parallel_loop3A_496 = arith.mulf %parallel_loop3A_495, %parallel_loop3A_401 : vector<16xf32>
        %parallel_loop3A_497 = arith.addf %parallel_loop3A_490, %parallel_loop3A_496 : vector<16xf32>
        %parallel_loop3A_498 = arith.addf %parallel_loop3A_497, %parallel_loop3A_491 : vector<16xf32>
        %parallel_loop3A_499 = arith.addf %parallel_loop3A_498, %parallel_loop3A_492 : vector<16xf32>
        %parallel_loop3A_500 = arith.addf %parallel_loop3A_499, %parallel_loop3A_493 : vector<16xf32>
        %parallel_loop3A_501 = arith.addf %parallel_loop3A_500, %parallel_loop3A_494 : vector<16xf32>
        %parallel_loop3A_502 = arith.addf %parallel_loop3A_486, %parallel_loop3A_501 : vector<16xf32>
        %parallel_loop3A_503 = arith.mulf %parallel_loop3A_501, %parallel_loop3A_501 : vector<16xf32>
        %parallel_loop3A_504 = arith.addf %parallel_loop3A_488, %parallel_loop3A_503 : vector<16xf32>
        %parallel_loop3A_505 = tpu.vector_load_idx %arg31[%parallel_loop3A_400, %add3A_23] : memref<80x128xf32, #tpu.memory_space<vmem>>[vector<16xi32>, vector<16xi32>], vector<16xf32>,
        %parallel_loop3A_506 = tpu.vector_load_idx %arg32[%parallel_loop3A_400, %add3A_23] : memref<80x128xf32, #tpu.memory_space<vmem>>[vector<16xi32>, vector<16xi32>], vector<16xf32>,
        %parallel_loop3A_507 = tpu.vector_load_idx %arg33[%parallel_loop3A_400, %add3A_23] : memref<80x128xf32, #tpu.memory_space<vmem>>[vector<16xi32>, vector<16xi32>], vector<16xf32>,
        %parallel_loop3A_508 = tpu.vector_load_idx %arg36[%parallel_loop3A_402, %add3A_23] : memref<64x128xf32, #tpu.memory_space<vmem>>[vector<16xi32>, vector<16xi32>], vector<16xf32>,
        %parallel_loop3A_509 = tpu.vector_load_idx %arg37[%parallel_loop3A_403, %add3A_23] : memref<256x128xf32, #tpu.memory_space<vmem>>[vector<16xi32>, vector<16xi32>], vector<16xf32>,
        %parallel_loop3A_510 = tpu.vector_load_idx %arg38[%parallel_loop3A_404, %add3A_23] : memref<4x128xf32, #tpu.memory_space<vmem>>[vector<16xi32>, vector<16xi32>], vector<16xf32>,
        %parallel_loop3A_511 = arith.subf %parallel_loop3A_505, %parallel_loop3A_506 : vector<16xf32>
        %parallel_loop3A_512 = arith.mulf %parallel_loop3A_511, %parallel_loop3A_401 : vector<16xf32>
        %parallel_loop3A_513 = arith.addf %parallel_loop3A_506, %parallel_loop3A_512 : vector<16xf32>
        %parallel_loop3A_514 = arith.addf %parallel_loop3A_513, %parallel_loop3A_507 : vector<16xf32>
        %parallel_loop3A_515 = arith.addf %parallel_loop3A_514, %parallel_loop3A_508 : vector<16xf32>
        %parallel_loop3A_516 = arith.addf %parallel_loop3A_515, %parallel_loop3A_509 : vector<16xf32>
        %parallel_loop3A_517 = arith.addf %parallel_loop3A_516, %parallel_loop3A_510 : vector<16xf32>
        %parallel_loop3A_518 = arith.addf %parallel_loop3A_502, %parallel_loop3A_517 : vector<16xf32>
        %parallel_loop3A_519 = arith.mulf %parallel_loop3A_517, %parallel_loop3A_517 : vector<16xf32>
        %parallel_loop3A_520 = arith.addf %parallel_loop3A_504, %parallel_loop3A_519 : vector<16xf32>
        %parallel_loop3A_521 = tpu.vector_load_idx %arg31[%parallel_loop3A_400, %add3A_26] : memref<80x128xf32, #tpu.memory_space<vmem>>[vector<16xi32>, vector<16xi32>], vector<16xf32>,
        %parallel_loop3A_522 = tpu.vector_load_idx %arg32[%parallel_loop3A_400, %add3A_26] : memref<80x128xf32, #tpu.memory_space<vmem>>[vector<16xi32>, vector<16xi32>], vector<16xf32>,
        %parallel_loop3A_523 = tpu.vector_load_idx %arg33[%parallel_loop3A_400, %add3A_26] : memref<80x128xf32, #tpu.memory_space<vmem>>[vector<16xi32>, vector<16xi32>], vector<16xf32>,
        %parallel_loop3A_524 = tpu.vector_load_idx %arg36[%parallel_loop3A_402, %add3A_26] : memref<64x128xf32, #tpu.memory_space<vmem>>[vector<16xi32>, vector<16xi32>], vector<16xf32>,
        %parallel_loop3A_525 = tpu.vector_load_idx %arg37[%parallel_loop3A_403, %add3A_26] : memref<256x128xf32, #tpu.memory_space<vmem>>[vector<16xi32>, vector<16xi32>], vector<16xf32>,
        %parallel_loop3A_526 = tpu.vector_load_idx %arg38[%parallel_loop3A_404, %add3A_26] : memref<4x128xf32, #tpu.memory_space<vmem>>[vector<16xi32>, vector<16xi32>], vector<16xf32>,
        %parallel_loop3A_527 = arith.subf %parallel_loop3A_521, %parallel_loop3A_522 : vector<16xf32>
        %parallel_loop3A_528 = arith.mulf %parallel_loop3A_527, %parallel_loop3A_401 : vector<16xf32>
        %parallel_loop3A_529 = arith.addf %parallel_loop3A_522, %parallel_loop3A_528 : vector<16xf32>
        %parallel_loop3A_530 = arith.addf %parallel_loop3A_529, %parallel_loop3A_523 : vector<16xf32>
        %parallel_loop3A_531 = arith.addf %parallel_loop3A_530, %parallel_loop3A_524 : vector<16xf32>
        %parallel_loop3A_532 = arith.addf %parallel_loop3A_531, %parallel_loop3A_525 : vector<16xf32>
        %parallel_loop3A_533 = arith.addf %parallel_loop3A_532, %parallel_loop3A_526 : vector<16xf32>
        %parallel_loop3A_534 = arith.addf %parallel_loop3A_518, %parallel_loop3A_533 : vector<16xf32>
        %parallel_loop3A_535 = arith.mulf %parallel_loop3A_533, %parallel_loop3A_533 : vector<16xf32>
        %parallel_loop3A_536 = arith.addf %parallel_loop3A_520, %parallel_loop3A_535 : vector<16xf32>
        %parallel_loop3A_537 = arith.constant true
        %parallel_loop3A_538 = vector.broadcast %parallel_loop3A_537 : i1 to vector<16xi1>
        %parallel_loop3A_539 = tpu.scan <sum>, %parallel_loop3A_534 masked %parallel_loop3A_538 : vector<16xf32>, vector<16xi1> -> vector<16xf32>
        %parallel_loop3A_540 = vector.extract %parallel_loop3A_539[15] : f32 from vector<16xf32>
        %parallel_loop3A_541 = vector.broadcast %parallel_loop3A_540 : f32 to vector<16xf32>
        %parallel_loop3A_542 = arith.constant 7.812500e-03 : f32
        %parallel_loop3A_543 = vector.broadcast %parallel_loop3A_542 : f32 to vector<16xf32>
        %parallel_loop3A_544 = arith.mulf %parallel_loop3A_541, %parallel_loop3A_543 : vector<16xf32>
        %parallel_loop3A_545 = arith.constant true
        %parallel_loop3A_546 = vector.broadcast %parallel_loop3A_545 : i1 to vector<16xi1>
        %parallel_loop3A_547 = tpu.scan <sum>, %parallel_loop3A_536 masked %parallel_loop3A_546 : vector<16xf32>, vector<16xi1> -> vector<16xf32>
        %parallel_loop3A_548 = vector.extract %parallel_loop3A_547[15] : f32 from vector<16xf32>
        %parallel_loop3A_549 = vector.broadcast %parallel_loop3A_548 : f32 to vector<16xf32>
        %parallel_loop3A_550 = arith.constant 7.812500e-03 : f32
        %parallel_loop3A_551 = vector.broadcast %parallel_loop3A_550 : f32 to vector<16xf32>
        %parallel_loop3A_552 = arith.mulf %parallel_loop3A_549, %parallel_loop3A_551 : vector<16xf32>
        %parallel_loop3A_553 = arith.mulf %parallel_loop3A_544, %parallel_loop3A_544 : vector<16xf32>
        %parallel_loop3A_554 = arith.subf %parallel_loop3A_552, %parallel_loop3A_553 : vector<16xf32>
        %parallel_loop3A_555 = arith.constant 9.99999974E-6 : f32
        %parallel_loop3A_556 = vector.broadcast %parallel_loop3A_555 : f32 to vector<16xf32>
        %parallel_loop3A_557 = arith.addf %parallel_loop3A_554, %parallel_loop3A_556 : vector<16xf32>
        %parallel_loop3A_558 = vector.bitcast %parallel_loop3A_557 : vector<16xf32> to vector<16xi32>
        %parallel_loop3A_559 = arith.constant 1597463007 : i32
        %parallel_loop3A_560 = vector.broadcast %parallel_loop3A_559 : i32 to vector<16xi32>
        %parallel_loop3A_561 = arith.constant 1 : i32
        %parallel_loop3A_562 = vector.broadcast %parallel_loop3A_561 : i32 to vector<16xi32>
        %parallel_loop3A_563 = arith.shrsi %parallel_loop3A_558, %parallel_loop3A_562 : vector<16xi32>
        %parallel_loop3A_564 = arith.subi %parallel_loop3A_560, %parallel_loop3A_563 : vector<16xi32>
        %parallel_loop3A_565 = vector.bitcast %parallel_loop3A_564 : vector<16xi32> to vector<16xf32>
        %parallel_loop3A_566 = arith.constant 5.000000e-01 : f32
        %parallel_loop3A_567 = vector.broadcast %parallel_loop3A_566 : f32 to vector<16xf32>
        %parallel_loop3A_568 = arith.mulf %parallel_loop3A_557, %parallel_loop3A_567 : vector<16xf32>
        %parallel_loop3A_569 = arith.mulf %parallel_loop3A_568, %parallel_loop3A_565 : vector<16xf32>
        %parallel_loop3A_570 = arith.mulf %parallel_loop3A_569, %parallel_loop3A_565 : vector<16xf32>
        %parallel_loop3A_571 = arith.constant 1.500000e+00 : f32
        %parallel_loop3A_572 = vector.broadcast %parallel_loop3A_571 : f32 to vector<16xf32>
        %parallel_loop3A_573 = arith.subf %parallel_loop3A_572, %parallel_loop3A_570 : vector<16xf32>
        %parallel_loop3A_574 = arith.mulf %parallel_loop3A_565, %parallel_loop3A_573 : vector<16xf32>
        %parallel_loop3A_575 = arith.mulf %parallel_loop3A_568, %parallel_loop3A_574 : vector<16xf32>
        %parallel_loop3A_576 = arith.mulf %parallel_loop3A_575, %parallel_loop3A_574 : vector<16xf32>
        %parallel_loop3A_577 = arith.constant 1.500000e+00 : f32
        %parallel_loop3A_578 = vector.broadcast %parallel_loop3A_577 : f32 to vector<16xf32>
        %parallel_loop3A_579 = arith.subf %parallel_loop3A_578, %parallel_loop3A_576 : vector<16xf32>
        %parallel_loop3A_580 = arith.mulf %parallel_loop3A_574, %parallel_loop3A_579 : vector<16xf32>
        %parallel_loop3A_581 = arith.mulf %parallel_loop3A_568, %parallel_loop3A_580 : vector<16xf32>
        %parallel_loop3A_582 = arith.mulf %parallel_loop3A_581, %parallel_loop3A_580 : vector<16xf32>
        %parallel_loop3A_583 = arith.constant 1.500000e+00 : f32
        %parallel_loop3A_584 = vector.broadcast %parallel_loop3A_583 : f32 to vector<16xf32>
        %parallel_loop3A_585 = arith.subf %parallel_loop3A_584, %parallel_loop3A_582 : vector<16xf32>
        %parallel_loop3A_586 = arith.mulf %parallel_loop3A_580, %parallel_loop3A_585 : vector<16xf32>
        %parallel_loop3A_587 = arith.constant 0.000000e+00 : f32
        %parallel_loop3A_588 = vector.broadcast %parallel_loop3A_587 : f32 to vector<16xf32>
        %parallel_loop3A_589 = arith.subf %parallel_loop3A_588, %parallel_loop3A_544 : vector<16xf32>
        %parallel_loop3A_590 = arith.mulf %parallel_loop3A_589, %parallel_loop3A_586 : vector<16xf32>
        %parallel_loop3A_591 = arith.mulf %parallel_loop3A_421, %parallel_loop3A_586 : vector<16xf32>
        %parallel_loop3A_592 = arith.addf %parallel_loop3A_591, %parallel_loop3A_590 : vector<16xf32>
        %parallel_loop3A_593 = arith.mulf %parallel_loop3A_592, %get3A_27 : vector<16xf32>
        %parallel_loop3A_594 = arith.addf %parallel_loop3A_593, %get3A_43 : vector<16xf32>
        tpu.vector_store_idx %arg35[%parallel_loop3A_400, %add3A_5], %parallel_loop3A_594 : memref<80x128xf32, #tpu.memory_space<vmem>>[vector<16xi32>, vector<16xi32>], vector<16xf32>,
        %parallel_loop3A_595 = arith.mulf %parallel_loop3A_437, %parallel_loop3A_586 : vector<16xf32>
        %parallel_loop3A_596 = arith.addf %parallel_loop3A_595, %parallel_loop3A_590 : vector<16xf32>
        %parallel_loop3A_597 = arith.mulf %parallel_loop3A_596, %get3A_29 : vector<16xf32>
        %parallel_loop3A_598 = arith.addf %parallel_loop3A_597, %get3A_45 : vector<16xf32>
        tpu.vector_store_idx %arg35[%parallel_loop3A_400, %add3A_8], %parallel_loop3A_598 : memref<80x128xf32, #tpu.memory_space<vmem>>[vector<16xi32>, vector<16xi32>], vector<16xf32>,
        %parallel_loop3A_599 = arith.mulf %parallel_loop3A_453, %parallel_loop3A_586 : vector<16xf32>
        %parallel_loop3A_600 = arith.addf %parallel_loop3A_599, %parallel_loop3A_590 : vector<16xf32>
        %parallel_loop3A_601 = arith.mulf %parallel_loop3A_600, %get3A_31 : vector<16xf32>
        %parallel_loop3A_602 = arith.addf %parallel_loop3A_601, %get3A_47 : vector<16xf32>
        tpu.vector_store_idx %arg35[%parallel_loop3A_400, %add3A_11], %parallel_loop3A_602 : memref<80x128xf32, #tpu.memory_space<vmem>>[vector<16xi32>, vector<16xi32>], vector<16xf32>,
        %parallel_loop3A_603 = arith.mulf %parallel_loop3A_469, %parallel_loop3A_586 : vector<16xf32>
        %parallel_loop3A_604 = arith.addf %parallel_loop3A_603, %parallel_loop3A_590 : vector<16xf32>
        %parallel_loop3A_605 = arith.mulf %parallel_loop3A_604, %get3A_33 : vector<16xf32>
        %parallel_loop3A_606 = arith.addf %parallel_loop3A_605, %get3A_49 : vector<16xf32>
        tpu.vector_store_idx %arg35[%parallel_loop3A_400, %add3A_14], %parallel_loop3A_606 : memref<80x128xf32, #tpu.memory_space<vmem>>[vector<16xi32>, vector<16xi32>], vector<16xf32>,
        %parallel_loop3A_607 = arith.mulf %parallel_loop3A_485, %parallel_loop3A_586 : vector<16xf32>
        %parallel_loop3A_608 = arith.addf %parallel_loop3A_607, %parallel_loop3A_590 : vector<16xf32>
        %parallel_loop3A_609 = arith.mulf %parallel_loop3A_608, %get3A_35 : vector<16xf32>
        %parallel_loop3A_610 = arith.addf %parallel_loop3A_609, %get3A_51 : vector<16xf32>
        tpu.vector_store_idx %arg35[%parallel_loop3A_400, %add3A_17], %parallel_loop3A_610 : memref<80x128xf32, #tpu.memory_space<vmem>>[vector<16xi32>, vector<16xi32>], vector<16xf32>,
        %parallel_loop3A_611 = arith.mulf %parallel_loop3A_501, %parallel_loop3A_586 : vector<16xf32>
        %parallel_loop3A_612 = arith.addf %parallel_loop3A_611, %parallel_loop3A_590 : vector<16xf32>
        %parallel_loop3A_613 = arith.mulf %parallel_loop3A_612, %get3A_37 : vector<16xf32>
        %parallel_loop3A_614 = arith.addf %parallel_loop3A_613, %get3A_53 : vector<16xf32>
        tpu.vector_store_idx %arg35[%parallel_loop3A_400, %add3A_20], %parallel_loop3A_614 : memref<80x128xf32, #tpu.memory_space<vmem>>[vector<16xi32>, vector<16xi32>], vector<16xf32>,
        %parallel_loop3A_615 = arith.mulf %parallel_loop3A_517, %parallel_loop3A_586 : vector<16xf32>
        %parallel_loop3A_616 = arith.addf %parallel_loop3A_615, %parallel_loop3A_590 : vector<16xf32>
        %parallel_loop3A_617 = arith.mulf %parallel_loop3A_616, %get3A_39 : vector<16xf32>
        %parallel_loop3A_618 = arith.addf %parallel_loop3A_617, %get3A_55 : vector<16xf32>
        tpu.vector_store_idx %arg35[%parallel_loop3A_400, %add3A_23], %parallel_loop3A_618 : memref<80x128xf32, #tpu.memory_space<vmem>>[vector<16xi32>, vector<16xi32>], vector<16xf32>,
        %parallel_loop3A_619 = arith.mulf %parallel_loop3A_533, %parallel_loop3A_586 : vector<16xf32>
        %parallel_loop3A_620 = arith.addf %parallel_loop3A_619, %parallel_loop3A_590 : vector<16xf32>
        %parallel_loop3A_621 = arith.mulf %parallel_loop3A_620, %get3A_41 : vector<16xf32>
        %parallel_loop3A_622 = arith.addf %parallel_loop3A_621, %get3A_57 : vector<16xf32>
        tpu.vector_store_idx %arg35[%parallel_loop3A_400, %add3A_26], %parallel_loop3A_622 : memref<80x128xf32, #tpu.memory_space<vmem>>[vector<16xi32>, vector<16xi32>], vector<16xf32>,
      } {sc.loop_unroll_factor = 4 : i64, sc.parallel_access}
      %dma_start3A_395 = arith.constant 0 : i32
      %dma_start3A_396 = tpu.memref_slice %arg15[%add3A_136, %dma_start3A_395] : memref<204800x128xf32, #tpu.memory_space<hbm>> -> memref<80x128xf32, #tpu.memory_space<hbm>>
      %dma_start3A_397 = arith.constant 0 : i32
      %dma_start3A_398 = tpu.memref_slice %arg15[%add3A_136, %dma_start3A_397] : memref<204800x128xf32, #tpu.memory_space<hbm>> -> memref<80x128xf32, #tpu.memory_space<hbm>>
      tpu.enqueue_dma source(%arg35 : memref<80x128xf32, #tpu.memory_space<vmem>>) target(%dma_start3A_398 : memref<80x128xf32, #tpu.memory_space<hbm>>) target_semaphore(%arg45 : memref<!tpu.dma_semaphore, #tpu.memory_space<semaphore_mem>>)
    }
    %scan3A_104 = arith.constant 40 : i32
    %dma_wait3A_105 = arith.constant 0 : i32
    %dma_wait3A_106 = arith.constant 0 : i32
    %dma_wait3A_107 = tpu.memref_slice %arg7[%dma_wait3A_105, %dma_wait3A_106] : memref<100000x128xf32, #tpu.memory_space<hbm>> -> memref<80x128xf32, #tpu.memory_space<hbm>>
    %dma_wait3A_108 = arith.constant 0 : i32
    %dma_wait3A_109 = arith.constant 0 : i32
    %dma_wait3A_110 = tpu.memref_slice %arg7[%dma_wait3A_108, %dma_wait3A_109] : memref<100000x128xf32, #tpu.memory_space<hbm>> -> memref<80x128xf32, #tpu.memory_space<hbm>>
    tpu.wait_dma2 semaphore(%arg43 : memref<!tpu.dma_semaphore, #tpu.memory_space<semaphore_mem>>) src(%dma_wait3A_110 : memref<80x128xf32, #tpu.memory_space<hbm>>) dst(%arg28 : memref<80x128xf32, #tpu.memory_space<vmem>>)
    %dma_wait3A_111 = arith.constant 0 : i32
    %dma_wait3A_112 = arith.constant 0 : i32
    %dma_wait3A_113 = tpu.memref_slice %arg8[%dma_wait3A_111, %dma_wait3A_112] : memref<100000x128xf32, #tpu.memory_space<hbm>> -> memref<80x128xf32, #tpu.memory_space<hbm>>
    %dma_wait3A_114 = arith.constant 0 : i32
    %dma_wait3A_115 = arith.constant 0 : i32
    %dma_wait3A_116 = tpu.memref_slice %arg8[%dma_wait3A_114, %dma_wait3A_115] : memref<100000x128xf32, #tpu.memory_space<hbm>> -> memref<80x128xf32, #tpu.memory_space<hbm>>
    tpu.wait_dma2 semaphore(%arg43 : memref<!tpu.dma_semaphore, #tpu.memory_space<semaphore_mem>>) src(%dma_wait3A_116 : memref<80x128xf32, #tpu.memory_space<hbm>>) dst(%arg29 : memref<80x128xf32, #tpu.memory_space<vmem>>)
    %dma_wait3A_117 = arith.constant 0 : i32
    %dma_wait3A_118 = arith.constant 0 : i32
    %dma_wait3A_119 = tpu.memref_slice %arg12[%dma_wait3A_117, %dma_wait3A_118] : memref<100000x128xf32, #tpu.memory_space<hbm>> -> memref<80x128xf32, #tpu.memory_space<hbm>>
    %dma_wait3A_120 = arith.constant 0 : i32
    %dma_wait3A_121 = arith.constant 0 : i32
    %dma_wait3A_122 = tpu.memref_slice %arg12[%dma_wait3A_120, %dma_wait3A_121] : memref<100000x128xf32, #tpu.memory_space<hbm>> -> memref<80x128xf32, #tpu.memory_space<hbm>>
    tpu.wait_dma2 semaphore(%arg43 : memref<!tpu.dma_semaphore, #tpu.memory_space<semaphore_mem>>) src(%dma_wait3A_122 : memref<80x128xf32, #tpu.memory_space<hbm>>) dst(%arg30 : memref<80x128xf32, #tpu.memory_space<vmem>>)
    %dma_wait3A_123 = arith.constant 0 : i32
    %dma_wait3A_124 = tpu.memref_slice %arg15[%mul3A_2, %dma_wait3A_123] : memref<204800x128xf32, #tpu.memory_space<hbm>> -> memref<80x128xf32, #tpu.memory_space<hbm>>
    %dma_wait3A_125 = arith.constant 0 : i32
    %dma_wait3A_126 = tpu.memref_slice %arg15[%mul3A_2, %dma_wait3A_125] : memref<204800x128xf32, #tpu.memory_space<hbm>> -> memref<80x128xf32, #tpu.memory_space<hbm>>
    tpu.wait_dma2 semaphore(%arg44 : memref<!tpu.dma_semaphore, #tpu.memory_space<semaphore_mem>>) src(%arg34 : memref<80x128xf32, #tpu.memory_space<vmem>>) dst(%dma_wait3A_126 : memref<80x128xf32, #tpu.memory_space<hbm>>)
    %dma_wait3A_127 = arith.constant 0 : i32
    %dma_wait3A_128 = tpu.memref_slice %arg15[%mul3A_2, %dma_wait3A_127] : memref<204800x128xf32, #tpu.memory_space<hbm>> -> memref<80x128xf32, #tpu.memory_space<hbm>>
    %dma_wait3A_129 = arith.constant 0 : i32
    %dma_wait3A_130 = tpu.memref_slice %arg15[%mul3A_2, %dma_wait3A_129] : memref<204800x128xf32, #tpu.memory_space<hbm>> -> memref<80x128xf32, #tpu.memory_space<hbm>>
    tpu.wait_dma2 semaphore(%arg45 : memref<!tpu.dma_semaphore, #tpu.memory_space<semaphore_mem>>) src(%arg35 : memref<80x128xf32, #tpu.memory_space<vmem>>) dst(%dma_wait3A_130 : memref<80x128xf32, #tpu.memory_space<hbm>>)
    return
  }
}

</mosaic_0001>

<sc_bundles>
// kernel: _sc_embed.3.cloned.1.call-start
scs
__scs_entry_jumppad:
0x0: {  	(pc) =	sbr.rel $0x88, $3  }
0x1: {  	(tag) =	ssettag $0x0;
	lr =	simm.s32 $0x1  }
0x2: {  	[smem:$0x3F94] =	sst lr;
	_ =	strace $0xD0000000  }
0x3: {  	_ = 	snop  }
0x4: {  	_ = 	snop  }
0x5: {  	_ = 	snop  }
0x6: {  	_ = 	snop  }
0x7: {  	_ = 	snop  }
__scs_overlays_trampoline_lowered:
0x8: {  	[smem:$0x3FA3] =	sst s0  }
0x9: {  	[smem:$0x3FA4] =	sst s1  }
0xa: {  	[smem:$0x3FA5] =	sst s2  }
0xb: {  	[smem:$0x3FA6] =	sst s3  }
0xc: {  	[smem:$0x3FA7] =	sst s4  }
0xd: {  	[smem:$0x3FA8] =	sst s5  }
0xe: {  	[smem:$0x3FA9] =	sst s6  }
0xf: {  	[smem:$0x3FAA] =	sst s7  }
0x10: {  	[smem:$0x3FAB] =	sst s8  }
0x11: {  	[smem:$0x3FAC] =	sst s9;
	s0 =	simm.s32 @!p0 $0x0  }
0x12: {  	s1 =	sld [smem:$0x3F92];
	s0 =	simm.s32 @p0 $0x1  }
0x13: {  	[smem:$0x3FAD] =	sst s0;
	s0 =	simm.s32 @!p1 $0x0  }
0x14: {  	s2 =	sld [smem:$0x3F91];
	s0 =	simm.s32 @p1 $0x1  }
0x15: {  	[smem:$0x3FAE] =	sst s0;
	s0 =	simm.s32 @!p2 $0x0  }
0x16: {  	s3 =	sld [smem:$0x3FDB];
	s0 =	simm.s32 @p2 $0x1  }
0x17: {  	s4 =	simm.s32 $0x1BF5;
	[smem:$0x3FB0] =	sst s0  }
0x18: {  	s0 =	sld [smem:$0x3F93];
	_ =	swait.ge [sflag:s4], $0x0  }
0x19: {  	s7 =	sld [smem:$0x3F94]  }
0x1a: {  	s8 =	sadd.s32 $0xFFFFE003, lr  }
0x1b: {  	s9 =	sadd.s32 $0xFFFFFEF7, lr;
	s5 =	simm.s32 $0xFFFFFFFF;
	p2 =	slt.u32 s8, $0xFFFFF086  }
0x1c: {  	p1 =	slt.u32 s9, $0xF7A;
	s5 =	simm.s32 @!p2 $0x0  }
0x1d: {  	s5 =	simm.s32 @p1 $0x1;
	p0 =	seq.s32 s7, s2  }
0x1e: {  	s7 =	smul.u32 @!p0 $0xF7A, s2;
	p2 =	seq.s32 @!p0 s5, $0x0  }
0x1f: {  	s9 =	smul.u32 $0xF7A, s1;
	s8 =	simm.s32 @!p0 $0x1BF5;
	p2 =	por !p2, p0  }
0x20: {  	[sflag:s8] =	ssyncset.s32 @!p0 $0xFFFFF086;
	s6 =	sadd.s32 @!p0 s3, s7;
	s7 =	simm.s32 @!p0 $0x108  }
0x21: {  	s3 =	sadd.s32 s3, s9;
	s6 =	sadd.s32 @!p0 $0x88, s6;
	s7 =	simm.s32 @p2 $0x1082  }
0x22: {  	[simem:s7], [sflag:s8] =	dma.local @!p0 [hbm:s6], $0xF7A  }
0x23: {  	s9 =	sor.u32 $0xD0000000, s2;
	s6 =	simm.s32 $0x108;
	_ =	swait.ge @!p0 [sflag:s8], $0x0  }
0x24: {  	s3 =	sadd.s32 $0x88, s3;
	s6 =	simm.s32 @!p1 $0x1082;
	[sflag:s4] =	ssyncset.s32 $0xFFFFF086  }
0x25: {  	[simem:s6], [sflag:s4] =	dma.local [hbm:s3], $0xF7A  }
0x26: {  	[smem:$0x3F94] =	sst s1;
	(tag) =	ssettag s2;
	_ =	strace s9  }
0x27: {  	s1 =	sld [smem:$0x3FA4]  }
0x28: {  	s2 =	sld [smem:$0x3FA5]  }
0x29: {  	s4 =	sld [smem:$0x3FA7]  }
0x2a: {  	p0 =	seq.s32 s5, $0x0;
	s5 =	sld [smem:$0x3FA8]  }
0x2b: {  	s6 =	sld [smem:$0x3FA9]  }
0x2c: {  	s7 =	sld [smem:$0x3FAA]  }
0x2d: {  	s3 =	simm.s32 $0x108;
	s8 =	sld [smem:$0x3FAB]  }
0x2e: {  	s3 =	simm.s32 @!p0 $0x1082;
	s9 =	sld [smem:$0x3FAC]  }
0x2f: {  	lr =	sadd.s32 s0, s3;
	s0 =	sld [smem:$0x3FA3]  }
0x30: {  	s3 =	sld [smem:$0x3FA6]  }
0x31: {  	[smem:$0x3FAF] =	sst s10  }
0x32: {  	s10 =	sld [smem:$0x3FAD];
	_ =	sdelay $0x3  }
0x33: {  	p0 =	seq.s32 s10, $0x1;
	s10 =	sld [smem:$0x3FAF];
	_ =	sdelay $0x3  }
0x34: {  	[smem:$0x3FAF] =	sst s10  }
0x35: {  	s10 =	sld [smem:$0x3FAE];
	_ =	sdelay $0x3  }
0x36: {  	p1 =	seq.s32 s10, $0x1;
	s10 =	sld [smem:$0x3FAF];
	_ =	sdelay $0x3  }
0x37: {  	[smem:$0x3FAF] =	sst s10  }
0x38: {  	s10 =	sld [smem:$0x3FB0]  }
0x39: {  	_ = 	snop;
	(pc) =	sbr.ind lr, $3  }
0x3a: {  	_ = 	snop  }
0x3b: {  	_ = 	snop  }
0x3c: {  	p2 =	seq.s32 s10, $0x1;
	s10 =	sld [smem:$0x3FAF]  }
0x3d: {  	_ =	shalt  }
0x3e: {  	_ =	shalt  }
0x3f: {  	_ =	shalt  }
0x40: {  	_ =	shalt  }
0x41: {  	_ =	shalt  }
0x42: {  	_ =	shalt  }
0x43: {  	_ =	shalt  }
0x44: {  	_ =	shalt  }
0x45: {  	_ =	shalt  }
0x46: {  	_ =	shalt  }
0x47: {  	_ =	shalt  }
0x48: {  	_ =	shalt  }
0x49: {  	_ =	shalt  }
0x4a: {  	_ =	shalt  }
0x4b: {  	_ =	shalt  }
0x4c: {  	_ =	shalt  }
0x4d: {  	_ =	shalt  }
0x4e: {  	_ =	shalt  }
0x4f: {  	_ =	shalt  }
0x50: {  	_ =	shalt  }
0x51: {  	_ =	shalt  }
0x52: {  	_ =	shalt  }
0x53: {  	_ =	shalt  }
0x54: {  	_ =	shalt  }
0x55: {  	_ =	shalt  }
0x56: {  	_ =	shalt  }
0x57: {  	_ =	shalt  }
0x58: {  	_ =	shalt  }
0x59: {  	_ =	shalt  }
0x5a: {  	_ =	shalt  }
0x5b: {  	_ =	shalt  }
0x5c: {  	_ =	shalt  }
0x5d: {  	_ =	shalt  }
0x5e: {  	_ =	shalt  }
0x5f: {  	_ =	shalt  }
0x60: {  	_ =	shalt  }
0x61: {  	_ =	shalt  }
0x62: {  	_ =	shalt  }
0x63: {  	_ =	shalt  }
0x64: {  	_ =	shalt  }
0x65: {  	_ =	shalt  }
0x66: {  	_ =	shalt  }
0x67: {  	_ =	shalt  }
0x68: {  	_ =	shalt  }
0x69: {  	_ =	shalt  }
0x6a: {  	_ =	shalt  }
0x6b: {  	_ =	shalt  }
0x6c: {  	_ =	shalt  }
0x6d: {  	_ =	shalt  }
0x6e: {  	_ =	shalt  }
0x6f: {  	_ =	shalt  }
0x70: {  	_ =	shalt  }
0x71: {  	_ =	shalt  }
0x72: {  	_ =	shalt  }
0x73: {  	_ =	shalt  }
0x74: {  	_ =	shalt  }
0x75: {  	_ =	shalt  }
0x76: {  	_ =	shalt  }
0x77: {  	_ =	shalt  }
0x78: {  	_ =	shalt  }
0x79: {  	_ =	shalt  }
0x7a: {  	_ =	shalt  }
0x7b: {  	_ =	shalt  }
0x7c: {  	_ =	shalt  }
0x7d: {  	_ =	shalt  }
0x7e: {  	_ =	shalt  }
0x7f: {  	_ =	shalt  }
0x80: {  	_ =	shalt  }
0x81: {  	_ =	shalt  }
0x82: {  	_ =	shalt  }
0x83: {  	_ =	shalt  }
0x84: {  	_ =	shalt  }
0x85: {  	_ =	shalt  }
0x86: {  	_ =	shalt  }
0x87: {  	_ =	shalt  }
.Lfunc_end0:
.L_simem_size_0:
called_computation_lowered:
.L_overlay_start_0:
0x88: {  	s2 =	sld [smem:$0x3FD9]  }
0x89: {  	s3 =	sld [smem:$0x3FFE];
	_ =	sdelay $0x1  }
0x8a: {  	s1 =	srdreg.scid  }
0x8b: {  	s0 =	sand.u32 $0x1, s1  }
0x8c: {  	s25 =	sshll.u32 s0, $0xA;
	s2 =	sadd.s32 s3, s2  }
0x8d: {  	s2 =	sadd.s32 s2, s25  }
0x8e: {  	[smem:$0x3FBB] =	sst s2  }
0x8f: {  	_ = 	snop  }
0x90: {  	s2 =	sld [smem:$0x3FC9]  }
0x91: {  	s3 =	sld [smem:$0x3FC8]  }
0x92: {  	s4 =	sld [smem:$0x3FC7]  }
0x93: {  	s5 =	sld [smem:$0x3FC6]  }
0x94: {  	s6 =	sld [smem:$0x3FC5]  }
0x95: {  	s7 =	sld [smem:$0x3FC4]  }
0x96: {  	s8 =	sld [smem:$0x3FC3]  }
0x97: {  	s9 =	sld [smem:$0x3FC2]  }
0x98: {  	s10 =	sld [smem:$0x3FC1]  }
0x99: {  	s11 =	sld [smem:$0x3FC0]  }
0x9a: {  	s12 =	sld [smem:$0x3FBF]  }
0x9b: {  	s13 =	sld [smem:$0x3FBE]  }
0x9c: {  	s14 =	sld [smem:$0x3FBD]  }
0x9d: {  	s15 =	sld [smem:$0x3FD0];
	(tm) =	ssettm $0x1  }
0x9e: {  	s16 =	sld [smem:$0x3FFB];
	_ =	sdelay $0x3  }
0x9f: {  	_ =	strace s16  }
0xa0: {  	s16 =	sld [smem:$0x3FFC];
	_ =	sdelay $0x3  }
0xa1: {  	_ =	strace s16  }
0xa2: {  	s16 =	sld [smem:$0x3FFD];
	_ =	sdelay $0x3  }
0xa3: {  	_ =	strace s16  }
0xa4: {  	_ =	strace $0x8FFFFFFF  }
0xa5: {  	s26 =	sld [smem:$0x3FDB];
	_ =	sdelay $0x1  }
0xa6: {  	s17 =	simm.s32 $_scs_section_size  }
0xa7: {  	s18 =	simm.s32 $_size__tile_task_arg_handler_lowered;
	s19 =	simm.s32 $_tile_task_arg_handler_lowered  }
0xa8: {  	s30 =	simm.s32 $0x1BFF;
	s29 =	sshll.u32 s19, $0x1;
	s17 =	sadd.s32 s17, s26  }
0xa9: {  	s20 =	simm.s32 $0x60;
	s28 =	sshll.u32 s18, $0x1;
	s18 =	sadd.s32 s29, s17  }
0xaa: {  	[timem:s20], [sflag:s30] =	dma.local [hbm:s18], s28  }
0xab: {  	_ =	swait.ge [sflag:s30], s28  }
0xac: {  	s31 =	simm.s32 $_tile_overlayer_lowered;
	s16 =	ssub.s32 $0x0, s28;
	[sflag:s30] =	ssyncset.done $0x0  }
0xad: {  	s20 =	simm.s32 $_size__tile_overlayer_lowered;
	s18 =	sshll.u32 s31, $0x1;
	[sflag:s30] =	ssyncadd.s32 s16  }
0xae: {  	s22 =	simm.s32 $0x0;
	s21 =	sshll.u32 s20, $0x1;
	s18 =	sadd.s32 s18, s17  }
0xaf: {  	[timem:s22], [sflag:s30] =	dma.local [hbm:s18], s21  }
0xb0: {  	_ =	swait.ge [sflag:s30], s21  }
0xb1: {  	s23 =	ssub.s32 $0x0, s21;
	[sflag:s30] =	ssyncset.done $0x0  }
0xb2: {  	[sflag:s30] =	ssyncadd.s32 s23;
	_ =	sdelay $0x1  }
0xb3: {  	s24 =	simm.s32 $0x1B8B  }
0xb4: {  	_ =	swait.ge [sflag:s24], $0x1  }
0xb5: {  	[sflag:s24] =	ssyncset.done $0x0  }
0xb6: {  	s25 =	simm.s32 $0x1B8E;
	[sflag:s24] =	ssyncadd.s32 $0xFFFFFFFF  }
0xb7: {  	s26 =	simm.s32 $execute0_lowered;
	[smem:$0x3FD2] =	sst s25  }
0xb8: {  	s18 =	sshll.u32 s26, $0x1;
	_ =	strace $0x80000046;
	[dreg:$0x1] =	wrdreg $0xFFFFFFFF  }
0xb9: {  	s28 =	simm.s32 $_size_execute0_lowered;
	s17 =	sadd.s32 s17, s18;
	[dreg:$0x0] =	wrdreg $0x0  }
0xba: {  	s18 =	sshll.u32 s28, $0x1;
	[dreg:$0x2] =	wrdreg s17  }
0xbb: {  	[dreg:$0x3] =	wrdreg s18  }
0xbc: {  	[dreg:$0x4] =	wrdreg $0xC0  }
0xbd: {  	_ =	task [dreg:s22], $0x5FFFF  }
0xbe: {  	[dreg:$0x1] =	wrdreg $0xFFFFFFFF  }
0xbf: {  	[dreg:$0x0] =	wrdreg $0x30  }
0xc0: {  	[dreg:$0x2] =	wrdreg $0x0  }
0xc1: {  	[dreg:$0x3] =	wrdreg $0x9  }
0xc2: {  	_ =	task [dreg:s22], $0x4FFFF  }
0xc3: {  	[dreg:$0x1] =	wrdreg $0xFFFFFFFF  }
0xc4: {  	[dreg:$0x0] =	wrdreg $0x60  }
0xc5: {  	[dreg:$0x2] =	wrdreg s2  }
0xc6: {  	[dreg:$0x3] =	wrdreg s3  }
0xc7: {  	[dreg:$0x4] =	wrdreg s4  }
0xc8: {  	[dreg:$0x5] =	wrdreg s5  }
0xc9: {  	[dreg:$0x6] =	wrdreg s6  }
0xca: {  	[dreg:$0x7] =	wrdreg s7  }
0xcb: {  	[dreg:$0x8] =	wrdreg s8  }
0xcc: {  	[dreg:$0x9] =	wrdreg s9  }
0xcd: {  	[dreg:$0xa] =	wrdreg s10  }
0xce: {  	[dreg:$0xb] =	wrdreg s11  }
0xcf: {  	[dreg:$0xc] =	wrdreg s12  }
0xd0: {  	[dreg:$0xd] =	wrdreg s13  }
0xd1: {  	[dreg:$0xe] =	wrdreg s14  }
0xd2: {  	[dreg:$0xf] =	wrdreg s15  }
0xd3: {  	_ =	task.clear_ibuf [dreg:s22], $0x10FFFF;
	_ =	strace $0x90000046  }
0xd4: {  	s29 =	simm.s32 $0x9;
	_ =	strace $0x80000048  }
0xd5: {  	_ =	swait.ge [sflag:s29], $0x1  }
0xd6: {  	[sflag:s29] =	ssyncadd.s32 $0xFFFFFFFF  }
0xd7: {  	_ =	strace $0x90000048  }
0xd8: {  	_ =	sfence  }
0xd9: {  	s30 =	sld [smem:$0x0];
	_ =	sdelay $0x2  }
0xda: {  	s31 =	sshll.u32 s1, $0xD;
	s1 =	sshrl.u32 s1, $0x2  }
0xdb: {  	s3 =	sand.u32 $0x4000, s31;
	s1 =	sadd.s32 s1, s30  }
0xdc: {  	s0 =	sor.u32 s3, s0;
	s1 =	sshll.u32 s1, $0x11  }
0xdd: {  	s0 =	sor.u32 s1, s0  }
0xde: {  	s0 =	sadd.s32 $0x8F2B, s0  }
0xdf: {  	[sflag:s0] =	ssyncadd.remote.s32 $0x1  }
0xe0: {  	_ =	sfence.sel $0xFFFF  }
0xe1: {  	[dreg:$0x0] =	wrdreg $0xFFFFFFFF;
	(pc) =	sbr.abs _section_cstart, $3  }
0xe2: {  	[dreg:$0x1] =	wrdreg $0xFFFFFFFF  }
0xe3: {  	_ =	task.clear_ibuf [dreg:s22], $0x2FFFF;
	_ =	strace $0x9FFFFFFF  }
0xe4: {  	(tm) =	ssettm $0x7FFFFFFF  }
0xe5: {  	_ =	shalt  }
tec
_tile_task_arg_handler_lowered:
.L_overlay_start_1:
0x0: {  	(tag) =	ssettag $0x1  }
0x1: {  	s0 =	rddreg [dreg:$0x0]  }
0x2: {  	s1 =	rddreg [dreg:$0x1]  }
0x3: {  	s2 =	rddreg [dreg:$0x2]  }
0x4: {  	s3 =	rddreg [dreg:$0x3]  }
0x5: {  	s4 =	rddreg [dreg:$0x4]  }
0x6: {  	s5 =	rddreg [dreg:$0x5]  }
0x7: {  	s6 =	rddreg [dreg:$0x6]  }
0x8: {  	s7 =	rddreg [dreg:$0x7]  }
0x9: {  	s8 =	rddreg [dreg:$0x8]  }
0xa: {  	s9 =	rddreg [dreg:$0x9]  }
0xb: {  	s10 =	rddreg [dreg:$0xa]  }
0xc: {  	s11 =	rddreg [dreg:$0xb]  }
0xd: {  	s12 =	rddreg [dreg:$0xc]  }
0xe: {  	s13 =	rddreg [dreg:$0xd]  }
0xf: {  	[smem:s0] =	sst s1  }
0x10: {  	[smem:s0+$0x1] =	sst s2  }
0x11: {  	[smem:s0+$0x2] =	sst s3  }
0x12: {  	[smem:s0+$0x3] =	sst s4  }
0x13: {  	[smem:s0+$0x4] =	sst s5  }
0x14: {  	[smem:s0+$0x5] =	sst s6  }
0x15: {  	[smem:s0+$0x6] =	sst s7  }
0x16: {  	[smem:s0+$0x7] =	sst s8  }
0x17: {  	[smem:s0+$0x8] =	sst s9  }
0x18: {  	[smem:s0+$0x9] =	sst s10  }
0x19: {  	[smem:s0+$0xA] =	sst s11  }
0x1a: {  	[smem:s0+$0xB] =	sst s12  }
0x1b: {  	[smem:s0+$0xC] =	sst s13;
	_ =	shalt  }
.Lfunc_end2:
execute0_lowered:
.L_overlay_start_2:
0x1c: {  	(tag) =	ssettag $0x2  }
0x1d: {  	s21 =	rddreg [dreg:$0x0]  }
0x1e: {  	s3 =	rddreg [dreg:$0x1]  }
0x1f: {  	s4 =	rddreg [dreg:$0x2]  }
0x20: {  	s5 =	rddreg [dreg:$0x3]  }
0x21: {  	s6 =	rddreg [dreg:$0x4];
	s0 =	srdreg.scid  }
0x22: {  	s1 =	stileid.u32;
	s8 =	rddreg [dreg:$0xd];
	s2 =	simm.s32 $0x0  }
0x23: {  	s29 =	simm.s32 $0x16600;
	s30 =	simm.s32 $0x1E600;
	s14 =	simm.s32 $0xF600  }
0x24: {  	s10 =	simm.s32 $0x100;
	s12 =	simm.s32 $0x180;
	s31 =	simm.s32 $0x1  }
0x25: {  	s9 =	simm.s32 $0x50;
	s0 =	sand.u32 $0x1, s0;
	s1 =	sshll.u32 s1, $0x1  }
0x26: {  	s28 =	simm.s32 $0x3;
	[smem:$0x7FF] =	sst s2;
	s1 =	sor.u32 s0, s1  }
0x27: {  	s7 =	sld [smem:$0x0];
	s0 =	ssub.s32 $0x2, s0;
	s15 =	smul.u32 $0xC8000, s1  }
0x28: {  	s11 =	simm.s32 $0x0;
	s16 =	smul.u32 $0x1900, s1;
	s18 =	sshrl.u32 s0, $0x1  }
0x29: {  	s2 =	simm.s32 $0xA600;
	s0 =	ssub.s32 s0, s18;
	s18 =	simm.s32 $0x600  }
0x2a: {  	[dreg:$0xe] =	wrdreg s7;
	s17 =	sshrl.u32 s15, $0x3;
	s20 =	sshrl.u32 s16, $0x3  }
0x2b: {  	s0 =	smax.u32 s0, $0x1;
	s7 =	simm.s32 $0x11E00;
	s15 =	simm.s32 $0x300  }
0x2c: {  	_ =	strace $0x80000047;
	s1 =	sadd.s32 s8, s17;
	[dreg:$0xf] =	wrdreg s16  }
0x2d: {  	v0 =	vlaneseq.u32;
	s22 =	sadd.s32 s21, s20;
	s23 =	sadd.s32 s3, s20;
	s24 =	sadd.s32 s4, s20  }
0x2e: {  	v54 =	vor.u32 $0x50, v0;
	s25 =	sadd.s32 s5, s20;
	s26 =	sadd.s32 s6, s20;
	[dreg:$0x17] =	wrdreg s0  }
0x2f: {  	v58 =	vor.u32 $0x70, v0;
	s8 =	simm.s32 $0x80;
	s20 =	simm.s32 $0x5600;
	[tilespmem:$0x1FF90] =	vst v54;
	[dreg:$0x12] =	wrdreg s22  }
0x30: {  	v56 =	vor.u32 $0x40, v0;
	s0 =	simm.s32 $0x2;
	s3 =	simm.s32 $0xCE00;
	[tilespmem:$0x1FFA0] =	vst v58;
	[dreg:$0x13] =	wrdreg s23  }
0x31: {  	v7 =	vor.u32 $0x30, v0;
	s4 =	simm.s32 $0x280;
	s17 =	simm.s32 $0x580;
	[tilespmem:$0x1FFB0] =	vst v56;
	[dreg:$0x14] =	wrdreg s24  }
0x32: {  	v55 =	vor.u32 $0x60, v0;
	[tilespmem:$0x1FFC0] =	vst v7;
	s19 =	sadd.s32 $0x18600, s1;
	s1 =	sadd.s32 $0x18B00, s1;
	[dreg:$0x15] =	wrdreg s25  }
0x33: {  	v8 =	vor.u32 $0x10, v0;
	[tilespmem:$0x1FFD0] =	vst v55;
	[dreg:$0x16] =	wrdreg s26;
	s26 =	simm.s32 $0x14600;
	s22 =	simm.s32 $0x380  }
0x34: {  	v6 =	vor.u32 $0x20, v0;
	[tilespmem:$0x1FFE0] =	vst v8;
	s23 =	simm.s32 $0x400;
	s24 =	simm.s32 $0x480;
	[dreg:$0x10] =	wrdreg s19  }
0x35: {  	[tilespmem:$0x1FFF0] =	vst v6;
	[dreg:$0x11] =	wrdreg s1;
	s19 =	simm.s32 $0x2E00;
	s1 =	simm.s32 $0x7E00  }
.LBB3_1:
0x36: {  	[dreg:$0x18] =	wrdreg s11  }
0x37: {  	s5 =	rddreg [dreg:$0x7];
	s6 =	simm.s32 $0x0;
	s11 =	simm.s32 $0x6  }
0x38: {  	[tilespmem:s26], [sflag:$0x6] =	stream.linear.gather [hbm4b:s5+s6], $0x2000, $0x38;
	[tilespmem:$0x1E900] =	vst v63  }
0x39: {  	_ =	swait.ge [sflag:s11], $0x2000  }
0x3a: {  	[sflag:s11] =	ssyncset.done $0x0  }
0x3b: {  	[sflag:s11] =	ssyncadd.s32 $0xFFFFE000  }
0x3c: {  	s13 =	rddreg [dreg:$0x8]  }
0x3d: {  	[tilespmem:s29], [sflag:$0x6] =	stream.linear.gather [hbm4b:s13+s6], $0x8000, $0x38;
	[tilespmem:$0x1E900] =	vst v63  }
0x3e: {  	_ =	swait.ge [sflag:s11], $0x8000  }
0x3f: {  	[sflag:s11] =	ssyncset.done $0x0  }
0x40: {  	[sflag:s11] =	ssyncadd.s32 $0xFFFF8000  }
0x41: {  	s16 =	rddreg [dreg:$0x9]  }
0x42: {  	[tilespmem:s30], [sflag:$0x6] =	stream.linear.gather [hbm4b:s16+s6], $0x200, $0x38;
	[tilespmem:$0x1E900] =	vst v63  }
0x43: {  	_ =	swait.ge [sflag:s11], $0x200  }
0x44: {  	[sflag:s11] =	ssyncset.done $0x0  }
0x45: {  	[sflag:s11] =	ssyncadd.s32 $0xFFFFFE00  }
0x46: {  	s13 =	simm.s32 $0x1E800;
	s25 =	rddreg [dreg:$0xb]  }
0x47: {  	[tilespmem:s13], [sflag:$0x6] =	stream.linear.gather [hbm4b:s25+s6], $0x80, $0x38;
	[tilespmem:$0x1E900] =	vst v63  }
0x48: {  	_ =	swait.ge [sflag:s11], $0x80  }
0x49: {  	[sflag:s11] =	ssyncset.done $0x0  }
0x4a: {  	[sflag:s11] =	ssyncadd.s32 $0xFFFFFF80  }
0x4b: {  	s25 =	simm.s32 $0x1E880;
	s16 =	rddreg [dreg:$0xc]  }
0x4c: {  	[tilespmem:s25], [sflag:$0x6] =	stream.linear.gather [hbm4b:s16+s6], $0x80, $0x38;
	[tilespmem:$0x1E900] =	vst v63  }
0x4d: {  	_ =	swait.ge [sflag:s11], $0x80  }
0x4e: {  	[sflag:s11] =	ssyncset.done $0x0  }
0x4f: {  	[sflag:s11] =	ssyncadd.s32 $0xFFFFFF80  }
0x50: {  	v0 =	vld [tilespmem:$0x1E800]  }
0x51: {  	v1 =	vld [tilespmem:$0x1E810]  }
0x52: {  	v2 =	vld [tilespmem:$0x1E820]  }
0x53: {  	v3 =	vld [tilespmem:$0x1E830]  }
0x54: {  	v4 =	vld [tilespmem:$0x1E840]  }
0x55: {  	v5 =	vld [tilespmem:$0x1E850]  }
0x56: {  	v9 =	vld [tilespmem:$0x1E860]  }
0x57: {  	v10 =	vld [tilespmem:$0x1E870]  }
0x58: {  	v11 =	vld [tilespmem:$0x1E880]  }
0x59: {  	v12 =	vld [tilespmem:$0x1E890]  }
0x5a: {  	v13 =	vld [tilespmem:$0x1E8A0]  }
0x5b: {  	v14 =	vld [tilespmem:$0x1E8B0]  }
0x5c: {  	v15 =	vld [tilespmem:$0x1E8C0]  }
0x5d: {  	v16 =	vld [tilespmem:$0x1E8D0]  }
0x5e: {  	s13 =	rddreg [dreg:$0x10];
	v17 =	vld [tilespmem:$0x1E8E0]  }
0x5f: {  	v18 =	vld [tilespmem:$0x1E8F0];
	[hbm4b:s13+s6] =	stream.linear.scatter [tilespmem:s14], [sflag:$0x4], $0x2800, $0x38  }
0x60: {  	s16 =	rddreg [dreg:$0x11]  }
0x61: {  	[hbm4b:s16+s6] =	stream.linear.scatter [tilespmem:s7], [sflag:$0x5], $0x2800, $0x38;
	[tilespmem:$0x1E900] =	vst v63  }
0x62: {  	s25 =	rddreg [dreg:$0x12]  }
0x63: {  	[tilespmem:s6], [sflag:$0x1] =	stream.linear.gather [hbm4b:s25+s6], $0x50, $0x38;
	[tilespmem:$0x1E900] =	vst v63  }
0x64: {  	s11 =	rddreg [dreg:$0x13]  }
0x65: {  	[tilespmem:s8], [sflag:$0x1] =	stream.linear.gather [hbm4b:s11+s6], $0x50, $0x38;
	[tilespmem:$0x1E900] =	vst v63  }
0x66: {  	s13 =	rddreg [dreg:$0x14]  }
0x67: {  	[tilespmem:s10], [sflag:$0x1] =	stream.linear.gather [hbm4b:s13+s6], $0x50, $0x38;
	[tilespmem:$0x1E900] =	vst v63  }
0x68: {  	s16 =	rddreg [dreg:$0x15]  }
0x69: {  	[tilespmem:s12], [sflag:$0x1] =	stream.linear.gather [hbm4b:s16+s6], $0x50, $0x38;
	[tilespmem:$0x1E900] =	vst v63  }
0x6a: {  	s25 =	rddreg [dreg:$0x16];
	s11 =	simm.s32 $0x200  }
0x6b: {  	[tilespmem:s11], [sflag:$0x1] =	stream.linear.gather [hbm4b:s25+s6], $0x50, $0x38;
	[tilespmem:$0x1E900] =	vst v63  }
0x6c: {  	_ =	swait.ge [sflag:s31], $0x50  }
0x6d: {  	[sflag:s31] =	ssyncset.done $0x0  }
0x6e: {  	[sflag:s31] =	ssyncadd.s32 $0xFFFFFFB0  }
0x6f: {  	_ =	swait.ge [sflag:s31], $0x50  }
0x70: {  	[sflag:s31] =	ssyncset.done $0x0  }
0x71: {  	[sflag:s31] =	ssyncadd.s32 $0xFFFFFFB0  }
0x72: {  	_ =	swait.ge [sflag:s31], $0x50  }
0x73: {  	[sflag:s31] =	ssyncset.done $0x0  }
0x74: {  	[sflag:s31] =	ssyncadd.s32 $0xFFFFFFB0  }
0x75: {  	_ =	swait.ge [sflag:s31], $0x50  }
0x76: {  	[sflag:s31] =	ssyncset.done $0x0  }
0x77: {  	[sflag:s31] =	ssyncadd.s32 $0xFFFFFFB0  }
0x78: {  	_ =	swait.ge [sflag:s31], $0x50  }
0x79: {  	[tilespmem:$0x1FE90] =	vst v0  }
0x7a: {  	[tilespmem:$0x1FEA0] =	vst v1  }
0x7b: {  	[tilespmem:$0x1FEB0] =	vst v2  }
0x7c: {  	[tilespmem:$0x1FEC0] =	vst v3  }
0x7d: {  	[tilespmem:$0x1FED0] =	vst v4  }
0x7e: {  	[tilespmem:$0x1FEE0] =	vst v5  }
0x7f: {  	[tilespmem:$0x1FEF0] =	vst v9  }
0x80: {  	[tilespmem:$0x1FF00] =	vst v10  }
0x81: {  	[tilespmem:$0x1FF10] =	vst v11  }
0x82: {  	[tilespmem:$0x1FF20] =	vst v12  }
0x83: {  	[sflag:s31] =	ssyncset.done $0x0;
	[tilespmem:$0x1FF30] =	vst v13  }
0x84: {  	[tilespmem:$0x1FF40] =	vst v14;
	[sflag:s31] =	ssyncadd.s32 $0xFFFFFFB0  }
0x85: {  	[tilespmem:$0x1FF50] =	vst v15;
	s13 =	rddreg [dreg:$0x5]  }
0x86: {  	[tilespmem:s18], [sflag:$0x3] =	stream.indirect.gather [hbm4b:s13+s9], $0x80, s6, s9, $0xb8;
	[tilespmem:$0x1E900] =	vst v63  }
0x87: {  	[tilespmem:$0x1FF60] =	vst v16;
	s16 =	rddreg [dreg:$0x6]  }
0x88: {  	[tilespmem:s19], [sflag:$0x3] =	stream.indirect.gather [hbm4b:s16+s9], $0x80, s6, s9, $0xb8;
	[tilespmem:$0x1E900] =	vst v63  }
0x89: {  	[tilespmem:$0x1FF70] =	vst v17;
	s25 =	rddreg [dreg:$0xa]  }
0x8a: {  	[tilespmem:s20], [sflag:$0x3] =	stream.indirect.gather [hbm4b:s25+s9], $0x80, s11, s9, $0xb8;
	[tilespmem:$0x1E900] =	vst v63  }
0x8b: {  	[tilespmem:$0x1FF80] =	vst v18;
	s25 =	simm.s32 $0x0  }
.LBB3_2:
0x8c: {  	s5 =	smul.u32 $0xA0, s25  }
0x8d: {  	s6 =	rddreg [dreg:$0xf]  }
0x8e: {  	s6 =	sadd.s32 s6, s5  }
0x8f: {  	s5 =	sadd.s32 $0x50, s6  }
0x90: {  	s13 =	sshrl.u32 s5, $0x3  }
0x91: {  	s16 =	smov.u32 s21;
	s11 =	simm.s32 $0x0;
	s21 =	sadd.s32 s21, s13  }
0x92: {  	[tilespmem:s15], [sflag:$0x2] =	stream.linear.gather [hbm4b:s21+s11], $0x50, $0x38;
	[tilespmem:$0x1E900] =	vst v63  }
0x93: {  	s21 =	rddreg [dreg:$0x1]  }
0x94: {  	s21 =	sadd.s32 s21, s13  }
0x95: {  	[tilespmem:s22], [sflag:$0x2] =	stream.linear.gather [hbm4b:s21+s11], $0x50, $0x38;
	[tilespmem:$0x1E900] =	vst v63  }
0x96: {  	s21 =	rddreg [dreg:$0x2]  }
0x97: {  	s21 =	sadd.s32 s21, s13  }
0x98: {  	[tilespmem:s23], [sflag:$0x2] =	stream.linear.gather [hbm4b:s21+s11], $0x50, $0x38;
	[tilespmem:$0x1E900] =	vst v63  }
0x99: {  	s21 =	rddreg [dreg:$0x3]  }
0x9a: {  	s21 =	sadd.s32 s21, s13  }
0x9b: {  	[tilespmem:s24], [sflag:$0x2] =	stream.linear.gather [hbm4b:s21+s11], $0x50, $0x38;
	[tilespmem:$0x1E900] =	vst v63  }
0x9c: {  	s21 =	rddreg [dreg:$0x4]  }
0x9d: {  	s13 =	sadd.s32 s21, s13;
	s21 =	simm.s32 $0x500  }
0x9e: {  	[tilespmem:s21], [sflag:$0x2] =	stream.linear.gather [hbm4b:s13+s11], $0x50, $0x38;
	[tilespmem:$0x1E900] =	vst v63  }
0x9f: {  	v0 =	vld [tilespmem:$0x80]  }
0xa0: {  	v1 =	vld [tilespmem:$0x90]  }
0xa1: {  	v2 =	vld [tilespmem:$0xA0]  }
0xa2: {  	v3 =	vld [tilespmem:$0xB0]  }
0xa3: {  	v4 =	vld [tilespmem:$0xC0]  }
0xa4: {  	v0 =	vand.u32 $0xFFFFFFFD, v0  }
0xa5: {  	v5 =	vimm.f32 $0.0e+00;
	vm0 =	veq.s32 v0, $0x0;
	v0 =	vand.u32 $0xFFFFFFFD, v1  }
0xa6: {  	v1 =	vsel vm0, $0x3F800000, v5;
	vm12 =	veq.s32 v0, $0x0;
	v0 =	vand.u32 $0xFFFFFFFD, v2  }
0xa7: {  	[tilespmem:$0x280] =	vst v1;
	v1 =	vsel vm12, $0x3F800000, v5;
	vm13 =	veq.s32 v0, $0x0;
	v0 =	vand.u32 $0xFFFFFFFD, v3  }
0xa8: {  	[tilespmem:$0x290] =	vst v1;
	v1 =	vsel vm13, $0x3F800000, v5;
	vm14 =	veq.s32 v0, $0x0;
	v0 =	vand.u32 $0xFFFFFFFD, v4  }
0xa9: {  	[tilespmem:$0x2A0] =	vst v1;
	v1 =	vsel vm14, $0x3F800000, v5;
	vm15 =	veq.s32 v0, $0x0  }
0xaa: {  	[tilespmem:$0x2B0] =	vst v1;
	v0 =	vsel vm15, $0x3F800000, v5  }
0xab: {  	[tilespmem:$0x2C0] =	vst v0  }
0xac: {  	_ =	swait.ge [sflag:s28], $0x2800  }
0xad: {  	[sflag:s28] =	ssyncset.done $0x0  }
0xae: {  	[sflag:s28] =	ssyncadd.s32 $0xFFFFD800  }
0xaf: {  	_ =	swait.ge [sflag:s28], $0x2800  }
0xb0: {  	[sflag:s28] =	ssyncset.done $0x0  }
0xb1: {  	[sflag:s28] =	ssyncadd.s32 $0xFFFFD800  }
0xb2: {  	_ =	swait.ge [sflag:s28], $0x2800  }
0xb3: {  	[sflag:s28] =	ssyncset.done $0x0  }
0xb4: {  	s13 =	simm.s32 $0x4;
	[sflag:s28] =	ssyncadd.s32 $0xFFFFD800  }
0xb5: {  	_ =	swait.ge [sflag:s13], $0x2800  }
0xb6: {  	[sflag:s13] =	ssyncset.done $0x0  }
0xb7: {  	[sflag:s13] =	ssyncadd.s32 $0xFFFFD800  }
0xb8: {  	_ =	swait.ge [sflag:s0], $0x50  }
0xb9: {  	[sflag:s0] =	ssyncset.done $0x0  }
0xba: {  	[sflag:s0] =	ssyncadd.s32 $0xFFFFFFB0  }
0xbb: {  	_ =	swait.ge [sflag:s0], $0x50  }
0xbc: {  	[sflag:s0] =	ssyncset.done $0x0  }
0xbd: {  	[sflag:s0] =	ssyncadd.s32 $0xFFFFFFB0  }
0xbe: {  	_ =	swait.ge [sflag:s0], $0x50  }
0xbf: {  	[sflag:s0] =	ssyncset.done $0x0  }
0xc0: {  	[sflag:s0] =	ssyncadd.s32 $0xFFFFFFB0  }
0xc1: {  	_ =	swait.ge [sflag:s0], $0x50  }
0xc2: {  	[sflag:s0] =	ssyncset.done $0x0  }
0xc3: {  	[sflag:s0] =	ssyncadd.s32 $0xFFFFFFB0  }
0xc4: {  	_ =	swait.ge [sflag:s0], $0x50  }
0xc5: {  	[sflag:s0] =	ssyncset.done $0x0  }
0xc6: {  	[sflag:s0] =	ssyncadd.s32 $0xFFFFFFB0  }
0xc7: {  	s13 =	rddreg [dreg:$0x5]  }
0xc8: {  	v0 =	vmov s11;
	[tilespmem:s1], [sflag:$0x3] =	stream.indirect.gather [hbm4b:s13+s9], $0x80, s15, s9, $0xb8;
	[tilespmem:$0x1E900] =	vst v63  }
0xc9: {  	s13 =	rddreg [dreg:$0x6]  }
0xca: {  	[tilespmem:s2], [sflag:$0x3] =	stream.indirect.gather [hbm4b:s13+s9], $0x80, s15, s9, $0xb8;
	[tilespmem:$0x1E900] =	vst v63  }
0xcb: {  	v1 =	vshll.u32 v0, $0x7;
	s13 =	rddreg [dreg:$0xa]  }
0xcc: {  	v5 =	vor.u32 v58, v1;
	[tilespmem:s3], [sflag:$0x3] =	stream.indirect.gather [hbm4b:s13+s9], $0x80, s21, s9, $0xb8;
	[tilespmem:$0x1E900] =	vst v63  }
0xcd: {  	v10 =	vor.u32 v55, v1;
	v2 =	vld.idx.msk [tilespmem:v0+s4+$0x0], $0xffff  }
0xce: {  	v21 =	vor.u32 v54, v1;
	v3 =	vld.idx.msk [tilespmem:v0+s8+$0x0], $0xffff  }
0xcf: {  	v24 =	vor.u32 v56, v1;
	v4 =	vld.idx.msk [tilespmem:v0+s12+$0x0], $0xffff  }
0xd0: {  	v0 =	vld.idx.msk [tilespmem:v0+s10+$0x0], $0xffff  }
0xd1: {  	v11 =	vld.idx.msk [tilespmem:v5+s20+$0x0], $0xffff  }
0xd2: {  	v27 =	vor.u32 v7, v1;
	v12 =	vld.idx.msk [tilespmem:v10+s20+$0x0], $0xffff  }
0xd3: {  	v13 =	vld.idx.msk [tilespmem:v21+s20+$0x0], $0xffff  }
0xd4: {  	v14 =	vld.idx.msk [tilespmem:v24+s20+$0x0], $0xffff  }
0xd5: {  	v29 =	vor.u32 v6, v1;
	v9 =	vld.idx.msk [tilespmem:v5+s18+$0x0], $0xffff;
	[tilespmem:$0x1FBA0] =	vst v5  }
0xd6: {  	v15 =	vld.idx.msk [tilespmem:v5+s19+$0x0], $0xffff  }
0xd7: {  	v16 =	vld.idx.msk [tilespmem:v27+s20+$0x0], $0xffff  }
0xd8: {  	v31 =	vor.u32 v8, v1;
	v17 =	vld.idx.msk [tilespmem:v10+s18+$0x0], $0xffff;
	[tilespmem:$0x1FBB0] =	vst v10  }
0xd9: {  	v18 =	vld.idx.msk [tilespmem:v10+s19+$0x0], $0xffff  }
0xda: {  	v19 =	vld.idx.msk [tilespmem:v29+s20+$0x0], $0xffff  }
0xdb: {  	v5 =	vlaneseq.u32;
	v20 =	vld.idx.msk [tilespmem:v21+s18+$0x0], $0xffff;
	[tilespmem:$0x1FBC0] =	vst v21  }
0xdc: {  	v35 =	vor.u32 v5, v1;
	v21 =	vld.idx.msk [tilespmem:v21+s19+$0x0], $0xffff  }
0xdd: {  	v22 =	vld.idx.msk [tilespmem:v31+s20+$0x0], $0xffff  }
0xde: {  	v23 =	vld.idx.msk [tilespmem:v24+s18+$0x0], $0xffff;
	[tilespmem:$0x1FBD0] =	vst v24  }
0xdf: {  	v24 =	vld.idx.msk [tilespmem:v24+s19+$0x0], $0xffff  }
0xe0: {  	v26 =	vld.idx.msk [tilespmem:v27+s18+$0x0], $0xffff  }
0xe1: {  	v25 =	vld.idx.msk [tilespmem:v35+s20+$0x0], $0xffff;
	[tilespmem:$0x1FBE0] =	vst v27  }
0xe2: {  	v27 =	vld.idx.msk [tilespmem:v27+s19+$0x0], $0xffff  }
0xe3: {  	v4 =	vshll.u32 v4, $0x7;
	v28 =	vld.idx.msk [tilespmem:v29+s18+$0x0], $0xffff;
	[tilespmem:$0x1FBF0] =	vst v29  }
0xe4: {  	v1 =	vor.u32 v58, v4;
	v29 =	vld.idx.msk [tilespmem:v29+s19+$0x0], $0xffff  }
0xe5: {  	v0 =	vshll.u32 v0, $0x7;
	v10 =	vor.u32 v55, v4;
	v30 =	vld.idx.msk [tilespmem:v31+s18+$0x0], $0xffff;
	[tilespmem:$0x1FC00] =	vst v31  }
0xe6: {  	v32 =	vor.u32 v58, v0;
	v31 =	vld.idx.msk [tilespmem:v31+s19+$0x0], $0xffff  }
0xe7: {  	v3 =	vshll.u32 v3, $0x7;
	v34 =	vor.u32 v55, v0;
	v33 =	vld.idx.msk [tilespmem:v35+s18+$0x0], $0xffff;
	[tilespmem:$0x1FC10] =	vst v35  }
0xe8: {  	v36 =	vor.u32 v7, v3;
	v35 =	vld.idx.msk [tilespmem:v35+s19+$0x0], $0xffff  }
0xe9: {  	v37 =	vor.u32 v54, v0;
	v1 =	vld.idx.msk [tilespmem:v1+s29+$0x0], $0xffff  }
0xea: {  	v38 =	vor.u32 v56, v0;
	v39 =	vld.idx.msk [tilespmem:v10+s29+$0x0], $0xffff  }
0xeb: {  	v40 =	vor.u32 v8, v3;
	v10 =	vld.idx.msk [tilespmem:v32+s26+$0x0], $0xffff  }
0xec: {  	v50 =	vor.u32 v7, v0;
	v34 =	vld.idx.msk [tilespmem:v34+s26+$0x0], $0xffff  }
0xed: {  	v41 =	vor.u32 v8, v4;
	v36 =	vld.idx.msk [tilespmem:v36+s30+$0x0], $0xffff  }
0xee: {  	v42 =	vor.u32 v8, v0;
	v37 =	vld.idx.msk [tilespmem:v37+s26+$0x0], $0xffff  }
0xef: {  	v43 =	vor.u32 v5, v0;
	v38 =	vld.idx.msk [tilespmem:v38+s26+$0x0], $0xffff  }
0xf0: {  	v0 =	vor.u32 v6, v0;
	v40 =	vld.idx.msk [tilespmem:v40+s30+$0x0], $0xffff  }
0xf1: {  	v44 =	vor.u32 v5, v4;
	v32 =	vld.idx.msk [tilespmem:v50+s26+$0x0], $0xffff  }
0xf2: {  	v45 =	vor.u32 v6, v4;
	v41 =	vld.idx.msk [tilespmem:v41+s29+$0x0], $0xffff  }
0xf3: {  	v46 =	vor.u32 v5, v3;
	v42 =	vld.idx.msk [tilespmem:v42+s26+$0x0], $0xffff  }
0xf4: {  	v47 =	vor.u32 v7, v4;
	v43 =	vld.idx.msk [tilespmem:v43+s26+$0x0], $0xffff  }
0xf5: {  	v48 =	vor.u32 v6, v3;
	v9 =	vsub.f32 v9, v15;
	v0 =	vld.idx.msk [tilespmem:v0+s26+$0x0], $0xffff  }
0xf6: {  	v49 =	vor.u32 v56, v4;
	v17 =	vsub.f32 v17, v18;
	v20 =	vsub.f32 v20, v21;
	v44 =	vld.idx.msk [tilespmem:v44+s29+$0x0], $0xffff  }
0xf7: {  	v4 =	vor.u32 v54, v4;
	v51 =	vor.u32 v54, v3;
	v9 =	vmul.f32 v9, v2;
	v45 =	vld.idx.msk [tilespmem:v45+s29+$0x0], $0xffff  }
0xf8: {  	s21 =	simm.s32 $0x3;
	v23 =	vsub.f32 v23, v24;
	v17 =	vmul.f32 v17, v2;
	v20 =	vmul.f32 v20, v2;
	v46 =	vld.idx.msk [tilespmem:v46+s30+$0x0], $0xffff  }
0xf9: {  	v53 =	vmov s21;
	v52 =	vor.u32 v55, v3;
	v15 =	vadd.f32 v9, v15;
	v47 =	vld.idx.msk [tilespmem:v47+s29+$0x0], $0xffff  }
0xfa: {  	v48 =	vld.idx.msk [tilespmem:v48+s30+$0x0], $0xffff;
	v23 =	vmul.f32 v23, v2;
	v17 =	vadd.f32 v17, v18;
	v20 =	vadd.f32 v20, v21  }
0xfb: {  	v49 =	vld.idx.msk [tilespmem:v49+s29+$0x0], $0xffff;
	v11 =	vadd.f32 v15, v11;
	v26 =	vsub.f32 v26, v27  }
0xfc: {  	v50 =	vor.u32 v56, v3;
	v4 =	vld.idx.msk [tilespmem:v4+s29+$0x0], $0xffff;
	v23 =	vadd.f32 v23, v24;
	v28 =	vsub.f32 v28, v29  }
0xfd: {  	v3 =	vor.u32 v58, v3;
	v18 =	vld.idx.msk [tilespmem:v51+s30+$0x0], $0xffff;
	v30 =	vsub.f32 v30, v31;
	v33 =	vsub.f32 v33, v35  }
0xfe: {  	v9 =	vld.idx.msk [tilespmem:v53+s4+$0x0], $0xffff;
	v24 =	vshll.u32 v53, $0x7;
	v26 =	vmul.f32 v26, v2;
	v28 =	vmul.f32 v28, v2  }
0xff: {  	v21 =	vld.idx.msk [tilespmem:v52+s30+$0x0], $0xffff;
	v12 =	vadd.f32 v17, v12;
	v30 =	vmul.f32 v30, v2;
	v2 =	vmul.f32 v33, v2  }
0x100: {  	v15 =	vld.idx.msk [tilespmem:v53+s8+$0x0], $0xffff;
	v52 =	vor.u32 v56, v24;
	v20 =	vadd.f32 v20, v13;
	v14 =	vadd.f32 v23, v14  }
0x101: {  	v17 =	vld.idx.msk [tilespmem:v53+s12+$0x0], $0xffff;
	v51 =	vor.u32 v54, v24;
	v26 =	vadd.f32 v26, v27;
	v2 =	vadd.f32 v2, v35  }
0x102: {  	v23 =	vld.idx.msk [tilespmem:v53+s10+$0x0], $0xffff;
	v28 =	vadd.f32 v28, v29;
	v29 =	vor.u32 v58, v24;
	v27 =	vadd.f32 v30, v31  }
0x103: {  	v50 =	vld.idx.msk [tilespmem:v50+s30+$0x0], $0xffff;
	v31 =	vor.u32 v55, v24;
	v16 =	vadd.f32 v26, v16;
	v2 =	vadd.f32 v2, v25  }
0x104: {  	v3 =	vld.idx.msk [tilespmem:v3+s30+$0x0], $0xffff;
	v26 =	vadd.f32 v12, v34;
	v22 =	vadd.f32 v27, v22  }
0x105: {  	v12 =	vld.idx.msk [tilespmem:v52+s20+$0x0], $0xffff;
	v19 =	vadd.f32 v28, v19;
	v2 =	vadd.f32 v2, v43  }
0x106: {  	v53 =	vor.u32 v7, v24;
	v20 =	vadd.f32 v20, v37;
	v27 =	vld.idx.msk [tilespmem:v51+s20+$0x0], $0xffff;
	v22 =	vadd.f32 v22, v42  }
0x107: {  	v19 =	vadd.f32 v19, v0;
	v13 =	vld.idx.msk [tilespmem:v29+s20+$0x0], $0xffff;
	v2 =	vadd.f32 v2, v44  }
0x108: {  	v57 =	vor.u32 v6, v24;
	v16 =	vadd.f32 v16, v32;
	v25 =	vld.idx.msk [tilespmem:v31+s20+$0x0], $0xffff;
	v22 =	vadd.f32 v22, v41  }
0x109: {  	v19 =	vadd.f32 v19, v45;
	v0 =	vadd.f32 v2, v46;
	v2 =	vld.idx.msk [tilespmem:v29+s18+$0x0], $0xffff;
	[tilespmem:$0x1FC20] =	vst v29  }
0x10a: {  	v14 =	vadd.f32 v14, v38;
	v41 =	vadd.f32 v22, v40;
	v22 =	vld.idx.msk [tilespmem:v29+s19+$0x0], $0xffff  }
0x10b: {  	v60 =	vor.u32 v8, v24;
	v16 =	vadd.f32 v16, v47;
	v59 =	vadd.f32 v19, v48;
	v29 =	vld.idx.msk [tilespmem:v53+s20+$0x0], $0xffff  }
0x10c: {  	v30 =	vmul.f32 v41, v41;
	v19 =	vld.idx.msk [tilespmem:v31+s18+$0x0], $0xffff;
	[tilespmem:$0x1FC30] =	vst v31;
	v28 =	vmul.f32 v0, v0  }
0x10d: {  	v14 =	vadd.f32 v14, v49;
	v36 =	vadd.f32 v16, v36;
	v16 =	vld.idx.msk [tilespmem:v31+s19+$0x0], $0xffff  }
0x10e: {  	v62 =	vor.u32 v5, v24;
	v31 =	vld.idx.msk [tilespmem:v57+s20+$0x0], $0xffff;
	v28 =	vadd.f32 v30, v28;
	v30 =	vmul.f32 v59, v59  }
0x10f: {  	v4 =	vadd.f32 v20, v4;
	v63 =	vadd.f32 v14, v50;
	v20 =	vld.idx.msk [tilespmem:v51+s18+$0x0], $0xffff;
	[tilespmem:$0x1FC40] =	vst v51  }
0x110: {  	v14 =	vld.idx.msk [tilespmem:v51+s19+$0x0], $0xffff;
	[tilespmem:$0x1FC50] =	vst v41;
	v24 =	vadd.f32 v30, v28;
	v28 =	vmul.f32 v36, v36  }
0x111: {  	v32 =	vld.idx.msk [tilespmem:v60+s20+$0x0], $0xffff  }
0x112: {  	v47 =	vadd.f32 v4, v18;
	v4 =	vadd.f32 v28, v24;
	v24 =	vld.idx.msk [tilespmem:v52+s18+$0x0], $0xffff;
	[tilespmem:$0x1FC60] =	vst v59  }
0x113: {  	v26 =	vadd.f32 v26, v39;
	[tilespmem:$0x1FC70] =	vst v52  }
0x114: {  	v10 =	vadd.f32 v11, v10;
	v28 =	vld.idx.msk [tilespmem:v52+s19+$0x0], $0xffff  }
0x115: {  	v18 =	vmul.f32 v63, v63;
	v39 =	vadd.f32 v26, v21;
	v61 =	vadd.f32 $0.0e+00, v0;
	v21 =	vld.idx.msk [tilespmem:v62+s20+$0x0], $0xffff  }
0x116: {  	v1 =	vadd.f32 v10, v1;
	v26 =	vld.idx.msk [tilespmem:v53+s18+$0x0], $0xffff;
	[tilespmem:$0x1FC80] =	vst v36  }
0x117: {  	v30 =	vadd.f32 v41, v61;
	[tilespmem:$0x1FC90] =	vst v53;
	v4 =	vadd.f32 v18, v4;
	v18 =	vmul.f32 v47, v47  }
0x118: {  	v49 =	vadd.f32 v1, v3;
	v3 =	vshll.u32 v15, $0x7;
	v15 =	vld.idx.msk [tilespmem:v57+s18+$0x0], $0xffff  }
0x119: {  	v11 =	vadd.f32 v59, v30;
	v4 =	vadd.f32 v18, v4;
	v18 =	vld.idx.msk [tilespmem:v53+s19+$0x0], $0xffff;
	[tilespmem:$0x1FCA0] =	vst v63  }
0x11a: {  	[tilespmem:$0x1FCB0] =	vst v57  }
0x11b: {  	v10 =	vadd.f32 v36, v11;
	v11 =	vmul.f32 v39, v39;
	v30 =	vld.idx.msk [tilespmem:v57+s19+$0x0], $0xffff  }
0x11c: {  	v23 =	vshll.u32 v23, $0x7;
	v51 =	vor.u32 v58, v3;
	v34 =	vld.idx.msk [tilespmem:v60+s18+$0x0], $0xffff;
	[tilespmem:$0x1FCC0] =	vst v47  }
0x11d: {  	v1 =	vadd.f32 v63, v10;
	v10 =	vmul.f32 v49, v49;
	[tilespmem:$0x1FCD0] =	vst v60;
	v4 =	vadd.f32 v11, v4  }
0x11e: {  	v2 =	vsub.f32 v2, v22;
	v19 =	vsub.f32 v19, v16;
	v52 =	vor.u32 v55, v3;
	v53 =	vld.idx.msk [tilespmem:v60+s19+$0x0], $0xffff  }
0x11f: {  	v17 =	vshll.u32 v17, $0x7;
	v59 =	vor.u32 v58, v23;
	v10 =	vadd.f32 v10, v4;
	v4 =	vld.idx.msk [tilespmem:v62+s18+$0x0], $0xffff;
	[tilespmem:$0x1FCE0] =	vst v39  }
0x120: {  	v61 =	vor.u32 v6, v3;
	v20 =	vsub.f32 v20, v14;
	v1 =	vadd.f32 v47, v1;
	[tilespmem:$0x1FCF0] =	vst v62  }
0x121: {  	v2 =	vmul.f32 v2, v9;
	v19 =	vmul.f32 v19, v9;
	v63 =	vor.u32 v8, v3;
	v60 =	vld.idx.msk [tilespmem:v62+s19+$0x0], $0xffff  }
0x122: {  	v48 =	vor.u32 v6, v17;
	v20 =	vmul.f32 v20, v9;
	v11 =	vadd.f32 v39, v1;
	v1 =	vld.idx.msk [tilespmem:v51+s30+$0x0], $0xffff  }
0x123: {  	v50 =	vor.u32 v8, v17;
	v2 =	vadd.f32 v2, v22;
	v16 =	vadd.f32 v19, v16;
	v35 =	vld.idx.msk [tilespmem:v52+s30+$0x0], $0xffff  }
0x124: {  	v14 =	vadd.f32 v20, v14;
	v20 =	vor.u32 v5, v23;
	v24 =	vsub.f32 v24, v28;
	v22 =	vld.idx.msk [tilespmem:v59+s26+$0x0], $0xffff  }
0x125: {  	v19 =	vor.u32 v5, v17;
	v2 =	vadd.f32 v2, v13;
	v40 =	vld.idx.msk [tilespmem:v61+s30+$0x0], $0xffff  }
0x126: {  	v57 =	vor.u32 v58, v17;
	v16 =	vadd.f32 v16, v25;
	v24 =	vmul.f32 v24, v9;
	v33 =	vld.idx.msk [tilespmem:v63+s30+$0x0], $0xffff  }
0x127: {  	v52 =	vor.u32 v8, v23;
	v26 =	vsub.f32 v26, v18;
	v42 =	vld.idx.msk [tilespmem:v48+s29+$0x0], $0xffff;
	v15 =	vsub.f32 v15, v30  }
0x128: {  	v51 =	vor.u32 v6, v23;
	v43 =	vld.idx.msk [tilespmem:v50+s29+$0x0], $0xffff;
	v34 =	vsub.f32 v34, v53;
	v4 =	vsub.f32 v4, v60  }
0x129: {  	v62 =	vor.u32 v54, v23;
	v20 =	vld.idx.msk [tilespmem:v20+s26+$0x0], $0xffff;
	v26 =	vmul.f32 v26, v9;
	v15 =	vmul.f32 v15, v9  }
0x12a: {  	v19 =	vld.idx.msk [tilespmem:v19+s29+$0x0], $0xffff;
	v34 =	vmul.f32 v34, v9;
	v4 =	vmul.f32 v4, v9;
	v9 =	vor.u32 v7, v23  }
0x12b: {  	v14 =	vadd.f32 v14, v27;
	v37 =	vld.idx.msk [tilespmem:v57+s29+$0x0], $0xffff;
	v18 =	vadd.f32 v26, v18;
	v26 =	vor.u32 v5, v3  }
0x12c: {  	v24 =	vadd.f32 v24, v28;
	v28 =	vld.idx.msk [tilespmem:v52+s26+$0x0], $0xffff;
	v34 =	vadd.f32 v34, v53;
	v53 =	vor.u32 v56, v23  }
0x12d: {  	v15 =	vadd.f32 v15, v30;
	v30 =	vor.u32 v7, v17;
	v13 =	vld.idx.msk [tilespmem:v51+s26+$0x0], $0xffff;
	v4 =	vadd.f32 v4, v60  }
0x12e: {  	v25 =	vor.u32 v56, v17;
	v11 =	vadd.f32 v49, v11;
	v41 =	vld.idx.msk [tilespmem:v62+s26+$0x0], $0xffff;
	v18 =	vadd.f32 v18, v29  }
0x12f: {  	v29 =	vor.u32 v7, v3;
	v27 =	vadd.f32 v34, v32;
	v4 =	vadd.f32 v4, v21;
	v9 =	vld.idx.msk [tilespmem:v9+s26+$0x0], $0xffff  }
0x130: {  	v12 =	vadd.f32 v24, v12;
	v15 =	vadd.f32 v15, v31;
	v21 =	vor.u32 v55, v23;
	v23 =	vld.idx.msk [tilespmem:v26+s30+$0x0], $0xffff  }
0x131: {  	v24 =	vld.idx.msk [tilespmem:v53+s26+$0x0], $0xffff;
	v26 =	vor.u32 v56, v3;
	v4 =	vadd.f32 v4, v20;
	v20 =	vadd.f32 v27, v28  }
0x132: {  	v2 =	vadd.f32 v2, v22;
	v22 =	vld.idx.msk [tilespmem:v30+s29+$0x0], $0xffff;
	v13 =	vadd.f32 v15, v13;
	v27 =	vor.u32 v54, v17  }
0x133: {  	v15 =	vor.u32 v55, v17;
	v17 =	vld.idx.msk [tilespmem:v25+s29+$0x0], $0xffff;
	v4 =	vadd.f32 v4, v19;
	v19 =	vadd.f32 v20, v43  }
0x134: {  	s13 =	simm.s32 $0x2;
	v3 =	vor.u32 v54, v3;
	v13 =	vadd.f32 v13, v42;
	v20 =	vld.idx.msk [tilespmem:v29+s30+$0x0], $0xffff;
	v9 =	vadd.f32 v18, v9  }
0x135: {  	v18 =	vld.idx.msk [tilespmem:v21+s26+$0x0], $0xffff;
	v21 =	vmov s13;
	v28 =	vadd.f32 v4, v23;
	v25 =	vadd.f32 v19, v33  }
0x136: {  	v4 =	vadd.f32 v12, v24;
	v12 =	vld.idx.msk [tilespmem:v26+s30+$0x0], $0xffff;
	v24 =	vadd.f32 v13, v40;
	v19 =	vshll.u32 v21, $0x7  }
0x137: {  	v13 =	vld.idx.msk [tilespmem:v27+s29+$0x0], $0xffff;
	v9 =	vadd.f32 v9, v22;
	v22 =	vmul.f32 v28, v28;
	v23 =	vmul.f32 v25, v25  }
0x138: {  	v14 =	vadd.f32 v14, v41;
	v15 =	vld.idx.msk [tilespmem:v15+s29+$0x0], $0xffff;
	v45 =	vor.u32 v58, v19;
	v4 =	vadd.f32 v4, v17  }
0x139: {  	v3 =	vld.idx.msk [tilespmem:v3+s30+$0x0], $0xffff;
	v17 =	vadd.f32 v23, v22;
	v22 =	vmul.f32 v24, v24;
	v20 =	vadd.f32 v9, v20  }
0x13a: {  	v46 =	vor.u32 v55, v19;
	v9 =	vadd.f32 v16, v18;
	v16 =	vld.idx.msk [tilespmem:v21+s8+$0x0], $0xffff;
	[tilespmem:$0x1FD00] =	vst v28;
	v18 =	vadd.f32 $0.0e+00, v28  }
0x13b: {  	v23 =	vadd.f32 v4, v12;
	v28 =	vld.idx.msk [tilespmem:v21+s4+$0x0], $0xffff;
	v4 =	vadd.f32 v22, v17;
	v12 =	vmul.f32 v20, v20  }
0x13c: {  	v2 =	vadd.f32 v2, v37;
	v17 =	vld.idx.msk [tilespmem:v21+s12+$0x0], $0xffff;
	v13 =	vadd.f32 v14, v13;
	[tilespmem:$0x1FD10] =	vst v25  }
0x13d: {  	v47 =	vor.u32 v54, v19;
	v14 =	vadd.f32 v25, v18;
	v18 =	vld.idx.msk [tilespmem:v21+s10+$0x0], $0xffff;
	v4 =	vadd.f32 v12, v4  }
0x13e: {  	v12 =	vmul.f32 v23, v23;
	v22 =	vadd.f32 v13, v3;
	v3 =	vld.idx.msk [tilespmem:v45+s18+$0x0], $0xffff;
	[tilespmem:$0x1FD20] =	vst v24  }
0x13f: {  	v48 =	vor.u32 v56, v19;
	v9 =	vadd.f32 v9, v15;
	v29 =	vld.idx.msk [tilespmem:v45+s19+$0x0], $0xffff;
	[tilespmem:$0x1FD30] =	vst v20  }
0x140: {  	v13 =	vadd.f32 v24, v14;
	v4 =	vadd.f32 v12, v4;
	v12 =	vshll.u32 v16, $0x7;
	v16 =	vld.idx.msk [tilespmem:v46+s18+$0x0], $0xffff  }
0x141: {  	v24 =	vadd.f32 v9, v35;
	v9 =	vld.idx.msk [tilespmem:v46+s19+$0x0], $0xffff;
	[tilespmem:$0x1FD40] =	vst v23;
	v15 =	vor.u32 v58, v12  }
0x142: {  	v27 =	vadd.f32 v2, v1;
	v13 =	vadd.f32 v20, v13;
	v2 =	vld.idx.msk [tilespmem:v47+s18+$0x0], $0xffff  }
0x143: {  	v14 =	vmul.f32 v22, v22;
	v17 =	vshll.u32 v17, $0x7;
	v20 =	vor.u32 v55, v12;
	v30 =	vld.idx.msk [tilespmem:v47+s19+$0x0], $0xffff  }
0x144: {  	v21 =	vor.u32 v54, v12;
	[tilespmem:$0x1FD50] =	vst v22;
	v1 =	vadd.f32 v23, v13;
	v13 =	vor.u32 v58, v17  }
0x145: {  	v4 =	vadd.f32 v14, v4;
	v14 =	vmul.f32 v24, v24;
	v31 =	vld.idx.msk [tilespmem:v48+s18+$0x0], $0xffff;
	v18 =	vshll.u32 v18, $0x7  }
0x146: {  	v25 =	vor.u32 v58, v18;
	v1 =	vadd.f32 v22, v1;
	v15 =	vld.idx.msk [tilespmem:v15+s30+$0x0], $0xffff;
	[tilespmem:$0x1FD60] =	vst v49  }
0x147: {  	v26 =	vor.u32 v56, v12;
	v4 =	vadd.f32 v14, v4;
	v14 =	vmul.f32 v27, v27;
	[tilespmem:$0x1FD70] =	vst v24  }
0x148: {  	(xrf2) =	vadd.scan.msk.f32 $0xffff, v10;
	v10 =	vor.u32 v54, v17;
	v1 =	vadd.f32 v24, v1;
	v23 =	vld.idx.msk [tilespmem:v20+s30+$0x0], $0xffff  }
0x149: {  	(xrf2) =	vadd.scan.msk.f32 $0xffff, v11;
	v11 =	vor.u32 v55, v18;
	v4 =	vadd.f32 v14, v4;
	v24 =	vld.idx.msk [tilespmem:v13+s29+$0x0], $0xffff;
	[tilespmem:$0x1FD80] =	vst v27  }
0x14a: {  	v1 =	vadd.f32 v27, v1;
	v14 =	vld.idx.msk [tilespmem:v21+s30+$0x0], $0xffff  }
0x14b: {  	v50 =	vor.u32 v6, v19;
	(xrf2) =	vadd.scan.msk.f32 $0xffff, v4;
	v32 =	vld.idx.msk [tilespmem:v25+s26+$0x0], $0xffff  }
0x14c: {  	v21 =	vld.idx.msk [tilespmem:v26+s30+$0x0], $0xffff;
	(xrf2) =	vadd.scan.msk.f32 $0xffff, v1  }
0x14d: {  	v51 =	vor.u32 v8, v19;
	v13 =	vld.idx.msk [tilespmem:v10+s29+$0x0], $0xffff  }
0x14e: {  	v4 =	vor.u32 v7, v12;
	v25 =	vld.idx.msk [tilespmem:v11+s26+$0x0], $0xffff  }
0x14f: {  	v26 =	vor.u32 v7, v17;
	v11 =	vld.idx.msk [tilespmem:v48+s19+$0x0], $0xffff  }
0x150: {  	v34 =	vld.idx.msk [tilespmem:v50+s18+$0x0], $0xffff  }
0x151: {  	v49 =	vor.u32 v7, v19;
	v35 =	vld.idx.msk [tilespmem:v50+s19+$0x0], $0xffff  }
0x152: {  	v60 =	vld.idx.msk [tilespmem:v51+s18+$0x0], $0xffff  }
0x153: {  	v22 =	vor.u32 v55, v17;
	v10, _, _ =	vpop (xrf2);
	v20 =	vld.idx.msk [tilespmem:v4+s30+$0x0], $0xffff  }
0x154: {  	v3 =	vsub.f32 v3, v29;
	v1 =	vor.u32 v56, v17;
	v4 =	vld.idx.msk [tilespmem:v26+s29+$0x0], $0xffff;
	v26, _, _ =	vpop (xrf2)  }
0x155: {  	v52 =	vor.u32 v5, v19;
	v16 =	vsub.f32 v16, v9;
	v40 =	vld.idx.msk [tilespmem:v51+s19+$0x0], $0xffff;
	v27, _, _ =	vpop (xrf2)  }
0x156: {  	v36 =	vor.u32 v56, v18;
	v3 =	vmul.f32 v3, v28;
	v33 =	vld.idx.msk [tilespmem:v49+s18+$0x0], $0xffff;
	v57, _, _ =	vpop (xrf2)  }
0x157: {  	v2 =	vsub.f32 v2, v30;
	v16 =	vmul.f32 v16, v28;
	v19 =	vld.idx.msk [tilespmem:v49+s19+$0x0], $0xffff;
	v59 =	vmul.f32 $7.812500000e-03, v57  }
0x158: {  	v61 =	vor.u32 v6, v17;
	v63 =	vor.u32 v8, v18;
	v3 =	vadd.f32 v3, v29;
	v22 =	vld.idx.msk [tilespmem:v22+s29+$0x0], $0xffff  }
0x159: {  	v2 =	vmul.f32 v2, v28;
	v9 =	vadd.f32 v16, v9;
	v10 =	vmul.f32 $7.812500000e-03, v10;
	v1 =	vld.idx.msk [tilespmem:v1+s29+$0x0], $0xffff;
	[tilespmem:$0x1FD90] =	vst v59  }
0x15a: {  	v31 =	vsub.f32 v31, v11;
	v26 =	vmul.f32 $7.812500000e-03, v26;
	v57 =	vor.u32 v5, v18;
	v53 =	vld.idx.msk [tilespmem:v52+s18+$0x0], $0xffff  }
0x15b: {  	v34 =	vsub.f32 v34, v35;
	v37 =	vsub.f32 v60, v40;
	v41 =	vmul.f32 v59, v59;
	v59 =	vld.idx.msk [tilespmem:v52+s19+$0x0], $0xffff  }
0x15c: {  	v33 =	vsub.f32 v33, v19;
	v31 =	vmul.f32 v31, v28;
	v62 =	vmul.f32 v26, v26;
	v29 =	vld.idx.msk [tilespmem:v36+s26+$0x0], $0xffff  }
0x15d: {  	v2 =	vadd.f32 v2, v30;
	v37 =	vmul.f32 v37, v28;
	v27 =	vmul.f32 $7.812500000e-03, v27;
	v36 =	vld.idx.msk [tilespmem:v61+s29+$0x0], $0xffff  }
0x15e: {  	v34 =	vmul.f32 v34, v28;
	v33 =	vmul.f32 v33, v28;
	v10 =	vsub.f32 v10, v62;
	v38 =	vld.idx.msk [tilespmem:v63+s26+$0x0], $0xffff  }
0x15f: {  	v11 =	vadd.f32 v31, v11;
	v27 =	vsub.f32 v27, v41;
	v41 =	vld.idx.msk [tilespmem:v57+s26+$0x0], $0xffff;
	[tilespmem:$0x1FDA0] =	vst v45  }
0x160: {  	v31 =	vadd.f32 v37, v40;
	v10 =	vadd.f32 $9.999999740e-06, v10;
	v61 =	vld.idx.msk [tilespmem:v45+s20+$0x0], $0xffff;
	[tilespmem:$0x1FDB0] =	vst v46  }
0x161: {  	v34 =	vadd.f32 v34, v35;
	v19 =	vadd.f32 v33, v19;
	v62 =	vld.idx.msk [tilespmem:v46+s20+$0x0], $0xffff;
	[tilespmem:$0x1FDC0] =	vst v47  }
0x162: {  	s21 =	simm.s32 $0x1;
	v10 =	vbroadcast v10, $0xF;
	v63 =	vor.u32 v6, v18;
	v60 =	vsub.f32 v53, v59;
	v16 =	vld.idx.msk [tilespmem:v47+s20+$0x0], $0xffff;
	[tilespmem:$0x1FDD0] =	vst v48  }
0x163: {  	v40 =	vmov s21;
	v46 =	vor.u32 v5, v17;
	v17 =	vor.u32 v8, v17;
	v30 =	vld.idx.msk [tilespmem:v48+s20+$0x0], $0xffff;
	[tilespmem:$0x1FDE0] =	vst v49  }
0x164: {  	v28 =	vmul.f32 v60, v28;
	v37 =	vld.idx.msk [tilespmem:v49+s20+$0x0], $0xffff;
	v49 =	vshra.s32 v10, $0x1;
	v10 =	vmul.f32 $5.000000000e-01, v10;
	[tilespmem:$0x1FDF0] =	vst v50  }
0x165: {  	v60 =	vor.u32 v7, v18;
	v45 =	vld.idx.msk [tilespmem:v50+s20+$0x0], $0xffff;
	v35 =	vsub.s32 $0x5F3759DF, v49;
	[tilespmem:$0x1FE00] =	vst v52;
	v3 =	vadd.f32 v3, v61  }
0x166: {  	v53 =	vld.idx.msk [tilespmem:v52+s20+$0x0], $0xffff;
	v28 =	vadd.f32 v28, v59;
	v57 =	vmul.f32 v35, v10;
	[tilespmem:$0x1FE10] =	vst v51  }
0x167: {  	v61 =	vor.u32 v5, v12;
	v9 =	vadd.f32 v9, v62;
	v59 =	vld.idx.msk [tilespmem:v51+s20+$0x0], $0xffff;
	v2 =	vadd.f32 v2, v16  }
0x168: {  	v16 =	vld.idx.msk [tilespmem:v63+s26+$0x0], $0xffff;
	v3 =	vadd.f32 v3, v32;
	v39 =	vmul.f32 v35, v57;
	v11 =	vadd.f32 v11, v30  }
0x169: {  	v62 =	vor.u32 v8, v12;
	v63 =	vld.idx.msk [tilespmem:v40+s10+$0x0], $0xffff;
	v9 =	vadd.f32 v9, v25;
	v19 =	vadd.f32 v19, v37  }
0x16a: {  	v18 =	vor.u32 v54, v18;
	v30 =	vld.idx.msk [tilespmem:v46+s29+$0x0], $0xffff;
	v3 =	vadd.f32 v3, v24;
	v46 =	vsub.f32 $1.500000000e+00, v39  }
0x16b: {  	v12 =	vor.u32 v6, v12;
	v17 =	vld.idx.msk [tilespmem:v17+s29+$0x0], $0xffff;
	v34 =	vadd.f32 v34, v45;
	v28 =	vadd.f32 v28, v53  }
0x16c: {  	v49 =	vld.idx.msk [tilespmem:v60+s26+$0x0], $0xffff;
	v11 =	vadd.f32 v11, v29;
	v31 =	vadd.f32 v31, v59  }
0x16d: {  	v51 =	vld.idx.msk [tilespmem:v61+s30+$0x0], $0xffff;
	v9 =	vadd.f32 v9, v22;
	v28 =	vadd.f32 v28, v41  }
0x16e: {  	v52 =	vld.idx.msk [tilespmem:v62+s30+$0x0], $0xffff;
	v50 =	vmul.f32 v35, v46;
	v37 =	vshll.u32 v63, $0x7;
	v31 =	vadd.f32 v31, v38  }
0x16f: {  	v53 =	vld.idx.msk [tilespmem:v18+s26+$0x0], $0xffff;
	v16 =	vadd.f32 v34, v16;
	v57 =	vor.u32 v55, v37;
	v28 =	vadd.f32 v28, v30  }
0x170: {  	v12 =	vld.idx.msk [tilespmem:v12+s30+$0x0], $0xffff;
	v30 =	vor.u32 v58, v37;
	v18 =	vadd.f32 v31, v17;
	v31 =	vshll.u32 v40, $0x7  }
0x171: {  	v43 =	vld.idx.msk [tilespmem:v40+s12+$0x0], $0xffff;
	v1 =	vadd.f32 v11, v1;
	v19 =	vadd.f32 v19, v49;
	v58 =	vor.u32 v58, v31  }
0x172: {  	v29 =	vld.idx.msk [tilespmem:v40+s4+$0x0], $0xffff;
	v17 =	vadd.f32 v28, v51;
	v28 =	vmul.f32 v50, v10;
	v59 =	vor.u32 v55, v31  }
0x173: {  	v46 =	vld.idx.msk [tilespmem:v40+s8+$0x0], $0xffff;
	v16 =	vadd.f32 v16, v36;
	v60 =	vor.u32 v54, v31;
	v18 =	vadd.f32 v18, v52  }
0x174: {  	v4 =	vadd.f32 v19, v4;
	v61 =	vor.u32 v56, v31;
	v35 =	vld.idx.msk [tilespmem:v57+s26+$0x0], $0xffff;
	v11 =	vmul.f32 v28, v50  }
0x175: {  	v19 =	vadd.f32 v16, v12;
	v12 =	vmul.f32 v17, v17;
	v45 =	vld.idx.msk [tilespmem:v30+s26+$0x0], $0xffff;
	v16 =	vmul.f32 v18, v18  }
0x176: {  	v20 =	vadd.f32 v4, v20;
	v4 =	vsub.f32 $1.500000000e+00, v11;
	v32 =	vld.idx.msk [tilespmem:v58+s20+$0x0], $0xffff  }
0x177: {  	v11 =	vadd.f32 v16, v12;
	v12 =	vor.u32 v7, v31;
	v30 =	vld.idx.msk [tilespmem:v59+s20+$0x0], $0xffff;
	v16 =	vmul.f32 v19, v19  }
0x178: {  	v24 =	vadd.f32 v3, v15;
	v2 =	vadd.f32 v2, v53;
	v34 =	vld.idx.msk [tilespmem:v60+s20+$0x0], $0xffff  }
0x179: {  	v21 =	vadd.f32 v1, v21;
	v1 =	vmul.f32 v20, v20;
	v33 =	vld.idx.msk [tilespmem:v61+s20+$0x0], $0xffff;
	v11 =	vadd.f32 v16, v11  }
0x17a: {  	v62 =	vor.u32 v6, v31;
	v2 =	vadd.f32 v2, v13;
	v25 =	vadd.f32 $0.0e+00, v17;
	v16 =	vld.idx.msk [tilespmem:v58+s18+$0x0], $0xffff;
	[tilespmem:$0x1FE20] =	vst v58  }
0x17b: {  	v39 =	vld.idx.msk [tilespmem:v58+s19+$0x0], $0xffff;
	[tilespmem:$0x1FE30] =	vst v18;
	v1 =	vadd.f32 v1, v11;
	v11 =	vmul.f32 v21, v21  }
0x17c: {  	v22 =	vadd.f32 v2, v14;
	v2 =	vadd.f32 v18, v25;
	v4 =	vmul.f32 v4, v50;
	v36 =	vld.idx.msk [tilespmem:v12+s20+$0x0], $0xffff  }
0x17d: {  	v18 =	vor.u32 v8, v31;
	v1 =	vadd.f32 v11, v1;
	v11 =	vld.idx.msk [tilespmem:v59+s18+$0x0], $0xffff;
	[tilespmem:$0x1FE40] =	vst v59  }
0x17e: {  	v46 =	vshll.u32 v46, $0x7;
	v25 =	vadd.f32 $9.999999740e-06, v27;
	v10 =	vmul.f32 v4, v10;
	v51 =	vld.idx.msk [tilespmem:v59+s19+$0x0], $0xffff  }
0x17f: {  	v14 =	vadd.f32 v9, v23;
	v27 =	vmul.f32 v22, v22;
	v2 =	vadd.f32 v19, v2;
	v38 =	vld.idx.msk [tilespmem:v62+s20+$0x0], $0xffff  }
0x180: {  	v48 =	vor.u32 v5, v46;
	v9 =	vmul.f32 v10, v4;
	v10 =	vbroadcast v25, $0xF;
	v63 =	vld.idx.msk [tilespmem:v60+s18+$0x0], $0xffff;
	[tilespmem:$0x1FE50] =	vst v60  }
0x181: {  	v15 =	vmul.f32 v14, v14;
	v13 =	vmovc v12;
	v50 =	vshll.u32 v43, $0x7;
	v2 =	vadd.f32 v20, v2;
	v40 =	vld.idx.msk [tilespmem:v60+s19+$0x0], $0xffff  }
0x182: {  	v55 =	vor.u32 v8, v50;
	v3 =	vsub.f32 $1.500000000e+00, v9;
	v9 =	vshra.s32 v10, $0x1;
	v49 =	vld.idx.msk [tilespmem:v18+s20+$0x0], $0xffff  }
0x183: {  	v53 =	vor.u32 v5, v50;
	v2 =	vadd.f32 v21, v2;
	v28 =	vsub.s32 $0x5F3759DF, v9;
	v9 =	vld.idx.msk [tilespmem:v61+s18+$0x0], $0xffff;
	[tilespmem:$0x1FE60] =	vst v61  }
0x184: {  	v58 =	vor.u32 v56, v50;
	v25 =	vmul.f32 $5.000000000e-01, v10;
	v10 =	vsub.f32 $0.0e+00, v26;
	v41 =	vld.idx.msk [tilespmem:v61+s19+$0x0], $0xffff  }
0x185: {  	v2 =	vadd.f32 v22, v2;
	v1 =	vadd.f32 v27, v1;
	v59 =	vld.idx.msk [tilespmem:v12+s18+$0x0], $0xffff;
	[tilespmem:$0x1FE70] =	vst v13  }
0x186: {  	v27 =	vmul.f32 v3, v4;
	v3 =	vmul.f32 v28, v25;
	v12 =	vor.u32 v5, v31;
	v42 =	vld.idx.msk [tilespmem:v13+s19+$0x0], $0xffff  }
0x187: {  	v4 =	vbroadcast v10, $0xF;
	v10 =	vmul.f32 v24, v24;
	v1 =	vadd.f32 v15, v1;
	v43 =	vld.idx.msk [tilespmem:v62+s19+$0x0], $0xffff  }
0x188: {  	v56 =	vor.u32 v7, v37;
	v2 =	vadd.f32 v14, v2;
	v61 =	vor.u32 v6, v50;
	v54 =	vld.idx.msk [tilespmem:v18+s18+$0x0], $0xffff  }
0x189: {  	v3 =	vmul.f32 v28, v3;
	v47 =	vadd.f32 v10, v1;
	v1 =	vld.idx.msk [tilespmem:v62+s18+$0x0], $0xffff;
	[tilespmem:$0x1FE80] =	vst v18  }
0x18a: {  	v26 =	vmul.f32 v27, v4;
	v13 =	vmul.f32 v27, v0;
	v44 =	vadd.f32 v24, v2;
	v52 =	vld.idx.msk [tilespmem:v18+s19+$0x0], $0xffff  }
0x18b: {  	v23 =	vmovc v62;
	v62 =	vor.u32 v7, v50;
	v31 =	vsub.f32 $1.500000000e+00, v3;
	v3 =	vsub.f32 v16, v39;
	v16 =	vld.idx.msk [tilespmem:v12+s18+$0x0], $0xffff  }
0x18c: {  	v2 =	vsub.f32 v11, v51;
	v10 =	vor.u32 v8, v46;
	v4 =	vsub.f32 v63, v40;
	v60 =	vld.idx.msk [tilespmem:v12+s19+$0x0], $0xffff  }
0x18d: {  	s11 =	simm.s32 $0x4;
	v63 =	vor.u32 v8, v37;
	v11 =	vsub.f32 v9, v41;
	v57 =	vld.idx.msk [tilespmem:v12+s20+$0x0], $0xffff;
	v9 =	vor.u32 v6, v37  }
.LBB3_3:
0x18e: {  	_ = 	snop  }
0x18f: {  	v58 =	vld.idx.msk [tilespmem:v58+s29+$0x0], $0xffff  }
0x190: {  	v62 =	vld.idx.msk [tilespmem:v62+s29+$0x0], $0xffff  }
0x191: {  	v10 =	vld.idx.msk [tilespmem:v10+s30+$0x0], $0xffff  }
0x192: {  	v61 =	vld.idx.msk [tilespmem:v61+s29+$0x0], $0xffff  }
0x193: {  	v0 =	vlaneseq.u32;
	v15 =	vld [tilespmem:$0x1FFB0]  }
0x194: {  	v9 =	vld.idx.msk [tilespmem:v9+s26+$0x0], $0xffff;
	v5 =	vor.u32 v0, v37;
	v2 =	vmul.f32 v2, v29;
	v3 =	vmul.f32 v3, v29  }
0x195: {  	v8 =	vld [tilespmem:$0x1FFD0];
	v11 =	vmul.f32 v11, v29;
	v1 =	vsub.f32 v1, v43;
	v59 =	vsub.f32 v59, v42  }
0x196: {  	v6 =	vld [tilespmem:$0x1FC50];
	v4 =	vmul.f32 v4, v29;
	v54 =	vsub.f32 v54, v52;
	v16 =	vsub.f32 v16, v60  }
0x197: {  	v0 =	vld [tilespmem:$0x1FFF0];
	v1 =	vmul.f32 v1, v29;
	v59 =	vmul.f32 v59, v29  }
0x198: {  	v3 =	vadd.f32 v3, v39;
	v54 =	vmul.f32 v54, v29;
	v16 =	vmul.f32 v16, v29;
	v29 =	vld.idx.msk [tilespmem:v63+s26+$0x0], $0xffff  }
0x199: {  	v4 =	vadd.f32 v4, v40;
	v2 =	vadd.f32 v2, v51;
	v63 =	vld [tilespmem:$0x1FFC0]  }
0x19a: {  	v11 =	vadd.f32 v11, v41;
	v40 =	vadd.f32 v59, v42;
	v59 =	vld [tilespmem:$0x1FF90]  }
0x19b: {  	(xrf2) =	vadd.scan.msk.f32 $0xffff, v47;
	v3 =	vadd.f32 v3, v32;
	v4 =	vadd.f32 v4, v34;
	v5 =	vld.idx.msk [tilespmem:v5+s26+$0x0], $0xffff  }
0x19c: {  	v39 =	vld.idx.msk [tilespmem:v55+s29+$0x0], $0xffff;
	v51 =	vadd.f32 v54, v52;
	v52 =	vor.u32 v15, v37;
	v16 =	vadd.f32 v16, v60  }
0x19d: {  	v32 =	vld.idx.msk [tilespmem:v53+s29+$0x0], $0xffff;
	v2 =	vadd.f32 v2, v30;
	v1 =	vadd.f32 v1, v43;
	v54 =	vor.u32 v0, v46  }
0x19e: {  	v30 =	vld.idx.msk [tilespmem:v56+s26+$0x0], $0xffff;
	v16 =	vadd.f32 v16, v57;
	v60 =	vadd.f32 v51, v49;
	v56 =	vor.u32 v63, v46  }
0x19f: {  	v11 =	vadd.f32 v11, v33;
	v33 =	vld.idx.msk [tilespmem:v48+s30+$0x0], $0xffff;
	v1 =	vadd.f32 v1, v38;
	v55 =	vor.u32 v59, v37  }
0x1a0: {  	(xrf2) =	vadd.scan.msk.f32 $0xffff, v44;
	v53 =	vor.u32 v8, v50;
	v5 =	vadd.f32 v16, v5;
	v16 =	vadd.f32 v60, v29;
	v60 =	vld [tilespmem:$0x1FFA0]  }
0x1a1: {  	v3 =	vadd.f32 v3, v45;
	v2 =	vadd.f32 v2, v35;
	v48 =	vor.u32 v59, v50;
	v49 =	vld.idx.msk [tilespmem:v52+s26+$0x0], $0xffff  }
0x1a2: {  	v36 =	vadd.f32 v40, v36;
	v51 =	vor.u32 v15, v46;
	v1 =	vadd.f32 v1, v9;
	v52 =	vld.idx.msk [tilespmem:v54+s30+$0x0], $0xffff  }
0x1a3: {  	v54 =	vor.u32 v59, v46;
	v5 =	vadd.f32 v5, v32;
	v16 =	vadd.f32 v16, v39;
	v34 =	vld.idx.msk [tilespmem:v56+s30+$0x0], $0xffff  }
0x1a4: {  	v1 =	vadd.f32 v1, v61;
	v61 =	vor.u32 v8, v46;
	v56 =	vadd.f32 v36, v30;
	v9 =	vld.idx.msk [tilespmem:v55+s26+$0x0], $0xffff  }
0x1a5: {  	v29 =	vadd.f32 v5, v33;
	v30 =	vadd.f32 v16, v10;
	v16 =	vld.idx.msk [tilespmem:v53+s29+$0x0], $0xffff;
	v55 =	vor.u32 v60, v50  }
0x1a6: {  	v57 =	vld.idx.msk [tilespmem:v48+s29+$0x0], $0xffff;
	v10 =	vadd.f32 v56, v62;
	v11 =	vadd.f32 v11, v49;
	v62 =	vor.u32 v60, v46  }
0x1a7: {  	v5 =	vld.idx.msk [tilespmem:v51+s30+$0x0], $0xffff;
	v33 =	vmul.f32 v29, v29;
	v47 =	vmul.f32 v30, v30;
	v32 =	vadd.f32 v1, v52  }
0x1a8: {  	v1 =	vld.idx.msk [tilespmem:v54+s30+$0x0], $0xffff;
	v51 =	vadd.f32 $0.0e+00, v29;
	v11 =	vadd.f32 v11, v58  }
0x1a9: {  	v50 =	vmul.f32 v27, v6;
	v6 =	vld [tilespmem:$0x1FC60];
	v48 =	vadd.f32 v47, v33;
	v4 =	vadd.f32 v4, v9  }
0x1aa: {  	v49 =	vmul.f32 v32, v32;
	v53 =	vadd.f32 v30, v51;
	v33 =	vadd.f32 v10, v34;
	v9 =	vld.idx.msk [tilespmem:v55+s29+$0x0], $0xffff  }
0x1ab: {  	v10 =	vld.idx.msk [tilespmem:v61+s30+$0x0], $0xffff;
	v0 =	vadd.f32 v2, v16;
	v4 =	vadd.f32 v4, v57  }
0x1ac: {  	v35 =	vadd.f32 v49, v48;
	v44 =	vadd.f32 v11, v5;
	v52 =	vmul.f32 v33, v33;
	v5 =	vld.idx.msk [tilespmem:v62+s30+$0x0], $0xffff  }
0x1ad: {  	v34 =	vadd.f32 v4, v1;
	v4 =	vadd.f32 v32, v53  }
0x1ae: {  	v11 =	vmul.f32 v27, v6;
	v54 =	vmul.f32 v44, v44;
	v16 =	vadd.f32 v52, v35  }
0x1af: {  	v55 =	vmul.f32 v28, v31;
	v3 =	vadd.f32 v3, v9;
	v4 =	vadd.f32 v33, v4  }
0x1b0: {  	v2, _, _ =	vpop (xrf2);
	v45 =	vadd.f32 v0, v10;
	v9 =	vadd.f32 v54, v16;
	v16 =	vmul.f32 v34, v34  }
0x1b1: {  	v56 =	vmul.f32 v55, v25;
	v28 =	vadd.f32 v3, v5;
	v5, _, _ =	vpop (xrf2);
	v4 =	vadd.f32 v44, v4  }
0x1b2: {  	v9 =	vadd.f32 v16, v9;
	v16 =	vmul.f32 v45, v45;
	v31 =	vmul.f32 $7.812500000e-03, v5  }
0x1b3: {  	v5 =	vadd.f32 v26, v11;
	v11 =	vmul.f32 v56, v55;
	v4 =	vadd.f32 v34, v4  }
0x1b4: {  	v9 =	vadd.f32 v16, v9;
	v16 =	vmul.f32 v28, v28  }
0x1b5: {  	v11 =	vsub.f32 $1.500000000e+00, v11;
	v4 =	vadd.f32 v45, v4  }
0x1b6: {  	v9 =	vadd.f32 v16, v9  }
0x1b7: {  	v11 =	vmul.f32 v11, v55;
	v4 =	vadd.f32 v28, v4  }
0x1b8: {  	v7 =	vld [tilespmem:$0x1FD90];
	(xrf2) =	vadd.scan.msk.f32 $0xffff, v9  }
0x1b9: {  	(xrf2) =	vadd.scan.msk.f32 $0xffff, v4;
	v4 =	vmul.f32 v11, v25;
	_ =	sdelay $0x1  }
0x1ba: {  	v4 =	vmul.f32 v4, v11;
	_ =	sdelay $0x1  }
0x1bb: {  	v7 =	vsub.f32 $0.0e+00, v7;
	v4 =	vsub.f32 $1.500000000e+00, v4  }
0x1bc: {  	v6 =	vld [tilespmem:$0x1FCA0]  }
0x1bd: {  	v4 =	vmul.f32 v4, v11;
	v11 =	vbroadcast v7, $0xF;
	v7 =	vld [tilespmem:$0x1FD00];
	_ =	sdelay $0x3  }
0x1be: {  	v10 =	vmul.f32 v27, v6;
	v6 =	vld [tilespmem:$0x1FCE0]  }
0x1bf: {  	v36 =	vmul.f32 v4, v7;
	v7 =	vld [tilespmem:$0x1FD30];
	_ =	sdelay $0x1  }
0x1c0: {  	v1 =	vld [tilespmem:$0x1FC80]  }
0x1c1: {  	v3 =	vld [tilespmem:$0x1FCC0]  }
0x1c2: {  	v58 =	vmul.f32 v27, v6;
	v6 =	vld [tilespmem:$0x1FD60]  }
0x1c3: {  	v40 =	vmul.f32 v4, v7;
	v7 =	vld [tilespmem:$0x1FD40]  }
0x1c4: {  	v2 =	vmul.f32 $7.812500000e-03, v2;
	v16 =	vmul.f32 v31, v31;
	_ =	sdelay $0x1  }
0x1c5: {  	v2 =	vsub.f32 v2, v16  }
0x1c6: {  	v57 =	vadd.f32 v26, v50;
	v1 =	vmul.f32 v27, v1;
	v9 =	vmul.f32 v27, v6;
	v6 =	vld [tilespmem:$0x1FE90]  }
0x1c7: {  	v3 =	vmul.f32 v27, v3;
	v2 =	vadd.f32 $9.999999740e-06, v2;
	v37 =	vmul.f32 v4, v7;
	v7 =	vld [tilespmem:$0x1FC10]  }
0x1c8: {  	v51 =	vld [tilespmem:$0x1FF10];
	v0 =	vadd.f32 v26, v13;
	v10 =	vadd.f32 v26, v10  }
0x1c9: {  	v1 =	vadd.f32 v26, v1;
	v3 =	vadd.f32 v26, v3;
	v2 =	vbroadcast v2, $0xF  }
0x1ca: {  	v25 =	vadd.f32 v26, v58;
	v9 =	vadd.f32 v26, v9  }
0x1cb: {  	v0 =	vmul.f32 v0, v6;
	v26 =	vshra.s32 v2, $0x1;
	v2 =	vmul.f32 $5.000000000e-01, v2  }
0x1cc: {  	v26 =	vsub.s32 $0x5F3759DF, v26  }
0x1cd: {  	v61 =	vadd.f32 v0, v51;
	v0 =	vmul.f32 v26, v2  }
0x1ce: {  	v42 =	vld [tilespmem:$0x1FEA0]  }
0x1cf: {  	v0 =	vmul.f32 v26, v0;
	[tilespmem:v7+s14+$0x0] =	vst.idx.msk $0xffff, v61;
	v7 =	vld [tilespmem:$0x1FC00]  }
0x1d0: {  	v52 =	vld [tilespmem:$0x1FF20]  }
0x1d1: {  	v62 =	vsub.f32 $1.500000000e+00, v0;
	v0 =	vld [tilespmem:$0x1FD10];
	_ =	sdelay $0x1  }
0x1d2: {  	v16 =	vmul.f32 v57, v42;
	_ =	sdelay $0x1  }
0x1d3: {  	v16 =	vadd.f32 v16, v52  }
0x1d4: {  	v38 =	vmul.f32 v4, v0;
	v0 =	vld [tilespmem:$0x1FD20]  }
0x1d5: {  	[tilespmem:v7+s14+$0x0] =	vst.idx.msk $0xffff, v16;
	v7 =	vld [tilespmem:$0x1FD50];
	_ =	sdelay $0x3  }
0x1d6: {  	v27, _, _ =	vpop (xrf2)  }
0x1d7: {  	v39 =	vmul.f32 v4, v0;
	v0, _, _ =	vpop (xrf2);
	v41 =	vmul.f32 v4, v7;
	v7 =	vld [tilespmem:$0x1FD70]  }
0x1d8: {  	v0 =	vmul.f32 $7.812500000e-03, v0;
	_ =	sdelay $0x1  }
0x1d9: {  	v27 =	vmul.f32 $7.812500000e-03, v27;
	v61 =	vmul.f32 v0, v0  }
0x1da: {  	v43 =	vld [tilespmem:$0x1FEB0]  }
0x1db: {  	v27 =	vsub.f32 v27, v61;
	v61 =	vmul.f32 v4, v7;
	v7 =	vld [tilespmem:$0x1FBF0]  }
0x1dc: {  	v53 =	vld [tilespmem:$0x1FF30];
	_ =	sdelay $0x2  }
0x1dd: {  	v5 =	vmul.f32 v5, v43;
	_ =	sdelay $0x1  }
0x1de: {  	v5 =	vadd.f32 v5, v53;
	_ =	sdelay $0x1  }
0x1df: {  	[tilespmem:v7+s14+$0x0] =	vst.idx.msk $0xffff, v5;
	v7 =	vld [tilespmem:$0x1FD80];
	_ =	sdelay $0x3  }
0x1e0: {  	v46 =	vld [tilespmem:$0x1FEC0]  }
0x1e1: {  	v11 =	vmul.f32 v4, v11;
	v4 =	vmul.f32 v4, v7;
	v7 =	vld [tilespmem:$0x1FBE0]  }
0x1e2: {  	v54 =	vld [tilespmem:$0x1FF40];
	_ =	sdelay $0x2  }
0x1e3: {  	v1 =	vmul.f32 v1, v46;
	_ =	sdelay $0x1  }
0x1e4: {  	v1 =	vadd.f32 v1, v54  }
0x1e5: {  	v47 =	vld [tilespmem:$0x1FED0]  }
0x1e6: {  	[tilespmem:v7+s14+$0x0] =	vst.idx.msk $0xffff, v1;
	v7 =	vld [tilespmem:$0x1FBD0]  }
0x1e7: {  	v55 =	vld [tilespmem:$0x1FF50];
	_ =	sdelay $0x2  }
0x1e8: {  	v10 =	vmul.f32 v10, v47;
	_ =	sdelay $0x1  }
0x1e9: {  	v10 =	vadd.f32 v10, v55  }
0x1ea: {  	v48 =	vld [tilespmem:$0x1FEE0]  }
0x1eb: {  	[tilespmem:v7+s14+$0x0] =	vst.idx.msk $0xffff, v10;
	v7 =	vld [tilespmem:$0x1FBC0]  }
0x1ec: {  	v56 =	vld [tilespmem:$0x1FF60];
	_ =	sdelay $0x2  }
0x1ed: {  	v3 =	vmul.f32 v3, v48;
	_ =	sdelay $0x1  }
0x1ee: {  	v3 =	vadd.f32 v3, v56  }
0x1ef: {  	v49 =	vld [tilespmem:$0x1FEF0]  }
0x1f0: {  	[tilespmem:v7+s14+$0x0] =	vst.idx.msk $0xffff, v3;
	v7 =	vld [tilespmem:$0x1FBB0]  }
0x1f1: {  	v57 =	vld [tilespmem:$0x1FF70];
	_ =	sdelay $0x2  }
0x1f2: {  	v25 =	vmul.f32 v25, v49;
	_ =	sdelay $0x1  }
0x1f3: {  	v25 =	vadd.f32 v25, v57  }
0x1f4: {  	v50 =	vld [tilespmem:$0x1FF00]  }
0x1f5: {  	[tilespmem:v7+s14+$0x0] =	vst.idx.msk $0xffff, v25;
	v7 =	vld [tilespmem:$0x1FBA0]  }
0x1f6: {  	v58 =	vld [tilespmem:$0x1FF80];
	_ =	sdelay $0x2  }
0x1f7: {  	v9 =	vmul.f32 v9, v50;
	_ =	sdelay $0x1  }
0x1f8: {  	v9 =	vadd.f32 v9, v58;
	v26 =	vmul.f32 v26, v62;
	_ =	sdelay $0x1  }
0x1f9: {  	v16 =	vmul.f32 v26, v2;
	[tilespmem:v7+s14+$0x0] =	vst.idx.msk $0xffff, v9;
	v7 =	vld [tilespmem:$0x1FCF0]  }
0x1fa: {  	v62 =	vadd.f32 v11, v36  }
0x1fb: {  	v38 =	vadd.f32 v11, v38;
	v39 =	vadd.f32 v11, v39;
	v16 =	vmul.f32 v16, v26  }
0x1fc: {  	v36 =	vadd.f32 v11, v61;
	v5 =	vadd.f32 $9.999999740e-06, v27  }
0x1fd: {  	v27 =	vadd.f32 v11, v40;
	v1 =	vsub.f32 $1.500000000e+00, v16;
	v16 =	vmul.f32 v62, v6  }
0x1fe: {  	v40 =	vadd.f32 v11, v41;
	v4 =	vadd.f32 v11, v4  }
0x1ff: {  	v62 =	vadd.f32 v11, v37;
	v11 =	vadd.f32 v16, v51;
	_ =	sdelay $0x1  }
0x200: {  	[tilespmem:v7+s14+$0x0] =	vst.idx.msk $0xffff, v11;
	v7 =	vld [tilespmem:$0x1FCD0];
	_ =	sdelay $0x3  }
0x201: {  	v10 =	vmul.f32 v38, v42;
	_ =	sdelay $0x1  }
0x202: {  	v10 =	vadd.f32 v10, v52;
	_ =	sdelay $0x1  }
0x203: {  	[tilespmem:v7+s14+$0x0] =	vst.idx.msk $0xffff, v10;
	v7 =	vld [tilespmem:$0x1FCB0];
	_ =	sdelay $0x3  }
0x204: {  	v1 =	vmul.f32 v1, v26;
	v26 =	vmul.f32 v39, v43;
	_ =	sdelay $0x1  }
0x205: {  	v26 =	vadd.f32 v26, v53;
	_ =	sdelay $0x1  }
0x206: {  	[tilespmem:v7+s14+$0x0] =	vst.idx.msk $0xffff, v26;
	v7 =	vld [tilespmem:$0x1FC90];
	_ =	sdelay $0x3  }
0x207: {  	v27 =	vmul.f32 v27, v46;
	_ =	sdelay $0x1  }
0x208: {  	v27 =	vadd.f32 v27, v54;
	_ =	sdelay $0x1  }
0x209: {  	[tilespmem:v7+s14+$0x0] =	vst.idx.msk $0xffff, v27;
	v7 =	vld [tilespmem:$0x1FC70];
	_ =	sdelay $0x3  }
0x20a: {  	v25 =	vmul.f32 v62, v47  }
0x20b: {  	v2 =	vmul.f32 v1, v2  }
0x20c: {  	v11 =	vadd.f32 v25, v55  }
0x20d: {  	v2 =	vmul.f32 v2, v1  }
0x20e: {  	[tilespmem:v7+s14+$0x0] =	vst.idx.msk $0xffff, v11;
	v7 =	vld [tilespmem:$0x1FE30]  }
0x20f: {  	v2 =	vsub.f32 $1.500000000e+00, v2;
	_ =	sdelay $0x1  }
0x210: {  	v1 =	vmul.f32 v2, v1;
	_ =	sdelay $0x1  }
0x211: {  	v11 =	vmul.f32 v1, v7;
	v7 =	vld [tilespmem:$0x1FC40];
	_ =	sdelay $0x3  }
0x212: {  	v37 =	vmul.f32 v40, v48;
	v9 =	vsub.f32 $0.0e+00, v31;
	_ =	sdelay $0x1  }
0x213: {  	v2 =	vbroadcast v9, $0xF;
	v9 =	vadd.f32 v37, v56;
	_ =	sdelay $0x1  }
0x214: {  	[tilespmem:v7+s14+$0x0] =	vst.idx.msk $0xffff, v9;
	v7 =	vld [tilespmem:$0x1FC30]  }
0x215: {  	v5 =	vbroadcast v5, $0xF;
	_ =	sdelay $0x1  }
0x216: {  	v3 =	vshra.s32 v5, $0x1;
	v5 =	vmul.f32 $5.000000000e-01, v5  }
0x217: {  	v3 =	vsub.s32 $0x5F3759DF, v3;
	v31 =	vmul.f32 v36, v49  }
0x218: {  	v41 =	vmul.f32 v3, v5  }
0x219: {  	v10 =	vadd.f32 v31, v57  }
0x21a: {  	v16 =	vmul.f32 v3, v41  }
0x21b: {  	[tilespmem:v7+s14+$0x0] =	vst.idx.msk $0xffff, v10;
	v7 =	vld [tilespmem:$0x1FC20]  }
0x21c: {  	v16 =	vsub.f32 $1.500000000e+00, v16;
	_ =	sdelay $0x1  }
0x21d: {  	v3 =	vmul.f32 v3, v16  }
0x21e: {  	v4 =	vmul.f32 v4, v50  }
0x21f: {  	v16 =	vmul.f32 v3, v5  }
0x220: {  	v4 =	vadd.f32 v4, v58;
	v17 =	vmul.f32 v1, v17  }
0x221: {  	v2 =	vmul.f32 v1, v2;
	v9 =	vmul.f32 v16, v3  }
0x222: {  	v18 =	vmul.f32 v1, v19;
	v19 =	vmul.f32 v1, v22;
	[tilespmem:v7+s14+$0x0] =	vst.idx.msk $0xffff, v4;
	v7 =	vld [tilespmem:$0x1FE00]  }
0x223: {  	v11 =	vadd.f32 v2, v11;
	v16 =	vmul.f32 v1, v20;
	v9 =	vsub.f32 $1.500000000e+00, v9  }
0x224: {  	v20 =	vmul.f32 v1, v14;
	v10 =	vadd.f32 v2, v17;
	v17 =	vmul.f32 v1, v21  }
0x225: {  	v16 =	vadd.f32 v2, v16;
	v3 =	vmul.f32 v9, v3;
	v1 =	vmul.f32 v1, v24  }
0x226: {  	v9 =	vadd.f32 v2, v17;
	v17 =	vadd.f32 v2, v19;
	v10 =	vmul.f32 v10, v6  }
0x227: {  	v1 =	vadd.f32 v2, v1;
	v4 =	vadd.f32 v2, v18  }
0x228: {  	v18 =	vadd.f32 v2, v20;
	v2 =	vadd.f32 v10, v51;
	_ =	sdelay $0x1  }
0x229: {  	[tilespmem:v7+s14+$0x0] =	vst.idx.msk $0xffff, v2;
	v7 =	vld [tilespmem:$0x1FE10];
	_ =	sdelay $0x2  }
0x22a: {  	v5 =	vmul.f32 v3, v5  }
0x22b: {  	v11 =	vmul.f32 v11, v42  }
0x22c: {  	v5 =	vmul.f32 v5, v3  }
0x22d: {  	v11 =	vadd.f32 v11, v52  }
0x22e: {  	v5 =	vsub.f32 $1.500000000e+00, v5  }
0x22f: {  	[tilespmem:v7+s14+$0x0] =	vst.idx.msk $0xffff, v11;
	v7 =	vld [tilespmem:$0x1FDF0]  }
0x230: {  	v3 =	vmul.f32 v5, v3;
	v5 =	vld [tilespmem:$0x1FDE0];
	_ =	sdelay $0x2  }
0x231: {  	v4 =	vmul.f32 v4, v43  }
0x232: {  	v10 =	vmul.f32 v16, v46  }
0x233: {  	v2 =	vadd.f32 v4, v53  }
0x234: {  	v4 =	vadd.f32 v10, v54  }
0x235: {  	[tilespmem:v7+s14+$0x0] =	vst.idx.msk $0xffff, v2  }
0x236: {  	[tilespmem:v5+s14+$0x0] =	vst.idx.msk $0xffff, v4;
	v5 =	vld [tilespmem:$0x1FDD0];
	_ =	sdelay $0x3  }
0x237: {  	v9 =	vmul.f32 v9, v47;
	_ =	sdelay $0x1  }
0x238: {  	v2 =	vadd.f32 v9, v55;
	_ =	sdelay $0x1  }
0x239: {  	v10 =	vmul.f32 v18, v49;
	[tilespmem:v5+s14+$0x0] =	vst.idx.msk $0xffff, v2;
	v5 =	vld [tilespmem:$0x1FDC0]  }
0x23a: {  	v9 =	vld [tilespmem:$0x1FDB0]  }
0x23b: {  	v0 =	vsub.f32 $0.0e+00, v0;
	v2 =	vadd.f32 v10, v57;
	v10 =	vld [tilespmem:$0x1FDA0];
	_ =	sdelay $0x1  }
0x23c: {  	v0 =	vbroadcast v0, $0xF;
	v16 =	vmul.f32 v17, v48  }
0x23d: {  	v1 =	vmul.f32 v1, v50  }
0x23e: {  	v0 =	vmul.f32 v3, v0;
	v4 =	vadd.f32 v16, v56;
	v16 =	vmul.f32 v3, v45;
	_ =	sdelay $0x1  }
0x23f: {  	v1 =	vadd.f32 v1, v58;
	v16 =	vadd.f32 v0, v16;
	[tilespmem:v5+s14+$0x0] =	vst.idx.msk $0xffff, v4  }
0x240: {  	v4 =	vmul.f32 v3, v29;
	v5 =	vmul.f32 v3, v30;
	[tilespmem:v9+s14+$0x0] =	vst.idx.msk $0xffff, v2  }
0x241: {  	v2 =	vmul.f32 v3, v32;
	v9 =	vmul.f32 v3, v33;
	[tilespmem:v10+s14+$0x0] =	vst.idx.msk $0xffff, v1  }
0x242: {  	v1 =	vadd.f32 v0, v4;
	v4 =	vmul.f32 v3, v44;
	v10 =	vmul.f32 v3, v34  }
0x243: {  	v5 =	vadd.f32 v0, v5;
	v3 =	vmul.f32 v3, v28;
	v2 =	vadd.f32 v0, v2  }
0x244: {  	v9 =	vadd.f32 v0, v9;
	v4 =	vadd.f32 v0, v4  }
0x245: {  	v10 =	vadd.f32 v0, v10;
	v0 =	vadd.f32 v0, v3;
	v3 =	vld [tilespmem:$0x1FE80];
	_ =	sdelay $0x2  }
0x246: {  	v1 =	vmul.f32 v1, v6  }
0x247: {  	v5 =	vmul.f32 v5, v42  }
0x248: {  	v1 =	vadd.f32 v1, v51  }
0x249: {  	v5 =	vadd.f32 v5, v52  }
0x24a: {  	[tilespmem:v12+s14+$0x0] =	vst.idx.msk $0xffff, v1  }
0x24b: {  	[tilespmem:v3+s14+$0x0] =	vst.idx.msk $0xffff, v5;
	v5 =	vld [tilespmem:$0x1FE70];
	_ =	sdelay $0x2  }
0x24c: {  	v2 =	vmul.f32 v2, v43  }
0x24d: {  	v9 =	vmul.f32 v9, v46  }
0x24e: {  	v1 =	vadd.f32 v2, v53  }
0x24f: {  	v3 =	vadd.f32 v9, v54  }
0x250: {  	[tilespmem:v23+s14+$0x0] =	vst.idx.msk $0xffff, v1  }
0x251: {  	[tilespmem:v5+s14+$0x0] =	vst.idx.msk $0xffff, v3;
	v5 =	vld [tilespmem:$0x1FE60];
	_ =	sdelay $0x3  }
0x252: {  	v2 =	vmul.f32 v4, v47;
	_ =	sdelay $0x1  }
0x253: {  	v1 =	vadd.f32 v2, v55;
	_ =	sdelay $0x1  }
0x254: {  	v17 =	vmov s11;
	[tilespmem:v5+s14+$0x0] =	vst.idx.msk $0xffff, v1;
	v5 =	vld [tilespmem:$0x1FE50]  }
0x255: {  	v11 =	vshll.u32 v17, $0x7  }
0x256: {  	v24 =	vor.u32 v63, v11;
	_ =	sdelay $0x1  }
0x257: {  	v21 =	vor.u32 v15, v11;
	v4 =	vmul.f32 v10, v48  }
0x258: {  	v7 =	vor.u32 v60, v11  }
0x259: {  	v3 =	vadd.f32 v4, v56  }
0x25a: {  	v14 =	vld.idx.msk [tilespmem:v24+s20+$0x0], $0xffff  }
0x25b: {  	[tilespmem:v5+s14+$0x0] =	vst.idx.msk $0xffff, v3;
	v5 =	vld [tilespmem:$0x1FE40]  }
0x25c: {  	v20 =	vld.idx.msk [tilespmem:v21+s18+$0x0], $0xffff  }
0x25d: {  	v13 =	vld.idx.msk [tilespmem:v7+s19+$0x0], $0xffff;
	v6 =	vor.u32 v8, v11  }
0x25e: {  	v0 =	vmul.f32 v0, v50;
	v50 =	vld [tilespmem:$0x1FFF0]  }
0x25f: {  	v18 =	vor.u32 v59, v11;
	v10 =	vld.idx.msk [tilespmem:v21+s20+$0x0], $0xffff;
	v2 =	vmul.f32 v16, v49  }
0x260: {  	v12 =	vld.idx.msk [tilespmem:v7+s18+$0x0], $0xffff  }
0x261: {  	[tilespmem:$0x1FBD0] =	vst v21;
	v21 =	vld.idx.msk [tilespmem:v21+s19+$0x0], $0xffff;
	v1 =	vadd.f32 v2, v57  }
0x262: {  	v0 =	vadd.f32 v0, v58;
	v58 =	vmov v15;
	v15 =	vld.idx.msk [tilespmem:v6+s18+$0x0], $0xffff  }
0x263: {  	[tilespmem:v5+s14+$0x0] =	vst.idx.msk $0xffff, v1;
	v5 =	vld [tilespmem:$0x1FE20]  }
0x264: {  	v26 =	vor.u32 v50, v11;
	v9 =	vld.idx.msk [tilespmem:v18+s20+$0x0], $0xffff  }
0x265: {  	v2 =	vld.idx.msk [tilespmem:v17+s8+$0x0], $0xffff  }
0x266: {  	v16 =	vld.idx.msk [tilespmem:v6+s19+$0x0], $0xffff  }
0x267: {  	v23 =	vld.idx.msk [tilespmem:v24+s18+$0x0], $0xffff  }
0x268: {  	[tilespmem:$0x1FBE0] =	vst v24;
	v24 =	vld.idx.msk [tilespmem:v24+s19+$0x0], $0xffff  }
0x269: {  	v25 =	vld.idx.msk [tilespmem:v26+s18+$0x0], $0xffff  }
0x26a: {  	v4 =	vld.idx.msk [tilespmem:v17+s4+$0x0], $0xffff;
	v2 =	vshll.u32 v2, $0x7  }
0x26b: {  	v53 =	vor.u32 v63, v2;
	[tilespmem:v5+s14+$0x0] =	vst.idx.msk $0xffff, v0;
	v0 =	vld.idx.msk [tilespmem:v7+s20+$0x0], $0xffff  }
0x26c: {  	[tilespmem:$0x1FBA0] =	vst v7;
	v7 =	vld [tilespmem:$0x1FFE0]  }
0x26d: {  	v3 =	vld.idx.msk [tilespmem:v17+s12+$0x0], $0xffff  }
0x26e: {  	v1 =	vld.idx.msk [tilespmem:v17+s10+$0x0], $0xffff  }
0x26f: {  	[tilespmem:$0x1FBB0] =	vst v6;
	v5 =	vld.idx.msk [tilespmem:v6+s20+$0x0], $0xffff;
	v6 =	vlaneseq.u32  }
0x270: {  	v35 =	vld.idx.msk [tilespmem:v53+s30+$0x0], $0xffff;
	v6 =	vor.u32 v6, v11  }
0x271: {  	v17 =	vld.idx.msk [tilespmem:v26+s20+$0x0], $0xffff;
	v30 =	vor.u32 v7, v11  }
0x272: {  	[tilespmem:$0x1FBF0] =	vst v26;
	v20 =	vsub.f32 v20, v21;
	v15 =	vsub.f32 v15, v16;
	v26 =	vld.idx.msk [tilespmem:v26+s19+$0x0], $0xffff  }
0x273: {  	v12 =	vsub.f32 v12, v13;
	v23 =	vsub.f32 v23, v24;
	v11 =	vld.idx.msk [tilespmem:v18+s18+$0x0], $0xffff  }
0x274: {  	[tilespmem:$0x1FBC0] =	vst v18;
	v15 =	vmul.f32 v15, v4;
	v20 =	vmul.f32 v20, v4;
	v1 =	vshll.u32 v1, $0x7;
	v18 =	vld.idx.msk [tilespmem:v18+s19+$0x0], $0xffff  }
0x275: {  	v12 =	vmul.f32 v12, v4;
	v23 =	vmul.f32 v23, v4;
	v54 =	vor.u32 v58, v1;
	v32 =	vld.idx.msk [tilespmem:v6+s18+$0x0], $0xffff  }
0x276: {  	v62 =	vlaneseq.u32;
	v15 =	vadd.f32 v15, v16;
	v16 =	vadd.f32 v20, v21;
	v19 =	vld.idx.msk [tilespmem:v30+s20+$0x0], $0xffff  }
0x277: {  	v12 =	vadd.f32 v12, v13;
	v23 =	vadd.f32 v23, v24;
	v61 =	vor.u32 v63, v1;
	v28 =	vld.idx.msk [tilespmem:v30+s18+$0x0], $0xffff  }
0x278: {  	v10 =	vadd.f32 v16, v10;
	v3 =	vshll.u32 v3, $0x7;
	v42 =	vor.u32 v50, v1;
	[tilespmem:$0x1FC00] =	vst v30;
	v30 =	vld.idx.msk [tilespmem:v30+s19+$0x0], $0xffff  }
0x279: {  	v48 =	vor.u32 v62, v3;
	v25 =	vsub.f32 v25, v26;
	v57 =	vor.u32 v7, v2;
	v52 =	vld.idx.msk [tilespmem:v6+s19+$0x0], $0xffff  }
0x27a: {  	v31 =	vor.u32 v60, v1;
	v51 =	vor.u32 v8, v1;
	v36 =	vld.idx.msk [tilespmem:v54+s26+$0x0], $0xffff;
	v49 =	vor.u32 v7, v1  }
0x27b: {  	v55 =	vor.u32 v59, v1;
	[tilespmem:$0x1FC10] =	vst v6;
	v1 =	vor.u32 v62, v1;
	v22 =	vld.idx.msk [tilespmem:v6+s20+$0x0], $0xffff;
	v6 =	vmov v50  }
0x27c: {  	v25 =	vmul.f32 v25, v4;
	v13 =	vld.idx.msk [tilespmem:v61+s26+$0x0], $0xffff;
	v0 =	vadd.f32 v12, v0;
	v20 =	vor.u32 v6, v3  }
0x27d: {  	v56 =	vor.u32 v7, v3;
	v12 =	vld.idx.msk [tilespmem:v42+s26+$0x0], $0xffff;
	v11 =	vsub.f32 v11, v18;
	v28 =	vsub.f32 v28, v30  }
0x27e: {  	v21 =	vadd.f32 v25, v26;
	v50 =	vlaneseq.u32;
	v39 =	vld.idx.msk [tilespmem:v57+s30+$0x0], $0xffff;
	v32 =	vsub.f32 v32, v52  }
0x27f: {  	v24 =	vor.u32 v50, v2;
	v25 =	vld.idx.msk [tilespmem:v49+s26+$0x0], $0xffff;
	v11 =	vmul.f32 v11, v4;
	v28 =	vmul.f32 v28, v4  }
0x280: {  	v5 =	vadd.f32 v15, v5;
	v15 =	vor.u32 v6, v2;
	v1 =	vld.idx.msk [tilespmem:v1+s26+$0x0], $0xffff;
	v4 =	vmul.f32 v32, v4  }
0x281: {  	v20 =	vld.idx.msk [tilespmem:v20+s29+$0x0], $0xffff;
	v11 =	vadd.f32 v11, v18;
	v26 =	vadd.f32 v28, v30;
	v28 =	vor.u32 v63, v3  }
0x282: {  	v14 =	vadd.f32 v23, v14;
	v18 =	vld.idx.msk [tilespmem:v56+s29+$0x0], $0xffff;
	v4 =	vadd.f32 v4, v52  }
0x283: {  	v16 =	vadd.f32 v21, v17;
	v9 =	vadd.f32 v11, v9;
	v11 =	vld.idx.msk [tilespmem:v48+s29+$0x0], $0xffff  }
0x284: {  	v17 =	vor.u32 v58, v3;
	v21 =	vld.idx.msk [tilespmem:v24+s30+$0x0], $0xffff;
	v4 =	vadd.f32 v4, v22;
	v19 =	vadd.f32 v26, v19  }
0x285: {  	v27 =	vor.u32 v60, v3;
	v29 =	vor.u32 v8, v3;
	v15 =	vld.idx.msk [tilespmem:v15+s30+$0x0], $0xffff;
	v3 =	vor.u32 v59, v3  }
0x286: {  	v23 =	vor.u32 v58, v2;
	v1 =	vadd.f32 v4, v1;
	v4 =	vadd.f32 v19, v25;
	v22 =	vld.idx.msk [tilespmem:v28+s29+$0x0], $0xffff  }
0x287: {  	v33 =	vld.idx.msk [tilespmem:v51+s26+$0x0], $0xffff;
	v10 =	vadd.f32 v10, v36;
	v12 =	vadd.f32 v16, v12;
	v19 =	vor.u32 v59, v2  }
0x288: {  	v37 =	vld.idx.msk [tilespmem:v55+s26+$0x0], $0xffff;
	v1 =	vadd.f32 v1, v11;
	v4 =	vadd.f32 v4, v18  }
0x289: {  	v13 =	vadd.f32 v14, v13;
	v14 =	vld.idx.msk [tilespmem:v17+s29+$0x0], $0xffff;
	v12 =	vadd.f32 v12, v20;
	v11 =	vor.u32 v8, v2  }
0x28a: {  	v51 =	vmov v6;
	v3 =	vld.idx.msk [tilespmem:v3+s29+$0x0], $0xffff;
	v57 =	vadd.f32 v1, v21;
	v6 =	vadd.f32 v4, v39  }
0x28b: {  	v20 =	vadd.f32 v12, v15;
	v1 =	vld.idx.msk [tilespmem:v23+s30+$0x0], $0xffff;
	v4 =	vadd.f32 v13, v22  }
0x28c: {  	v2 =	vor.u32 v60, v2;
	v13 =	vld.idx.msk [tilespmem:v19+s30+$0x0], $0xffff;
	v17 =	vmul.f32 v57, v57;
	v18 =	vmul.f32 v6, v6  }
0x28d: {  	s13 =	sadd.s32 $0x3, s11;
	v31 =	vld.idx.msk [tilespmem:v31+s26+$0x0], $0xffff;
	v9 =	vadd.f32 v9, v37;
	v12 =	vmul.f32 v20, v20;
	v19 =	vadd.f32 v4, v35  }
0x28e: {  	v4 =	vadd.f32 v10, v14;
	v10 =	vld.idx.msk [tilespmem:v11+s30+$0x0], $0xffff;
	v11 =	vadd.f32 v18, v17;
	v14 =	vmov s13  }
0x28f: {  	v27 =	vld.idx.msk [tilespmem:v27+s29+$0x0], $0xffff;
	v3 =	vadd.f32 v9, v3  }
0x290: {  	v29 =	vld.idx.msk [tilespmem:v29+s29+$0x0], $0xffff;
	v15 =	vadd.f32 $0.0e+00, v57;
	v9 =	vadd.f32 v12, v11;
	v11 =	vmul.f32 v19, v19  }
0x291: {  	v12 =	vadd.f32 v4, v1;
	v1 =	vld.idx.msk [tilespmem:v2+s30+$0x0], $0xffff;
	v17 =	vadd.f32 v3, v13;
	v3 =	vshll.u32 v14, $0x7  }
0x292: {  	v0 =	vadd.f32 v0, v31;
	[tilespmem:$0x1FC50] =	vst v6;
	v2 =	vadd.f32 v6, v15;
	v6 =	vor.u32 v60, v3  }
0x293: {  	v4 =	vadd.f32 v11, v9;
	v9 =	vmul.f32 v12, v12;
	v25 =	vor.u32 v58, v3;
	v11 =	vld.idx.msk [tilespmem:v14+s4+$0x0], $0xffff  }
0x294: {  	v16 =	vadd.f32 v0, v27;
	v15 =	vld.idx.msk [tilespmem:v14+s12+$0x0], $0xffff  }
0x295: {  	v18 =	vor.u32 v59, v3;
	v4 =	vadd.f32 v9, v4;
	v9 =	vld.idx.msk [tilespmem:v14+s8+$0x0], $0xffff  }
0x296: {  	v16 =	vadd.f32 v16, v1;
	v1 =	vld.idx.msk [tilespmem:v14+s10+$0x0], $0xffff  }
0x297: {  	v2 =	vadd.f32 v20, v2;
	v13 =	vld.idx.msk [tilespmem:v6+s20+$0x0], $0xffff  }
0x298: {  	v5 =	vadd.f32 v5, v33;
	v52 =	vor.u32 v50, v3;
	v14 =	vld.idx.msk [tilespmem:v25+s20+$0x0], $0xffff  }
0x299: {  	[tilespmem:$0x1FC80] =	vst v19;
	v28 =	vor.u32 v63, v3;
	v2 =	vadd.f32 v19, v2;
	v19 =	vld.idx.msk [tilespmem:v6+s19+$0x0], $0xffff  }
0x29a: {  	v31 =	vor.u32 v51, v3;
	v22 =	vld.idx.msk [tilespmem:v18+s19+$0x0], $0xffff  }
0x29b: {  	v5 =	vadd.f32 v5, v29;
	v24 =	vld.idx.msk [tilespmem:v25+s18+$0x0], $0xffff  }
0x29c: {  	[tilespmem:$0x1FC70] =	vst v25;
	v25 =	vld.idx.msk [tilespmem:v25+s19+$0x0], $0xffff  }
0x29d: {  	[tilespmem:$0x1FC60] =	vst v20;
	v20 =	vadd.f32 v5, v10;
	v10 =	vor.u32 v8, v3;
	v26 =	vld.idx.msk [tilespmem:v52+s20+$0x0], $0xffff  }
0x29e: {  	[tilespmem:$0x1FCA0] =	vst v12;
	v27 =	vld.idx.msk [tilespmem:v28+s18+$0x0], $0xffff  }
0x29f: {  	v5 =	vmul.f32 v17, v17;
	[tilespmem:$0x1FCC0] =	vst v17;
	v30 =	vld.idx.msk [tilespmem:v31+s18+$0x0], $0xffff  }
0x2a0: {  	[tilespmem:$0x1FC20] =	vst v6;
	v36 =	vld.idx.msk [tilespmem:v52+s18+$0x0], $0xffff  }
0x2a1: {  	v4 =	vadd.f32 v5, v4;
	v5 =	vmul.f32 v20, v20;
	v2 =	vadd.f32 v12, v2;
	v39 =	vld.idx.msk [tilespmem:v52+s19+$0x0], $0xffff  }
0x2a2: {  	[tilespmem:$0x1FC40] =	vst v18;
	v12 =	vld.idx.msk [tilespmem:v10+s20+$0x0], $0xffff  }
0x2a3: {  	v4 =	vadd.f32 v5, v4;
	v5 =	vmul.f32 v16, v16;
	v2 =	vadd.f32 v17, v2;
	v17 =	vld.idx.msk [tilespmem:v18+s20+$0x0], $0xffff  }
0x2a4: {  	[tilespmem:$0x1FC90] =	vst v28;
	v21 =	vld.idx.msk [tilespmem:v10+s19+$0x0], $0xffff  }
0x2a5: {  	[tilespmem:$0x1FCB0] =	vst v31;
	v4 =	vadd.f32 v5, v4;
	v5 =	vld.idx.msk [tilespmem:v6+s18+$0x0], $0xffff  }
0x2a6: {  	v0 =	vmovc v51;
	[tilespmem:$0x1FCE0] =	vst v20;
	v32 =	vshll.u32 v15, $0x7;
	v29 =	vshll.u32 v9, $0x7;
	v2 =	vadd.f32 v20, v2;
	v20 =	vld.idx.msk [tilespmem:v10+s18+$0x0], $0xffff  }
0x2a7: {  	v53 =	vor.u32 v60, v32;
	v45 =	vor.u32 v0, v32;
	v6 =	vor.u32 v7, v3;
	v3 =	vld.idx.msk [tilespmem:v18+s18+$0x0], $0xffff  }
0x2a8: {  	v61 =	vor.u32 v7, v32;
	v37 =	vshll.u32 v1, $0x7;
	(xrf2) =	vadd.scan.msk.f32 $0xffff, v4;
	v2 =	vadd.f32 v16, v2;
	v4 =	vld.idx.msk [tilespmem:v28+s20+$0x0], $0xffff  }
0x2a9: {  	v18 =	vor.u32 v8, v29;
	v54 =	vor.u32 v59, v29;
	v56 =	vor.u32 v8, v37;
	v28 =	vld.idx.msk [tilespmem:v28+s19+$0x0], $0xffff  }
0x2aa: {  	[tilespmem:$0x1FCF0] =	vst v52;
	v42 =	vor.u32 v51, v29;
	v24 =	vsub.f32 v24, v25;
	(xrf2) =	vadd.scan.msk.f32 $0xffff, v2;
	v2 =	vld.idx.msk [tilespmem:v31+s20+$0x0], $0xffff  }
0x2ab: {  	v44 =	vor.u32 v7, v29;
	v55 =	vor.u32 v60, v37;
	v43 =	vor.u32 v59, v37;
	v31 =	vld.idx.msk [tilespmem:v31+s19+$0x0], $0xffff  }
0x2ac: {  	v62 =	vor.u32 v58, v37;
	v36 =	vsub.f32 v36, v39;
	v24 =	vmul.f32 v24, v11;
	v33 =	vld.idx.msk [tilespmem:v6+s18+$0x0], $0xffff  }
0x2ad: {  	v52 =	vor.u32 v0, v37;
	v34 =	vld.idx.msk [tilespmem:v6+s19+$0x0], $0xffff;
	v20 =	vsub.f32 v20, v21;
	v5 =	vsub.f32 v5, v19  }
0x2ae: {  	[tilespmem:$0x1FD60] =	vst v16;
	v3 =	vsub.f32 v3, v22;
	v41 =	vld.idx.msk [tilespmem:v56+s26+$0x0], $0xffff;
	v56 =	vlaneseq.u32;
	v24 =	vadd.f32 v24, v25  }
0x2af: {  	v23 =	vld.idx.msk [tilespmem:v6+s20+$0x0], $0xffff;
	v27 =	vsub.f32 v27, v28;
	v20 =	vmul.f32 v20, v11;
	v5 =	vmul.f32 v5, v11  }
0x2b0: {  	v42 =	vld.idx.msk [tilespmem:v42+s30+$0x0], $0xffff;
	v3 =	vmul.f32 v3, v11;
	v25 =	vor.u32 v56, v29;
	v14 =	vadd.f32 v24, v14  }
0x2b1: {  	v44 =	vld.idx.msk [tilespmem:v44+s30+$0x0], $0xffff;
	v30 =	vsub.f32 v30, v31;
	v27 =	vmul.f32 v27, v11;
	v5 =	vadd.f32 v5, v19  }
0x2b2: {  	v40 =	vld.idx.msk [tilespmem:v55+s26+$0x0], $0xffff;
	v55 =	vor.u32 v7, v37;
	v3 =	vadd.f32 v3, v22;
	v20 =	vadd.f32 v20, v21  }
0x2b3: {  	v43 =	vld.idx.msk [tilespmem:v43+s26+$0x0], $0xffff;
	v33 =	vsub.f32 v33, v34;
	v30 =	vmul.f32 v30, v11;
	v22 =	vadd.f32 v27, v28  }
0x2b4: {  	v5 =	vadd.f32 v5, v13;
	v13 =	vld.idx.msk [tilespmem:v52+s26+$0x0], $0xffff;
	v12 =	vadd.f32 v20, v12;
	v20 =	vor.u32 v58, v32  }
0x2b5: {  	v16, _, _ =	vpop (xrf2);
	v19 =	vmul.f32 v33, v11;
	v11 =	vmul.f32 v36, v11;
	v24 =	vld.idx.msk [tilespmem:v25+s30+$0x0], $0xffff;
	v25 =	vor.u32 v58, v29  }
0x2b6: {  	v46 =	vld.idx.msk [tilespmem:v62+s26+$0x0], $0xffff;
	v15 =	vmul.f32 $7.812500000e-03, v16;
	v28 =	vadd.f32 v30, v31;
	v31 =	vor.u32 v63, v32  }
0x2b7: {  	v62 =	vld.idx.msk [tilespmem:v45+s29+$0x0], $0xffff;
	v9, _, _ =	vpop (xrf2);
	v19 =	vadd.f32 v19, v34;
	v11 =	vadd.f32 v11, v39;
	v39 =	vor.u32 v59, v32  }
0x2b8: {  	[tilespmem:$0x1FC30] =	vst v10;
	v27 =	vld.idx.msk [tilespmem:v55+s26+$0x0], $0xffff;
	v10 =	vmul.f32 $7.812500000e-03, v9;
	v9 =	vor.u32 v60, v29;
	v2 =	vadd.f32 v28, v2  }
0x2b9: {  	s21 =	sadd.s32 $0x2, s11;
	v21 =	vld.idx.msk [tilespmem:v61+s29+$0x0], $0xffff;
	v19 =	vadd.f32 v19, v23;
	v23 =	vor.u32 v63, v29;
	v29 =	vadd.f32 v12, v41  }
0x2ba: {  	v12 =	vmov s21;
	v16 =	vmul.f32 v10, v10;
	v2 =	vadd.f32 v2, v13;
	v13 =	vld.idx.msk [tilespmem:v20+s29+$0x0], $0xffff  }
0x2bb: {  	v11 =	vadd.f32 v11, v26;
	v20 =	vshll.u32 v12, $0x7;
	v26 =	vld.idx.msk [tilespmem:v31+s29+$0x0], $0xffff  }
0x2bc: {  	v49 =	vor.u32 v0, v20;
	v15 =	vsub.f32 v15, v16;
	v16 =	vld.idx.msk [tilespmem:v53+s29+$0x0], $0xffff  }
0x2bd: {  	v19 =	vadd.f32 v19, v27;
	v50 =	vor.u32 v56, v20;
	v27 =	vld.idx.msk [tilespmem:v39+s29+$0x0], $0xffff  }
0x2be: {  	v1 =	vld.idx.msk [tilespmem:v9+s30+$0x0], $0xffff  }
0x2bf: {  	[tilespmem:$0x1FCD0] =	vst v6;
	v6 =	vlaneseq.u32;
	v53 =	vor.u32 v63, v37;
	v9 =	vld.idx.msk [tilespmem:v18+s30+$0x0], $0xffff  }
0x2c0: {  	v37 =	vor.u32 v6, v37;
	v18 =	vld.idx.msk [tilespmem:v54+s30+$0x0], $0xffff  }
0x2c1: {  	v3 =	vadd.f32 v3, v17;
	v2 =	vadd.f32 v2, v62;
	v36 =	vld.idx.msk [tilespmem:v49+s18+$0x0], $0xffff  }
0x2c2: {  	v54 =	vor.u32 v6, v32;
	v41 =	vld.idx.msk [tilespmem:v50+s18+$0x0], $0xffff  }
0x2c3: {  	v3 =	vadd.f32 v3, v43;
	v6 =	vor.u32 v60, v20;
	v33 =	vadd.f32 v2, v42;
	v42 =	vld.idx.msk [tilespmem:v50+s19+$0x0], $0xffff  }
0x2c4: {  	v4 =	vadd.f32 v22, v4;
	v28 =	vor.u32 v8, v32;
	v22 =	vld.idx.msk [tilespmem:v53+s26+$0x0], $0xffff  }
0x2c5: {  	v30 =	vld.idx.msk [tilespmem:v37+s26+$0x0], $0xffff;
	v3 =	vadd.f32 v3, v27;
	v27 =	vor.u32 v63, v20  }
0x2c6: {  	v14 =	vadd.f32 v14, v46;
	v37 =	vld.idx.msk [tilespmem:v49+s19+$0x0], $0xffff  }
0x2c7: {  	v17 =	vld.idx.msk [tilespmem:v54+s29+$0x0], $0xffff  }
0x2c8: {  	v14 =	vadd.f32 v14, v13;
	v13 =	vld.idx.msk [tilespmem:v6+s20+$0x0], $0xffff  }
0x2c9: {  	v4 =	vadd.f32 v4, v22;
	v22 =	vld.idx.msk [tilespmem:v28+s29+$0x0], $0xffff  }
0x2ca: {  	v11 =	vadd.f32 v11, v30;
	v62 =	vld.idx.msk [tilespmem:v27+s20+$0x0], $0xffff  }
0x2cb: {  	v34 =	vld.idx.msk [tilespmem:v27+s18+$0x0], $0xffff  }
0x2cc: {  	v11 =	vadd.f32 v11, v17;
	v17 =	vadd.f32 v19, v21;
	v19 =	vld.idx.msk [tilespmem:v23+s30+$0x0], $0xffff  }
0x2cd: {  	v28 =	vor.u32 v8, v20;
	v21 =	vld.idx.msk [tilespmem:v25+s30+$0x0], $0xffff  }
0x2ce: {  	v2 =	vadd.f32 v4, v26;
	v4 =	vld.idx.msk [tilespmem:v12+s8+$0x0], $0xffff  }
0x2cf: {  	v5 =	vadd.f32 v5, v40;
	v31 =	vor.u32 v58, v20;
	[tilespmem:$0x1FDF0] =	vst v49;
	v25 =	vld.idx.msk [tilespmem:v12+s10+$0x0], $0xffff  }
0x2d0: {  	[tilespmem:$0x1FE00] =	vst v50;
	v26 =	vor.u32 v59, v20;
	v45 =	vadd.f32 v11, v24;
	v11 =	vld.idx.msk [tilespmem:v12+s4+$0x0], $0xffff  }
0x2d1: {  	[tilespmem:$0x1FDA0] =	vst v6;
	v48 =	vadd.f32 v3, v18;
	v30 =	vadd.f32 v17, v44;
	v24 =	vld.idx.msk [tilespmem:v12+s12+$0x0], $0xffff  }
0x2d2: {  	v3 =	vadd.f32 v5, v16;
	v12 =	vld.idx.msk [tilespmem:v28+s20+$0x0], $0xffff;
	v22 =	vadd.f32 v29, v22;
	v17 =	vmul.f32 v45, v45  }
0x2d3: {  	[tilespmem:$0x1FD20] =	vst v33;
	v29 =	vld.idx.msk [tilespmem:v28+s19+$0x0], $0xffff;
	v23 =	vmul.f32 v30, v30;
	v46 =	vadd.f32 v2, v19;
	v2 =	vadd.f32 $0.0e+00, v45  }
0x2d4: {  	[tilespmem:$0x1FDE0] =	vst v27;
	v47 =	vadd.f32 v14, v21;
	v14 =	vld.idx.msk [tilespmem:v31+s20+$0x0], $0xffff;
	v4 =	vshll.u32 v4, $0x7;
	v43 =	vshll.u32 v25, $0x7  }
0x2d5: {  	v32 =	vld.idx.msk [tilespmem:v26+s19+$0x0], $0xffff;
	v17 =	vadd.f32 v23, v17;
	v23 =	vmul.f32 v33, v33;
	v53 =	vor.u32 v8, v43  }
0x2d6: {  	[tilespmem:$0x1FD10] =	vst v30;
	v54 =	vor.u32 v63, v4;
	v2 =	vadd.f32 v30, v2;
	v30 =	vld.idx.msk [tilespmem:v6+s18+$0x0], $0xffff  }
0x2d7: {  	v41 =	vsub.f32 v41, v42;
	v21 =	vmul.f32 v46, v46;
	v19 =	vadd.f32 v23, v17;
	v17 =	vld.idx.msk [tilespmem:v26+s20+$0x0], $0xffff  }
0x2d8: {  	v16 =	vmul.f32 v48, v48;
	v36 =	vsub.f32 v36, v37;
	v2 =	vadd.f32 v33, v2;
	v33 =	vld.idx.msk [tilespmem:v31+s18+$0x0], $0xffff  }
0x2d9: {  	[tilespmem:$0x1FD50] =	vst v48;
	v38 =	vshll.u32 v24, $0x7;
	v23 =	vmul.f32 v47, v47;
	v19 =	vadd.f32 v21, v19;
	v21 =	vld.idx.msk [tilespmem:v6+s19+$0x0], $0xffff  }
0x2da: {  	[tilespmem:$0x1FD30] =	vst v46;
	v25 =	vor.u32 v8, v38;
	v2 =	vadd.f32 v46, v2;
	v46 =	vld.idx.msk [tilespmem:v53+s26+$0x0], $0xffff  }
0x2db: {  	v15 =	vadd.f32 $9.999999740e-06, v15;
	[tilespmem:$0x1FD00] =	vst v45;
	v56 =	vor.u32 v58, v38;
	v45 =	vld.idx.msk [tilespmem:v54+s30+$0x0], $0xffff;
	v5 =	vadd.f32 v23, v19  }
0x2dc: {  	v51 =	vor.u32 v60, v43;
	v23 =	vadd.f32 v22, v9;
	v22 =	vadd.f32 v3, v1;
	v1 =	vld.idx.msk [tilespmem:v28+s18+$0x0], $0xffff  }
0x2dd: {  	v44 =	vor.u32 v58, v4;
	v36 =	vmul.f32 v36, v11;
	v6 =	vor.u32 v7, v20;
	v19 =	vld.idx.msk [tilespmem:v49+s20+$0x0], $0xffff  }
0x2de: {  	[tilespmem:$0x1FDB0] =	vst v28;
	v53 =	vor.u32 v63, v43;
	v9 =	vbroadcast v15, $0xF;
	v28 =	vld.idx.msk [tilespmem:v50+s20+$0x0], $0xffff;
	v50 =	vor.u32 v0, v4  }
0x2df: {  	v2 =	vadd.f32 v47, v2;
	v25 =	vld.idx.msk [tilespmem:v25+s29+$0x0], $0xffff;
	v3 =	vadd.f32 v16, v5;
	v5 =	vmul.f32 v23, v23  }
0x2e0: {  	[tilespmem:$0x1FD40] =	vst v47;
	v49 =	vor.u32 v7, v4;
	v47 =	vld.idx.msk [tilespmem:v56+s29+$0x0], $0xffff;
	v15 =	vshra.s32 v9, $0x1;
	v9 =	vmul.f32 $5.000000000e-01, v9  }
0x2e1: {  	v16 =	vld.idx.msk [tilespmem:v26+s18+$0x0], $0xffff;
	v2 =	vadd.f32 v48, v2;
	v3 =	vadd.f32 v5, v3;
	v5 =	vmul.f32 v22, v22  }
0x2e2: {  	[tilespmem:$0x1FDC0] =	vst v26;
	v56 =	vor.u32 v7, v43;
	v15 =	vsub.s32 $0x5F3759DF, v15;
	v39 =	vld.idx.msk [tilespmem:v6+s18+$0x0], $0xffff;
	v30 =	vsub.f32 v30, v21  }
0x2e3: {  	v40 =	vld.idx.msk [tilespmem:v6+s19+$0x0], $0xffff;
	v2 =	vadd.f32 v23, v2;
	v3 =	vadd.f32 v5, v3;
	v5 =	vmul.f32 v15, v9  }
0x2e4: {  	v26 =	vor.u32 v60, v38;
	v20 =	vld.idx.msk [tilespmem:v6+s20+$0x0], $0xffff;
	v1 =	vsub.f32 v1, v29;
	v30 =	vmul.f32 v30, v11  }
0x2e5: {  	[tilespmem:$0x1FD70] =	vst v23;
	v2 =	vadd.f32 v22, v2;
	(xrf2) =	vadd.scan.msk.f32 $0xffff, v3;
	v3 =	vmul.f32 v15, v5;
	v5 =	vld.idx.msk [tilespmem:v31+s19+$0x0], $0xffff  }
0x2e6: {  	v48 =	vld.idx.msk [tilespmem:v51+s26+$0x0], $0xffff;
	v51 =	vor.u32 v58, v43;
	v23 =	vor.u32 v8, v4;
	v16 =	vsub.f32 v16, v32  }
0x2e7: {  	s21 =	sadd.s32 $0x1, s11;
	v1 =	vmul.f32 v1, v11;
	v21 =	vadd.f32 v30, v21;
	(xrf2) =	vadd.scan.msk.f32 $0xffff, v2;
	v2 =	vld.idx.msk [tilespmem:v27+s19+$0x0], $0xffff;
	v3 =	vsub.f32 $1.500000000e+00, v3  }
0x2e8: {  	[tilespmem:$0x1FD80] =	vst v22;
	v53 =	vld.idx.msk [tilespmem:v53+s26+$0x0], $0xffff;
	v30 =	vmov s21;
	v39 =	vsub.f32 v39, v40;
	v27 =	vor.u32 v59, v4  }
0x2e9: {  	v50 =	vld.idx.msk [tilespmem:v50+s30+$0x0], $0xffff;
	v16 =	vmul.f32 v16, v11;
	v1 =	vadd.f32 v1, v29;
	v3 =	vmul.f32 v15, v3  }
0x2ea: {  	v49 =	vld.idx.msk [tilespmem:v49+s30+$0x0], $0xffff;
	v13 =	vadd.f32 v21, v13;
	v39 =	vmul.f32 v39, v11;
	v33 =	vsub.f32 v33, v5  }
0x2eb: {  	v26 =	vld.idx.msk [tilespmem:v26+s29+$0x0], $0xffff;
	v16 =	vadd.f32 v16, v32;
	v15 =	vor.u32 v60, v4;
	v22 =	vmul.f32 v3, v9  }
0x2ec: {  	v32 =	vld.idx.msk [tilespmem:v56+s26+$0x0], $0xffff;
	v56 =	vadd.f32 v36, v37;
	v34 =	vsub.f32 v34, v2;
	v33 =	vmul.f32 v33, v11  }
0x2ed: {  	[tilespmem:$0x1FDD0] =	vst v31;
	v51 =	vld.idx.msk [tilespmem:v51+s26+$0x0], $0xffff;
	v37 =	vshll.u32 v30, $0x7;
	v1 =	vadd.f32 v1, v12;
	v22 =	vmul.f32 v22, v3  }
0x2ee: {  	v61 =	vld.idx.msk [tilespmem:v23+s30+$0x0], $0xffff;
	v34 =	vmul.f32 v34, v11;
	v11 =	vmul.f32 v41, v11;
	v5 =	vadd.f32 v33, v5  }
0x2ef: {  	[tilespmem:$0x1FE10] =	vst v6;
	v29 =	vld.idx.msk [tilespmem:v30+s4+$0x0], $0xffff;
	v41 =	vor.u32 v59, v37;
	v33 =	vadd.f32 v39, v40;
	v22 =	vsub.f32 $1.500000000e+00, v22  }
0x2f0: {  	v6 =	vld.idx.msk [tilespmem:v15+s30+$0x0], $0xffff;
	v39 =	vor.u32 v60, v37;
	v2 =	vadd.f32 v34, v2;
	v11 =	vadd.f32 v11, v42  }
0x2f1: {  	v31, _, _ =	vpop (xrf2);
	v5 =	vadd.f32 v5, v14;
	v12 =	vadd.f32 v33, v20;
	v24 =	vmul.f32 v22, v3;
	v22 =	vld.idx.msk [tilespmem:v27+s30+$0x0], $0xffff  }
0x2f2: {  	v14 =	vadd.f32 v56, v19;
	v56 =	vor.u32 v58, v37;
	v27 =	vmul.f32 $7.812500000e-03, v31;
	v31 =	vld.idx.msk [tilespmem:v44+s30+$0x0], $0xffff  }
0x2f3: {  	v52, _, _ =	vpop (xrf2);
	v3 =	vor.u32 v59, v38;
	v11 =	vadd.f32 v11, v28;
	v28 =	vadd.f32 v13, v48;
	v48 =	vld.idx.msk [tilespmem:v30+s12+$0x0], $0xffff  }
0x2f4: {  	v15 =	vmul.f32 $7.812500000e-03, v52;
	v44 =	vor.u32 v59, v43;
	v52 =	vor.u32 v0, v38;
	v34 =	vld.idx.msk [tilespmem:v41+s20+$0x0], $0xffff  }
0x2f5: {  	v2 =	vadd.f32 v2, v62;
	v62 =	vor.u32 v8, v37;
	v40 =	vld.idx.msk [tilespmem:v41+s19+$0x0], $0xffff;
	v9 =	vmul.f32 v24, v9  }
0x2f6: {  	v13 =	vadd.f32 v12, v32;
	[tilespmem:$0x1FD90] =	vst v15;
	v55 =	vmul.f32 v15, v15;
	v15 =	vlaneseq.u32;
	v32 =	vld.idx.msk [tilespmem:v39+s20+$0x0], $0xffff  }
0x2f7: {  	v18 =	vlaneseq.u32;
	v54 =	vor.u32 v15, v38;
	v9 =	vmul.f32 v9, v24;
	v33 =	vld.idx.msk [tilespmem:v56+s20+$0x0], $0xffff  }
0x2f8: {  	v35 =	vld.idx.msk [tilespmem:v3+s29+$0x0], $0xffff;
	v3 =	vsub.f32 v27, v55;
	v55 =	vor.u32 v0, v43;
	v43 =	vor.u32 v18, v43  }
0x2f9: {  	v44 =	vld.idx.msk [tilespmem:v44+s26+$0x0], $0xffff;
	v27 =	vsub.f32 $1.500000000e+00, v9  }
0x2fa: {  	v52 =	vld.idx.msk [tilespmem:v52+s29+$0x0], $0xffff;
	v9 =	vsub.f32 $0.0e+00, v10;
	v10 =	vor.u32 v63, v38;
	v38 =	vor.u32 v7, v38  }
0x2fb: {  	v5 =	vadd.f32 v5, v51;
	v51 =	vld.idx.msk [tilespmem:v62+s19+$0x0], $0xffff  }
0x2fc: {  	v16 =	vadd.f32 v16, v17;
	v4 =	vor.u32 v15, v4;
	v17 =	vld.idx.msk [tilespmem:v54+s29+$0x0], $0xffff  }
0x2fd: {  	v36 =	vld.idx.msk [tilespmem:v43+s26+$0x0], $0xffff  }
0x2fe: {  	v1 =	vadd.f32 v1, v46;
	v21 =	vld.idx.msk [tilespmem:v55+s26+$0x0], $0xffff;
	v16 =	vadd.f32 v16, v44  }
0x2ff: {  	v15 =	vor.u32 v63, v37;
	v38 =	vld.idx.msk [tilespmem:v38+s29+$0x0], $0xffff  }
0x300: {  	v1 =	vadd.f32 v1, v25;
	v10 =	vld.idx.msk [tilespmem:v10+s29+$0x0], $0xffff;
	v16 =	vadd.f32 v16, v35  }
0x301: {  	v23 =	vor.u32 v0, v37;
	v2 =	vadd.f32 v2, v53;
	v5 =	vadd.f32 v5, v47;
	v4 =	vld.idx.msk [tilespmem:v4+s30+$0x0], $0xffff  }
0x302: {  	v3 =	vadd.f32 $9.999999740e-06, v3;
	v55 =	vld.idx.msk [tilespmem:v30+s8+$0x0], $0xffff;
	v22 =	vadd.f32 v16, v22  }
0x303: {  	v54 =	vld.idx.msk [tilespmem:v30+s10+$0x0], $0xffff;
	v9 =	vbroadcast v9, $0xF;
	v16 =	vadd.f32 v28, v26;
	v11 =	vadd.f32 v11, v36  }
0x304: {  	v27 =	vmul.f32 v27, v24;
	v42 =	vld.idx.msk [tilespmem:v15+s19+$0x0], $0xffff;
	v14 =	vadd.f32 v14, v21;
	v13 =	vadd.f32 v13, v38  }
0x305: {  	v30 =	vld.idx.msk [tilespmem:v62+s20+$0x0], $0xffff;
	v44 =	vor.u32 v7, v37;
	v2 =	vadd.f32 v2, v10;
	v11 =	vadd.f32 v11, v17  }
0x306: {  	v43 =	vld.idx.msk [tilespmem:v23+s19+$0x0], $0xffff;
	v26 =	vmul.f32 v27, v9;
	v24 =	vadd.f32 v16, v6;
	v14 =	vadd.f32 v14, v52  }
0x307: {  	v35 =	vld.idx.msk [tilespmem:v56+s18+$0x0], $0xffff;
	v46 =	vshll.u32 v55, $0x7;
	v12 =	vadd.f32 v13, v49;
	v17 =	vadd.f32 v11, v4  }
0x308: {  	[tilespmem:$0x1FE50] =	vst v41;
	v36 =	vld.idx.msk [tilespmem:v15+s20+$0x0], $0xffff;
	v20 =	vadd.f32 v2, v45;
	v2 =	vbroadcast v3, $0xF;
	v13 =	vmul.f32 v27, v57  }
0x309: {  	v38 =	vld.idx.msk [tilespmem:v23+s20+$0x0], $0xffff;
	v19 =	vadd.f32 v14, v50;
	v11 =	vmul.f32 v12, v12;
	v10 =	vmul.f32 v17, v17  }
0x30a: {  	[tilespmem:$0x1FE20] =	vst v39;
	v52 =	vld.idx.msk [tilespmem:v44+s19+$0x0], $0xffff;
	v14 =	vadd.f32 v1, v61;
	v50 =	vshll.u32 v48, $0x7;
	v21 =	vadd.f32 $0.0e+00, v17  }
0x30b: {  	v3 =	vld.idx.msk [tilespmem:v62+s18+$0x0], $0xffff;
	v48 =	vor.u32 v18, v46;
	v10 =	vadd.f32 v11, v10;
	v11 =	vmul.f32 v19, v19  }
0x30c: {  	[tilespmem:$0x1FE40] =	vst v62;
	v49 =	vld.idx.msk [tilespmem:v44+s20+$0x0], $0xffff;
	v62 =	vshra.s32 v2, $0x1;
	v25 =	vmul.f32 $5.000000000e-01, v2;
	v59 =	vadd.f32 v12, v21  }
0x30d: {  	v4 =	vld.idx.msk [tilespmem:v39+s18+$0x0], $0xffff;
	v21 =	vadd.f32 v5, v31;
	v10 =	vadd.f32 v11, v10;
	v11 =	vmul.f32 v20, v20  }
0x30e: {  	v39 =	vld.idx.msk [tilespmem:v39+s19+$0x0], $0xffff;
	v58 =	vor.u32 v58, v50;
	v61 =	vor.u32 v0, v50;
	v31 =	vadd.f32 v19, v59  }
0x30f: {  	[tilespmem:$0x1FE30] =	vst v12;
	v12 =	vor.u32 v18, v37;
	v2 =	vadd.f32 v11, v10;
	v10 =	vmul.f32 v21, v21  }
0x310: {  	[tilespmem:$0x1FE60] =	vst v56;
	v55 =	vor.u32 v7, v50;
	v28 =	vsub.s32 $0x5F3759DF, v62;
	v5 =	vld.idx.msk [tilespmem:v41+s18+$0x0], $0xffff;
	v11 =	vadd.f32 v20, v31  }
0x311: {  	[tilespmem:$0x1FE70] =	vst v15;
	v41 =	vld.idx.msk [tilespmem:v56+s19+$0x0], $0xffff;
	v37 =	vshll.u32 v54, $0x7;
	v2 =	vadd.f32 v10, v2;
	v10 =	vmul.f32 v22, v22  }
0x312: {  	v54 =	vld.idx.msk [tilespmem:v44+s18+$0x0], $0xffff;
	v45 =	vor.u32 v60, v37;
	v1 =	vadd.f32 v21, v11;
	v11 =	vmul.f32 v28, v25  }
0x313: {  	v53 =	vor.u32 v18, v50;
	v59 =	vld.idx.msk [tilespmem:v15+s18+$0x0], $0xffff;
	v2 =	vadd.f32 v10, v2;
	v10 =	vmul.f32 v14, v14  }
0x314: {  	p0 =	slt.u32 s11, $0x4C;
	v6 =	vor.u32 v8, v37;
	v16 =	vld.idx.msk [tilespmem:v12+s18+$0x0], $0xffff;
	v9 =	vadd.f32 v22, v1;
	v11 =	vmul.f32 v28, v11  }
.Ltmp0:
0x315: {  	v62 =	vor.u32 v63, v50;
	v60 =	vld.idx.msk [tilespmem:v12+s19+$0x0], $0xffff;
	v2 =	vadd.f32 v10, v2;
	v10 =	vmul.f32 v24, v24;
	(pc) =	sbr.rel @p0 .LBB3_3-.Ltmp0, $4  }
0x316: {  	[tilespmem:$0x1FE80] =	vst v44;
	v56 =	vor.u32 v63, v37;
	v57 =	vld.idx.msk [tilespmem:v12+s20+$0x0], $0xffff;
	v9 =	vadd.f32 v14, v9;
	v31 =	vsub.f32 $1.500000000e+00, v11  }
0x317: {  	v63 =	vor.u32 v7, v37;
	v45 =	vld.idx.msk [tilespmem:v45+s26+$0x0], $0xffff;
	v11 =	vsub.f32 v35, v41;
	v47 =	vadd.f32 v10, v2  }
0x318: {  	v1 =	vld.idx.msk [tilespmem:v23+s18+$0x0], $0xffff;
	v44 =	vadd.f32 v24, v9;
	v10 =	vor.u32 v7, v46;
	v2 =	vsub.f32 v3, v51  }
0x319: {  	s11 =	sadd.s32 $0x4, s11;
	v35 =	vld.idx.msk [tilespmem:v6+s26+$0x0], $0xffff;
	v9 =	vor.u32 v0, v37;
	v3 =	vsub.f32 v4, v39;
	v4 =	vsub.f32 v5, v40  }
0x31a: {  	_ =	sdelay $0x3  }
0x31b: {  	v10 =	vld.idx.msk [tilespmem:v10+s30+$0x0], $0xffff  }
0x31c: {  	v9 =	vld.idx.msk [tilespmem:v9+s26+$0x0], $0xffff  }
0x31d: {  	v6 =	vsub.f32 v54, v52;
	v11 =	vmul.f32 v11, v29;
	v54 =	vld.idx.msk [tilespmem:v56+s26+$0x0], $0xffff  }
0x31e: {  	v5 =	vsub.f32 v59, v42;
	v2 =	vmul.f32 v2, v29;
	v0 =	vlaneseq.u32;
	v8 =	vld [tilespmem:$0x1FFC0]  }
0x31f: {  	v4 =	vmul.f32 v4, v29;
	v59 =	vor.u32 v0, v37;
	v11 =	vadd.f32 v11, v41;
	v41 =	vld.idx.msk [tilespmem:v63+s26+$0x0], $0xffff  }
0x320: {  	v16 =	vsub.f32 v16, v60;
	v63 =	vld [tilespmem:$0x1FFF0]  }
0x321: {  	v3 =	vmul.f32 v3, v29;
	v2 =	vadd.f32 v2, v51;
	v4 =	vadd.f32 v4, v40;
	v40 =	vld.idx.msk [tilespmem:v61+s29+$0x0], $0xffff  }
0x322: {  	v5 =	vmul.f32 v5, v29;
	v6 =	vmul.f32 v6, v29;
	v61 =	vld [tilespmem:$0x1FFB0]  }
0x323: {  	v16 =	vmul.f32 v16, v29;
	v3 =	vadd.f32 v3, v39;
	v2 =	vadd.f32 v2, v30;
	v30 =	vld.idx.msk [tilespmem:v53+s29+$0x0], $0xffff  }
0x324: {  	v1 =	vsub.f32 v1, v43;
	v5 =	vadd.f32 v5, v42;
	v39 =	vld.idx.msk [tilespmem:v59+s26+$0x0], $0xffff  }
0x325: {  	v6 =	vadd.f32 v6, v52;
	v16 =	vadd.f32 v16, v60;
	v59 =	vld [tilespmem:$0x1FF90]  }
0x326: {  	v11 =	vadd.f32 v11, v33;
	v1 =	vmul.f32 v1, v29;
	v29 =	vld.idx.msk [tilespmem:v55+s29+$0x0], $0xffff;
	v52 =	vor.u32 v63, v46  }
0x327: {  	v60 =	vld [tilespmem:$0x1FFA0];
	v3 =	vadd.f32 v3, v32;
	v6 =	vadd.f32 v6, v49;
	v51 =	vor.u32 v61, v37  }
0x328: {  	v55 =	vld.idx.msk [tilespmem:v48+s30+$0x0], $0xffff;
	v56 =	vor.u32 v8, v46;
	v16 =	vadd.f32 v16, v57;
	v1 =	vadd.f32 v1, v43  }
0x329: {  	v4 =	vadd.f32 v4, v34;
	v57 =	vld.idx.msk [tilespmem:v62+s29+$0x0], $0xffff;
	v6 =	vadd.f32 v6, v41  }
0x32a: {  	(xrf2) =	vadd.scan.msk.f32 $0xffff, v47;
	v62 =	vld [tilespmem:$0x1FFD0];
	v1 =	vadd.f32 v1, v38;
	v53 =	vor.u32 v59, v37;
	v16 =	vadd.f32 v16, v39  }
0x32b: {  	v3 =	vadd.f32 v3, v45;
	v48 =	vor.u32 v61, v46;
	v6 =	vadd.f32 v6, v29;
	v34 =	vld.idx.msk [tilespmem:v52+s30+$0x0], $0xffff  }
0x32c: {  	v1 =	vadd.f32 v1, v9;
	v45 =	vor.u32 v59, v50;
	v9 =	vld.idx.msk [tilespmem:v51+s26+$0x0], $0xffff;
	v16 =	vadd.f32 v16, v30  }
0x32d: {  	(xrf2) =	vadd.scan.msk.f32 $0xffff, v44;
	v5 =	vadd.f32 v5, v36;
	v30 =	vadd.f32 v6, v10;
	v6 =	vld.idx.msk [tilespmem:v56+s30+$0x0], $0xffff  }
0x32e: {  	v1 =	vadd.f32 v1, v40;
	v10 =	vor.u32 v59, v46;
	v29 =	vadd.f32 v16, v55;
	v16 =	vld.idx.msk [tilespmem:v58+s29+$0x0], $0xffff  }
0x32f: {  	v5 =	vadd.f32 v5, v54;
	v49 =	vor.u32 v62, v50;
	v51 =	vor.u32 v60, v50;
	v36 =	vld.idx.msk [tilespmem:v53+s26+$0x0], $0xffff  }
0x330: {  	v53 =	vmul.f32 v30, v30;
	v33 =	vmul.f32 v29, v29;
	v32 =	vadd.f32 v1, v34;
	v1 =	vld.idx.msk [tilespmem:v48+s30+$0x0], $0xffff  }
0x331: {  	v5 =	vadd.f32 v5, v57;
	v52 =	vld.idx.msk [tilespmem:v45+s29+$0x0], $0xffff;
	v9 =	vadd.f32 v11, v9;
	v11 =	vor.u32 v62, v46  }
0x332: {  	v56 =	vadd.f32 $0.0e+00, v29;
	v54 =	vadd.f32 v53, v33  }
0x333: {  	v33 =	vadd.f32 v5, v6;
	v5 =	vor.u32 v60, v46;
	v6 =	vld.idx.msk [tilespmem:v10+s30+$0x0], $0xffff;
	v9 =	vadd.f32 v9, v16  }
0x334: {  	v55 =	vld.idx.msk [tilespmem:v49+s29+$0x0], $0xffff;
	v10 =	vmul.f32 v32, v32;
	v4 =	vadd.f32 v4, v36  }
0x335: {  	v16 =	vld.idx.msk [tilespmem:v51+s29+$0x0], $0xffff;
	v34 =	vadd.f32 v9, v1;
	v9 =	vadd.f32 v30, v56  }
0x336: {  	v10 =	vadd.f32 v10, v54;
	v57 =	vmul.f32 v33, v33;
	v4 =	vadd.f32 v4, v52;
	v1 =	vld.idx.msk [tilespmem:v11+s30+$0x0], $0xffff  }
0x337: {  	v2 =	vadd.f32 v2, v35  }
0x338: {  	v10 =	vadd.f32 v57, v10;
	v35 =	vadd.f32 v4, v6;
	v4 =	vld.idx.msk [tilespmem:v5+s30+$0x0], $0xffff;
	v6 =	vmul.f32 v34, v34  }
0x339: {  	v2 =	vadd.f32 v2, v55;
	v5 =	vadd.f32 v32, v9;
	v9, _, _ =	vpop (xrf2)  }
0x33a: {  	v7 =	vld [tilespmem:$0x1FC60];
	v3 =	vadd.f32 v3, v16;
	v6 =	vadd.f32 v6, v10;
	v10 =	vmul.f32 v35, v35;
	v11, _, _ =	vpop (xrf2)  }
0x33b: {  	v36 =	vadd.f32 v2, v1;
	v1 =	vmul.f32 v28, v31;
	v2 =	vmul.f32 $7.812500000e-03, v11  }
0x33c: {  	v9 =	vmul.f32 $7.812500000e-03, v9;
	v6 =	vadd.f32 v10, v6  }
0x33d: {  	v28 =	vadd.f32 v3, v4;
	v4 =	vmul.f32 v2, v2;
	v10 =	vmul.f32 v1, v25;
	_ =	sdelay $0x1  }
0x33e: {  	v4 =	vsub.f32 v9, v4;
	v9 =	vmul.f32 v10, v1;
	v10 =	vmul.f32 v27, v7;
	v7 =	vld [tilespmem:$0x1FC80];
	_ =	sdelay $0x3  }
0x33f: {  	v5 =	vadd.f32 v33, v5  }
0x340: {  	v11 =	vmul.f32 v27, v7;
	v7 =	vld [tilespmem:$0x1FCA0]  }
0x341: {  	v5 =	vadd.f32 v34, v5  }
0x342: {  	v3 =	vmul.f32 v36, v36  }
0x343: {  	v5 =	vadd.f32 v35, v5  }
0x344: {  	v3 =	vadd.f32 v3, v6;
	v6 =	vmul.f32 v28, v28  }
0x345: {  	v5 =	vadd.f32 v36, v5;
	v16 =	vmul.f32 v27, v7;
	v7 =	vld [tilespmem:$0x1FCC0]  }
0x346: {  	v3 =	vadd.f32 v6, v3;
	v6 =	vsub.f32 $1.500000000e+00, v9;
	_ =	sdelay $0x1  }
0x347: {  	v5 =	vadd.f32 v28, v5;
	v1 =	vmul.f32 v6, v1  }
0x348: {  	(xrf2) =	vadd.scan.msk.f32 $0xffff, v3  }
0x349: {  	(xrf2) =	vadd.scan.msk.f32 $0xffff, v5;
	v5 =	vmul.f32 v1, v25;
	v25 =	vmul.f32 v27, v7;
	v7 =	vld [tilespmem:$0x1FCE0];
	_ =	sdelay $0x3  }
0x34a: {  	v6 =	vld [tilespmem:$0x1FC50]  }
0x34b: {  	v31 =	vmul.f32 v27, v7;
	v7 =	vld [tilespmem:$0x1FD60];
	_ =	sdelay $0x4  }
0x34c: {  	v6 =	vmul.f32 v27, v6;
	v27 =	vmul.f32 v27, v7;
	v7 =	vld [tilespmem:$0x1FD90];
	_ =	sdelay $0x3  }
0x34d: {  	v43 =	vld [tilespmem:$0x1FE90]  }
0x34e: {  	v58 =	vsub.f32 $0.0e+00, v7;
	v7 =	vld [tilespmem:$0x1FC10]  }
0x34f: {  	v51 =	vld [tilespmem:$0x1FF10]  }
0x350: {  	v0 =	vadd.f32 v26, v13;
	_ =	sdelay $0x1  }
0x351: {  	v0 =	vmul.f32 v0, v43;
	_ =	sdelay $0x1  }
0x352: {  	v0 =	vadd.f32 v0, v51;
	v4 =	vadd.f32 $9.999999740e-06, v4  }
0x353: {  	v44 =	vld [tilespmem:$0x1FEA0];
	v5 =	vmul.f32 v5, v1  }
0x354: {  	v45 =	vld [tilespmem:$0x1FEB0];
	v3 =	vbroadcast v4, $0xF;
	[tilespmem:v7+s14+$0x0] =	vst.idx.msk $0xffff, v0  }
0x355: {  	v5 =	vsub.f32 $1.500000000e+00, v5;
	v7 =	vld [tilespmem:$0x1FC00]  }
0x356: {  	v4 =	vshra.s32 v3, $0x1;
	v3 =	vmul.f32 $5.000000000e-01, v3;
	v52 =	vld [tilespmem:$0x1FF20]  }
0x357: {  	v4 =	vsub.s32 $0x5F3759DF, v4;
	v1 =	vmul.f32 v5, v1;
	v5 =	vadd.f32 v26, v6  }
0x358: {  	v9 =	vmul.f32 v4, v3  }
0x359: {  	v5 =	vmul.f32 v5, v44  }
0x35a: {  	v9 =	vmul.f32 v4, v9  }
0x35b: {  	v0 =	vadd.f32 v5, v52  }
0x35c: {  	v9 =	vsub.f32 $1.500000000e+00, v9;
	v46 =	vld [tilespmem:$0x1FEC0]  }
0x35d: {  	v47 =	vld [tilespmem:$0x1FED0];
	[tilespmem:v7+s14+$0x0] =	vst.idx.msk $0xffff, v0  }
0x35e: {  	v7 =	vld [tilespmem:$0x1FD00];
	_ =	sdelay $0x1  }
0x35f: {  	v6 =	vadd.f32 v26, v10;
	v4 =	vmul.f32 v4, v9;
	v9, _, _ =	vpop (xrf2)  }
0x360: {  	v10 =	vadd.f32 v26, v11;
	v11 =	vadd.f32 v26, v16;
	v16, _, _ =	vpop (xrf2);
	v48 =	vld [tilespmem:$0x1FEE0]  }
0x361: {  	v25 =	vadd.f32 v26, v25;
	v16 =	vmul.f32 $7.812500000e-03, v16;
	v49 =	vld [tilespmem:$0x1FEF0]  }
0x362: {  	v31 =	vadd.f32 v26, v31;
	v26 =	vadd.f32 v26, v27;
	v27 =	vmul.f32 v1, v7;
	v7 =	vld [tilespmem:$0x1FD10];
	_ =	sdelay $0x1  }
0x363: {  	v5 =	vmul.f32 $7.812500000e-03, v9;
	v9 =	vmul.f32 v16, v16;
	_ =	sdelay $0x1  }
0x364: {  	v0 =	vsub.f32 v5, v9;
	v5 =	vmul.f32 v25, v48  }
0x365: {  	v25 =	vmul.f32 v31, v49;
	v31 =	vmul.f32 v1, v7;
	v7 =	vld [tilespmem:$0x1FD20];
	_ =	sdelay $0x4  }
0x366: {  	v37 =	vmul.f32 v1, v7;
	v7 =	vld [tilespmem:$0x1FD30];
	_ =	sdelay $0x4  }
0x367: {  	v38 =	vmul.f32 v1, v7;
	v7 =	vld [tilespmem:$0x1FD40];
	_ =	sdelay $0x4  }
0x368: {  	v39 =	vmul.f32 v1, v7;
	v7 =	vld [tilespmem:$0x1FD50];
	_ =	sdelay $0x4  }
0x369: {  	v41 =	vmul.f32 v1, v7;
	v7 =	vld [tilespmem:$0x1FD70];
	_ =	sdelay $0x4  }
0x36a: {  	v42 =	vmul.f32 v1, v7;
	v7 =	vld [tilespmem:$0x1FBF0]  }
0x36b: {  	v53 =	vld [tilespmem:$0x1FF30];
	_ =	sdelay $0x1  }
0x36c: {  	v50 =	vld [tilespmem:$0x1FF00]  }
0x36d: {  	v6 =	vmul.f32 v6, v45;
	v54 =	vld [tilespmem:$0x1FF40]  }
0x36e: {  	v55 =	vld [tilespmem:$0x1FF50]  }
0x36f: {  	v56 =	vld [tilespmem:$0x1FF60];
	v6 =	vadd.f32 v6, v53  }
0x370: {  	v57 =	vld [tilespmem:$0x1FF70]  }
0x371: {  	v9 =	vbroadcast v58, $0xF;
	v58 =	vld [tilespmem:$0x1FF80];
	[tilespmem:v7+s14+$0x0] =	vst.idx.msk $0xffff, v6  }
0x372: {  	v7 =	vld [tilespmem:$0x1FBE0];
	_ =	sdelay $0x3  }
0x373: {  	v10 =	vmul.f32 v10, v46;
	_ =	sdelay $0x1  }
0x374: {  	v10 =	vadd.f32 v10, v54;
	_ =	sdelay $0x1  }
0x375: {  	v6 =	vld [tilespmem:$0x1FD80];
	[tilespmem:v7+s14+$0x0] =	vst.idx.msk $0xffff, v10  }
0x376: {  	v7 =	vld [tilespmem:$0x1FBD0];
	_ =	sdelay $0x3  }
0x377: {  	v11 =	vmul.f32 v11, v47;
	_ =	sdelay $0x1  }
0x378: {  	v11 =	vadd.f32 v11, v55;
	_ =	sdelay $0x1  }
0x379: {  	[tilespmem:v7+s14+$0x0] =	vst.idx.msk $0xffff, v11  }
0x37a: {  	v7 =	vld [tilespmem:$0x1FBC0];
	_ =	sdelay $0x5  }
0x37b: {  	v5 =	vadd.f32 v5, v56;
	_ =	sdelay $0x1  }
0x37c: {  	[tilespmem:v7+s14+$0x0] =	vst.idx.msk $0xffff, v5  }
0x37d: {  	v7 =	vld [tilespmem:$0x1FBB0];
	_ =	sdelay $0x5  }
0x37e: {  	v25 =	vadd.f32 v25, v57;
	_ =	sdelay $0x1  }
0x37f: {  	[tilespmem:v7+s14+$0x0] =	vst.idx.msk $0xffff, v25  }
0x380: {  	v7 =	vld [tilespmem:$0x1FBA0];
	_ =	sdelay $0x3  }
0x381: {  	v40 =	vmul.f32 v4, v3;
	v26 =	vmul.f32 v26, v50;
	_ =	sdelay $0x1  }
0x382: {  	v40 =	vmul.f32 v40, v4;
	v26 =	vadd.f32 v26, v58;
	_ =	sdelay $0x1  }
0x383: {  	v10 =	vsub.f32 $1.500000000e+00, v40;
	[tilespmem:v7+s14+$0x0] =	vst.idx.msk $0xffff, v26  }
0x384: {  	v9 =	vmul.f32 v1, v9;
	v7 =	vld [tilespmem:$0x1FCF0]  }
0x385: {  	v4 =	vmul.f32 v10, v4  }
0x386: {  	v27 =	vadd.f32 v9, v27;
	v31 =	vadd.f32 v9, v31;
	v1 =	vmul.f32 v1, v6  }
0x387: {  	v37 =	vadd.f32 v9, v37;
	v6 =	vadd.f32 v9, v38;
	v3 =	vmul.f32 v4, v3  }
0x388: {  	v27 =	vmul.f32 v27, v43;
	v1 =	vadd.f32 v9, v1;
	v40 =	vadd.f32 v9, v39  }
0x389: {  	v3 =	vmul.f32 v3, v4;
	v11 =	vmul.f32 v31, v44;
	v31 =	vadd.f32 v9, v41  }
0x38a: {  	v41 =	vadd.f32 v9, v42;
	v9 =	vadd.f32 v27, v51  }
0x38b: {  	v3 =	vsub.f32 $1.500000000e+00, v3  }
0x38c: {  	[tilespmem:v7+s14+$0x0] =	vst.idx.msk $0xffff, v9  }
0x38d: {  	v3 =	vmul.f32 v3, v4;
	v4 =	vld [tilespmem:$0x1FCD0];
	_ =	sdelay $0x5  }
0x38e: {  	v11 =	vadd.f32 v11, v52;
	_ =	sdelay $0x1  }
0x38f: {  	[tilespmem:v4+s14+$0x0] =	vst.idx.msk $0xffff, v11  }
0x390: {  	v7 =	vld [tilespmem:$0x1FCB0];
	_ =	sdelay $0x3  }
0x391: {  	v10 =	vmul.f32 v37, v45;
	_ =	sdelay $0x1  }
0x392: {  	v10 =	vadd.f32 v10, v53;
	_ =	sdelay $0x1  }
0x393: {  	[tilespmem:v7+s14+$0x0] =	vst.idx.msk $0xffff, v10  }
0x394: {  	v7 =	vld [tilespmem:$0x1FC90];
	_ =	sdelay $0x3  }
0x395: {  	v6 =	vmul.f32 v6, v46;
	_ =	sdelay $0x1  }
0x396: {  	v6 =	vadd.f32 v6, v54;
	_ =	sdelay $0x1  }
0x397: {  	[tilespmem:v7+s14+$0x0] =	vst.idx.msk $0xffff, v6  }
0x398: {  	v7 =	vld [tilespmem:$0x1FC70];
	_ =	sdelay $0x3  }
0x399: {  	v25 =	vmul.f32 v40, v47;
	_ =	sdelay $0x1  }
0x39a: {  	v9 =	vadd.f32 v25, v55;
	_ =	sdelay $0x1  }
0x39b: {  	[tilespmem:v7+s14+$0x0] =	vst.idx.msk $0xffff, v9  }
0x39c: {  	v7 =	vld [tilespmem:$0x1FE30];
	_ =	sdelay $0x4  }
0x39d: {  	v9 =	vmul.f32 v3, v7;
	v7 =	vld [tilespmem:$0x1FC40];
	_ =	sdelay $0x3  }
0x39e: {  	v31 =	vmul.f32 v31, v48;
	_ =	sdelay $0x1  }
0x39f: {  	v4 =	vadd.f32 v31, v56;
	_ =	sdelay $0x1  }
0x3a0: {  	[tilespmem:v7+s14+$0x0] =	vst.idx.msk $0xffff, v4  }
0x3a1: {  	v7 =	vld [tilespmem:$0x1FC30]  }
0x3a2: {  	v0 =	vadd.f32 $9.999999740e-06, v0;
	_ =	sdelay $0x1  }
0x3a3: {  	v0 =	vbroadcast v0, $0xF  }
0x3a4: {  	v26 =	vmul.f32 v41, v49  }
0x3a5: {  	v5 =	vshra.s32 v0, $0x1;
	v0 =	vmul.f32 $5.000000000e-01, v0  }
0x3a6: {  	v5 =	vsub.s32 $0x5F3759DF, v5;
	v10 =	vadd.f32 v26, v57  }
0x3a7: {  	v42 =	vmul.f32 v5, v0  }
0x3a8: {  	[tilespmem:v7+s14+$0x0] =	vst.idx.msk $0xffff, v10  }
0x3a9: {  	v27 =	vmul.f32 v5, v42;
	v7 =	vld [tilespmem:$0x1FC20];
	_ =	sdelay $0x1  }
0x3aa: {  	v27 =	vsub.f32 $1.500000000e+00, v27  }
0x3ab: {  	v2 =	vsub.f32 $0.0e+00, v2  }
0x3ac: {  	v1 =	vmul.f32 v1, v50;
	v5 =	vmul.f32 v5, v27  }
0x3ad: {  	v2 =	vbroadcast v2, $0xF  }
0x3ae: {  	v1 =	vadd.f32 v1, v58;
	v6 =	vmul.f32 v5, v0  }
0x3af: {  	v2 =	vmul.f32 v3, v2  }
0x3b0: {  	v18 =	vmul.f32 v3, v22;
	v4 =	vmul.f32 v6, v5;
	[tilespmem:v7+s14+$0x0] =	vst.idx.msk $0xffff, v1  }
0x3b1: {  	v11 =	vmul.f32 v3, v17;
	v17 =	vmul.f32 v3, v19;
	v7 =	vld [tilespmem:$0x1FE00]  }
0x3b2: {  	v19 =	vmul.f32 v3, v14;
	v6 =	vmul.f32 v3, v20;
	v4 =	vsub.f32 $1.500000000e+00, v4  }
0x3b3: {  	v9 =	vadd.f32 v2, v9;
	v10 =	vadd.f32 v2, v11;
	v11 =	vmul.f32 v3, v21  }
0x3b4: {  	v6 =	vadd.f32 v2, v6;
	v4 =	vmul.f32 v4, v5;
	v3 =	vmul.f32 v3, v24  }
0x3b5: {  	v5 =	vadd.f32 v2, v11;
	v11 =	vadd.f32 v2, v18;
	v10 =	vmul.f32 v10, v43  }
0x3b6: {  	v1 =	vadd.f32 v2, v17;
	v17 =	vadd.f32 v2, v19  }
0x3b7: {  	v2 =	vadd.f32 v2, v3;
	v3 =	vadd.f32 v10, v51;
	_ =	sdelay $0x1  }
0x3b8: {  	[tilespmem:v7+s14+$0x0] =	vst.idx.msk $0xffff, v3  }
0x3b9: {  	v7 =	vld [tilespmem:$0x1FE10];
	_ =	sdelay $0x3  }
0x3ba: {  	v9 =	vmul.f32 v9, v44;
	_ =	sdelay $0x1  }
0x3bb: {  	v9 =	vadd.f32 v9, v52;
	_ =	sdelay $0x1  }
0x3bc: {  	[tilespmem:v7+s14+$0x0] =	vst.idx.msk $0xffff, v9  }
0x3bd: {  	v7 =	vld [tilespmem:$0x1FDF0];
	_ =	sdelay $0x3  }
0x3be: {  	v1 =	vmul.f32 v1, v45;
	_ =	sdelay $0x1  }
0x3bf: {  	v1 =	vadd.f32 v1, v53  }
0x3c0: {  	v5 =	vmul.f32 v5, v47  }
0x3c1: {  	[tilespmem:v7+s14+$0x0] =	vst.idx.msk $0xffff, v1  }
0x3c2: {  	v1 =	vadd.f32 v5, v55;
	v5 =	vld [tilespmem:$0x1FDE0];
	_ =	sdelay $0x3  }
0x3c3: {  	v6 =	vmul.f32 v6, v46;
	_ =	sdelay $0x1  }
0x3c4: {  	v3 =	vadd.f32 v6, v54;
	_ =	sdelay $0x1  }
0x3c5: {  	[tilespmem:v5+s14+$0x0] =	vst.idx.msk $0xffff, v3  }
0x3c6: {  	v5 =	vld [tilespmem:$0x1FDD0];
	_ =	sdelay $0x7  }
0x3c7: {  	[tilespmem:v5+s14+$0x0] =	vst.idx.msk $0xffff, v1  }
0x3c8: {  	v5 =	vld [tilespmem:$0x1FDC0];
	_ =	sdelay $0x2  }
0x3c9: {  	v0 =	vmul.f32 v4, v0  }
0x3ca: {  	v10 =	vmul.f32 v11, v48  }
0x3cb: {  	v0 =	vmul.f32 v0, v4  }
0x3cc: {  	v3 =	vadd.f32 v10, v56  }
0x3cd: {  	v0 =	vsub.f32 $1.500000000e+00, v0;
	v6 =	vsub.f32 $0.0e+00, v16  }
0x3ce: {  	[tilespmem:v5+s14+$0x0] =	vst.idx.msk $0xffff, v3  }
0x3cf: {  	v0 =	vmul.f32 v0, v4;
	v4 =	vbroadcast v6, $0xF;
	v6 =	vld [tilespmem:$0x1FDB0];
	_ =	sdelay $0x3  }
0x3d0: {  	v9 =	vmul.f32 v17, v49;
	_ =	sdelay $0x1  }
0x3d1: {  	v1 =	vadd.f32 v9, v57;
	_ =	sdelay $0x1  }
0x3d2: {  	[tilespmem:v6+s14+$0x0] =	vst.idx.msk $0xffff, v1  }
0x3d3: {  	v7 =	vld [tilespmem:$0x1FDA0];
	_ =	sdelay $0x3  }
0x3d4: {  	v2 =	vmul.f32 v2, v50;
	_ =	sdelay $0x1  }
0x3d5: {  	v2 =	vadd.f32 v2, v58;
	v4 =	vmul.f32 v0, v4;
	v3 =	vmul.f32 v0, v29;
	_ =	sdelay $0x1  }
0x3d6: {  	[tilespmem:v7+s14+$0x0] =	vst.idx.msk $0xffff, v2;
	v2 =	vadd.f32 v4, v3;
	_ =	sdelay $0x1  }
0x3d7: {  	v2 =	vmul.f32 v2, v43  }
0x3d8: {  	v3 =	vmul.f32 v0, v34  }
0x3d9: {  	v2 =	vadd.f32 v2, v51  }
0x3da: {  	v3 =	vadd.f32 v4, v3  }
0x3db: {  	[tilespmem:v12+s14+$0x0] =	vst.idx.msk $0xffff, v2  }
0x3dc: {  	v5 =	vmul.f32 v0, v30;
	v2 =	vmul.f32 v3, v47;
	v3 =	vld [tilespmem:$0x1FE80]  }
0x3dd: {  	v1 =	vmul.f32 v0, v32  }
0x3de: {  	v5 =	vadd.f32 v4, v5  }
0x3df: {  	v1 =	vadd.f32 v4, v1  }
0x3e0: {  	v5 =	vmul.f32 v5, v44  }
0x3e1: {  	v1 =	vmul.f32 v1, v45  }
0x3e2: {  	v5 =	vadd.f32 v5, v52  }
0x3e3: {  	v1 =	vadd.f32 v1, v53  }
0x3e4: {  	[tilespmem:v3+s14+$0x0] =	vst.idx.msk $0xffff, v5  }
0x3e5: {  	[tilespmem:v23+s14+$0x0] =	vst.idx.msk $0xffff, v1  }
0x3e6: {  	v6 =	vmul.f32 v0, v33;
	v5 =	vld [tilespmem:$0x1FE70];
	_ =	sdelay $0x1  }
0x3e7: {  	v6 =	vadd.f32 v4, v6  }
0x3e8: {  	v9 =	vmul.f32 v0, v35  }
0x3e9: {  	v6 =	vmul.f32 v6, v46  }
0x3ea: {  	v10 =	vmul.f32 v0, v36;
	v9 =	vadd.f32 v4, v9;
	v0 =	vmul.f32 v0, v28  }
0x3eb: {  	v3 =	vadd.f32 v6, v54  }
0x3ec: {  	v10 =	vadd.f32 v4, v10;
	v0 =	vadd.f32 v4, v0;
	v4 =	vmul.f32 v9, v48  }
0x3ed: {  	[tilespmem:v5+s14+$0x0] =	vst.idx.msk $0xffff, v3  }
0x3ee: {  	v3 =	vadd.f32 v4, v56;
	v4 =	vld [tilespmem:$0x1FE60];
	_ =	sdelay $0x5  }
0x3ef: {  	v1 =	vadd.f32 v2, v55  }
0x3f0: {  	v2 =	vmul.f32 v10, v49  }
0x3f1: {  	[tilespmem:v4+s14+$0x0] =	vst.idx.msk $0xffff, v1  }
0x3f2: {  	v1 =	vadd.f32 v2, v57;
	v2 =	vld [tilespmem:$0x1FE50];
	_ =	sdelay $0x7  }
0x3f3: {  	[tilespmem:v2+s14+$0x0] =	vst.idx.msk $0xffff, v3  }
0x3f4: {  	v2 =	vld [tilespmem:$0x1FE40];
	_ =	sdelay $0x7  }
0x3f5: {  	[tilespmem:v2+s14+$0x0] =	vst.idx.msk $0xffff, v1  }
0x3f6: {  	v1 =	vld [tilespmem:$0x1FE20];
	_ =	sdelay $0x3  }
0x3f7: {  	v0 =	vmul.f32 v0, v50;
	_ =	sdelay $0x1  }
0x3f8: {  	v0 =	vadd.f32 v0, v58  }
0x3f9: {  	s11 =	sshll.u32 s6, $0x4;
	s13 =	rddreg [dreg:$0xd]  }
0x3fa: {  	s13 =	sadd.s32 s13, s11;
	s11 =	simm.s32 $0x0;
	[tilespmem:v1+s14+$0x0] =	vst.idx.msk $0xffff, v0  }
0x3fb: {  	[hbm4b:s13+s11] =	stream.linear.scatter [tilespmem:s14], [sflag:$0x4], $0x2800, $0x38;
	[tilespmem:$0x1E900] =	vst v63  }
0x3fc: {  	s13 =	sshrl.u32 s6, $0x3  }
0x3fd: {  	s6 =	sadd.s32 $0x14, s13  }
0x3fe: {  	s21 =	smov.u32 s16;
	s16 =	sadd.s32 s16, s6  }
0x3ff: {  	[tilespmem:s11], [sflag:$0x1] =	stream.linear.gather [hbm4b:s16+s11], $0x50, $0x38;
	[tilespmem:$0x1E900] =	vst v63  }
0x400: {  	s16 =	rddreg [dreg:$0x1]  }
0x401: {  	s13 =	sadd.s32 s16, s6;
	s16 =	rddreg [dreg:$0x2]  }
0x402: {  	[tilespmem:s8], [sflag:$0x1] =	stream.linear.gather [hbm4b:s13+s11], $0x50, $0x38;
	[tilespmem:$0x1E900] =	vst v63  }
0x403: {  	s13 =	sadd.s32 s16, s6;
	s16 =	rddreg [dreg:$0x3]  }
0x404: {  	[tilespmem:s10], [sflag:$0x1] =	stream.linear.gather [hbm4b:s13+s11], $0x50, $0x38;
	[tilespmem:$0x1E900] =	vst v63  }
0x405: {  	s13 =	sadd.s32 s16, s6;
	s16 =	rddreg [dreg:$0x4]  }
0x406: {  	[tilespmem:s12], [sflag:$0x1] =	stream.linear.gather [hbm4b:s13+s11], $0x50, $0x38;
	[tilespmem:$0x1E900] =	vst v63  }
0x407: {  	s6 =	sadd.s32 s16, s6;
	s13 =	simm.s32 $0x200  }
0x408: {  	[tilespmem:s13], [sflag:$0x1] =	stream.linear.gather [hbm4b:s6+s11], $0x50, $0x38;
	[tilespmem:$0x1E900] =	vst v63  }
0x409: {  	v0 =	vld [tilespmem:$0x380]  }
0x40a: {  	v1 =	vld [tilespmem:$0x390]  }
0x40b: {  	v2 =	vld [tilespmem:$0x3A0]  }
0x40c: {  	v3 =	vld [tilespmem:$0x3B0]  }
0x40d: {  	v4 =	vld [tilespmem:$0x3C0]  }
0x40e: {  	v0 =	vand.u32 $0xFFFFFFFD, v0  }
0x40f: {  	v5 =	vimm.f32 $0.0e+00;
	vm0 =	veq.s32 v0, $0x0;
	v0 =	vand.u32 $0xFFFFFFFD, v1  }
0x410: {  	v1 =	vsel vm0, $0x3F800000, v5;
	vm12 =	veq.s32 v0, $0x0;
	v0 =	vand.u32 $0xFFFFFFFD, v2  }
0x411: {  	[tilespmem:$0x580] =	vst v1;
	v1 =	vsel vm12, $0x3F800000, v5;
	vm13 =	veq.s32 v0, $0x0;
	v0 =	vand.u32 $0xFFFFFFFD, v3  }
0x412: {  	[tilespmem:$0x590] =	vst v1;
	v1 =	vsel vm13, $0x3F800000, v5;
	vm14 =	veq.s32 v0, $0x0;
	v0 =	vand.u32 $0xFFFFFFFD, v4  }
0x413: {  	[tilespmem:$0x5A0] =	vst v1;
	v1 =	vsel vm14, $0x3F800000, v5;
	vm15 =	veq.s32 v0, $0x0  }
0x414: {  	[tilespmem:$0x5B0] =	vst v1;
	v0 =	vsel vm15, $0x3F800000, v5  }
0x415: {  	[tilespmem:$0x5C0] =	vst v0  }
0x416: {  	_ =	swait.ge [sflag:s28], $0x2800  }
0x417: {  	[sflag:s28] =	ssyncset.done $0x0  }
0x418: {  	[sflag:s28] =	ssyncadd.s32 $0xFFFFD800  }
0x419: {  	_ =	swait.ge [sflag:s28], $0x2800  }
0x41a: {  	[sflag:s28] =	ssyncset.done $0x0  }
0x41b: {  	[sflag:s28] =	ssyncadd.s32 $0xFFFFD800  }
0x41c: {  	_ =	swait.ge [sflag:s28], $0x2800  }
0x41d: {  	[sflag:s28] =	ssyncset.done $0x0  }
0x41e: {  	s16 =	simm.s32 $0x5;
	[sflag:s28] =	ssyncadd.s32 $0xFFFFD800  }
0x41f: {  	_ =	swait.ge [sflag:s16], $0x2800  }
0x420: {  	[sflag:s16] =	ssyncset.done $0x0  }
0x421: {  	[sflag:s16] =	ssyncadd.s32 $0xFFFFD800  }
0x422: {  	_ =	swait.ge [sflag:s31], $0x50  }
0x423: {  	[sflag:s31] =	ssyncset.done $0x0  }
0x424: {  	[sflag:s31] =	ssyncadd.s32 $0xFFFFFFB0  }
0x425: {  	_ =	swait.ge [sflag:s31], $0x50  }
0x426: {  	[sflag:s31] =	ssyncset.done $0x0  }
0x427: {  	[sflag:s31] =	ssyncadd.s32 $0xFFFFFFB0  }
0x428: {  	_ =	swait.ge [sflag:s31], $0x50  }
0x429: {  	[sflag:s31] =	ssyncset.done $0x0  }
0x42a: {  	[sflag:s31] =	ssyncadd.s32 $0xFFFFFFB0  }
0x42b: {  	_ =	swait.ge [sflag:s31], $0x50  }
0x42c: {  	[sflag:s31] =	ssyncset.done $0x0  }
0x42d: {  	[sflag:s31] =	ssyncadd.s32 $0xFFFFFFB0  }
0x42e: {  	_ =	swait.ge [sflag:s31], $0x50  }
0x42f: {  	[sflag:s31] =	ssyncset.done $0x0  }
0x430: {  	[sflag:s31] =	ssyncadd.s32 $0xFFFFFFB0  }
0x431: {  	s16 =	rddreg [dreg:$0x5]  }
0x432: {  	v0 =	vmov s11;
	[tilespmem:s18], [sflag:$0x3] =	stream.indirect.gather [hbm4b:s16+s9], $0x80, s11, s9, $0xb8;
	[tilespmem:$0x1E900] =	vst v63  }
0x433: {  	s16 =	rddreg [dreg:$0x6]  }
0x434: {  	[tilespmem:s19], [sflag:$0x3] =	stream.indirect.gather [hbm4b:s16+s9], $0x80, s11, s9, $0xb8;
	[tilespmem:$0x1E900] =	vst v63  }
0x435: {  	v1 =	vshll.u32 v0, $0x7;
	s16 =	rddreg [dreg:$0xa]  }
0x436: {  	v7 =	vor.u32 v60, v1;
	[tilespmem:s20], [sflag:$0x3] =	stream.indirect.gather [hbm4b:s16+s9], $0x80, s13, s9, $0xb8;
	[tilespmem:$0x1E900] =	vst v63  }
0x437: {  	v9 =	vor.u32 v62, v1;
	v2 =	vld.idx.msk [tilespmem:v0+s17+$0x0], $0xffff  }
0x438: {  	v19 =	vor.u32 v59, v1;
	v3 =	vld.idx.msk [tilespmem:v0+s22+$0x0], $0xffff  }
0x439: {  	v22 =	vor.u32 v61, v1;
	v4 =	vld.idx.msk [tilespmem:v0+s24+$0x0], $0xffff  }
0x43a: {  	v0 =	vld.idx.msk [tilespmem:v0+s23+$0x0], $0xffff  }
0x43b: {  	v5 =	vld.idx.msk [tilespmem:v7+s3+$0x0], $0xffff  }
0x43c: {  	v6 =	vld.idx.msk [tilespmem:v9+s3+$0x0], $0xffff  }
0x43d: {  	v10 =	vld.idx.msk [tilespmem:v19+s3+$0x0], $0xffff  }
0x43e: {  	v12 =	vld.idx.msk [tilespmem:v22+s3+$0x0], $0xffff  }
0x43f: {  	v25 =	vor.u32 v8, v1;
	v11 =	vld.idx.msk [tilespmem:v7+s1+$0x0], $0xffff;
	[tilespmem:$0x1F8D0] =	vst v7  }
0x440: {  	v13 =	vld.idx.msk [tilespmem:v7+s2+$0x0], $0xffff  }
0x441: {  	v7 =	vld [tilespmem:$0x1FFE0]  }
0x442: {  	v27 =	vor.u32 v63, v1;
	_ =	sdelay $0x1  }
0x443: {  	v14 =	vld.idx.msk [tilespmem:v25+s3+$0x0], $0xffff  }
0x444: {  	v15 =	vld.idx.msk [tilespmem:v9+s1+$0x0], $0xffff;
	[tilespmem:$0x1F8E0] =	vst v9  }
0x445: {  	v16 =	vld.idx.msk [tilespmem:v9+s2+$0x0], $0xffff;
	v29 =	vor.u32 v7, v1  }
0x446: {  	v17 =	vld.idx.msk [tilespmem:v27+s3+$0x0], $0xffff;
	v9 =	vlaneseq.u32  }
0x447: {  	v18 =	vld.idx.msk [tilespmem:v19+s1+$0x0], $0xffff;
	[tilespmem:$0x1F8F0] =	vst v19;
	v50 =	vor.u32 v9, v1  }
0x448: {  	v19 =	vld.idx.msk [tilespmem:v19+s2+$0x0], $0xffff  }
0x449: {  	v21 =	vld.idx.msk [tilespmem:v22+s1+$0x0], $0xffff  }
0x44a: {  	v20 =	vld.idx.msk [tilespmem:v29+s3+$0x0], $0xffff;
	[tilespmem:$0x1F900] =	vst v22  }
0x44b: {  	v22 =	vld.idx.msk [tilespmem:v22+s2+$0x0], $0xffff  }
0x44c: {  	v23 =	vld.idx.msk [tilespmem:v50+s3+$0x0], $0xffff  }
0x44d: {  	v24 =	vld.idx.msk [tilespmem:v25+s1+$0x0], $0xffff;
	[tilespmem:$0x1F910] =	vst v25  }
0x44e: {  	v25 =	vld.idx.msk [tilespmem:v25+s2+$0x0], $0xffff  }
0x44f: {  	v4 =	vshll.u32 v4, $0x7;
	v26 =	vld.idx.msk [tilespmem:v27+s1+$0x0], $0xffff;
	[tilespmem:$0x1F920] =	vst v27  }
0x450: {  	v1 =	vor.u32 v60, v4;
	v27 =	vld.idx.msk [tilespmem:v27+s2+$0x0], $0xffff  }
0x451: {  	v0 =	vshll.u32 v0, $0x7;
	v9 =	vor.u32 v62, v4;
	v28 =	vld.idx.msk [tilespmem:v29+s1+$0x0], $0xffff;
	[tilespmem:$0x1F930] =	vst v29  }
0x452: {  	v30 =	vor.u32 v60, v0;
	v29 =	vld.idx.msk [tilespmem:v29+s2+$0x0], $0xffff  }
0x453: {  	v3 =	vshll.u32 v3, $0x7;
	v51 =	vor.u32 v62, v0;
	v31 =	vld.idx.msk [tilespmem:v50+s1+$0x0], $0xffff;
	[tilespmem:$0x1F940] =	vst v50  }
0x454: {  	v52 =	vor.u32 v8, v3;
	v33 =	vld.idx.msk [tilespmem:v50+s2+$0x0], $0xffff  }
0x455: {  	v53 =	vor.u32 v59, v0;
	v1 =	vld.idx.msk [tilespmem:v1+s29+$0x0], $0xffff  }
0x456: {  	v54 =	vor.u32 v61, v0;
	v37 =	vld.idx.msk [tilespmem:v9+s29+$0x0], $0xffff  }
0x457: {  	v55 =	vor.u32 v7, v3;
	v9 =	vld.idx.msk [tilespmem:v30+s26+$0x0], $0xffff  }
0x458: {  	v56 =	vor.u32 v7, v4;
	v32 =	vld.idx.msk [tilespmem:v51+s26+$0x0], $0xffff  }
0x459: {  	v58 =	vlaneseq.u32;
	v57 =	vor.u32 v7, v0;
	v34 =	vld.idx.msk [tilespmem:v52+s30+$0x0], $0xffff  }
0x45a: {  	v48 =	vor.u32 v58, v0;
	v35 =	vld.idx.msk [tilespmem:v53+s26+$0x0], $0xffff  }
0x45b: {  	v49 =	vor.u32 v58, v4;
	v36 =	vld.idx.msk [tilespmem:v54+s26+$0x0], $0xffff  }
0x45c: {  	v44 =	vor.u32 v58, v3;
	v38 =	vld.idx.msk [tilespmem:v55+s30+$0x0], $0xffff  }
0x45d: {  	v58 =	vor.u32 v61, v3;
	v39 =	vld.idx.msk [tilespmem:v56+s29+$0x0], $0xffff  }
0x45e: {  	v30 =	vor.u32 v8, v0;
	v40 =	vld.idx.msk [tilespmem:v57+s26+$0x0], $0xffff  }
0x45f: {  	v0 =	vor.u32 v63, v0;
	v41 =	vld.idx.msk [tilespmem:v48+s26+$0x0], $0xffff  }
0x460: {  	v50 =	vor.u32 v63, v4;
	v42 =	vld.idx.msk [tilespmem:v49+s29+$0x0], $0xffff  }
0x461: {  	v11 =	vsub.f32 v11, v13;
	v55 =	vor.u32 v8, v4;
	v44 =	vld.idx.msk [tilespmem:v44+s30+$0x0], $0xffff  }
0x462: {  	v15 =	vsub.f32 v15, v16;
	v56 =	vor.u32 v63, v3;
	v48 =	vld.idx.msk [tilespmem:v58+s30+$0x0], $0xffff  }
0x463: {  	v18 =	vsub.f32 v18, v19;
	v11 =	vmul.f32 v11, v2;
	v57 =	vor.u32 v61, v4;
	v30 =	vld.idx.msk [tilespmem:v30+s26+$0x0], $0xffff  }
0x464: {  	v15 =	vmul.f32 v15, v2;
	v4 =	vor.u32 v59, v4;
	v0 =	vld.idx.msk [tilespmem:v0+s26+$0x0], $0xffff  }
0x465: {  	v18 =	vmul.f32 v18, v2;
	v13 =	vadd.f32 v11, v13;
	v54 =	vor.u32 v59, v3;
	v43 =	vld.idx.msk [tilespmem:v50+s29+$0x0], $0xffff  }
0x466: {  	v15 =	vadd.f32 v15, v16;
	v21 =	vsub.f32 v21, v22;
	v45 =	vld.idx.msk [tilespmem:v55+s29+$0x0], $0xffff;
	v55 =	vor.u32 v62, v3  }
0x467: {  	s11 =	simm.s32 $0x3;
	v18 =	vadd.f32 v18, v19;
	v24 =	vsub.f32 v24, v25;
	v46 =	vld.idx.msk [tilespmem:v56+s30+$0x0], $0xffff;
	v3 =	vor.u32 v60, v3  }
0x468: {  	v26 =	vsub.f32 v26, v27;
	v21 =	vmul.f32 v21, v2;
	v47 =	vld.idx.msk [tilespmem:v57+s29+$0x0], $0xffff;
	v56 =	vmov s11  }
0x469: {  	v28 =	vsub.f32 v28, v29;
	v31 =	vsub.f32 v31, v33;
	v4 =	vld.idx.msk [tilespmem:v4+s29+$0x0], $0xffff  }
0x46a: {  	v24 =	vmul.f32 v24, v2;
	v26 =	vmul.f32 v26, v2;
	v16 =	vld.idx.msk [tilespmem:v54+s30+$0x0], $0xffff;
	v21 =	vadd.f32 v21, v22  }
0x46b: {  	v28 =	vmul.f32 v28, v2;
	v22 =	vshll.u32 v56, $0x7;
	v2 =	vmul.f32 v31, v2;
	v19 =	vld.idx.msk [tilespmem:v55+s30+$0x0], $0xffff  }
0x46c: {  	v5 =	vadd.f32 v13, v5;
	v26 =	vadd.f32 v26, v27;
	v27 =	vor.u32 v60, v22;
	v3 =	vld.idx.msk [tilespmem:v3+s30+$0x0], $0xffff  }
0x46d: {  	v6 =	vadd.f32 v15, v6;
	v31 =	vor.u32 v59, v22;
	v2 =	vadd.f32 v2, v33;
	v11 =	vld.idx.msk [tilespmem:v56+s17+$0x0], $0xffff  }
0x46e: {  	v24 =	vadd.f32 v24, v25;
	v25 =	vadd.f32 v28, v29;
	v29 =	vor.u32 v62, v22;
	v15 =	vld.idx.msk [tilespmem:v56+s22+$0x0], $0xffff  }
0x46f: {  	v10 =	vadd.f32 v18, v10;
	v33 =	vor.u32 v61, v22;
	v18 =	vld.idx.msk [tilespmem:v56+s23+$0x0], $0xffff;
	v2 =	vadd.f32 v2, v23  }
0x470: {  	v21 =	vadd.f32 v21, v12;
	v12 =	vadd.f32 v25, v20;
	v23 =	vld.idx.msk [tilespmem:v56+s24+$0x0], $0xffff  }
0x471: {  	v17 =	vadd.f32 v26, v17;
	v13 =	vld.idx.msk [tilespmem:v27+s3+$0x0], $0xffff;
	v2 =	vadd.f32 v2, v41  }
0x472: {  	v57 =	vor.u32 v8, v22;
	v14 =	vadd.f32 v24, v14;
	v12 =	vadd.f32 v12, v40;
	v24 =	vld.idx.msk [tilespmem:v31+s3+$0x0], $0xffff  }
0x473: {  	v17 =	vadd.f32 v17, v0;
	v20 =	vld.idx.msk [tilespmem:v29+s3+$0x0], $0xffff;
	v2 =	vadd.f32 v2, v42  }
0x474: {  	v14 =	vadd.f32 v14, v30;
	v25 =	vadd.f32 v12, v39;
	v12 =	vld.idx.msk [tilespmem:v33+s3+$0x0], $0xffff  }
0x475: {  	v17 =	vadd.f32 v17, v43;
	v54 =	vadd.f32 v2, v44;
	v2 =	vld.idx.msk [tilespmem:v27+s1+$0x0], $0xffff;
	[tilespmem:$0x1F950] =	vst v27  }
0x476: {  	v58 =	vor.u32 v63, v22;
	v21 =	vadd.f32 v21, v36;
	v39 =	vadd.f32 v25, v38;
	v25 =	vld.idx.msk [tilespmem:v27+s2+$0x0], $0xffff  }
0x477: {  	v49 =	vor.u32 v7, v22;
	v14 =	vadd.f32 v14, v45;
	v46 =	vadd.f32 v17, v46;
	v27 =	vld.idx.msk [tilespmem:v57+s3+$0x0], $0xffff  }
0x478: {  	v52 =	vlaneseq.u32;
	v28 =	vmul.f32 v39, v39;
	v17 =	vld.idx.msk [tilespmem:v29+s1+$0x0], $0xffff;
	[tilespmem:$0x1F960] =	vst v29;
	v26 =	vmul.f32 v54, v54  }
0x479: {  	v10 =	vadd.f32 v10, v35;
	v50 =	vor.u32 v52, v22;
	v34 =	vadd.f32 v14, v34;
	v29 =	vld.idx.msk [tilespmem:v29+s2+$0x0], $0xffff  }
0x47a: {  	v14 =	vadd.f32 v21, v47;
	v22 =	vld.idx.msk [tilespmem:v31+s1+$0x0], $0xffff;
	v21 =	vadd.f32 v28, v26;
	v26 =	vmul.f32 v46, v46  }
0x47b: {  	v6 =	vadd.f32 v6, v32;
	v30 =	vadd.f32 $0.0e+00, v54;
	v28 =	vld.idx.msk [tilespmem:v58+s3+$0x0], $0xffff;
	[tilespmem:$0x1F970] =	vst v31  }
0x47c: {  	v4 =	vadd.f32 v10, v4;
	v10 =	vadd.f32 v26, v21;
	v26 =	vld.idx.msk [tilespmem:v31+s2+$0x0], $0xffff;
	[tilespmem:$0x1F980] =	vst v39  }
0x47d: {  	v51 =	vadd.f32 v14, v48;
	v14 =	vadd.f32 v39, v30;
	v30 =	vld.idx.msk [tilespmem:v49+s3+$0x0], $0xffff  }
0x47e: {  	v52 =	vadd.f32 v4, v16;
	v21 =	vmul.f32 v34, v34;
	v16 =	vld.idx.msk [tilespmem:v33+s1+$0x0], $0xffff;
	[tilespmem:$0x1F990] =	vst v46  }
0x47f: {  	v6 =	vadd.f32 v6, v37;
	[tilespmem:$0x1F9A0] =	vst v33  }
0x480: {  	v5 =	vadd.f32 v5, v9;
	v4 =	vadd.f32 v21, v10;
	v21 =	vld.idx.msk [tilespmem:v33+s2+$0x0], $0xffff  }
0x481: {  	v37 =	vadd.f32 v6, v19;
	v19 =	vld.idx.msk [tilespmem:v50+s3+$0x0], $0xffff  }
0x482: {  	v1 =	vadd.f32 v5, v1;
	v10 =	vmul.f32 v51, v51;
	v5 =	vld.idx.msk [tilespmem:v57+s1+$0x0], $0xffff;
	[tilespmem:$0x1F9B0] =	vst v34  }
0x483: {  	[tilespmem:$0x1F9C0] =	vst v57  }
0x484: {  	v6 =	vmul.f32 v52, v52;
	v31 =	vld.idx.msk [tilespmem:v57+s2+$0x0], $0xffff;
	v4 =	vadd.f32 v10, v4  }
0x485: {  	v47 =	vadd.f32 v1, v3;
	v9 =	vadd.f32 v46, v14;
	v3 =	vld.idx.msk [tilespmem:v58+s1+$0x0], $0xffff;
	[tilespmem:$0x1F9D0] =	vst v51  }
0x486: {  	[tilespmem:$0x1F9E0] =	vst v58;
	v4 =	vadd.f32 v6, v4;
	v6 =	vmul.f32 v37, v37  }
0x487: {  	v1 =	vshll.u32 v15, $0x7;
	v15 =	vshll.u32 v23, $0x7;
	v9 =	vadd.f32 v34, v9;
	v23 =	vld.idx.msk [tilespmem:v49+s1+$0x0], $0xffff  }
0x488: {  	v53 =	vor.u32 v62, v1;
	v4 =	vadd.f32 v6, v4;
	v6 =	vld.idx.msk [tilespmem:v58+s2+$0x0], $0xffff;
	[tilespmem:$0x1F9F0] =	vst v52  }
0x489: {  	v14 =	vor.u32 v60, v1;
	v9 =	vadd.f32 v51, v9;
	v10 =	vmul.f32 v47, v47;
	[tilespmem:$0x1FA00] =	vst v49  }
0x48a: {  	v35 =	vor.u32 v60, v15;
	v2 =	vsub.f32 v2, v25;
	v17 =	vsub.f32 v17, v29;
	v34 =	vld.idx.msk [tilespmem:v49+s2+$0x0], $0xffff  }
0x48b: {  	v18 =	vshll.u32 v18, $0x7;
	v55 =	vadd.f32 v52, v9;
	v9 =	vadd.f32 v10, v4;
	v4 =	vld.idx.msk [tilespmem:v50+s1+$0x0], $0xffff;
	[tilespmem:$0x1FA10] =	vst v37  }
0x48c: {  	v0 =	vlaneseq.u32;
	v56 =	vor.u32 v60, v18;
	v2 =	vmul.f32 v2, v11;
	[tilespmem:$0x1FA20] =	vst v50  }
0x48d: {  	v45 =	vor.u32 v59, v18;
	v48 =	vor.u32 v63, v15;
	v17 =	vmul.f32 v17, v11;
	v57 =	vld.idx.msk [tilespmem:v50+s2+$0x0], $0xffff  }
0x48e: {  	v46 =	vor.u32 v7, v1;
	v2 =	vadd.f32 v2, v25;
	v22 =	vsub.f32 v22, v26;
	v14 =	vld.idx.msk [tilespmem:v14+s30+$0x0], $0xffff  }
0x48f: {  	v51 =	vor.u32 v7, v18;
	v17 =	vadd.f32 v17, v29;
	v29 =	vor.u32 v0, v15;
	v32 =	vld.idx.msk [tilespmem:v53+s30+$0x0], $0xffff  }
0x490: {  	v2 =	vadd.f32 v2, v13;
	v22 =	vmul.f32 v22, v11;
	v16 =	vsub.f32 v16, v21;
	v35 =	vld.idx.msk [tilespmem:v35+s29+$0x0], $0xffff  }
0x491: {  	v17 =	vadd.f32 v17, v20;
	v58 =	vor.u32 v63, v1;
	v5 =	vsub.f32 v5, v31;
	v25 =	vld.idx.msk [tilespmem:v56+s26+$0x0], $0xffff  }
0x492: {  	v49 =	vor.u32 v7, v15;
	v22 =	vadd.f32 v22, v26;
	v26 =	vor.u32 v0, v18;
	v38 =	vld.idx.msk [tilespmem:v45+s26+$0x0], $0xffff  }
0x493: {  	v16 =	vmul.f32 v16, v11;
	v5 =	vmul.f32 v5, v11;
	v39 =	vld.idx.msk [tilespmem:v46+s30+$0x0], $0xffff;
	v3 =	vsub.f32 v3, v6  }
0x494: {  	v50 =	vor.u32 v63, v18;
	v40 =	vld.idx.msk [tilespmem:v48+s29+$0x0], $0xffff;
	v23 =	vsub.f32 v23, v34;
	v4 =	vsub.f32 v4, v57  }
0x495: {  	v10 =	vadd.f32 v37, v55;
	v20 =	vld.idx.msk [tilespmem:v29+s29+$0x0], $0xffff;
	v5 =	vadd.f32 v5, v31;
	v3 =	vmul.f32 v3, v11  }
0x496: {  	v31 =	vld.idx.msk [tilespmem:v51+s26+$0x0], $0xffff;
	v23 =	vmul.f32 v23, v11;
	v4 =	vmul.f32 v4, v11;
	v11 =	vor.u32 v8, v18  }
0x497: {  	v16 =	vadd.f32 v16, v21;
	v21 =	vor.u32 v0, v1;
	v22 =	vadd.f32 v22, v24;
	v37 =	vld.idx.msk [tilespmem:v58+s30+$0x0], $0xffff  }
0x498: {  	v52 =	vor.u32 v61, v18;
	v10 =	vadd.f32 v47, v10;
	v3 =	vadd.f32 v3, v6;
	v6 =	vld.idx.msk [tilespmem:v26+s26+$0x0], $0xffff  }
0x499: {  	v13 =	vld.idx.msk [tilespmem:v50+s26+$0x0], $0xffff;
	v26 =	vor.u32 v8, v15;
	v23 =	vadd.f32 v23, v34;
	v4 =	vadd.f32 v4, v57  }
0x49a: {  	v24 =	vor.u32 v61, v15;
	v12 =	vadd.f32 v16, v12;
	v41 =	vld.idx.msk [tilespmem:v49+s29+$0x0], $0xffff;
	v5 =	vadd.f32 v5, v27  }
0x49b: {  	v27 =	vor.u32 v8, v1;
	v23 =	vadd.f32 v23, v30;
	v4 =	vadd.f32 v4, v19;
	v11 =	vld.idx.msk [tilespmem:v11+s26+$0x0], $0xffff  }
0x49c: {  	v16 =	vld.idx.msk [tilespmem:v21+s30+$0x0], $0xffff;
	v2 =	vadd.f32 v2, v25;
	v18 =	vor.u32 v62, v18;
	v3 =	vadd.f32 v3, v28  }
0x49d: {  	v21 =	vor.u32 v61, v1;
	v19 =	vld.idx.msk [tilespmem:v52+s26+$0x0], $0xffff;
	v4 =	vadd.f32 v4, v6;
	v6 =	vadd.f32 v23, v31  }
0x49e: {  	v2 =	vadd.f32 v2, v35;
	v3 =	vadd.f32 v3, v13;
	v25 =	vld.idx.msk [tilespmem:v26+s29+$0x0], $0xffff;
	v23 =	vor.u32 v59, v15  }
0x49f: {  	v13 =	vor.u32 v62, v15;
	v15 =	vld.idx.msk [tilespmem:v24+s29+$0x0], $0xffff;
	v4 =	vadd.f32 v4, v20;
	v6 =	vadd.f32 v6, v41  }
0x4a0: {  	s13 =	simm.s32 $0x2;
	v1 =	vor.u32 v59, v1;
	v3 =	vadd.f32 v3, v40;
	v20 =	vld.idx.msk [tilespmem:v27+s30+$0x0], $0xffff;
	v5 =	vadd.f32 v5, v11  }
0x4a1: {  	v11 =	vld.idx.msk [tilespmem:v18+s26+$0x0], $0xffff;
	v18 =	vmov s13;
	v26 =	vadd.f32 v4, v16;
	v24 =	vadd.f32 v6, v39  }
0x4a2: {  	v27 =	vadd.f32 v3, v37;
	v4 =	vadd.f32 v12, v19;
	v12 =	vld.idx.msk [tilespmem:v21+s30+$0x0], $0xffff;
	v6 =	vshll.u32 v18, $0x7  }
0x4a3: {  	v3 =	vld.idx.msk [tilespmem:v23+s29+$0x0], $0xffff;
	v5 =	vadd.f32 v5, v25;
	v16 =	vmul.f32 v26, v26;
	v19 =	vmul.f32 v24, v24  }
0x4a4: {  	v13 =	vld.idx.msk [tilespmem:v13+s29+$0x0], $0xffff;
	v21 =	vadd.f32 v22, v38;
	v43 =	vor.u32 v60, v6;
	v4 =	vadd.f32 v4, v15  }
0x4a5: {  	v1 =	vld.idx.msk [tilespmem:v1+s30+$0x0], $0xffff;
	v15 =	vadd.f32 v19, v16;
	v16 =	vmul.f32 v27, v27;
	v20 =	vadd.f32 v5, v20  }
0x4a6: {  	v44 =	vor.u32 v62, v6;
	v5 =	vadd.f32 v17, v11;
	v11 =	vld.idx.msk [tilespmem:v18+s22+$0x0], $0xffff;
	[tilespmem:$0x1FA30] =	vst v26;
	v17 =	vadd.f32 $0.0e+00, v26  }
0x4a7: {  	v45 =	vor.u32 v59, v6;
	v22 =	vadd.f32 v4, v12;
	v19 =	vld.idx.msk [tilespmem:v18+s17+$0x0], $0xffff;
	v4 =	vadd.f32 v16, v15  }
0x4a8: {  	v12 =	vmul.f32 v20, v20;
	v15 =	vld.idx.msk [tilespmem:v18+s24+$0x0], $0xffff;
	v3 =	vadd.f32 v21, v3;
	[tilespmem:$0x1FA40] =	vst v24  }
0x4a9: {  	v46 =	vor.u32 v61, v6;
	v16 =	vadd.f32 v24, v17;
	v17 =	vld.idx.msk [tilespmem:v18+s23+$0x0], $0xffff;
	v5 =	vadd.f32 v5, v13  }
0x4aa: {  	v4 =	vadd.f32 v12, v4;
	v23 =	vadd.f32 v3, v1;
	v1 =	vld.idx.msk [tilespmem:v43+s1+$0x0], $0xffff;
	[tilespmem:$0x1FA50] =	vst v27  }
0x4ab: {  	v12 =	vmul.f32 v22, v22;
	v3 =	vadd.f32 v27, v16;
	v18 =	vld.idx.msk [tilespmem:v43+s2+$0x0], $0xffff;
	[tilespmem:$0x1FA60] =	vst v20;
	v11 =	vshll.u32 v11, $0x7  }
0x4ac: {  	v24 =	vadd.f32 v5, v32;
	v27 =	vadd.f32 v2, v14;
	v5 =	vld.idx.msk [tilespmem:v44+s2+$0x0], $0xffff;
	v13 =	vor.u32 v60, v11  }
0x4ad: {  	v4 =	vadd.f32 v12, v4;
	v3 =	vadd.f32 v20, v3;
	v20 =	vld.idx.msk [tilespmem:v44+s1+$0x0], $0xffff;
	[tilespmem:$0x1FA70] =	vst v22  }
0x4ae: {  	v12 =	vmul.f32 v23, v23;
	v15 =	vshll.u32 v15, $0x7;
	v21 =	vor.u32 v62, v11;
	v28 =	vld.idx.msk [tilespmem:v45+s2+$0x0], $0xffff  }
0x4af: {  	(xrf2) =	vadd.scan.msk.f32 $0xffff, v9;
	v14 =	vor.u32 v60, v15;
	v2 =	vadd.f32 v22, v3;
	v3 =	vld.idx.msk [tilespmem:v45+s1+$0x0], $0xffff;
	[tilespmem:$0x1FA80] =	vst v23  }
0x4b0: {  	v4 =	vadd.f32 v12, v4;
	v12 =	vmul.f32 v24, v24;
	v22 =	vor.u32 v59, v11;
	v29 =	vld.idx.msk [tilespmem:v46+s1+$0x0], $0xffff  }
0x4b1: {  	v17 =	vshll.u32 v17, $0x7;
	v25 =	vor.u32 v62, v15;
	v2 =	vadd.f32 v23, v2;
	v16 =	vld.idx.msk [tilespmem:v13+s30+$0x0], $0xffff;
	[tilespmem:$0x1FA90] =	vst v47  }
0x4b2: {  	v26 =	vor.u32 v60, v17;
	v4 =	vadd.f32 v12, v4;
	v12 =	vmul.f32 v27, v27;
	[tilespmem:$0x1FAA0] =	vst v24  }
0x4b3: {  	(xrf2) =	vadd.scan.msk.f32 $0xffff, v10;
	v10 =	vor.u32 v62, v17;
	v2 =	vadd.f32 v24, v2;
	v23 =	vld.idx.msk [tilespmem:v21+s30+$0x0], $0xffff  }
0x4b4: {  	v4 =	vadd.f32 v12, v4;
	v24 =	vld.idx.msk [tilespmem:v14+s29+$0x0], $0xffff;
	[tilespmem:$0x1FAB0] =	vst v27  }
0x4b5: {  	v48 =	vor.u32 v63, v6;
	v14 =	vld.idx.msk [tilespmem:v22+s30+$0x0], $0xffff;
	v2 =	vadd.f32 v27, v2  }
0x4b6: {  	(xrf2) =	vadd.scan.msk.f32 $0xffff, v4;
	v22 =	vld.idx.msk [tilespmem:v25+s29+$0x0], $0xffff  }
0x4b7: {  	v13 =	vor.u32 v61, v11;
	v30 =	vld.idx.msk [tilespmem:v26+s26+$0x0], $0xffff;
	(xrf2) =	vadd.scan.msk.f32 $0xffff, v2  }
0x4b8: {  	v9 =	vor.u32 v59, v15;
	v25 =	vld.idx.msk [tilespmem:v10+s26+$0x0], $0xffff  }
0x4b9: {  	v4 =	vor.u32 v8, v11;
	v10 =	vld.idx.msk [tilespmem:v46+s2+$0x0], $0xffff  }
0x4ba: {  	v26 =	vor.u32 v8, v15;
	v32 =	vld.idx.msk [tilespmem:v48+s1+$0x0], $0xffff  }
0x4bb: {  	v49 =	vor.u32 v7, v6;
	v33 =	vld.idx.msk [tilespmem:v48+s2+$0x0], $0xffff  }
0x4bc: {  	v21 =	vld.idx.msk [tilespmem:v13+s30+$0x0], $0xffff  }
0x4bd: {  	v47 =	vor.u32 v8, v6;
	v13 =	vld.idx.msk [tilespmem:v9+s29+$0x0], $0xffff  }
0x4be: {  	v9, _, _ =	vpop (xrf2);
	v12 =	vld.idx.msk [tilespmem:v4+s30+$0x0], $0xffff  }
0x4bf: {  	v0 =	vlaneseq.u32;
	v1 =	vsub.f32 v1, v18;
	v2 =	vor.u32 v61, v15;
	v4 =	vld.idx.msk [tilespmem:v26+s29+$0x0], $0xffff;
	v26, _, _ =	vpop (xrf2)  }
0x4c0: {  	v50 =	vor.u32 v0, v6;
	v35 =	vld.idx.msk [tilespmem:v49+s1+$0x0], $0xffff;
	v27, _, _ =	vpop (xrf2)  }
0x4c1: {  	v1 =	vmul.f32 v1, v19;
	v58 =	vld.idx.msk [tilespmem:v49+s2+$0x0], $0xffff;
	v55, _, _ =	vpop (xrf2)  }
0x4c2: {  	v34 =	vor.u32 v61, v17;
	v3 =	vsub.f32 v3, v28;
	v31 =	vld.idx.msk [tilespmem:v47+s1+$0x0], $0xffff;
	v56 =	vmul.f32 $7.812500000e-03, v55  }
0x4c3: {  	v36 =	vor.u32 v63, v15;
	v1 =	vadd.f32 v1, v18;
	v18 =	vsub.f32 v20, v5;
	v6 =	vld.idx.msk [tilespmem:v47+s2+$0x0], $0xffff  }
0x4c4: {  	v51 =	vor.u32 v7, v17;
	v3 =	vmul.f32 v3, v19;
	v2 =	vld.idx.msk [tilespmem:v2+s29+$0x0], $0xffff;
	[tilespmem:$0x1FAC0] =	vst v56  }
0x4c5: {  	v18 =	vmul.f32 v18, v19;
	v26 =	vmul.f32 $7.812500000e-03, v26;
	v55 =	vor.u32 v0, v17;
	v52 =	vld.idx.msk [tilespmem:v50+s1+$0x0], $0xffff  }
0x4c6: {  	v9 =	vmul.f32 $7.812500000e-03, v9;
	v3 =	vadd.f32 v3, v28;
	v39 =	vmul.f32 v56, v56;
	v56 =	vld.idx.msk [tilespmem:v50+s2+$0x0], $0xffff  }
0x4c7: {  	v5 =	vadd.f32 v18, v5;
	v29 =	vsub.f32 v29, v10;
	v57 =	vmul.f32 v26, v26;
	v20 =	vld.idx.msk [tilespmem:v34+s26+$0x0], $0xffff  }
0x4c8: {  	v32 =	vsub.f32 v32, v33;
	v35 =	vsub.f32 v35, v58;
	v27 =	vmul.f32 $7.812500000e-03, v27;
	v34 =	vld.idx.msk [tilespmem:v36+s29+$0x0], $0xffff  }
0x4c9: {  	v31 =	vsub.f32 v31, v6;
	v9 =	vsub.f32 v9, v57;
	v36 =	vld.idx.msk [tilespmem:v51+s26+$0x0], $0xffff  }
0x4ca: {  	v29 =	vmul.f32 v29, v19;
	v27 =	vsub.f32 v27, v39;
	v39 =	vld.idx.msk [tilespmem:v55+s26+$0x0], $0xffff;
	[tilespmem:$0x1FAD0] =	vst v43  }
0x4cb: {  	v35 =	vmul.f32 v35, v19;
	v31 =	vmul.f32 v31, v19;
	v9 =	vadd.f32 $9.999999740e-06, v9;
	v41 =	vld.idx.msk [tilespmem:v43+s3+$0x0], $0xffff;
	[tilespmem:$0x1FAE0] =	vst v44  }
0x4cc: {  	v32 =	vmul.f32 v32, v19;
	v10 =	vadd.f32 v29, v10;
	v42 =	vld.idx.msk [tilespmem:v44+s3+$0x0], $0xffff;
	[tilespmem:$0x1FAF0] =	vst v45  }
0x4cd: {  	s16 =	simm.s32 $0x1;
	v29 =	vadd.f32 v35, v58;
	v6 =	vadd.f32 v31, v6;
	v9 =	vbroadcast v9, $0xF;
	v18 =	vld.idx.msk [tilespmem:v45+s3+$0x0], $0xffff;
	[tilespmem:$0x1FB00] =	vst v46  }
0x4ce: {  	v40 =	vmov s16;
	v31 =	vor.u32 v63, v17;
	v57 =	vsub.f32 v52, v56;
	v28 =	vld.idx.msk [tilespmem:v46+s3+$0x0], $0xffff;
	[tilespmem:$0x1FB10] =	vst v47  }
0x4cf: {  	v32 =	vadd.f32 v32, v33;
	v58 =	vshra.s32 v9, $0x1;
	v9 =	vmul.f32 $5.000000000e-01, v9;
	v35 =	vld.idx.msk [tilespmem:v47+s3+$0x0], $0xffff;
	[tilespmem:$0x1FB20] =	vst v48  }
0x4d0: {  	v51 =	vsub.s32 $0x5F3759DF, v58;
	v19 =	vmul.f32 v57, v19;
	v57 =	vor.u32 v8, v17;
	v43 =	vld.idx.msk [tilespmem:v48+s3+$0x0], $0xffff;
	[tilespmem:$0x1FB30] =	vst v50  }
0x4d1: {  	v55 =	vmul.f32 v51, v9;
	v48 =	vor.u32 v0, v15;
	v52 =	vld.idx.msk [tilespmem:v50+s3+$0x0], $0xffff;
	[tilespmem:$0x1FB40] =	vst v49  }
0x4d2: {  	v15 =	vor.u32 v7, v15;
	v1 =	vadd.f32 v1, v41;
	v19 =	vadd.f32 v19, v56;
	v56 =	vld.idx.msk [tilespmem:v49+s3+$0x0], $0xffff  }
0x4d3: {  	v5 =	vadd.f32 v5, v42;
	v3 =	vadd.f32 v3, v18;
	v18 =	vld.idx.msk [tilespmem:v31+s26+$0x0], $0xffff;
	v31 =	vor.u32 v0, v11  }
0x4d4: {  	v58 =	vor.u32 v7, v11;
	v37 =	vmul.f32 v51, v55;
	v47 =	vld.idx.msk [tilespmem:v40+s23+$0x0], $0xffff;
	v1 =	vadd.f32 v1, v30  }
0x4d5: {  	v10 =	vadd.f32 v10, v28;
	v5 =	vadd.f32 v5, v25;
	v49 =	vld.idx.msk [tilespmem:v57+s26+$0x0], $0xffff  }
0x4d6: {  	v11 =	vor.u32 v63, v11;
	v6 =	vadd.f32 v6, v35;
	v28 =	vld.idx.msk [tilespmem:v48+s29+$0x0], $0xffff;
	v48 =	vsub.f32 $1.500000000e+00, v37  }
0x4d7: {  	v17 =	vor.u32 v59, v17;
	v15 =	vld.idx.msk [tilespmem:v15+s29+$0x0], $0xffff;
	v32 =	vadd.f32 v32, v43;
	v19 =	vadd.f32 v19, v52  }
0x4d8: {  	v10 =	vadd.f32 v10, v20;
	v29 =	vadd.f32 v29, v56;
	v50 =	vmul.f32 v51, v48;
	v30 =	vld.idx.msk [tilespmem:v31+s30+$0x0], $0xffff  }
0x4d9: {  	v18 =	vadd.f32 v32, v18;
	v31 =	vld.idx.msk [tilespmem:v58+s30+$0x0], $0xffff;
	v38 =	vshll.u32 v47, $0x7;
	v19 =	vadd.f32 v19, v39  }
0x4da: {  	v57 =	vld.idx.msk [tilespmem:v40+s22+$0x0], $0xffff;
	v20 =	vor.u32 v60, v38;
	v39 =	vshll.u32 v40, $0x7;
	v29 =	vadd.f32 v29, v36  }
0x4db: {  	v11 =	vld.idx.msk [tilespmem:v11+s30+$0x0], $0xffff;
	v51 =	vor.u32 v62, v38;
	v52 =	vadd.f32 v18, v34;
	v19 =	vadd.f32 v19, v28  }
0x4dc: {  	v6 =	vadd.f32 v6, v49;
	v55 =	vor.u32 v60, v39;
	v28 =	vld.idx.msk [tilespmem:v17+s26+$0x0], $0xffff;
	v15 =	vadd.f32 v29, v15  }
0x4dd: {  	v56 =	vor.u32 v62, v39;
	v29 =	vld.idx.msk [tilespmem:v40+s17+$0x0], $0xffff;
	v18 =	vadd.f32 v19, v30;
	v19 =	vmul.f32 v50, v9  }
0x4de: {  	v58 =	vor.u32 v61, v39;
	v4 =	vadd.f32 v6, v4;
	v6 =	vld.idx.msk [tilespmem:v40+s24+$0x0], $0xffff;
	v17 =	vadd.f32 v15, v31  }
0x4df: {  	v2 =	vadd.f32 v10, v2;
	v31 =	vor.u32 v59, v39;
	v35 =	vld.idx.msk [tilespmem:v20+s26+$0x0], $0xffff;
	v10 =	vmul.f32 v19, v50  }
0x4e0: {  	v20 =	vadd.f32 v52, v11;
	v36 =	vld.idx.msk [tilespmem:v51+s26+$0x0], $0xffff;
	v11 =	vmul.f32 v18, v18;
	v15 =	vmul.f32 v17, v17  }
0x4e1: {  	v1 =	vadd.f32 v1, v24;
	v19 =	vadd.f32 v4, v12;
	v33 =	vld.idx.msk [tilespmem:v55+s3+$0x0], $0xffff;
	v12 =	vor.u32 v8, v39  }
0x4e2: {  	v32 =	vld.idx.msk [tilespmem:v56+s3+$0x0], $0xffff;
	v4 =	vsub.f32 $1.500000000e+00, v10;
	v10 =	vadd.f32 v15, v11;
	v11 =	vmul.f32 v20, v20  }
0x4e3: {  	v5 =	vadd.f32 v5, v22;
	v30 =	vld.idx.msk [tilespmem:v58+s3+$0x0], $0xffff;
	v3 =	vadd.f32 v3, v28  }
0x4e4: {  	v21 =	vadd.f32 v2, v21;
	v2 =	vmul.f32 v19, v19;
	v15 =	vld.idx.msk [tilespmem:v55+s1+$0x0], $0xffff;
	v10 =	vadd.f32 v11, v10  }
0x4e5: {  	v3 =	vadd.f32 v3, v13;
	v13 =	vor.u32 v63, v39;
	v34 =	vld.idx.msk [tilespmem:v31+s3+$0x0], $0xffff;
	[tilespmem:$0x1FB50] =	vst v55  }
0x4e6: {  	v4 =	vmul.f32 v4, v50;
	v50 =	vld.idx.msk [tilespmem:v55+s2+$0x0], $0xffff;
	v2 =	vadd.f32 v2, v10;
	v10 =	vmul.f32 v21, v21  }
0x4e7: {  	v11 =	vadd.f32 $0.0e+00, v18;
	v22 =	vadd.f32 v3, v14;
	v37 =	vld.idx.msk [tilespmem:v12+s3+$0x0], $0xffff  }
0x4e8: {  	v14 =	vor.u32 v7, v39;
	v2 =	vadd.f32 v10, v2;
	v10 =	vld.idx.msk [tilespmem:v56+s1+$0x0], $0xffff;
	[tilespmem:$0x1FB60] =	vst v56  }
0x4e9: {  	v53 =	vmovc v63;
	v9 =	vmul.f32 v4, v9;
	v3 =	vadd.f32 v17, v11;
	v11 =	vadd.f32 $9.999999740e-06, v27;
	v51 =	vld.idx.msk [tilespmem:v56+s2+$0x0], $0xffff  }
0x4ea: {  	v24 =	vadd.f32 v1, v16;
	v23 =	vadd.f32 v5, v23;
	v53 =	vor.u32 v53, v38;
	v44 =	vld.idx.msk [tilespmem:v13+s3+$0x0], $0xffff  }
0x4eb: {  	v47 =	vshll.u32 v57, $0x7;
	v5 =	vmul.f32 v9, v4;
	v9 =	vbroadcast v11, $0xF;
	v59 =	vld.idx.msk [tilespmem:v31+s1+$0x0], $0xffff;
	[tilespmem:$0x1FB70] =	vst v31  }
0x4ec: {  	v16 =	vor.u32 v0, v39;
	v45 =	vor.u32 v0, v47;
	v3 =	vadd.f32 v20, v3;
	v40 =	vld.idx.msk [tilespmem:v31+s2+$0x0], $0xffff  }
0x4ed: {  	v25 =	vmul.f32 v22, v22;
	v1 =	vsub.f32 $1.500000000e+00, v5;
	v5 =	vshra.s32 v9, $0x1;
	v49 =	vld.idx.msk [tilespmem:v14+s3+$0x0], $0xffff  }
0x4ee: {  	v39 =	vshll.u32 v6, $0x7;
	v3 =	vadd.f32 v19, v3;
	v28 =	vsub.s32 $0x5F3759DF, v5;
	v5 =	vld.idx.msk [tilespmem:v58+s1+$0x0], $0xffff;
	[tilespmem:$0x1FB80] =	vst v58  }
0x4ef: {  	v62 =	vor.u32 v8, v39;
	v55 =	vor.u32 v63, v39;
	v2 =	vadd.f32 v25, v2;
	v41 =	vld.idx.msk [tilespmem:v58+s2+$0x0], $0xffff  }
0x4f0: {  	v25 =	vmul.f32 $5.000000000e-01, v9;
	v9 =	vsub.f32 $0.0e+00, v26;
	v3 =	vadd.f32 v21, v3;
	v60 =	vld.idx.msk [tilespmem:v12+s1+$0x0], $0xffff;
	[tilespmem:$0x1FB90] =	vst v12  }
0x4f1: {  	v63 =	vor.u32 v7, v39;
	v11 =	vmul.f32 v23, v23;
	v27 =	vmul.f32 v1, v4;
	v42 =	vld.idx.msk [tilespmem:v12+s2+$0x0], $0xffff  }
0x4f2: {  	v52 =	vor.u32 v0, v39;
	v4 =	vbroadcast v9, $0xF;
	v43 =	vld.idx.msk [tilespmem:v13+s2+$0x0], $0xffff;
	v1 =	vadd.f32 v22, v3  }
0x4f3: {  	v2 =	vadd.f32 v11, v2;
	v12 =	vmul.f32 v27, v54;
	v54 =	vld.idx.msk [tilespmem:v14+s1+$0x0], $0xffff;
	v3 =	vmul.f32 v28, v25  }
0x4f4: {  	v9 =	vmul.f32 v24, v24;
	v58 =	vor.u32 v61, v39;
	v61 =	vld.idx.msk [tilespmem:v16+s2+$0x0], $0xffff;
	v11 =	vadd.f32 v23, v1  }
0x4f5: {  	v57 =	vld.idx.msk [tilespmem:v16+s3+$0x0], $0xffff;
	v26 =	vmul.f32 v27, v4;
	v4 =	vsub.f32 v59, v40;
	v3 =	vmul.f32 v28, v3  }
0x4f6: {  	v59 =	vld.idx.msk [tilespmem:v14+s2+$0x0], $0xffff;
	v46 =	vadd.f32 v24, v11;
	v11 =	vsub.f32 v10, v51;
	v10 =	vor.u32 v7, v47  }
0x4f7: {  	v56 =	vor.u32 v8, v38;
	v48 =	vadd.f32 v9, v2;
	v1 =	vld.idx.msk [tilespmem:v13+s1+$0x0], $0xffff;
	v2 =	vsub.f32 v5, v41  }
0x4f8: {  	s6 =	simm.s32 $0x4;
	v9 =	vor.u32 v7, v38;
	v31 =	vsub.f32 $1.500000000e+00, v3;
	v3 =	vsub.f32 v15, v50;
	v15 =	vld.idx.msk [tilespmem:v16+s1+$0x0], $0xffff  }
.LBB3_5:
0x4f9: {  	_ = 	snop  }
0x4fa: {  	v58 =	vld.idx.msk [tilespmem:v58+s29+$0x0], $0xffff  }
0x4fb: {  	v10 =	vld.idx.msk [tilespmem:v10+s30+$0x0], $0xffff  }
0x4fc: {  	v55 =	vld.idx.msk [tilespmem:v55+s29+$0x0], $0xffff  }
0x4fd: {  	v0 =	vlaneseq.u32;
	v9 =	vld.idx.msk [tilespmem:v9+s26+$0x0], $0xffff  }
0x4fe: {  	v7 =	vld [tilespmem:$0x1FFF0];
	v5 =	vor.u32 v0, v38  }
0x4ff: {  	v0 =	vld [tilespmem:$0x1FFB0]  }
0x500: {  	v6 =	vsub.f32 v60, v42;
	v60 =	vld.idx.msk [tilespmem:v62+s29+$0x0], $0xffff;
	v3 =	vmul.f32 v3, v29  }
0x501: {  	v1 =	vsub.f32 v1, v43;
	v54 =	vsub.f32 v54, v59;
	v11 =	vmul.f32 v11, v29;
	v62 =	vld [tilespmem:$0x1FFD0]  }
0x502: {  	v2 =	vmul.f32 v2, v29;
	v4 =	vmul.f32 v4, v29;
	v3 =	vadd.f32 v3, v50;
	v50 =	vld.idx.msk [tilespmem:v63+s29+$0x0], $0xffff  }
0x503: {  	v15 =	vsub.f32 v15, v61;
	v1 =	vmul.f32 v1, v29;
	v54 =	vmul.f32 v54, v29;
	v5 =	vld.idx.msk [tilespmem:v5+s26+$0x0], $0xffff  }
0x504: {  	v6 =	vmul.f32 v6, v29;
	v4 =	vadd.f32 v4, v40;
	v11 =	vadd.f32 v11, v51;
	v63 =	vld [tilespmem:$0x1FFC0]  }
0x505: {  	v15 =	vmul.f32 v15, v29;
	v2 =	vadd.f32 v2, v41;
	v29 =	vadd.f32 v54, v59;
	v59 =	vld [tilespmem:$0x1FF90]  }
0x506: {  	v40 =	vor.u32 v0, v38;
	v41 =	vld.idx.msk [tilespmem:v53+s26+$0x0], $0xffff;
	v6 =	vadd.f32 v6, v42;
	v1 =	vadd.f32 v1, v43  }
0x507: {  	v15 =	vadd.f32 v15, v61;
	v54 =	vor.u32 v7, v47;
	v3 =	vadd.f32 v3, v33;
	v33 =	vld.idx.msk [tilespmem:v52+s29+$0x0], $0xffff  }
0x508: {  	v11 =	vadd.f32 v11, v32;
	v32 =	vld.idx.msk [tilespmem:v56+s26+$0x0], $0xffff;
	v2 =	vadd.f32 v2, v30  }
0x509: {  	v30 =	vld.idx.msk [tilespmem:v45+s30+$0x0], $0xffff;
	v15 =	vadd.f32 v15, v57;
	v29 =	vadd.f32 v29, v49;
	v51 =	vor.u32 v63, v47  }
0x50a: {  	v4 =	vadd.f32 v4, v34;
	v61 =	vld [tilespmem:$0x1FFA0];
	v1 =	vadd.f32 v1, v44;
	v38 =	vor.u32 v59, v38  }
0x50b: {  	v53 =	vor.u32 v0, v47;
	v40 =	vld.idx.msk [tilespmem:v40+s26+$0x0], $0xffff;
	v5 =	vadd.f32 v15, v5;
	v9 =	vadd.f32 v29, v9  }
0x50c: {  	v6 =	vadd.f32 v6, v37;
	v1 =	vadd.f32 v1, v41;
	v52 =	vor.u32 v59, v39;
	v15 =	vld.idx.msk [tilespmem:v54+s30+$0x0], $0xffff  }
0x50d: {  	v8 =	vld [tilespmem:$0x1F980];
	(xrf2) =	vadd.scan.msk.f32 $0xffff, v48;
	v54 =	vor.u32 v62, v39;
	v5 =	vadd.f32 v5, v33;
	v9 =	vadd.f32 v9, v50  }
0x50e: {  	v3 =	vadd.f32 v3, v35;
	v56 =	vor.u32 v59, v47;
	v1 =	vadd.f32 v1, v55;
	v57 =	vld.idx.msk [tilespmem:v51+s30+$0x0], $0xffff  }
0x50f: {  	v42 =	vor.u32 v61, v39;
	v29 =	vadd.f32 v5, v30;
	v30 =	vadd.f32 v9, v10;
	v38 =	vld.idx.msk [tilespmem:v38+s26+$0x0], $0xffff  }
0x510: {  	v45 =	vor.u32 v62, v47;
	v6 =	vadd.f32 v6, v32;
	v5 =	vld.idx.msk [tilespmem:v53+s30+$0x0], $0xffff;
	v2 =	vadd.f32 v2, v40  }
0x511: {  	v44 =	vld.idx.msk [tilespmem:v52+s29+$0x0], $0xffff;
	v48 =	vmul.f32 v29, v29;
	v49 =	vmul.f32 v30, v30;
	v32 =	vadd.f32 v1, v15  }
0x512: {  	v11 =	vadd.f32 v11, v36;
	v6 =	vadd.f32 v6, v60;
	v10 =	vor.u32 v61, v47;
	v9 =	vld.idx.msk [tilespmem:v54+s29+$0x0], $0xffff  }
0x513: {  	v1 =	vld.idx.msk [tilespmem:v56+s30+$0x0], $0xffff;
	v2 =	vadd.f32 v2, v58;
	v50 =	vadd.f32 v49, v48;
	v51 =	vmul.f32 v32, v32  }
0x514: {  	(xrf2) =	vadd.scan.msk.f32 $0xffff, v46;
	v15 =	vld.idx.msk [tilespmem:v42+s29+$0x0], $0xffff;
	v33 =	vadd.f32 v6, v57;
	v4 =	vadd.f32 v4, v38  }
0x515: {  	v52 =	vmul.f32 v27, v8;
	v53 =	vadd.f32 $0.0e+00, v29;
	v6 =	vld.idx.msk [tilespmem:v45+s30+$0x0], $0xffff;
	v34 =	vadd.f32 v51, v50  }
0x516: {  	v8 =	vld [tilespmem:$0x1F9D0];
	v54 =	vmul.f32 v33, v33;
	v4 =	vadd.f32 v4, v44;
	v44 =	vadd.f32 v2, v5  }
0x517: {  	v9 =	vadd.f32 v11, v9;
	v2 =	vld.idx.msk [tilespmem:v10+s30+$0x0], $0xffff;
	v10 =	vadd.f32 v30, v53  }
0x518: {  	v5 =	vld [tilespmem:$0x1F990];
	v11 =	vadd.f32 v54, v34;
	v55 =	vmul.f32 v44, v44;
	v34 =	vadd.f32 v4, v1  }
0x519: {  	v3 =	vadd.f32 v3, v15;
	v4 =	vadd.f32 v32, v10  }
0x51a: {  	v46 =	vadd.f32 v9, v6;
	v10 =	vadd.f32 v55, v11;
	v11 =	vmul.f32 v34, v34  }
0x51b: {  	v15 =	vmul.f32 v28, v31;
	v9 =	vmul.f32 v27, v8;
	v8 =	vadd.f32 v33, v4  }
0x51c: {  	v28 =	vadd.f32 v3, v2;
	v10 =	vadd.f32 v11, v10;
	v11 =	vmul.f32 v46, v46  }
0x51d: {  	v56 =	vmul.f32 v15, v25;
	v6, _, _ =	vpop (xrf2);
	v5 =	vmul.f32 v27, v5  }
0x51e: {  	v3 =	vadd.f32 v44, v8;
	v4, _, _ =	vpop (xrf2);
	v10 =	vadd.f32 v11, v10;
	v11 =	vmul.f32 v28, v28  }
0x51f: {  	v31 =	vmul.f32 $7.812500000e-03, v4;
	v4 =	vadd.f32 v26, v5  }
0x520: {  	v8 =	vld [tilespmem:$0x1FA10];
	v3 =	vadd.f32 v34, v3;
	v5 =	vadd.f32 v11, v10;
	v10 =	vmul.f32 v56, v15;
	_ =	sdelay $0x1  }
0x521: {  	v3 =	vadd.f32 v46, v3;
	v10 =	vsub.f32 $1.500000000e+00, v10;
	_ =	sdelay $0x1  }
0x522: {  	v3 =	vadd.f32 v28, v3;
	v10 =	vmul.f32 v10, v15  }
0x523: {  	v58 =	vmul.f32 v27, v8;
	v8 =	vld [tilespmem:$0x1FAC0];
	(xrf2) =	vadd.scan.msk.f32 $0xffff, v5  }
0x524: {  	(xrf2) =	vadd.scan.msk.f32 $0xffff, v3;
	v3 =	vmul.f32 v10, v25;
	_ =	sdelay $0x1  }
0x525: {  	v3 =	vmul.f32 v3, v10;
	_ =	sdelay $0x1  }
0x526: {  	v8 =	vsub.f32 $0.0e+00, v8;
	v3 =	vsub.f32 $1.500000000e+00, v3;
	_ =	sdelay $0x1  }
0x527: {  	v3 =	vmul.f32 v3, v10;
	v10 =	vbroadcast v8, $0xF;
	v8 =	vld [tilespmem:$0x1FA30];
	_ =	sdelay $0x4  }
0x528: {  	v35 =	vmul.f32 v3, v8;
	v8 =	vld [tilespmem:$0x1FA60];
	_ =	sdelay $0x4  }
0x529: {  	v39 =	vmul.f32 v3, v8;
	v8 =	vld [tilespmem:$0x1FA70]  }
0x52a: {  	v41 =	vld [tilespmem:$0x1FE90]  }
0x52b: {  	v51 =	vld [tilespmem:$0x1FF10]  }
0x52c: {  	v1 =	vld [tilespmem:$0x1F9B0]  }
0x52d: {  	v2 =	vld [tilespmem:$0x1F9F0]  }
0x52e: {  	v36 =	vmul.f32 v3, v8;
	v8 =	vld [tilespmem:$0x1F940]  }
0x52f: {  	v5 =	vld [tilespmem:$0x1FA90]  }
0x530: {  	v0 =	vadd.f32 v26, v12;
	_ =	sdelay $0x1  }
0x531: {  	v0 =	vmul.f32 v0, v41  }
0x532: {  	v1 =	vmul.f32 v27, v1  }
0x533: {  	v2 =	vmul.f32 v27, v2;
	v5 =	vmul.f32 v27, v5;
	v27 =	vadd.f32 v0, v51  }
0x534: {  	v42 =	vld [tilespmem:$0x1FEA0]  }
0x535: {  	[tilespmem:v8+s7+$0x0] =	vst.idx.msk $0xffff, v27;
	v8 =	vld [tilespmem:$0x1F930]  }
0x536: {  	v57 =	vadd.f32 v26, v52;
	v52 =	vld [tilespmem:$0x1FF20]  }
0x537: {  	v6 =	vmul.f32 $7.812500000e-03, v6;
	v11 =	vmul.f32 v31, v31;
	_ =	sdelay $0x1  }
0x538: {  	v6 =	vsub.f32 v6, v11;
	v11 =	vmul.f32 v57, v42;
	_ =	sdelay $0x1  }
0x539: {  	v6 =	vadd.f32 $9.999999740e-06, v6;
	v11 =	vadd.f32 v11, v52;
	_ =	sdelay $0x1  }
0x53a: {  	v6 =	vbroadcast v6, $0xF;
	[tilespmem:v8+s7+$0x0] =	vst.idx.msk $0xffff, v11;
	v8 =	vld [tilespmem:$0x1FA80];
	_ =	sdelay $0x1  }
0x53b: {  	v25 =	vshra.s32 v6, $0x1;
	v6 =	vmul.f32 $5.000000000e-01, v6  }
0x53c: {  	v25 =	vsub.s32 $0x5F3759DF, v25  }
0x53d: {  	v0 =	vmul.f32 v25, v6  }
0x53e: {  	v40 =	vmul.f32 v3, v8;
	v8 =	vld [tilespmem:$0x1FAA0]  }
0x53f: {  	v0 =	vmul.f32 v25, v0;
	_ =	sdelay $0x1  }
0x540: {  	v60 =	vsub.f32 $1.500000000e+00, v0  }
0x541: {  	v43 =	vld [tilespmem:$0x1FEB0]  }
0x542: {  	v25 =	vmul.f32 v25, v60;
	v60 =	vmul.f32 v3, v8;
	v8 =	vld [tilespmem:$0x1F920]  }
0x543: {  	v53 =	vld [tilespmem:$0x1FF30]  }
0x544: {  	v0 =	vld [tilespmem:$0x1FA40];
	_ =	sdelay $0x1  }
0x545: {  	v4 =	vmul.f32 v4, v43;
	_ =	sdelay $0x1  }
0x546: {  	v4 =	vadd.f32 v4, v53  }
0x547: {  	v37 =	vmul.f32 v3, v0;
	v0 =	vld [tilespmem:$0x1FA50]  }
0x548: {  	[tilespmem:v8+s7+$0x0] =	vst.idx.msk $0xffff, v4;
	v8 =	vld [tilespmem:$0x1FAB0];
	_ =	sdelay $0x3  }
0x549: {  	v45 =	vld [tilespmem:$0x1FEC0];
	v10 =	vmul.f32 v3, v10  }
0x54a: {  	v38 =	vmul.f32 v3, v0;
	v3 =	vmul.f32 v3, v8;
	v8 =	vld [tilespmem:$0x1F910]  }
0x54b: {  	v54 =	vld [tilespmem:$0x1FF40]  }
0x54c: {  	v1 =	vadd.f32 v26, v1;
	_ =	sdelay $0x1  }
0x54d: {  	v1 =	vmul.f32 v1, v45;
	_ =	sdelay $0x1  }
0x54e: {  	v1 =	vadd.f32 v1, v54  }
0x54f: {  	v47 =	vld [tilespmem:$0x1FED0]  }
0x550: {  	[tilespmem:v8+s7+$0x0] =	vst.idx.msk $0xffff, v1;
	v8 =	vld [tilespmem:$0x1F900]  }
0x551: {  	v55 =	vld [tilespmem:$0x1FF50]  }
0x552: {  	v9 =	vadd.f32 v26, v9;
	_ =	sdelay $0x1  }
0x553: {  	v9 =	vmul.f32 v9, v47;
	_ =	sdelay $0x1  }
0x554: {  	v9 =	vadd.f32 v9, v55  }
0x555: {  	v48 =	vld [tilespmem:$0x1FEE0]  }
0x556: {  	[tilespmem:v8+s7+$0x0] =	vst.idx.msk $0xffff, v9;
	v8 =	vld [tilespmem:$0x1F8F0]  }
0x557: {  	v56 =	vld [tilespmem:$0x1FF60]  }
0x558: {  	v2 =	vadd.f32 v26, v2;
	_ =	sdelay $0x1  }
0x559: {  	v2 =	vmul.f32 v2, v48;
	_ =	sdelay $0x1  }
0x55a: {  	v2 =	vadd.f32 v2, v56  }
0x55b: {  	v49 =	vld [tilespmem:$0x1FEF0]  }
0x55c: {  	[tilespmem:v8+s7+$0x0] =	vst.idx.msk $0xffff, v2;
	v8 =	vld [tilespmem:$0x1F8E0]  }
0x55d: {  	v57 =	vld [tilespmem:$0x1FF70]  }
0x55e: {  	v15 =	vadd.f32 v26, v58;
	_ =	sdelay $0x1  }
0x55f: {  	v15 =	vmul.f32 v15, v49;
	_ =	sdelay $0x1  }
0x560: {  	v15 =	vadd.f32 v15, v57  }
0x561: {  	v50 =	vld [tilespmem:$0x1FF00]  }
0x562: {  	[tilespmem:v8+s7+$0x0] =	vst.idx.msk $0xffff, v15;
	v8 =	vld [tilespmem:$0x1F8D0]  }
0x563: {  	v58 =	vld [tilespmem:$0x1FF80];
	v11 =	vmul.f32 v25, v6  }
0x564: {  	v5 =	vadd.f32 v26, v5  }
0x565: {  	v26, _, _ =	vpop (xrf2);
	v11 =	vmul.f32 v11, v25  }
0x566: {  	v5 =	vmul.f32 v5, v50;
	v0, _, _ =	vpop (xrf2)  }
0x567: {  	v0 =	vmul.f32 $7.812500000e-03, v0;
	v1 =	vsub.f32 $1.500000000e+00, v11  }
0x568: {  	v5 =	vadd.f32 v5, v58;
	v26 =	vmul.f32 $7.812500000e-03, v26  }
0x569: {  	v27 =	vmul.f32 v0, v0;
	v1 =	vmul.f32 v1, v25  }
0x56a: {  	v37 =	vadd.f32 v10, v37;
	[tilespmem:v8+s7+$0x0] =	vst.idx.msk $0xffff, v5;
	v8 =	vld [tilespmem:$0x1FA20]  }
0x56b: {  	v38 =	vadd.f32 v10, v38;
	v26 =	vsub.f32 v26, v27;
	v6 =	vmul.f32 v1, v6  }
0x56c: {  	v27 =	vadd.f32 v10, v35;
	v40 =	vadd.f32 v10, v40  }
0x56d: {  	v35 =	vadd.f32 v10, v60;
	v4 =	vadd.f32 $9.999999740e-06, v26;
	v6 =	vmul.f32 v6, v1  }
0x56e: {  	v26 =	vadd.f32 v10, v39;
	v3 =	vadd.f32 v10, v3;
	v11 =	vmul.f32 v27, v41  }
0x56f: {  	v5 =	vsub.f32 $1.500000000e+00, v6;
	v6 =	vsub.f32 $0.0e+00, v31  }
0x570: {  	v27 =	vadd.f32 v10, v36;
	v10 =	vadd.f32 v11, v51  }
0x571: {  	v1 =	vmul.f32 v5, v1;
	v5 =	vbroadcast v6, $0xF;
	v6 =	vld [tilespmem:$0x1FA00]  }
0x572: {  	[tilespmem:v8+s7+$0x0] =	vst.idx.msk $0xffff, v10;
	v8 =	vld [tilespmem:$0x1F9E0];
	_ =	sdelay $0x2  }
0x573: {  	v9 =	vmul.f32 v37, v42  }
0x574: {  	v25 =	vmul.f32 v38, v43  }
0x575: {  	v9 =	vadd.f32 v9, v52  }
0x576: {  	v25 =	vadd.f32 v25, v53  }
0x577: {  	[tilespmem:v6+s7+$0x0] =	vst.idx.msk $0xffff, v9  }
0x578: {  	[tilespmem:v8+s7+$0x0] =	vst.idx.msk $0xffff, v25;
	v8 =	vld [tilespmem:$0x1F9C0];
	_ =	sdelay $0x3  }
0x579: {  	v26 =	vmul.f32 v26, v45;
	_ =	sdelay $0x1  }
0x57a: {  	v26 =	vadd.f32 v26, v54;
	_ =	sdelay $0x1  }
0x57b: {  	[tilespmem:v8+s7+$0x0] =	vst.idx.msk $0xffff, v26;
	v8 =	vld [tilespmem:$0x1F9A0];
	_ =	sdelay $0x3  }
0x57c: {  	v15 =	vmul.f32 v27, v47;
	_ =	sdelay $0x1  }
0x57d: {  	v10 =	vadd.f32 v15, v55;
	_ =	sdelay $0x1  }
0x57e: {  	[tilespmem:v8+s7+$0x0] =	vst.idx.msk $0xffff, v10;
	v8 =	vld [tilespmem:$0x1F970];
	_ =	sdelay $0x3  }
0x57f: {  	v36 =	vmul.f32 v40, v48;
	_ =	sdelay $0x1  }
0x580: {  	v4 =	vbroadcast v4, $0xF;
	v6 =	vadd.f32 v36, v56;
	_ =	sdelay $0x1  }
0x581: {  	v2 =	vshra.s32 v4, $0x1;
	v4 =	vmul.f32 $5.000000000e-01, v4;
	[tilespmem:v8+s7+$0x0] =	vst.idx.msk $0xffff, v6;
	v8 =	vld [tilespmem:$0x1F960]  }
0x582: {  	v2 =	vsub.s32 $0x5F3759DF, v2  }
0x583: {  	v27 =	vmul.f32 v2, v4;
	_ =	sdelay $0x1  }
0x584: {  	v11 =	vmul.f32 v2, v27;
	v27 =	vmul.f32 v35, v49;
	_ =	sdelay $0x1  }
0x585: {  	v9 =	vadd.f32 v27, v57;
	_ =	sdelay $0x1  }
0x586: {  	[tilespmem:v8+s7+$0x0] =	vst.idx.msk $0xffff, v9;
	v8 =	vld [tilespmem:$0x1F950]  }
0x587: {  	v11 =	vsub.f32 $1.500000000e+00, v11;
	_ =	sdelay $0x1  }
0x588: {  	v2 =	vmul.f32 v2, v11  }
0x589: {  	v3 =	vmul.f32 v3, v50  }
0x58a: {  	v11 =	vmul.f32 v2, v4  }
0x58b: {  	v3 =	vadd.f32 v3, v58;
	v5 =	vmul.f32 v1, v5;
	v15 =	vmul.f32 v1, v18  }
0x58c: {  	v10 =	vmul.f32 v1, v17;
	v6 =	vmul.f32 v11, v2  }
0x58d: {  	v18 =	vmul.f32 v1, v22;
	v17 =	vmul.f32 v1, v20;
	[tilespmem:v8+s7+$0x0] =	vst.idx.msk $0xffff, v3;
	v8 =	vld [tilespmem:$0x1FB30]  }
0x58e: {  	v10 =	vadd.f32 v5, v10;
	v11 =	vmul.f32 v1, v19;
	v6 =	vsub.f32 $1.500000000e+00, v6  }
0x58f: {  	v19 =	vmul.f32 v1, v23;
	v9 =	vadd.f32 v5, v15;
	v15 =	vmul.f32 v1, v21  }
0x590: {  	v11 =	vadd.f32 v5, v11;
	v2 =	vmul.f32 v6, v2;
	v1 =	vmul.f32 v1, v24  }
0x591: {  	v6 =	vadd.f32 v5, v15;
	v15 =	vadd.f32 v5, v18;
	v9 =	vmul.f32 v9, v41  }
0x592: {  	v1 =	vadd.f32 v5, v1;
	v3 =	vadd.f32 v5, v17  }
0x593: {  	v17 =	vadd.f32 v5, v19;
	v5 =	vadd.f32 v9, v51;
	_ =	sdelay $0x1  }
0x594: {  	[tilespmem:v8+s7+$0x0] =	vst.idx.msk $0xffff, v5;
	v8 =	vld [tilespmem:$0x1FB40];
	_ =	sdelay $0x2  }
0x595: {  	v4 =	vmul.f32 v2, v4  }
0x596: {  	v10 =	vmul.f32 v10, v42  }
0x597: {  	v4 =	vmul.f32 v4, v2  }
0x598: {  	v10 =	vadd.f32 v10, v52  }
0x599: {  	v4 =	vsub.f32 $1.500000000e+00, v4  }
0x59a: {  	[tilespmem:v8+s7+$0x0] =	vst.idx.msk $0xffff, v10;
	v8 =	vld [tilespmem:$0x1FB20]  }
0x59b: {  	v2 =	vmul.f32 v4, v2;
	v4 =	vld [tilespmem:$0x1FB10];
	_ =	sdelay $0x2  }
0x59c: {  	v3 =	vmul.f32 v3, v43  }
0x59d: {  	v9 =	vmul.f32 v11, v45  }
0x59e: {  	v3 =	vadd.f32 v3, v53  }
0x59f: {  	v5 =	vadd.f32 v9, v54  }
0x5a0: {  	[tilespmem:v8+s7+$0x0] =	vst.idx.msk $0xffff, v3  }
0x5a1: {  	[tilespmem:v4+s7+$0x0] =	vst.idx.msk $0xffff, v5;
	v5 =	vld [tilespmem:$0x1FB00];
	_ =	sdelay $0x3  }
0x5a2: {  	v6 =	vmul.f32 v6, v47;
	_ =	sdelay $0x1  }
0x5a3: {  	v3 =	vadd.f32 v6, v55;
	_ =	sdelay $0x1  }
0x5a4: {  	v9 =	vmul.f32 v17, v49;
	[tilespmem:v5+s7+$0x0] =	vst.idx.msk $0xffff, v3;
	v5 =	vld [tilespmem:$0x1FAF0]  }
0x5a5: {  	v6 =	vld [tilespmem:$0x1FAE0]  }
0x5a6: {  	v3 =	vadd.f32 v9, v57;
	v9 =	vld [tilespmem:$0x1FAD0]  }
0x5a7: {  	v0 =	vsub.f32 $0.0e+00, v0  }
0x5a8: {  	v11 =	vmul.f32 v15, v48  }
0x5a9: {  	v0 =	vbroadcast v0, $0xF  }
0x5aa: {  	v1 =	vmul.f32 v1, v50;
	v4 =	vadd.f32 v11, v56  }
0x5ab: {  	v0 =	vmul.f32 v2, v0  }
0x5ac: {  	v1 =	vadd.f32 v1, v58;
	[tilespmem:v5+s7+$0x0] =	vst.idx.msk $0xffff, v4;
	v4 =	vmul.f32 v2, v29  }
0x5ad: {  	v5 =	vmul.f32 v2, v30;
	[tilespmem:v6+s7+$0x0] =	vst.idx.msk $0xffff, v3  }
0x5ae: {  	[tilespmem:v9+s7+$0x0] =	vst.idx.msk $0xffff, v1;
	v1 =	vadd.f32 v0, v4  }
0x5af: {  	v5 =	vadd.f32 v0, v5  }
0x5b0: {  	v1 =	vmul.f32 v1, v41  }
0x5b1: {  	v5 =	vmul.f32 v5, v42  }
0x5b2: {  	v1 =	vadd.f32 v1, v51  }
0x5b3: {  	v5 =	vadd.f32 v5, v52  }
0x5b4: {  	v3 =	vmul.f32 v2, v32;
	[tilespmem:v16+s7+$0x0] =	vst.idx.msk $0xffff, v1  }
0x5b5: {  	v6 =	vmul.f32 v2, v33;
	[tilespmem:v14+s7+$0x0] =	vst.idx.msk $0xffff, v5;
	v5 =	vld [tilespmem:$0x1FB90]  }
0x5b6: {  	v3 =	vadd.f32 v0, v3  }
0x5b7: {  	v6 =	vadd.f32 v0, v6  }
0x5b8: {  	v3 =	vmul.f32 v3, v43  }
0x5b9: {  	v6 =	vmul.f32 v6, v45  }
0x5ba: {  	v1 =	vadd.f32 v3, v53  }
0x5bb: {  	v3 =	vadd.f32 v6, v54  }
0x5bc: {  	[tilespmem:v13+s7+$0x0] =	vst.idx.msk $0xffff, v1  }
0x5bd: {  	v4 =	vmul.f32 v2, v44;
	[tilespmem:v5+s7+$0x0] =	vst.idx.msk $0xffff, v3;
	v5 =	vld [tilespmem:$0x1FB80]  }
0x5be: {  	v11 =	vmul.f32 v2, v46  }
0x5bf: {  	v9 =	vmul.f32 v2, v34;
	v2 =	vmul.f32 v2, v28;
	v4 =	vadd.f32 v0, v4  }
0x5c0: {  	v11 =	vadd.f32 v0, v11  }
0x5c1: {  	v9 =	vadd.f32 v0, v9;
	v0 =	vadd.f32 v0, v2;
	v2 =	vmul.f32 v4, v47;
	_ =	sdelay $0x1  }
0x5c2: {  	v1 =	vadd.f32 v2, v55  }
0x5c3: {  	v15 =	vmov s6  }
0x5c4: {  	v10 =	vshll.u32 v15, $0x7;
	[tilespmem:v5+s7+$0x0] =	vst.idx.msk $0xffff, v1;
	v5 =	vld [tilespmem:$0x1FB70]  }
0x5c5: {  	v23 =	vor.u32 v63, v10  }
0x5c6: {  	v25 =	vor.u32 v7, v10;
	_ =	sdelay $0x1  }
0x5c7: {  	v8 =	vor.u32 v61, v10;
	v4 =	vmul.f32 v9, v48  }
0x5c8: {  	v17 =	vor.u32 v59, v10  }
0x5c9: {  	v22 =	vld.idx.msk [tilespmem:v23+s1+$0x0], $0xffff;
	v3 =	vadd.f32 v4, v56  }
0x5ca: {  	v24 =	vld.idx.msk [tilespmem:v25+s1+$0x0], $0xffff  }
0x5cb: {  	[tilespmem:v5+s7+$0x0] =	vst.idx.msk $0xffff, v3;
	v5 =	vld [tilespmem:$0x1FB60]  }
0x5cc: {  	v12 =	vld.idx.msk [tilespmem:v8+s2+$0x0], $0xffff  }
0x5cd: {  	v16 =	vor.u32 v62, v10;
	v6 =	vld.idx.msk [tilespmem:v17+s3+$0x0], $0xffff  }
0x5ce: {  	v18 =	vlaneseq.u32;
	v2 =	vmul.f32 v11, v49;
	v11 =	vld.idx.msk [tilespmem:v8+s1+$0x0], $0xffff  }
0x5cf: {  	v53 =	vor.u32 v18, v10;
	v13 =	vld.idx.msk [tilespmem:v23+s3+$0x0], $0xffff  }
0x5d0: {  	v1 =	vadd.f32 v2, v57;
	v57 =	vld [tilespmem:$0x1FFB0]  }
0x5d1: {  	[tilespmem:$0x1F910] =	vst v23;
	v23 =	vld.idx.msk [tilespmem:v23+s2+$0x0], $0xffff  }
0x5d2: {  	v14 =	vld.idx.msk [tilespmem:v16+s1+$0x0], $0xffff  }
0x5d3: {  	[tilespmem:v5+s7+$0x0] =	vst.idx.msk $0xffff, v1;
	v5 =	vld [tilespmem:$0x1FB50]  }
0x5d4: {  	v21 =	vld.idx.msk [tilespmem:v53+s3+$0x0], $0xffff  }
0x5d5: {  	v31 =	vld.idx.msk [tilespmem:v53+s1+$0x0], $0xffff;
	v20 =	vor.u32 v57, v10  }
0x5d6: {  	v33 =	vld.idx.msk [tilespmem:v53+s2+$0x0], $0xffff  }
0x5d7: {  	v0 =	vmul.f32 v0, v50;
	v4 =	vld.idx.msk [tilespmem:v15+s17+$0x0], $0xffff  }
0x5d8: {  	v2 =	vld.idx.msk [tilespmem:v15+s22+$0x0], $0xffff  }
0x5d9: {  	v0 =	vadd.f32 v0, v58;
	v3 =	vld.idx.msk [tilespmem:v15+s24+$0x0], $0xffff  }
0x5da: {  	v9 =	vld.idx.msk [tilespmem:v20+s3+$0x0], $0xffff  }
0x5db: {  	[tilespmem:v5+s7+$0x0] =	vst.idx.msk $0xffff, v0;
	v0 =	vld.idx.msk [tilespmem:v8+s3+$0x0], $0xffff  }
0x5dc: {  	[tilespmem:$0x1F8D0] =	vst v8;
	v8 =	vld [tilespmem:$0x1FFE0]  }
0x5dd: {  	v19 =	vld.idx.msk [tilespmem:v20+s1+$0x0], $0xffff  }
0x5de: {  	[tilespmem:$0x1F900] =	vst v20;
	v20 =	vld.idx.msk [tilespmem:v20+s2+$0x0], $0xffff  }
0x5df: {  	v1 =	vld.idx.msk [tilespmem:v15+s23+$0x0], $0xffff  }
0x5e0: {  	v15 =	vld.idx.msk [tilespmem:v16+s2+$0x0], $0xffff  }
0x5e1: {  	v5 =	vld.idx.msk [tilespmem:v16+s3+$0x0], $0xffff;
	v29 =	vor.u32 v8, v10  }
0x5e2: {  	v47 =	vlaneseq.u32;
	[tilespmem:$0x1F8E0] =	vst v16;
	v16 =	vld.idx.msk [tilespmem:v25+s3+$0x0], $0xffff  }
0x5e3: {  	[tilespmem:$0x1F920] =	vst v25;
	v11 =	vsub.f32 v11, v12;
	v22 =	vsub.f32 v22, v23;
	v2 =	vshll.u32 v2, $0x7;
	v25 =	vld.idx.msk [tilespmem:v25+s2+$0x0], $0xffff  }
0x5e4: {  	[tilespmem:$0x1F8F0] =	vst v17;
	v31 =	vsub.f32 v31, v33;
	v55 =	vor.u32 v63, v2;
	v1 =	vshll.u32 v1, $0x7;
	v10 =	vld.idx.msk [tilespmem:v17+s1+$0x0], $0xffff  }
0x5e5: {  	v11 =	vmul.f32 v11, v4;
	v19 =	vsub.f32 v19, v20;
	v30 =	vor.u32 v61, v1;
	v17 =	vld.idx.msk [tilespmem:v17+s2+$0x0], $0xffff  }
0x5e6: {  	v22 =	vmul.f32 v22, v4;
	v14 =	vsub.f32 v14, v15;
	v58 =	vor.u32 v59, v1;
	v18 =	vld.idx.msk [tilespmem:v29+s3+$0x0], $0xffff  }
0x5e7: {  	v11 =	vadd.f32 v11, v12;
	v19 =	vmul.f32 v19, v4;
	v56 =	vor.u32 v57, v1;
	v27 =	vld.idx.msk [tilespmem:v29+s1+$0x0], $0xffff  }
0x5e8: {  	v51 =	vlaneseq.u32;
	v46 =	vor.u32 v63, v1;
	v14 =	vmul.f32 v14, v4;
	[tilespmem:$0x1F930] =	vst v29;
	v29 =	vld.idx.msk [tilespmem:v29+s2+$0x0], $0xffff  }
0x5e9: {  	v22 =	vadd.f32 v22, v23;
	v34 =	vld.idx.msk [tilespmem:v55+s30+$0x0], $0xffff;
	v3 =	vshll.u32 v3, $0x7;
	v49 =	vor.u32 v7, v1  }
0x5ea: {  	v14 =	vadd.f32 v14, v15;
	v15 =	vadd.f32 v19, v20;
	v19 =	vor.u32 v7, v3;
	v30 =	vld.idx.msk [tilespmem:v30+s26+$0x0], $0xffff  }
0x5eb: {  	v13 =	vadd.f32 v22, v13;
	v23 =	vor.u32 v51, v2;
	v36 =	vld.idx.msk [tilespmem:v58+s26+$0x0], $0xffff;
	v50 =	vor.u32 v8, v1  }
0x5ec: {  	v54 =	vor.u32 v62, v1;
	v35 =	vld.idx.msk [tilespmem:v56+s26+$0x0], $0xffff;
	v1 =	vor.u32 v47, v1;
	v24 =	vsub.f32 v24, v25  }
0x5ed: {  	v12 =	vld.idx.msk [tilespmem:v46+s26+$0x0], $0xffff;
	v60 =	vor.u32 v8, v3;
	v10 =	vsub.f32 v10, v17;
	v27 =	vsub.f32 v27, v29  }
0x5ee: {  	v48 =	vor.u32 v47, v3;
	v0 =	vadd.f32 v11, v0;
	v11 =	vld.idx.msk [tilespmem:v49+s26+$0x0], $0xffff;
	v24 =	vmul.f32 v24, v4  }
0x5ef: {  	v45 =	vor.u32 v8, v2;
	v19 =	vld.idx.msk [tilespmem:v19+s29+$0x0], $0xffff;
	v10 =	vmul.f32 v10, v4;
	v27 =	vmul.f32 v27, v4  }
0x5f0: {  	v9 =	vadd.f32 v15, v9;
	v20 =	vadd.f32 v24, v25;
	v24 =	vld.idx.msk [tilespmem:v50+s26+$0x0], $0xffff;
	v4 =	vmul.f32 v31, v4  }
0x5f1: {  	v1 =	vld.idx.msk [tilespmem:v1+s26+$0x0], $0xffff;
	v10 =	vadd.f32 v10, v17;
	v25 =	vadd.f32 v27, v29;
	v27 =	vor.u32 v63, v3  }
0x5f2: {  	v5 =	vadd.f32 v14, v5;
	v14 =	vor.u32 v7, v2;
	v17 =	vld.idx.msk [tilespmem:v60+s29+$0x0], $0xffff;
	v4 =	vadd.f32 v4, v33  }
0x5f3: {  	v15 =	vadd.f32 v20, v16;
	v16 =	vor.u32 v57, v3;
	v6 =	vadd.f32 v10, v6;
	v10 =	vld.idx.msk [tilespmem:v48+s29+$0x0], $0xffff  }
0x5f4: {  	v26 =	vor.u32 v61, v3;
	v38 =	vld.idx.msk [tilespmem:v45+s30+$0x0], $0xffff;
	v4 =	vadd.f32 v4, v21;
	v18 =	vadd.f32 v25, v18  }
0x5f5: {  	v28 =	vor.u32 v62, v3;
	v0 =	vadd.f32 v0, v30;
	v20 =	vld.idx.msk [tilespmem:v23+s30+$0x0], $0xffff;
	v3 =	vor.u32 v59, v3  }
0x5f6: {  	v22 =	vor.u32 v57, v2;
	v1 =	vadd.f32 v4, v1;
	v4 =	vadd.f32 v18, v24;
	v21 =	vld.idx.msk [tilespmem:v27+s29+$0x0], $0xffff  }
0x5f7: {  	v12 =	vadd.f32 v13, v12;
	v14 =	vld.idx.msk [tilespmem:v14+s30+$0x0], $0xffff;
	v11 =	vadd.f32 v15, v11;
	v18 =	vor.u32 v59, v2  }
0x5f8: {  	v13 =	vld.idx.msk [tilespmem:v16+s29+$0x0], $0xffff;
	v1 =	vadd.f32 v1, v10;
	v4 =	vadd.f32 v4, v17  }
0x5f9: {  	v9 =	vadd.f32 v9, v35;
	v11 =	vadd.f32 v11, v19;
	v10 =	vor.u32 v62, v2  }
0x5fa: {  	v3 =	vld.idx.msk [tilespmem:v3+s29+$0x0], $0xffff;
	v56 =	vadd.f32 v1, v20;
	v19 =	vadd.f32 v4, v38  }
0x5fb: {  	v6 =	vadd.f32 v6, v36;
	v2 =	vor.u32 v61, v2;
	v1 =	vld.idx.msk [tilespmem:v22+s30+$0x0], $0xffff;
	v4 =	vadd.f32 v12, v21  }
0x5fc: {  	v12 =	vld.idx.msk [tilespmem:v18+s30+$0x0], $0xffff;
	v16 =	vmul.f32 v56, v56;
	v17 =	vmul.f32 v19, v19;
	v18 =	vadd.f32 v11, v14  }
0x5fd: {  	s11 =	sadd.s32 $0x3, s6;
	v26 =	vld.idx.msk [tilespmem:v26+s29+$0x0], $0xffff;
	v20 =	vadd.f32 v4, v34;
	v4 =	vadd.f32 v9, v13  }
0x5fe: {  	v9 =	vld.idx.msk [tilespmem:v10+s30+$0x0], $0xffff;
	v10 =	vadd.f32 v17, v16;
	v11 =	vmul.f32 v18, v18;
	v13 =	vmov s11  }
0x5ff: {  	v14 =	vadd.f32 $0.0e+00, v56;
	v3 =	vadd.f32 v6, v3  }
0x600: {  	v32 =	vld.idx.msk [tilespmem:v54+s26+$0x0], $0xffff;
	v6 =	vadd.f32 v11, v10;
	v10 =	vmul.f32 v20, v20;
	v11 =	vadd.f32 v4, v1  }
0x601: {  	v1 =	vld.idx.msk [tilespmem:v2+s30+$0x0], $0xffff;
	v2 =	vadd.f32 v19, v14;
	v14 =	vadd.f32 v3, v12;
	v3 =	vshll.u32 v13, $0x7  }
0x602: {  	v28 =	vld.idx.msk [tilespmem:v28+s29+$0x0], $0xffff;
	v15 =	vadd.f32 v0, v26;
	v17 =	vor.u32 v61, v3  }
0x603: {  	v4 =	vadd.f32 v10, v6;
	v6 =	vmul.f32 v11, v11;
	v25 =	vor.u32 v57, v3;
	v10 =	vld.idx.msk [tilespmem:v13+s17+$0x0], $0xffff  }
0x604: {  	[tilespmem:$0x1F990] =	vst v18;
	v2 =	vadd.f32 v18, v2;
	v18 =	vor.u32 v59, v3;
	v16 =	vld.idx.msk [tilespmem:v13+s24+$0x0], $0xffff  }
0x605: {  	v5 =	vadd.f32 v5, v32;
	v4 =	vadd.f32 v6, v4;
	v6 =	vld.idx.msk [tilespmem:v13+s22+$0x0], $0xffff  }
0x606: {  	v52 =	vor.u32 v8, v3;
	v15 =	vadd.f32 v15, v1;
	v1 =	vld.idx.msk [tilespmem:v13+s23+$0x0], $0xffff  }
0x607: {  	[tilespmem:$0x1F940] =	vst v53;
	v5 =	vadd.f32 v5, v28;
	v12 =	vld.idx.msk [tilespmem:v17+s3+$0x0], $0xffff  }
0x608: {  	[tilespmem:$0x1F980] =	vst v19;
	v28 =	vor.u32 v63, v3;
	v30 =	vor.u32 v7, v3;
	v13 =	vld.idx.msk [tilespmem:v25+s3+$0x0], $0xffff  }
0x609: {  	v53 =	vor.u32 v51, v3;
	v19 =	vadd.f32 v5, v9;
	v9 =	vor.u32 v62, v3;
	v3 =	vld.idx.msk [tilespmem:v18+s1+$0x0], $0xffff  }
0x60a: {  	v22 =	vld.idx.msk [tilespmem:v18+s2+$0x0], $0xffff  }
0x60b: {  	v23 =	vld.idx.msk [tilespmem:v52+s3+$0x0], $0xffff  }
0x60c: {  	v24 =	vld.idx.msk [tilespmem:v25+s1+$0x0], $0xffff  }
0x60d: {  	[tilespmem:$0x1F9A0] =	vst v25;
	v25 =	vld.idx.msk [tilespmem:v25+s2+$0x0], $0xffff  }
0x60e: {  	v26 =	vld.idx.msk [tilespmem:v53+s3+$0x0], $0xffff  }
0x60f: {  	v2 =	vadd.f32 v20, v2;
	v27 =	vld.idx.msk [tilespmem:v28+s1+$0x0], $0xffff  }
0x610: {  	v5 =	vmul.f32 v14, v14;
	v29 =	vld.idx.msk [tilespmem:v30+s1+$0x0], $0xffff  }
0x611: {  	v2 =	vadd.f32 v11, v2;
	v32 =	vld.idx.msk [tilespmem:v52+s1+$0x0], $0xffff  }
0x612: {  	[tilespmem:$0x1F9B0] =	vst v20;
	v4 =	vadd.f32 v5, v4;
	v5 =	vmul.f32 v19, v19;
	v33 =	vld.idx.msk [tilespmem:v52+s2+$0x0], $0xffff  }
0x613: {  	[tilespmem:$0x1F9D0] =	vst v11;
	v35 =	vld.idx.msk [tilespmem:v53+s1+$0x0], $0xffff;
	v2 =	vadd.f32 v14, v2  }
0x614: {  	[tilespmem:$0x1F9F0] =	vst v14;
	v38 =	vld.idx.msk [tilespmem:v53+s2+$0x0], $0xffff;
	v4 =	vadd.f32 v5, v4;
	v5 =	vmul.f32 v15, v15  }
0x615: {  	[tilespmem:$0x1F950] =	vst v17;
	v11 =	vld.idx.msk [tilespmem:v9+s3+$0x0], $0xffff;
	v2 =	vadd.f32 v19, v2  }
0x616: {  	[tilespmem:$0x1F970] =	vst v18;
	v14 =	vld.idx.msk [tilespmem:v18+s3+$0x0], $0xffff;
	v4 =	vadd.f32 v5, v4  }
0x617: {  	[tilespmem:$0x1F9C0] =	vst v28;
	v20 =	vld.idx.msk [tilespmem:v9+s1+$0x0], $0xffff;
	v2 =	vadd.f32 v15, v2  }
0x618: {  	[tilespmem:$0x1F9E0] =	vst v30;
	v21 =	vld.idx.msk [tilespmem:v9+s2+$0x0], $0xffff;
	(xrf2) =	vadd.scan.msk.f32 $0xffff, v4  }
0x619: {  	[tilespmem:$0x1FA00] =	vst v52;
	v31 =	vshll.u32 v16, $0x7;
	v5 =	vld.idx.msk [tilespmem:v17+s1+$0x0], $0xffff;
	(xrf2) =	vadd.scan.msk.f32 $0xffff, v2  }
0x61a: {  	[tilespmem:$0x1FA10] =	vst v19;
	v6 =	vshll.u32 v6, $0x7;
	v44 =	vor.u32 v7, v31;
	v19 =	vld.idx.msk [tilespmem:v17+s2+$0x0], $0xffff  }
0x61b: {  	[tilespmem:$0x1FA20] =	vst v53;
	v41 =	vor.u32 v7, v6;
	v4 =	vld.idx.msk [tilespmem:v28+s3+$0x0], $0xffff  }
0x61c: {  	[tilespmem:$0x1F960] =	vst v9;
	v36 =	vshll.u32 v1, $0x7;
	v43 =	vor.u32 v8, v6;
	v28 =	vld.idx.msk [tilespmem:v28+s2+$0x0], $0xffff  }
0x61d: {  	v54 =	vor.u32 v61, v31;
	v52 =	vor.u32 v8, v31;
	v58 =	vor.u32 v61, v36;
	v2 =	vld.idx.msk [tilespmem:v30+s3+$0x0], $0xffff  }
0x61e: {  	v17 =	vor.u32 v61, v6;
	v18 =	vor.u32 v62, v6;
	v60 =	vor.u32 v62, v36;
	v30 =	vld.idx.msk [tilespmem:v30+s2+$0x0], $0xffff  }
0x61f: {  	v55 =	vor.u32 v59, v6;
	v42 =	vor.u32 v59, v36;
	v45 =	vor.u32 v57, v36;
	v44 =	vld.idx.msk [tilespmem:v44+s29+$0x0], $0xffff  }
0x620: {  	v53 =	vor.u32 v7, v36;
	v24 =	vsub.f32 v24, v25;
	v3 =	vsub.f32 v3, v22;
	v41 =	vld.idx.msk [tilespmem:v41+s30+$0x0], $0xffff  }
0x621: {  	v0 =	vmovc v7;
	[tilespmem:$0x1FA90] =	vst v15;
	v7 =	vlaneseq.u32;
	v32 =	vsub.f32 v32, v33;
	v35 =	vsub.f32 v35, v38;
	v43 =	vld.idx.msk [tilespmem:v43+s30+$0x0], $0xffff  }
0x622: {  	v20 =	vsub.f32 v20, v21;
	v24 =	vmul.f32 v24, v10;
	v39 =	vld.idx.msk [tilespmem:v58+s26+$0x0], $0xffff;
	v58 =	vor.u32 v8, v36;
	v15, _, _ =	vpop (xrf2)  }
0x623: {  	v3 =	vmul.f32 v3, v10;
	v5 =	vsub.f32 v5, v19;
	v40 =	vld.idx.msk [tilespmem:v60+s26+$0x0], $0xffff;
	v27 =	vsub.f32 v27, v28;
	v9, _, _ =	vpop (xrf2)  }
0x624: {  	v20 =	vmul.f32 v20, v10;
	v60 =	vlaneseq.u32;
	v42 =	vld.idx.msk [tilespmem:v42+s26+$0x0], $0xffff;
	v9 =	vmul.f32 $7.812500000e-03, v9  }
0x625: {  	v45 =	vld.idx.msk [tilespmem:v45+s26+$0x0], $0xffff;
	v3 =	vadd.f32 v3, v22;
	v24 =	vadd.f32 v24, v25;
	v27 =	vmul.f32 v27, v10  }
0x626: {  	v20 =	vadd.f32 v20, v21;
	v21 =	vld.idx.msk [tilespmem:v52+s29+$0x0], $0xffff;
	v15 =	vmul.f32 $7.812500000e-03, v15;
	v16 =	vmul.f32 v9, v9  }
0x627: {  	v5 =	vmul.f32 v5, v10;
	v3 =	vadd.f32 v3, v14;
	v22 =	vadd.f32 v27, v28;
	v27 =	vld.idx.msk [tilespmem:v58+s26+$0x0], $0xffff  }
0x628: {  	v25 =	vor.u32 v60, v6;
	v13 =	vadd.f32 v24, v13;
	v1 =	vsub.f32 v15, v16;
	v15 =	vld.idx.msk [tilespmem:v17+s30+$0x0], $0xffff  }
0x629: {  	v29 =	vsub.f32 v29, v30;
	v17 =	vld.idx.msk [tilespmem:v54+s29+$0x0], $0xffff;
	v54 =	vor.u32 v63, v36;
	v36 =	vor.u32 v7, v36  }
0x62a: {  	v46 =	vor.u32 v59, v31;
	v5 =	vadd.f32 v5, v19;
	v16 =	vadd.f32 $9.999999740e-06, v1;
	v1 =	vld.idx.msk [tilespmem:v18+s30+$0x0], $0xffff  }
0x62b: {  	v19 =	vmul.f32 v32, v10;
	v29 =	vmul.f32 v29, v10;
	v18 =	vld.idx.msk [tilespmem:v55+s30+$0x0], $0xffff;
	v55 =	vor.u32 v7, v31  }
0x62c: {  	v11 =	vadd.f32 v20, v11;
	v10 =	vmul.f32 v35, v10;
	v5 =	vadd.f32 v5, v12;
	v12 =	vld.idx.msk [tilespmem:v53+s26+$0x0], $0xffff  }
0x62d: {  	v19 =	vadd.f32 v19, v33;
	v24 =	vld.idx.msk [tilespmem:v25+s30+$0x0], $0xffff;
	v28 =	vadd.f32 v29, v30;
	v30 =	vor.u32 v63, v31  }
0x62e: {  	v20 =	vor.u32 v57, v31;
	v10 =	vadd.f32 v10, v38;
	v4 =	vadd.f32 v22, v4;
	v29 =	vld.idx.msk [tilespmem:v36+s26+$0x0], $0xffff  }
0x62f: {  	v19 =	vadd.f32 v19, v23;
	v23 =	vor.u32 v63, v6;
	v6 =	vor.u32 v57, v6;
	v22 =	vld.idx.msk [tilespmem:v54+s26+$0x0], $0xffff  }
0x630: {  	v2 =	vadd.f32 v28, v2;
	v10 =	vadd.f32 v10, v26;
	v26 =	vor.u32 v62, v31;
	v14 =	vld.idx.msk [tilespmem:v55+s29+$0x0], $0xffff  }
0x631: {  	s13 =	sadd.s32 $0x2, s6;
	v19 =	vadd.f32 v19, v27;
	v27 =	vld.idx.msk [tilespmem:v46+s29+$0x0], $0xffff  }
0x632: {  	v28 =	vadd.f32 v11, v40;
	v11 =	vmov s13;
	v2 =	vadd.f32 v2, v12;
	v25 =	vld.idx.msk [tilespmem:v30+s29+$0x0], $0xffff  }
0x633: {  	v12 =	vld.idx.msk [tilespmem:v20+s29+$0x0], $0xffff;
	v10 =	vadd.f32 v10, v29  }
0x634: {  	v6 =	vld.idx.msk [tilespmem:v6+s30+$0x0], $0xffff;
	v2 =	vadd.f32 v2, v44;
	v4 =	vadd.f32 v4, v22  }
0x635: {  	v20 =	vld.idx.msk [tilespmem:v26+s29+$0x0], $0xffff;
	v10 =	vadd.f32 v10, v14;
	v14 =	vadd.f32 v19, v21;
	v21 =	vshll.u32 v11, $0x7  }
0x636: {  	v19 =	vld.idx.msk [tilespmem:v23+s30+$0x0], $0xffff;
	v29 =	vor.u32 v61, v21  }
0x637: {  	v32 =	vadd.f32 v2, v41;
	v2 =	vadd.f32 v4, v25;
	v4 =	vld.idx.msk [tilespmem:v11+s22+$0x0], $0xffff;
	v26 =	vor.u32 v62, v21  }
0x638: {  	v3 =	vadd.f32 v3, v42;
	v23 =	vld.idx.msk [tilespmem:v11+s24+$0x0], $0xffff;
	v31 =	vor.u32 v57, v21  }
0x639: {  	v13 =	vadd.f32 v13, v45;
	v30 =	vadd.f32 v10, v24;
	v10 =	vld.idx.msk [tilespmem:v11+s17+$0x0], $0xffff  }
0x63a: {  	v3 =	vadd.f32 v3, v27;
	v27 =	vor.u32 v63, v21;
	v24 =	vld.idx.msk [tilespmem:v11+s23+$0x0], $0xffff  }
0x63b: {  	v13 =	vadd.f32 v13, v12;
	v25 =	vor.u32 v59, v21;
	v12 =	vld.idx.msk [tilespmem:v29+s3+$0x0], $0xffff  }
0x63c: {  	v5 =	vadd.f32 v5, v39;
	v11 =	vld.idx.msk [tilespmem:v26+s3+$0x0], $0xffff  }
0x63d: {  	v50 =	vadd.f32 v13, v6;
	v7 =	vadd.f32 v14, v43;
	v13 =	vld.idx.msk [tilespmem:v31+s3+$0x0], $0xffff  }
0x63e: {  	v14 =	vmul.f32 v30, v30;
	[tilespmem:$0x1FA30] =	vst v30;
	v48 =	vadd.f32 v2, v19;
	v2 =	vadd.f32 $0.0e+00, v30;
	v30 =	vld.idx.msk [tilespmem:v29+s1+$0x0], $0xffff  }
0x63f: {  	v51 =	vadd.f32 v3, v18;
	v3 =	vadd.f32 v5, v17;
	v22 =	vmul.f32 v7, v7;
	v17 =	vld.idx.msk [tilespmem:v27+s3+$0x0], $0xffff  }
0x640: {  	v33 =	vld.idx.msk [tilespmem:v25+s1+$0x0], $0xffff  }
0x641: {  	v14 =	vadd.f32 v22, v14;
	v22 =	vmul.f32 v32, v32;
	v34 =	vld.idx.msk [tilespmem:v31+s1+$0x0], $0xffff  }
0x642: {  	[tilespmem:$0x1FA50] =	vst v32;
	v4 =	vshll.u32 v4, $0x7;
	v35 =	vld.idx.msk [tilespmem:v27+s1+$0x0], $0xffff  }
0x643: {  	[tilespmem:$0x1FAD0] =	vst v29;
	v37 =	vshll.u32 v23, $0x7;
	v23 =	vor.u32 v62, v4;
	v6 =	vadd.f32 v22, v14;
	v14 =	vld.idx.msk [tilespmem:v25+s3+$0x0], $0xffff  }
0x644: {  	v55 =	vor.u32 v63, v4;
	v2 =	vadd.f32 v7, v2;
	v22 =	vadd.f32 v28, v20;
	v20 =	vld.idx.msk [tilespmem:v29+s2+$0x0], $0xffff  }
0x645: {  	[tilespmem:$0x1FA40] =	vst v7;
	v47 =	vor.u32 v57, v37;
	v49 =	vor.u32 v0, v4;
	v29 =	vld.idx.msk [tilespmem:v26+s2+$0x0], $0xffff  }
0x646: {  	v19 =	vmul.f32 v48, v48;
	v7 =	vor.u32 v8, v21;
	v2 =	vadd.f32 v32, v2;
	v32 =	vld.idx.msk [tilespmem:v25+s2+$0x0], $0xffff  }
0x647: {  	v22 =	vadd.f32 v22, v1;
	v1 =	vbroadcast v16, $0xF;
	v16 =	vadd.f32 v3, v15;
	v3 =	vld.idx.msk [tilespmem:v26+s1+$0x0], $0xffff  }
0x648: {  	v23 =	vld.idx.msk [tilespmem:v23+s30+$0x0], $0xffff  }
0x649: {  	[tilespmem:$0x1FA70] =	vst v50;
	v6 =	vadd.f32 v19, v6;
	v19 =	vmul.f32 v50, v50;
	v46 =	vld.idx.msk [tilespmem:v55+s30+$0x0], $0xffff  }
0x64a: {  	[tilespmem:$0x1FA80] =	vst v51;
	v28 =	vor.u32 v0, v21;
	v47 =	vld.idx.msk [tilespmem:v47+s29+$0x0], $0xffff  }
0x64b: {  	[tilespmem:$0x1FAE0] =	vst v26;
	v42 =	vshll.u32 v24, $0x7;
	v49 =	vld.idx.msk [tilespmem:v49+s30+$0x0], $0xffff;
	v5 =	vadd.f32 v19, v6;
	v6 =	vmul.f32 v51, v51  }
0x64c: {  	v53 =	vor.u32 v57, v4;
	v52 =	vor.u32 v61, v42;
	v2 =	vadd.f32 v48, v2;
	v19 =	vld.idx.msk [tilespmem:v7+s3+$0x0], $0xffff  }
0x64d: {  	v54 =	vor.u32 v62, v42;
	v38 =	vld.idx.msk [tilespmem:v7+s1+$0x0], $0xffff;
	v5 =	vadd.f32 v6, v5;
	v6 =	vmul.f32 v22, v22  }
0x64e: {  	[tilespmem:$0x1FAF0] =	vst v25;
	v26 =	vor.u32 v60, v21;
	v15 =	vshra.s32 v1, $0x1;
	v39 =	vld.idx.msk [tilespmem:v7+s2+$0x0], $0xffff;
	v2 =	vadd.f32 v50, v2  }
0x64f: {  	[tilespmem:$0x1FB00] =	vst v31;
	v1 =	vmul.f32 $5.000000000e-01, v1;
	v18 =	vld.idx.msk [tilespmem:v28+s3+$0x0], $0xffff;
	v5 =	vadd.f32 v6, v5;
	v6 =	vmul.f32 v16, v16  }
0x650: {  	[tilespmem:$0x1FA60] =	vst v48;
	v25 =	vor.u32 v61, v37;
	v15 =	vsub.s32 $0x5F3759DF, v15;
	v36 =	vld.idx.msk [tilespmem:v28+s2+$0x0], $0xffff;
	v2 =	vadd.f32 v51, v2  }
0x651: {  	v60 =	vor.u32 v59, v42;
	v43 =	vld.idx.msk [tilespmem:v52+s26+$0x0], $0xffff;
	v5 =	vadd.f32 v6, v5;
	v6 =	vmul.f32 v15, v1  }
0x652: {  	v48 =	vor.u32 v8, v4;
	v45 =	vld.idx.msk [tilespmem:v54+s26+$0x0], $0xffff;
	v50 =	vor.u32 v57, v42;
	v2 =	vadd.f32 v22, v2  }
0x653: {  	[tilespmem:$0x1FB10] =	vst v27;
	v30 =	vsub.f32 v30, v20;
	v40 =	vld.idx.msk [tilespmem:v26+s1+$0x0], $0xffff;
	(xrf2) =	vadd.scan.msk.f32 $0xffff, v5;
	v5 =	vmul.f32 v15, v6  }
0x654: {  	v54 =	vor.u32 v0, v42;
	v33 =	vsub.f32 v33, v32;
	v41 =	vld.idx.msk [tilespmem:v26+s2+$0x0], $0xffff;
	v2 =	vadd.f32 v16, v2  }
0x655: {  	[tilespmem:$0x1FB30] =	vst v26;
	v51 =	vor.u32 v0, v37;
	v3 =	vsub.f32 v3, v29;
	v6 =	vld.idx.msk [tilespmem:v31+s2+$0x0], $0xffff;
	v5 =	vsub.f32 $1.500000000e+00, v5  }
0x656: {  	[tilespmem:$0x1FAA0] =	vst v22;
	v30 =	vmul.f32 v30, v10;
	v33 =	vmul.f32 v33, v10;
	(xrf2) =	vadd.scan.msk.f32 $0xffff, v2;
	v2 =	vld.idx.msk [tilespmem:v27+s2+$0x0], $0xffff  }
0x657: {  	v38 =	vsub.f32 v38, v39;
	v3 =	vmul.f32 v3, v10;
	v5 =	vmul.f32 v15, v5;
	v15 =	vld.idx.msk [tilespmem:v28+s1+$0x0], $0xffff  }
0x658: {  	s16 =	sadd.s32 $0x1, s6;
	v44 =	vld.idx.msk [tilespmem:v60+s26+$0x0], $0xffff;
	v60 =	vor.u32 v8, v42;
	v20 =	vadd.f32 v30, v20;
	v30 =	vadd.f32 v33, v32  }
0x659: {  	[tilespmem:$0x1FAB0] =	vst v16;
	v21 =	vld.idx.msk [tilespmem:v26+s3+$0x0], $0xffff;
	v32 =	vmov s16;
	v3 =	vadd.f32 v3, v29;
	v22 =	vmul.f32 v5, v1  }
0x65a: {  	v26 =	vld.idx.msk [tilespmem:v25+s29+$0x0], $0xffff;
	v16 =	vor.u32 v61, v4;
	v12 =	vadd.f32 v20, v12;
	v40 =	vsub.f32 v40, v41  }
0x65b: {  	v48 =	vld.idx.msk [tilespmem:v48+s30+$0x0], $0xffff;
	v14 =	vadd.f32 v30, v14;
	v34 =	vsub.f32 v34, v6;
	v22 =	vmul.f32 v22, v5  }
0x65c: {  	v50 =	vld.idx.msk [tilespmem:v50+s26+$0x0], $0xffff;
	v38 =	vmul.f32 v38, v10;
	v35 =	vsub.f32 v35, v2;
	v15 =	vsub.f32 v15, v36  }
0x65d: {  	[tilespmem:$0x1FB20] =	vst v28;
	v20 =	vld.idx.msk [tilespmem:v54+s26+$0x0], $0xffff;
	v27 =	vor.u32 v59, v4;
	v34 =	vmul.f32 v34, v10;
	v22 =	vsub.f32 $1.500000000e+00, v22  }
0x65e: {  	v51 =	vld.idx.msk [tilespmem:v51+s29+$0x0], $0xffff;
	v28 =	vor.u32 v62, v37;
	v35 =	vmul.f32 v35, v10;
	v15 =	vmul.f32 v15, v10  }
0x65f: {  	v33 =	vld.idx.msk [tilespmem:v60+s26+$0x0], $0xffff;
	v55 =	vadd.f32 v12, v43;
	v31, _, _ =	vpop (xrf2);
	v10 =	vmul.f32 v40, v10;
	v24 =	vmul.f32 v22, v5  }
0x660: {  	v29 =	vld.idx.msk [tilespmem:v32+s17+$0x0], $0xffff;
	v25, _, _ =	vpop (xrf2);
	v5 =	vor.u32 v59, v37;
	v15 =	vadd.f32 v15, v36;
	v36 =	vshll.u32 v32, $0x7  }
0x661: {  	[tilespmem:$0x1FB40] =	vst v7;
	v16 =	vld.idx.msk [tilespmem:v16+s30+$0x0], $0xffff;
	v6 =	vadd.f32 v34, v6;
	v7 =	vmul.f32 $7.812500000e-03, v25;
	v54 =	vor.u32 v59, v36  }
0x662: {  	v22 =	vld.idx.msk [tilespmem:v27+s30+$0x0], $0xffff;
	v27 =	vmul.f32 $7.812500000e-03, v31;
	v10 =	vadd.f32 v10, v41;
	v12 =	vor.u32 v57, v36  }
0x663: {  	v25 =	vld.idx.msk [tilespmem:v28+s29+$0x0], $0xffff;
	[tilespmem:$0x1FAC0] =	vst v7;
	v58 =	vmul.f32 v7, v7;
	v7 =	vlaneseq.u32;
	v60 =	vor.u32 v62, v36  }
0x664: {  	v28 =	vld.idx.msk [tilespmem:v53+s30+$0x0], $0xffff;
	v1 =	vmul.f32 v24, v1;
	v4 =	vor.u32 v7, v4;
	v15 =	vadd.f32 v15, v18  }
0x665: {  	v53 =	vor.u32 v7, v37;
	v7 =	vlaneseq.u32;
	v10 =	vadd.f32 v10, v21;
	v31 =	vld.idx.msk [tilespmem:v5+s29+$0x0], $0xffff  }
0x666: {  	v21 =	vadd.f32 v14, v44;
	v1 =	vmul.f32 v1, v24;
	v14 =	vadd.f32 v15, v20;
	v34 =	vld.idx.msk [tilespmem:v54+s3+$0x0], $0xffff  }
0x667: {  	v5 =	vsub.f32 v27, v58;
	v58 =	vor.u32 v63, v42;
	v42 =	vor.u32 v7, v42;
	v30 =	vld.idx.msk [tilespmem:v12+s3+$0x0], $0xffff  }
0x668: {  	v27 =	vsub.f32 $1.500000000e+00, v1;
	v14 =	vadd.f32 v14, v51;
	v51 =	vld.idx.msk [tilespmem:v60+s2+$0x0], $0xffff  }
0x669: {  	v1 =	vsub.f32 $0.0e+00, v9;
	v9 =	vor.u32 v63, v37;
	v37 =	vor.u32 v8, v37;
	v40 =	vld.idx.msk [tilespmem:v54+s2+$0x0], $0xffff  }
0x66a: {  	v3 =	vadd.f32 v3, v11;
	v6 =	vadd.f32 v6, v13;
	v41 =	vld.idx.msk [tilespmem:v12+s2+$0x0], $0xffff  }
0x66b: {  	v2 =	vadd.f32 v35, v2;
	v11 =	vld.idx.msk [tilespmem:v53+s29+$0x0], $0xffff  }
0x66c: {  	v3 =	vadd.f32 v3, v45;
	v6 =	vadd.f32 v6, v50;
	v35 =	vld.idx.msk [tilespmem:v42+s26+$0x0], $0xffff  }
0x66d: {  	v2 =	vadd.f32 v2, v17;
	v52 =	vld.idx.msk [tilespmem:v58+s26+$0x0], $0xffff;
	v58 =	vadd.f32 v38, v39  }
0x66e: {  	v6 =	vadd.f32 v6, v47;
	v3 =	vadd.f32 v3, v25;
	v37 =	vld.idx.msk [tilespmem:v37+s29+$0x0], $0xffff  }
0x66f: {  	v7 =	vor.u32 v61, v36;
	v5 =	vadd.f32 $9.999999740e-06, v5;
	v53 =	vld.idx.msk [tilespmem:v32+s22+$0x0], $0xffff;
	v13 =	vadd.f32 v58, v19  }
0x670: {  	v59 =	vor.u32 v63, v36;
	v23 =	vadd.f32 v3, v23;
	v4 =	vld.idx.msk [tilespmem:v4+s30+$0x0], $0xffff;
	v20 =	vadd.f32 v14, v49  }
0x671: {  	v1 =	vbroadcast v1, $0xF;
	v39 =	vld.idx.msk [tilespmem:v32+s24+$0x0], $0xffff;
	v13 =	vadd.f32 v13, v33;
	v10 =	vadd.f32 v10, v35  }
0x672: {  	v27 =	vmul.f32 v27, v24;
	v15 =	vadd.f32 v21, v31;
	v21 =	vadd.f32 v6, v28;
	v9 =	vld.idx.msk [tilespmem:v9+s29+$0x0], $0xffff  }
0x673: {  	v14 =	vor.u32 v8, v36;
	v58 =	vld.idx.msk [tilespmem:v32+s23+$0x0], $0xffff;
	v10 =	vadd.f32 v10, v11;
	v11 =	vadd.f32 v13, v37  }
0x674: {  	v50 =	vld.idx.msk [tilespmem:v7+s2+$0x0], $0xffff;
	v22 =	vadd.f32 v15, v22;
	v47 =	vshll.u32 v53, $0x7;
	v2 =	vadd.f32 v2, v52  }
0x675: {  	v6 =	vld.idx.msk [tilespmem:v54+s1+$0x0], $0xffff;
	v52 =	vlaneseq.u32;
	v18 =	vadd.f32 v10, v4;
	v17 =	vadd.f32 v11, v48  }
0x676: {  	v42 =	vld.idx.msk [tilespmem:v59+s2+$0x0], $0xffff;
	v39 =	vshll.u32 v39, $0x7;
	v45 =	vor.u32 v52, v47;
	v13 =	vor.u32 v0, v36  }
0x677: {  	v32 =	vld.idx.msk [tilespmem:v60+s3+$0x0], $0xffff;
	v2 =	vadd.f32 v2, v9;
	v9 =	vmul.f32 v18, v18;
	v10 =	vmul.f32 v17, v17  }
0x678: {  	[tilespmem:$0x1FB70] =	vst v54;
	v33 =	vld.idx.msk [tilespmem:v7+s3+$0x0], $0xffff;
	v38 =	vshll.u32 v58, $0x7;
	v58 =	vor.u32 v57, v39;
	v11 =	vadd.f32 $0.0e+00, v18  }
0x679: {  	v49 =	vld.idx.msk [tilespmem:v14+s3+$0x0], $0xffff;
	v19 =	vadd.f32 v2, v46;
	v9 =	vadd.f32 v10, v9;
	v10 =	vmul.f32 v20, v20  }
0x67a: {  	[tilespmem:$0x1FB80] =	vst v12;
	v54 =	vld.idx.msk [tilespmem:v14+s1+$0x0], $0xffff;
	v35 =	vor.u32 v61, v38;
	v2 =	vbroadcast v5, $0xF;
	v11 =	vadd.f32 v17, v11  }
0x67b: {  	v53 =	vor.u32 v0, v38;
	v4 =	vld.idx.msk [tilespmem:v7+s1+$0x0], $0xffff;
	v9 =	vadd.f32 v10, v9;
	v10 =	vmul.f32 v19, v19  }
0x67c: {  	[tilespmem:$0x1FB50] =	vst v7;
	v7 =	vld.idx.msk [tilespmem:v12+s1+$0x0], $0xffff;
	v12 =	vmul.f32 v27, v56;
	v31 =	vshra.s32 v2, $0x1;
	v11 =	vadd.f32 v20, v11  }
0x67d: {  	[tilespmem:$0x1FB60] =	vst v60;
	v37 =	vld.idx.msk [tilespmem:v59+s3+$0x0], $0xffff;
	v25 =	vmul.f32 $5.000000000e-01, v2;
	v2 =	vadd.f32 v10, v9;
	v9 =	vmul.f32 v21, v21  }
0x67e: {  	v5 =	vld.idx.msk [tilespmem:v60+s1+$0x0], $0xffff;
	v56 =	vor.u32 v63, v38;
	v10 =	vadd.f32 v19, v11;
	v11 =	vadd.f32 v55, v26  }
0x67f: {  	[tilespmem:$0x1FB90] =	vst v59;
	v60 =	vld.idx.msk [tilespmem:v59+s1+$0x0], $0xffff;
	v28 =	vsub.s32 $0x5F3759DF, v31;
	v26 =	vmul.f32 v27, v1;
	v2 =	vadd.f32 v9, v2  }
0x680: {  	v59 =	vld.idx.msk [tilespmem:v14+s2+$0x0], $0xffff;
	v9 =	vmul.f32 v22, v22;
	v24 =	vadd.f32 v11, v16;
	v16 =	vor.u32 v52, v36  }
0x681: {  	v44 =	vld.idx.msk [tilespmem:v13+s3+$0x0], $0xffff;
	v55 =	vor.u32 v0, v39;
	v3 =	vadd.f32 v21, v10;
	v10 =	vmul.f32 v28, v25  }
0x682: {  	v43 =	vld.idx.msk [tilespmem:v13+s2+$0x0], $0xffff;
	v36 =	vor.u32 v62, v38;
	v2 =	vadd.f32 v9, v2;
	v9 =	vmul.f32 v23, v23  }
0x683: {  	p0 =	slt.u32 s6, $0x4C;
	v35 =	vld.idx.msk [tilespmem:v35+s26+$0x0], $0xffff;
	v62 =	vor.u32 v63, v39;
	v63 =	vor.u32 v8, v39;
	v3 =	vadd.f32 v22, v3  }
.Ltmp1:
0x684: {  	v1 =	vld.idx.msk [tilespmem:v13+s1+$0x0], $0xffff;
	v10 =	vmul.f32 v28, v10;
	v2 =	vadd.f32 v9, v2;
	v9 =	vmul.f32 v24, v24;
	(pc) =	sbr.rel @p0 .LBB3_5-.Ltmp1, $4  }
0x685: {  	v52 =	vor.u32 v52, v39;
	v11 =	vsub.f32 v5, v51;
	v3 =	vadd.f32 v23, v3;
	v15 =	vld.idx.msk [tilespmem:v16+s1+$0x0], $0xffff  }
0x686: {  	v31 =	vsub.f32 $1.500000000e+00, v10;
	v10 =	vor.u32 v8, v47;
	v61 =	vld.idx.msk [tilespmem:v16+s2+$0x0], $0xffff;
	v48 =	vadd.f32 v9, v2  }
0x687: {  	v57 =	vld.idx.msk [tilespmem:v16+s3+$0x0], $0xffff;
	v46 =	vadd.f32 v24, v3;
	v3 =	vsub.f32 v4, v50;
	v9 =	vor.u32 v8, v38  }
0x688: {  	s6 =	sadd.s32 $0x4, s6;
	v36 =	vld.idx.msk [tilespmem:v36+s26+$0x0], $0xffff;
	v2 =	vsub.f32 v7, v41;
	v7 =	vlaneseq.u32;
	v4 =	vsub.f32 v6, v40  }
0x689: {  	_ =	sdelay $0x2  }
0x68a: {  	v6 =	vor.u32 v7, v38;
	v7 =	vsub.f32 v54, v59  }
0x68b: {  	v3 =	vmul.f32 v3, v29;
	v9 =	vld.idx.msk [tilespmem:v9+s26+$0x0], $0xffff  }
0x68c: {  	v54 =	vld [tilespmem:$0x1FF90];
	v15 =	vsub.f32 v15, v61;
	v7 =	vmul.f32 v7, v29  }
0x68d: {  	v5 =	vsub.f32 v60, v42;
	v4 =	vmul.f32 v4, v29;
	v3 =	vadd.f32 v3, v50;
	v50 =	vld.idx.msk [tilespmem:v63+s29+$0x0], $0xffff  }
0x68e: {  	v15 =	vmul.f32 v15, v29;
	v7 =	vadd.f32 v7, v59;
	v59 =	vld [tilespmem:$0x1FFB0]  }
0x68f: {  	v11 =	vmul.f32 v11, v29;
	v5 =	vmul.f32 v5, v29;
	v4 =	vadd.f32 v4, v40;
	v40 =	vld.idx.msk [tilespmem:v55+s29+$0x0], $0xffff  }
0x690: {  	v55 =	vld [tilespmem:$0x1FFC0];
	v15 =	vadd.f32 v15, v61  }
0x691: {  	v11 =	vadd.f32 v11, v51;
	v5 =	vadd.f32 v5, v42;
	v6 =	vld.idx.msk [tilespmem:v6+s26+$0x0], $0xffff  }
0x692: {  	v7 =	vadd.f32 v7, v49;
	v15 =	vadd.f32 v15, v57;
	v57 =	vld.idx.msk [tilespmem:v56+s26+$0x0], $0xffff  }
0x693: {  	v3 =	vadd.f32 v3, v33;
	v11 =	vadd.f32 v11, v32;
	v32 =	vld.idx.msk [tilespmem:v52+s29+$0x0], $0xffff;
	v33 =	vor.u32 v59, v38  }
0x694: {  	v7 =	vadd.f32 v7, v9;
	v9 =	vld.idx.msk [tilespmem:v62+s29+$0x0], $0xffff  }
0x695: {  	v10 =	vld.idx.msk [tilespmem:v10+s30+$0x0], $0xffff;
	v5 =	vadd.f32 v5, v37  }
0x696: {  	v2 =	vmul.f32 v2, v29;
	v61 =	vld.idx.msk [tilespmem:v45+s30+$0x0], $0xffff;
	v63 =	vor.u32 v55, v47  }
0x697: {  	v38 =	vor.u32 v54, v38;
	v6 =	vadd.f32 v15, v6;
	v5 =	vadd.f32 v5, v57;
	v57 =	vld [tilespmem:$0x1FFD0]  }
0x698: {  	v2 =	vadd.f32 v2, v41;
	v7 =	vadd.f32 v7, v50;
	v45 =	vld.idx.msk [tilespmem:v33+s26+$0x0], $0xffff  }
0x699: {  	v49 =	vor.u32 v54, v39;
	v6 =	vadd.f32 v6, v32;
	v5 =	vadd.f32 v5, v9;
	v9 =	vld.idx.msk [tilespmem:v58+s29+$0x0], $0xffff  }
0x69a: {  	v2 =	vadd.f32 v2, v30;
	v58 =	vld [tilespmem:$0x1FFA0]  }
0x69b: {  	v30 =	vadd.f32 v7, v10;
	v7 =	vor.u32 v54, v47;
	v33 =	vadd.f32 v6, v61;
	v6 =	vld.idx.msk [tilespmem:v63+s30+$0x0], $0xffff  }
0x69c: {  	v1 =	vsub.f32 v1, v43;
	v38 =	vld.idx.msk [tilespmem:v38+s26+$0x0], $0xffff;
	v10 =	vor.u32 v57, v39  }
0x69d: {  	v60 =	vld [tilespmem:$0x1FFF0]  }
0x69e: {  	(xrf2) =	vadd.scan.msk.f32 $0xffff, v48;
	v1 =	vmul.f32 v1, v29;
	v56 =	vld.idx.msk [tilespmem:v49+s29+$0x0], $0xffff  }
0x69f: {  	v29 =	vld.idx.msk [tilespmem:v53+s26+$0x0], $0xffff;
	v4 =	vadd.f32 v4, v34;
	v2 =	vadd.f32 v2, v45;
	v53 =	vor.u32 v58, v39  }
0x6a0: {  	(xrf2) =	vadd.scan.msk.f32 $0xffff, v46;
	v42 =	vor.u32 v57, v47;
	v32 =	vadd.f32 v5, v6;
	v6 =	vld.idx.msk [tilespmem:v7+s30+$0x0], $0xffff  }
0x6a1: {  	v4 =	vadd.f32 v4, v38;
	v5 =	vor.u32 v58, v47;
	v2 =	vadd.f32 v2, v9;
	v9 =	vld.idx.msk [tilespmem:v10+s29+$0x0], $0xffff  }
0x6a2: {  	v10 =	vadd.f32 $0.0e+00, v33  }
0x6a3: {  	v4 =	vadd.f32 v4, v56  }
0x6a4: {  	v37 =	vld.idx.msk [tilespmem:v53+s29+$0x0], $0xffff;
	v46 =	vadd.f32 v30, v10;
	v10 =	vadd.f32 v11, v36  }
0x6a5: {  	v51 =	vor.u32 v60, v47;
	v45 =	vld.idx.msk [tilespmem:v42+s30+$0x0], $0xffff  }
0x6a6: {  	v36 =	vadd.f32 v4, v6;
	v4 =	vld.idx.msk [tilespmem:v5+s30+$0x0], $0xffff;
	v6 =	vadd.f32 v10, v9  }
0x6a7: {  	v1 =	vadd.f32 v1, v43;
	v3 =	vadd.f32 v3, v35;
	_ =	sdelay $0x1  }
0x6a8: {  	v1 =	vadd.f32 v1, v44;
	v3 =	vadd.f32 v3, v37  }
0x6a9: {  	v52 =	vor.u32 v59, v47;
	v51 =	vld.idx.msk [tilespmem:v51+s30+$0x0], $0xffff;
	v35 =	vadd.f32 v6, v45;
	v6, _, _ =	vpop (xrf2)  }
0x6aa: {  	v8 =	vld [tilespmem:$0x1F9D0];
	v1 =	vadd.f32 v1, v29;
	v47 =	vmul.f32 v28, v31;
	v28 =	vadd.f32 v3, v4;
	v4, _, _ =	vpop (xrf2)  }
0x6ab: {  	v4 =	vmul.f32 $7.812500000e-03, v4  }
0x6ac: {  	v1 =	vadd.f32 v1, v40  }
0x6ad: {  	v6 =	vmul.f32 $7.812500000e-03, v6;
	v9 =	vmul.f32 v4, v4  }
0x6ae: {  	v62 =	vmul.f32 v30, v30;
	v63 =	vld.idx.msk [tilespmem:v52+s30+$0x0], $0xffff;
	v29 =	vadd.f32 v1, v51  }
0x6af: {  	v61 =	vmul.f32 v33, v33;
	v6 =	vsub.f32 v6, v9;
	v9 =	vmul.f32 v27, v8;
	v8 =	vld [tilespmem:$0x1F9F0];
	_ =	sdelay $0x1  }
0x6b0: {  	v43 =	vadd.f32 v62, v61;
	v7 =	vmul.f32 v29, v29;
	_ =	sdelay $0x1  }
0x6b1: {  	v7 =	vadd.f32 v7, v43;
	v44 =	vmul.f32 v32, v32;
	v34 =	vadd.f32 v2, v63  }
0x6b2: {  	v11 =	vmul.f32 v27, v8;
	v8 =	vld [tilespmem:$0x1FA10]  }
0x6b3: {  	v7 =	vadd.f32 v44, v7;
	v5 =	vmul.f32 v34, v34  }
0x6b4: {  	v2 =	vadd.f32 v29, v46  }
0x6b5: {  	v5 =	vadd.f32 v5, v7;
	v7 =	vmul.f32 v36, v36  }
0x6b6: {  	v2 =	vadd.f32 v32, v2  }
0x6b7: {  	v5 =	vadd.f32 v7, v5;
	v51 =	vmul.f32 v27, v8;
	v8 =	vld [tilespmem:$0x1FA90]  }
0x6b8: {  	v7 =	vmul.f32 v47, v25;
	v2 =	vadd.f32 v34, v2;
	v48 =	vmul.f32 v35, v35;
	_ =	sdelay $0x1  }
0x6b9: {  	v38 =	vld [tilespmem:$0x1FE90];
	v2 =	vadd.f32 v36, v2;
	v3 =	vadd.f32 v48, v5;
	v5 =	vmul.f32 v7, v47  }
0x6ba: {  	v46 =	vld [tilespmem:$0x1FF10];
	v7 =	vmul.f32 v28, v28  }
0x6bb: {  	v2 =	vadd.f32 v35, v2;
	v5 =	vsub.f32 $1.500000000e+00, v5;
	v53 =	vmul.f32 v27, v8;
	v8 =	vld [tilespmem:$0x1F940]  }
0x6bc: {  	v0 =	vadd.f32 v26, v12;
	v3 =	vadd.f32 v7, v3  }
0x6bd: {  	v2 =	vadd.f32 v28, v2;
	v1 =	vmul.f32 v5, v47;
	v49 =	vadd.f32 $9.999999740e-06, v6  }
0x6be: {  	v0 =	vmul.f32 v0, v38;
	(xrf2) =	vadd.scan.msk.f32 $0xffff, v3;
	v6 =	vld [tilespmem:$0x1F990]  }
0x6bf: {  	v50 =	vld [tilespmem:$0x1F980];
	(xrf2) =	vadd.scan.msk.f32 $0xffff, v2;
	v5 =	vmul.f32 v1, v25;
	v2 =	vbroadcast v49, $0xF  }
0x6c0: {  	v40 =	vld [tilespmem:$0x1FEB0];
	v0 =	vadd.f32 v0, v46  }
0x6c1: {  	v39 =	vld [tilespmem:$0x1FEA0];
	v5 =	vmul.f32 v5, v1;
	v10 =	vshra.s32 v2, $0x1;
	v2 =	vmul.f32 $5.000000000e-01, v2  }
0x6c2: {  	v7 =	vld [tilespmem:$0x1F9B0];
	v10 =	vsub.s32 $0x5F3759DF, v10  }
0x6c3: {  	v47 =	vld [tilespmem:$0x1FF20];
	v5 =	vsub.f32 $1.500000000e+00, v5;
	v6 =	vmul.f32 v27, v6;
	v52 =	vmul.f32 v10, v2;
	[tilespmem:v8+s7+$0x0] =	vst.idx.msk $0xffff, v0  }
0x6c4: {  	v8 =	vld [tilespmem:$0x1FAC0]  }
0x6c5: {  	v1 =	vmul.f32 v5, v1;
	v5 =	vadd.f32 v26, v6;
	v6 =	vmul.f32 v10, v52;
	_ =	sdelay $0x1  }
0x6c6: {  	v6 =	vsub.f32 $1.500000000e+00, v6;
	_ =	sdelay $0x1  }
0x6c7: {  	v3 =	vmul.f32 v27, v50;
	v0 =	vmul.f32 v10, v6;
	v10 =	vsub.f32 $0.0e+00, v8;
	v8 =	vld [tilespmem:$0x1F930];
	_ =	sdelay $0x1  }
0x6c8: {  	v3 =	vadd.f32 v26, v3;
	_ =	sdelay $0x1  }
0x6c9: {  	v3 =	vmul.f32 v3, v39;
	_ =	sdelay $0x1  }
0x6ca: {  	v3 =	vadd.f32 v3, v47;
	_ =	sdelay $0x1  }
0x6cb: {  	[tilespmem:v8+s7+$0x0] =	vst.idx.msk $0xffff, v3  }
0x6cc: {  	v8 =	vld [tilespmem:$0x1F920]  }
0x6cd: {  	v48 =	vld [tilespmem:$0x1FF30];
	_ =	sdelay $0x2  }
0x6ce: {  	v5 =	vmul.f32 v5, v40;
	_ =	sdelay $0x1  }
0x6cf: {  	v62 =	vadd.f32 v5, v48  }
0x6d0: {  	v41 =	vld [tilespmem:$0x1FEC0]  }
0x6d1: {  	v42 =	vld [tilespmem:$0x1FED0];
	[tilespmem:v8+s7+$0x0] =	vst.idx.msk $0xffff, v62  }
0x6d2: {  	v8 =	vld [tilespmem:$0x1FA30];
	_ =	sdelay $0x3  }
0x6d3: {  	v7 =	vmul.f32 v27, v7;
	v56, _, _ =	vpop (xrf2)  }
0x6d4: {  	v5 =	vmul.f32 $7.812500000e-03, v56;
	v56 =	vmul.f32 v1, v8;
	v8 =	vld [tilespmem:$0x1F910]  }
0x6d5: {  	v49 =	vld [tilespmem:$0x1FF40]  }
0x6d6: {  	v7 =	vadd.f32 v26, v7;
	_ =	sdelay $0x1  }
0x6d7: {  	v7 =	vmul.f32 v7, v41  }
0x6d8: {  	v43 =	vld [tilespmem:$0x1FEE0]  }
0x6d9: {  	v44 =	vld [tilespmem:$0x1FEF0];
	v7 =	vadd.f32 v7, v49  }
0x6da: {  	v45 =	vld [tilespmem:$0x1FF00]  }
0x6db: {  	v50 =	vld [tilespmem:$0x1FF50];
	[tilespmem:v8+s7+$0x0] =	vst.idx.msk $0xffff, v7  }
0x6dc: {  	v8 =	vld [tilespmem:$0x1FA50];
	_ =	sdelay $0x3  }
0x6dd: {  	v61, _, _ =	vpop (xrf2)  }
0x6de: {  	v31 =	vmul.f32 $7.812500000e-03, v61;
	v61 =	vmul.f32 v1, v8;
	v8 =	vld [tilespmem:$0x1F900];
	_ =	sdelay $0x1  }
0x6df: {  	v9 =	vadd.f32 v26, v9;
	_ =	sdelay $0x1  }
0x6e0: {  	v9 =	vmul.f32 v9, v42;
	_ =	sdelay $0x1  }
0x6e1: {  	v9 =	vadd.f32 v9, v50;
	_ =	sdelay $0x1  }
0x6e2: {  	v7 =	vld [tilespmem:$0x1FA40];
	[tilespmem:v8+s7+$0x0] =	vst.idx.msk $0xffff, v9  }
0x6e3: {  	v8 =	vld [tilespmem:$0x1FA60];
	_ =	sdelay $0x4  }
0x6e4: {  	v62 =	vmul.f32 v1, v8;
	v8 =	vld [tilespmem:$0x1FA70];
	_ =	sdelay $0x2  }
0x6e5: {  	v63 =	vmul.f32 v31, v31;
	_ =	sdelay $0x1  }
0x6e6: {  	v37 =	vsub.f32 v5, v63;
	v63 =	vmul.f32 v1, v8;
	v8 =	vld [tilespmem:$0x1F8F0]  }
0x6e7: {  	v6 =	vadd.f32 v26, v51;
	v51 =	vld [tilespmem:$0x1FF60]  }
0x6e8: {  	v11 =	vadd.f32 v26, v11;
	_ =	sdelay $0x1  }
0x6e9: {  	v5 =	vmul.f32 v11, v43;
	_ =	sdelay $0x1  }
0x6ea: {  	v5 =	vadd.f32 v5, v51;
	_ =	sdelay $0x1  }
0x6eb: {  	v52 =	vld [tilespmem:$0x1FF70];
	[tilespmem:v8+s7+$0x0] =	vst.idx.msk $0xffff, v5  }
0x6ec: {  	v12 =	vadd.f32 v26, v53;
	v53 =	vld [tilespmem:$0x1FF80]  }
0x6ed: {  	v8 =	vld [tilespmem:$0x1FA80];
	_ =	sdelay $0x2  }
0x6ee: {  	v11 =	vmul.f32 v12, v45;
	_ =	sdelay $0x1  }
0x6ef: {  	v5 =	vadd.f32 v11, v53;
	v11 =	vmul.f32 v1, v8;
	v8 =	vld [tilespmem:$0x1FAA0]  }
0x6f0: {  	v10 =	vbroadcast v10, $0xF;
	_ =	sdelay $0x1  }
0x6f1: {  	v10 =	vmul.f32 v1, v10;
	_ =	sdelay $0x1  }
0x6f2: {  	v15 =	vadd.f32 v10, v56;
	v56 =	vmul.f32 v1, v8;
	v8 =	vld [tilespmem:$0x1F8E0];
	_ =	sdelay $0x3  }
0x6f3: {  	v6 =	vmul.f32 v6, v44;
	_ =	sdelay $0x1  }
0x6f4: {  	v6 =	vadd.f32 v6, v52;
	_ =	sdelay $0x1  }
0x6f5: {  	[tilespmem:v8+s7+$0x0] =	vst.idx.msk $0xffff, v6  }
0x6f6: {  	v8 =	vld [tilespmem:$0x1F8D0];
	_ =	sdelay $0x7  }
0x6f7: {  	[tilespmem:v8+s7+$0x0] =	vst.idx.msk $0xffff, v5  }
0x6f8: {  	v8 =	vld [tilespmem:$0x1FA20];
	_ =	sdelay $0x1  }
0x6f9: {  	v7 =	vmul.f32 v1, v7;
	_ =	sdelay $0x1  }
0x6fa: {  	v5 =	vadd.f32 v10, v7;
	v7 =	vmul.f32 v15, v38;
	_ =	sdelay $0x1  }
0x6fb: {  	v7 =	vadd.f32 v7, v46;
	_ =	sdelay $0x1  }
0x6fc: {  	[tilespmem:v8+s7+$0x0] =	vst.idx.msk $0xffff, v7  }
0x6fd: {  	v8 =	vld [tilespmem:$0x1FA00];
	_ =	sdelay $0x3  }
0x6fe: {  	v5 =	vmul.f32 v5, v39;
	_ =	sdelay $0x1  }
0x6ff: {  	v5 =	vadd.f32 v5, v47;
	_ =	sdelay $0x1  }
0x700: {  	[tilespmem:v8+s7+$0x0] =	vst.idx.msk $0xffff, v5  }
0x701: {  	v8 =	vld [tilespmem:$0x1F9E0];
	_ =	sdelay $0x1  }
0x702: {  	v61 =	vadd.f32 v10, v61  }
0x703: {  	v3 =	vadd.f32 $9.999999740e-06, v37;
	v9 =	vmul.f32 v0, v2  }
0x704: {  	v15 =	vmul.f32 v61, v40  }
0x705: {  	v3 =	vbroadcast v3, $0xF;
	v9 =	vmul.f32 v9, v0  }
0x706: {  	v15 =	vadd.f32 v15, v48  }
0x707: {  	v6 =	vsub.f32 $1.500000000e+00, v9;
	v9 =	vshra.s32 v3, $0x1;
	v3 =	vmul.f32 $5.000000000e-01, v3  }
0x708: {  	v9 =	vsub.s32 $0x5F3759DF, v9;
	[tilespmem:v8+s7+$0x0] =	vst.idx.msk $0xffff, v15  }
0x709: {  	v0 =	vmul.f32 v6, v0;
	v6 =	vmul.f32 v9, v3;
	v8 =	vld [tilespmem:$0x1F9C0];
	_ =	sdelay $0x1  }
0x70a: {  	v62 =	vadd.f32 v10, v62;
	v6 =	vmul.f32 v9, v6;
	_ =	sdelay $0x1  }
0x70b: {  	v25 =	vmul.f32 v62, v41;
	v6 =	vsub.f32 $1.500000000e+00, v6;
	_ =	sdelay $0x1  }
0x70c: {  	v5 =	vmul.f32 v9, v6;
	v6 =	vadd.f32 v25, v49;
	_ =	sdelay $0x1  }
0x70d: {  	[tilespmem:v8+s7+$0x0] =	vst.idx.msk $0xffff, v6  }
0x70e: {  	v6 =	vld [tilespmem:$0x1F9A0];
	_ =	sdelay $0x1  }
0x70f: {  	v63 =	vadd.f32 v10, v63;
	_ =	sdelay $0x1  }
0x710: {  	v26 =	vmul.f32 v63, v42;
	v11 =	vadd.f32 v10, v11;
	_ =	sdelay $0x1  }
0x711: {  	v9 =	vmul.f32 v11, v43;
	v11 =	vadd.f32 v26, v50;
	_ =	sdelay $0x1  }
0x712: {  	v7 =	vadd.f32 v10, v56;
	[tilespmem:v6+s7+$0x0] =	vst.idx.msk $0xffff, v11  }
0x713: {  	v8 =	vld [tilespmem:$0x1F970]  }
0x714: {  	v6 =	vmul.f32 v7, v44;
	v7 =	vld [tilespmem:$0x1FAB0];
	_ =	sdelay $0x4  }
0x715: {  	v1 =	vmul.f32 v1, v7;
	v7 =	vadd.f32 v9, v51;
	_ =	sdelay $0x1  }
0x716: {  	[tilespmem:v8+s7+$0x0] =	vst.idx.msk $0xffff, v7  }
0x717: {  	v8 =	vld [tilespmem:$0x1F960];
	_ =	sdelay $0x3  }
0x718: {  	v2 =	vmul.f32 v0, v2;
	_ =	sdelay $0x1  }
0x719: {  	v2 =	vmul.f32 v2, v0;
	v6 =	vadd.f32 v6, v52  }
0x71a: {  	v4 =	vsub.f32 $0.0e+00, v4  }
0x71b: {  	v2 =	vsub.f32 $1.500000000e+00, v2;
	v15 =	vmul.f32 v5, v3;
	[tilespmem:v8+s7+$0x0] =	vst.idx.msk $0xffff, v6  }
0x71c: {  	v4 =	vbroadcast v4, $0xF;
	v8 =	vld [tilespmem:$0x1F950]  }
0x71d: {  	v0 =	vmul.f32 v2, v0;
	v2 =	vmul.f32 v15, v5  }
0x71e: {  	v1 =	vadd.f32 v10, v1  }
0x71f: {  	v4 =	vmul.f32 v0, v4;
	v2 =	vsub.f32 $1.500000000e+00, v2;
	v7 =	vmul.f32 v0, v17  }
0x720: {  	v1 =	vmul.f32 v1, v45  }
0x721: {  	v2 =	vmul.f32 v2, v5;
	v5 =	vadd.f32 v4, v7  }
0x722: {  	v1 =	vadd.f32 v1, v53  }
0x723: {  	v5 =	vmul.f32 v5, v39  }
0x724: {  	[tilespmem:v8+s7+$0x0] =	vst.idx.msk $0xffff, v1  }
0x725: {  	v9 =	vmul.f32 v0, v18;
	v26 =	vadd.f32 v5, v47;
	v5 =	vld [tilespmem:$0x1FB30];
	_ =	sdelay $0x1  }
0x726: {  	v9 =	vadd.f32 v4, v9;
	_ =	sdelay $0x1  }
0x727: {  	v9 =	vmul.f32 v9, v38  }
0x728: {  	v7 =	vmul.f32 v0, v19  }
0x729: {  	v9 =	vadd.f32 v9, v46  }
0x72a: {  	v7 =	vadd.f32 v4, v7  }
0x72b: {  	[tilespmem:v5+s7+$0x0] =	vst.idx.msk $0xffff, v9  }
0x72c: {  	v5 =	vmul.f32 v7, v41;
	v7 =	vld [tilespmem:$0x1FB40];
	_ =	sdelay $0x7  }
0x72d: {  	[tilespmem:v7+s7+$0x0] =	vst.idx.msk $0xffff, v26  }
0x72e: {  	v6 =	vmul.f32 v0, v20;
	v7 =	vld [tilespmem:$0x1FB20];
	_ =	sdelay $0x1  }
0x72f: {  	v6 =	vadd.f32 v4, v6;
	_ =	sdelay $0x1  }
0x730: {  	v6 =	vmul.f32 v6, v40;
	_ =	sdelay $0x1  }
0x731: {  	v6 =	vadd.f32 v6, v48;
	_ =	sdelay $0x1  }
0x732: {  	[tilespmem:v7+s7+$0x0] =	vst.idx.msk $0xffff, v6  }
0x733: {  	v7 =	vld [tilespmem:$0x1FB10];
	_ =	sdelay $0x4  }
0x734: {  	v3 =	vmul.f32 v2, v3  }
0x735: {  	v5 =	vadd.f32 v5, v49  }
0x736: {  	v25 =	vmul.f32 v3, v2  }
0x737: {  	[tilespmem:v7+s7+$0x0] =	vst.idx.msk $0xffff, v5  }
0x738: {  	v27 =	vmul.f32 v0, v21;
	v1 =	vsub.f32 $1.500000000e+00, v25;
	v8 =	vld [tilespmem:$0x1FB00]  }
0x739: {  	v6 =	vsub.f32 $0.0e+00, v31  }
0x73a: {  	v3 =	vadd.f32 v4, v27;
	v1 =	vmul.f32 v1, v2  }
0x73b: {  	v6 =	vbroadcast v6, $0xF;
	v5 =	vmul.f32 v0, v23  }
0x73c: {  	v3 =	vmul.f32 v3, v42  }
0x73d: {  	v6 =	vmul.f32 v1, v6;
	v7 =	vmul.f32 v1, v33;
	v5 =	vadd.f32 v4, v5  }
0x73e: {  	v3 =	vadd.f32 v3, v50  }
0x73f: {  	v7 =	vadd.f32 v6, v7;
	v5 =	vmul.f32 v5, v44  }
0x740: {  	[tilespmem:v8+s7+$0x0] =	vst.idx.msk $0xffff, v3  }
0x741: {  	v31 =	vmul.f32 v0, v22;
	v37 =	vadd.f32 v5, v52;
	v5 =	vmul.f32 v7, v38;
	v7 =	vld [tilespmem:$0x1FAF0];
	_ =	sdelay $0x1  }
0x742: {  	v2 =	vadd.f32 v4, v31  }
0x743: {  	v0 =	vmul.f32 v0, v24  }
0x744: {  	v2 =	vmul.f32 v2, v43  }
0x745: {  	v0 =	vadd.f32 v4, v0;
	v4 =	vmul.f32 v1, v30  }
0x746: {  	v2 =	vadd.f32 v2, v51  }
0x747: {  	v4 =	vadd.f32 v6, v4  }
0x748: {  	[tilespmem:v7+s7+$0x0] =	vst.idx.msk $0xffff, v2  }
0x749: {  	v38 =	vmul.f32 v4, v39;
	v4 =	vld [tilespmem:$0x1FAE0];
	_ =	sdelay $0x7  }
0x74a: {  	[tilespmem:v4+s7+$0x0] =	vst.idx.msk $0xffff, v37  }
0x74b: {  	v4 =	vadd.f32 v5, v46;
	v5 =	vld [tilespmem:$0x1FAD0];
	_ =	sdelay $0x2  }
0x74c: {  	v39 =	vmul.f32 v1, v29  }
0x74d: {  	v0 =	vmul.f32 v0, v45  }
0x74e: {  	v3 =	vadd.f32 v6, v39  }
0x74f: {  	v0 =	vadd.f32 v0, v53;
	[tilespmem:v16+s7+$0x0] =	vst.idx.msk $0xffff, v4;
	v4 =	vmul.f32 v1, v34  }
0x750: {  	v3 =	vmul.f32 v3, v40;
	v2 =	vadd.f32 v38, v47  }
0x751: {  	v4 =	vadd.f32 v6, v4;
	[tilespmem:v5+s7+$0x0] =	vst.idx.msk $0xffff, v0;
	v5 =	vmul.f32 v1, v35  }
0x752: {  	v3 =	vadd.f32 v3, v48  }
0x753: {  	[tilespmem:v14+s7+$0x0] =	vst.idx.msk $0xffff, v2;
	v4 =	vmul.f32 v4, v42;
	v5 =	vadd.f32 v6, v5  }
0x754: {  	[tilespmem:v13+s7+$0x0] =	vst.idx.msk $0xffff, v3  }
0x755: {  	v46 =	vmul.f32 v1, v32;
	v50 =	vadd.f32 v4, v50;
	v4 =	vmul.f32 v5, v44;
	v5 =	vld [tilespmem:$0x1FB90];
	_ =	sdelay $0x1  }
0x756: {  	v0 =	vadd.f32 v6, v46;
	_ =	sdelay $0x1  }
0x757: {  	v0 =	vmul.f32 v0, v41;
	_ =	sdelay $0x1  }
0x758: {  	v0 =	vadd.f32 v0, v49;
	_ =	sdelay $0x1  }
0x759: {  	[tilespmem:v5+s7+$0x0] =	vst.idx.msk $0xffff, v0  }
0x75a: {  	v56 =	vld [tilespmem:$0x1FB80];
	_ =	sdelay $0x7  }
0x75b: {  	[tilespmem:v56+s7+$0x0] =	vst.idx.msk $0xffff, v50  }
0x75c: {  	v47 =	vmul.f32 v1, v36;
	v3 =	vld [tilespmem:$0x1FB70];
	_ =	sdelay $0x1  }
0x75d: {  	v2 =	vadd.f32 v6, v47;
	_ =	sdelay $0x1  }
0x75e: {  	v2 =	vmul.f32 v2, v43;
	_ =	sdelay $0x1  }
0x75f: {  	v51 =	vadd.f32 v2, v51;
	_ =	sdelay $0x1  }
0x760: {  	[tilespmem:v3+s7+$0x0] =	vst.idx.msk $0xffff, v51  }
0x761: {  	v63 =	vld [tilespmem:$0x1FB60];
	_ =	sdelay $0x2  }
0x762: {  	v1 =	vmul.f32 v1, v28;
	_ =	sdelay $0x1  }
0x763: {  	v1 =	vadd.f32 v6, v1  }
0x764: {  	v61 =	vadd.f32 v4, v52  }
0x765: {  	v1 =	vmul.f32 v1, v45  }
0x766: {  	[tilespmem:v63+s7+$0x0] =	vst.idx.msk $0xffff, v61  }
0x767: {  	v62 =	vadd.f32 v1, v53;
	v1 =	vld [tilespmem:$0x1FB50];
	_ =	sdelay $0x2  }
0x768: {  	s25 =	sadd.s32 $0x1, s25  }
0x769: {  	p0 =	sne.s32 s25, $0x28  }
.Ltmp2:
0x76a: {  	_ = 	snop;
	(pc) =	sbr.rel @p0 .LBB3_2-.Ltmp2, $4  }
0x76b: {  	_ = 	snop  }
0x76c: {  	s5 =	sshll.u32 s5, $0x4;
	s6 =	rddreg [dreg:$0xd]  }
0x76d: {  	s16 =	simm.s32 $0x0;
	s5 =	sadd.s32 s6, s5;
	[tilespmem:v1+s7+$0x0] =	vst.idx.msk $0xffff, v62  }
0x76e: {  	v7 =	vmovc v55;
	v55 =	vmov v57;
	v6 =	vmov v60;
	v56 =	vmov v59;
	[hbm4b:s5+s16] =	stream.linear.scatter [tilespmem:s7], [sflag:$0x5], $0x2800, $0x38;
	v8 =	vld [tilespmem:$0x1FFE0]  }
0x76f: {  	_ =	swait.ge [sflag:s28], $0x2800  }
0x770: {  	[sflag:s28] =	ssyncset.done $0x0  }
0x771: {  	[sflag:s28] =	ssyncadd.s32 $0xFFFFD800  }
0x772: {  	_ =	swait.ge [sflag:s28], $0x2800  }
0x773: {  	[sflag:s28] =	ssyncset.done $0x0  }
0x774: {  	[sflag:s28] =	ssyncadd.s32 $0xFFFFD800  }
0x775: {  	_ =	swait.ge [sflag:s28], $0x2800  }
0x776: {  	[sflag:s28] =	ssyncset.done $0x0  }
0x777: {  	s5 =	simm.s32 $0x4;
	[sflag:s28] =	ssyncadd.s32 $0xFFFFD800  }
0x778: {  	_ =	swait.ge [sflag:s5], $0x2800  }
0x779: {  	[sflag:s5] =	ssyncset.done $0x0  }
0x77a: {  	s6 =	simm.s32 $0x5;
	[sflag:s5] =	ssyncadd.s32 $0xFFFFD800  }
0x77b: {  	_ =	swait.ge [sflag:s6], $0x2800  }
0x77c: {  	s11 =	rddreg [dreg:$0x18]  }
0x77d: {  	s25 =	rddreg [dreg:$0x17];
	s11 =	sadd.s32 $0x1, s11  }
0x77e: {  	p0 =	sne.s32 s11, s25  }
.Ltmp3:
0x77f: {  	_ = 	snop;
	(pc) =	sbr.rel @p0 .LBB3_1-.Ltmp3, $3  }
0x780: {  	_ =	sdelay $0x1  }
0x781: {  	[sflag:s6] =	ssyncset.done $0x0  }
0x782: {  	[sflag:s6] =	ssyncadd.s32 $0xFFFFD800  }
0x783: {  	_ =	sfence.sel $0x180000  }
0x784: {  	[bflag:$0x0] =	sbarrier.arrive $0xFFFF  }
0x785: {  	_ =	strace $0x90000047  }
0x786: {  	s0 =	stileid.u32;
	[bflag:$0x2] =	sbarrier.arrive $0xFFFF  }
0x787: {  	p0 =	sne.s32 s0, $0x0;
	s0 =	rddreg [dreg:$0xe]  }
0x788: {  	s0 =	sadd.s32 @!p0 $0x100000, s0  }
0x789: {  	[sflag:s0] =	ssyncadd.tile.s32 @!p0 $0x1;
	_ =	shalt  }
.Lfunc_end3:
_tile_overlayer_lowered:
.L_overlay_start_3:
0x78a: {  	(tag) =	ssettag $0x3  }
0x78b: {  	s0 =	rddreg [dreg:$0x0];
	s2 =	stileid.u32  }
0x78c: {  	s1 =	rddreg [dreg:$0x1];
	p0 =	sne.s32 s2, $0x0  }
0x78d: {  	s3 =	rddreg [dreg:$0x2];
	[bflag:$0x3] =	sbarrier.arrive $0xFFFF;
	s2 =	simm.s32 @!p0 $0x1C06  }
0x78e: {  	[timem:s3], [sflag:s2] =	dma.local @!p0 [hbm:s0], s1  }
0x78f: {  	s0 =	simm.s32 @!p0 $0x6  }
0x790: {  	_ =	swait.ge @!p0 [sflag:s0], s1  }
0x791: {  	s1 =	ssub.s32 @!p0 $0x0, s1;
	[sflag:s0] =	ssyncset.done @!p0 $0x0  }
0x792: {  	[sflag:s0] =	ssyncadd.s32 @!p0 s1  }
0x793: {  	[bflag:$0x3] =	sbarrier.arrive $0xFFFF  }
0x794: {  	_ =	shalt  }

</sc_bundles>
